<compile_context>
chip_gen: v7x
topology: tpu7x:2x2x1
jax: 0.10.2.dev20260603
libtpu: 0.0.44.dev20260713+nightly
codegen_flags: <defaults>
</compile_context>

<pallas_src>
import functools
import jax
import jax.numpy as jnp
from jax import lax
from jax.experimental import pallas as pl
from jax.experimental.pallas import tpu as pltpu
from jax.experimental.pallas import tpu_sc as plsc

D = 128
B, L = 4096, 200
ROWS = B * L
XR = ROWS // D
NC, NS = 2, 16
NW = NC * NS
RPW = ROWS // NW
CH = 128
NCHUNK = RPW // CH
TROWS = 32
NB = 4

_mesh = plsc.VectorSubcoreMesh(core_axis_name="c", subcore_axis_name="s")


@functools.partial(
    pl.kernel,
    out_type=jax.ShapeDtypeStruct((ROWS, D), jnp.float32),
    mesh=_mesh,
    scratch_types=[
        pltpu.VMEM((8, D), jnp.float32),
        pltpu.VMEM((4, D), jnp.float32),
        pltpu.VMEM((TROWS, D), jnp.float32),
        pltpu.VMEM_SHARED((TROWS, D), jnp.float32),
        pltpu.VMEM((NCHUNK, CH), jnp.int32),
        pltpu.VMEM((NB, CH, D), jnp.float32),
        [pltpu.SemaphoreType.DMA] * NB,
        [pltpu.SemaphoreType.DMA] * NB,
    ],
)
def _sc_embed(c_hbm, min1_hbm, min2_hbm, out_hbm,
              m2_v, m1_v, t_v, t_sh, idx_v, rows_v, gsems, osems):
    cid = lax.axis_index("c")
    sid = lax.axis_index("s")
    wid = cid * NS + sid
    w0 = wid * RPW

    @pl.when(sid == 0)
    def _build():
        pltpu.sync_copy(min2_hbm, m2_v)
        pltpu.sync_copy(min1_hbm, m1_v)
        for a in range(8):
            for d in range(D // 16):
                v2 = m2_v[a, pl.ds(16 * d, 16)]
                for b in range(4):
                    t_v[4 * a + b, pl.ds(16 * d, 16)] = v2 + m1_v[b, pl.ds(16 * d, 16)]
        pltpu.sync_copy(t_v, t_sh)

    pltpu.sync_copy(c_hbm.at[pl.ds(wid * NCHUNK, NCHUNK)], idx_v)

    plsc.subcore_barrier()

    def start_chunk(g, b):
        pltpu.async_copy(t_sh.at[idx_v.at[g]], rows_v.at[b], gsems[b])

    def finish_chunk(g, b):
        base = w0 + g * CH
        pltpu.make_async_copy(t_sh.at[idx_v.at[g]], rows_v.at[b], gsems[b]).wait()
        pltpu.async_copy(rows_v.at[b], out_hbm.at[pl.ds(base, CH)], osems[b])

    def drain_out(g, b):
        base = w0 + g * CH
        pltpu.make_async_copy(
            rows_v.at[b], out_hbm.at[pl.ds(base, CH)], osems[b]).wait()

    for b in range(NB):
        start_chunk(b, b)

    def super_body(gg, carry):
        g0 = gg * NB
        for b in range(NB):
            g = g0 + b
            finish_chunk(g, b)

            @pl.when(g + NB < NCHUNK)
            def _next():
                drain_out(g, b)
                start_chunk(g + NB, b)
        return carry

    lax.fori_loop(0, NCHUNK // NB, super_body, 0)

    for b in range(NB):
        drain_out(NCHUNK - NB + b, b)


def kernel(x, min1_w, min2_w):
    xi = x.astype(jnp.int32)
    c = (xi[:, :, 0] * 4 + xi[:, :, 1]).reshape(XR, D)
    out = _sc_embed(c, min1_w, min2_w)
    return out.reshape(B, L, D)

# --- scband reference (transcript-rebuilt; emitter-appended) ---
"""Pipeline reference for scband-temporal-embedding-18777597018600 (READ-ONLY COPY).

The authoritative reference and input builder live on the scoring server;
editing this copy changes nothing except your own understanding.
"""

import jax, jax.numpy as jnp
import numpy as np

D_MODEL = 128
MIN1_SIZE = 4
MIN2_SIZE = 8
B, L = 4096, 200

def setup_inputs(seed: int = 0) -> dict:
    key = jax.random.key(seed)
    k1, k2, k3 = jax.random.split(key, 3)
    x = jax.random.randint(k1, (B, L, 2), 0, 4)
    # embed_type='learned' -> nn.Embedding default init N(0,1)
    min1_w = jax.random.normal(k2, (MIN1_SIZE, D_MODEL), dtype=jnp.float32)
    min2_w = jax.random.normal(k3, (MIN2_SIZE, D_MODEL), dtype=jnp.float32)
    return {"x": x, "min1_w": min1_w, "min2_w": min2_w}

def reference(x, min1_w, min2_w):
    x = x.astype(jnp.int32)
    min1_x = jnp.take(min1_w, x[:, :, 1], axis=0)
    min2_x = jnp.take(min2_w, x[:, :, 0], axis=0)
    return min1_x + min2_x

if __name__ == "__main__":
    import jax
    _d = setup_inputs()
    print(jax.jit(kernel)(*tuple(_d.values())))

</pallas_src>

<mosaic_0001>
#map = affine_map<(d0, d1) -> (0, 0)>
module attributes {stable_mosaic.version = 14 : i64} {
  func.func @_sc_embed(%arg0: i32, %arg1: i32, %arg2: memref<6400x128xi32, #tpu.memory_space<hbm>>, %arg3: memref<4x128xf32, #tpu.memory_space<hbm>>, %arg4: memref<8x128xf32, #tpu.memory_space<hbm>>, %arg5: memref<819200x128xf32, #tpu.memory_space<hbm>>, %arg6: memref<8x128xf32, #tpu.memory_space<vmem>>, %arg7: memref<4x128xf32, #tpu.memory_space<vmem>>, %arg8: memref<32x128xf32, #tpu.memory_space<vmem>>, %arg9: memref<32x128xf32, #tpu.memory_space<vmem_shared>>, %arg10: memref<200x128xi32, #tpu.memory_space<vmem>>, %arg11: memref<4x128x128xf32, #tpu.memory_space<vmem>>, %arg12: memref<!tpu.dma_semaphore, #tpu.memory_space<semaphore_mem>>, %arg13: memref<!tpu.dma_semaphore, #tpu.memory_space<semaphore_mem>>, %arg14: memref<!tpu.dma_semaphore, #tpu.memory_space<semaphore_mem>>, %arg15: memref<!tpu.dma_semaphore, #tpu.memory_space<semaphore_mem>>, %arg16: memref<!tpu.dma_semaphore, #tpu.memory_space<semaphore_mem>>, %arg17: memref<!tpu.dma_semaphore, #tpu.memory_space<semaphore_mem>>, %arg18: memref<!tpu.dma_semaphore, #tpu.memory_space<semaphore_mem>>, %arg19: memref<!tpu.dma_semaphore, #tpu.memory_space<semaphore_mem>>) attributes {dimension_semantics = [#tpu.dimension_semantics<core_parallel>, #tpu.dimension_semantics<subcore_parallel>], iteration_bounds = array<i64: 2, 16>, scalar_prefetch = 0 : i64, scratch_operands = 14 : i64, tpu.core_type = #tpu.core_type<sc_vector_subcore>, window_params = [{transform_indices = #map}, {transform_indices = #map}, {transform_indices = #map}, {transform_indices = #map}]} {
    %mul3A = arith.constant 16 : i32
    %mul3A_0 = arith.muli %arg0, %mul3A : i32
    %add3A = arith.addi %mul3A_0, %arg1 : i32
    %mul3A_1 = arith.constant 25600 : i32
    %mul3A_2 = arith.muli %add3A, %mul3A_1 : i32
    %eq3A = arith.constant 0 : i32
    %eq3A_3 = arith.cmpi eq, %arg1, %eq3A : i32
    %convert_element_type3A = arith.extui %eq3A_3 : i1 to i32
    %cond3A = arith.constant 0 : i32
    %cond3A_4 = arith.cmpi ne, %convert_element_type3A, %cond3A : i32
    scf.if %cond3A_4 {
      "tpu.region"() ({
        %run_scoped3A = tpu.sem_alloc : memref<!tpu.dma_semaphore, #tpu.memory_space<semaphore_mem>>
        tpu.enqueue_dma source(%arg4 : memref<8x128xf32, #tpu.memory_space<hbm>>) target(%arg6 : memref<8x128xf32, #tpu.memory_space<vmem>>) target_semaphore(%run_scoped3A : memref<!tpu.dma_semaphore, #tpu.memory_space<semaphore_mem>>)
        tpu.wait_dma2 semaphore(%run_scoped3A : memref<!tpu.dma_semaphore, #tpu.memory_space<semaphore_mem>>) src(%arg4 : memref<8x128xf32, #tpu.memory_space<hbm>>) dst(%arg6 : memref<8x128xf32, #tpu.memory_space<vmem>>)
        tpu.yield
      }) : () -> ()
      "tpu.region"() ({
        %run_scoped3A = tpu.sem_alloc : memref<!tpu.dma_semaphore, #tpu.memory_space<semaphore_mem>>
        tpu.enqueue_dma source(%arg3 : memref<4x128xf32, #tpu.memory_space<hbm>>) target(%arg7 : memref<4x128xf32, #tpu.memory_space<vmem>>) target_semaphore(%run_scoped3A : memref<!tpu.dma_semaphore, #tpu.memory_space<semaphore_mem>>)
        tpu.wait_dma2 semaphore(%run_scoped3A : memref<!tpu.dma_semaphore, #tpu.memory_space<semaphore_mem>>) src(%arg3 : memref<4x128xf32, #tpu.memory_space<hbm>>) dst(%arg7 : memref<4x128xf32, #tpu.memory_space<vmem>>)
        tpu.yield
      }) : () -> ()
      %get3A = arith.constant 0 : i32
      %get3A_118 = arith.index_cast %get3A : i32 to index
      %get3A_119 = arith.constant 0 : index
      %get3A_120 = tpu.vector_load %arg6[%get3A_118, %get3A_119] {strides = array<i32>} : memref<8x128xf32, #tpu.memory_space<vmem>>, vector<1x16xf32>,
      %get3A_121 = vector.shape_cast %get3A_120 : vector<1x16xf32> to vector<16xf32>
      %get3A_122 = arith.constant 0 : i32
      %get3A_123 = arith.index_cast %get3A_122 : i32 to index
      %get3A_124 = arith.constant 0 : index
      %get3A_125 = tpu.vector_load %arg7[%get3A_123, %get3A_124] {strides = array<i32>} : memref<4x128xf32, #tpu.memory_space<vmem>>, vector<1x16xf32>,
      %get3A_126 = vector.shape_cast %get3A_125 : vector<1x16xf32> to vector<16xf32>
      %add3A_127 = arith.addf %get3A_121, %get3A_126 : vector<16xf32>
      %swap3A = arith.constant 0 : i32
      %swap3A_128 = arith.index_cast %swap3A : i32 to index
      %swap3A_129 = arith.constant 0 : index
      %swap3A_130 = tpu.vector_load %arg8[%swap3A_128, %swap3A_129] {strides = array<i32>} : memref<32x128xf32, #tpu.memory_space<vmem>>, vector<1x16xf32>,
      %swap3A_131 = vector.shape_cast %swap3A_130 : vector<1x16xf32> to vector<16xf32>
      %swap3A_132 = vector.shape_cast %add3A_127 : vector<16xf32> to vector<1x16xf32>
      tpu.vector_store %arg8[%swap3A_128, %swap3A_129], %swap3A_132 {strides = array<i32>} : memref<32x128xf32, #tpu.memory_space<vmem>>, vector<1x16xf32>,
      %get3A_133 = arith.constant 1 : i32
      %get3A_134 = arith.index_cast %get3A_133 : i32 to index
      %get3A_135 = arith.constant 0 : index
      %get3A_136 = tpu.vector_load %arg7[%get3A_134, %get3A_135] {strides = array<i32>} : memref<4x128xf32, #tpu.memory_space<vmem>>, vector<1x16xf32>,
      %get3A_137 = vector.shape_cast %get3A_136 : vector<1x16xf32> to vector<16xf32>
      %add3A_138 = arith.addf %get3A_121, %get3A_137 : vector<16xf32>
      %swap3A_139 = arith.constant 1 : i32
      %swap3A_140 = arith.index_cast %swap3A_139 : i32 to index
      %swap3A_141 = arith.constant 0 : index
      %swap3A_142 = tpu.vector_load %arg8[%swap3A_140, %swap3A_141] {strides = array<i32>} : memref<32x128xf32, #tpu.memory_space<vmem>>, vector<1x16xf32>,
      %swap3A_143 = vector.shape_cast %swap3A_142 : vector<1x16xf32> to vector<16xf32>
      %swap3A_144 = vector.shape_cast %add3A_138 : vector<16xf32> to vector<1x16xf32>
      tpu.vector_store %arg8[%swap3A_140, %swap3A_141], %swap3A_144 {strides = array<i32>} : memref<32x128xf32, #tpu.memory_space<vmem>>, vector<1x16xf32>,
      %get3A_145 = arith.constant 2 : i32
      %get3A_146 = arith.index_cast %get3A_145 : i32 to index
      %get3A_147 = arith.constant 0 : index
      %get3A_148 = tpu.vector_load %arg7[%get3A_146, %get3A_147] {strides = array<i32>} : memref<4x128xf32, #tpu.memory_space<vmem>>, vector<1x16xf32>,
      %get3A_149 = vector.shape_cast %get3A_148 : vector<1x16xf32> to vector<16xf32>
      %add3A_150 = arith.addf %get3A_121, %get3A_149 : vector<16xf32>
      %swap3A_151 = arith.constant 2 : i32
      %swap3A_152 = arith.index_cast %swap3A_151 : i32 to index
      %swap3A_153 = arith.constant 0 : index
      %swap3A_154 = tpu.vector_load %arg8[%swap3A_152, %swap3A_153] {strides = array<i32>} : memref<32x128xf32, #tpu.memory_space<vmem>>, vector<1x16xf32>,
      %swap3A_155 = vector.shape_cast %swap3A_154 : vector<1x16xf32> to vector<16xf32>
      %swap3A_156 = vector.shape_cast %add3A_150 : vector<16xf32> to vector<1x16xf32>
      tpu.vector_store %arg8[%swap3A_152, %swap3A_153], %swap3A_156 {strides = array<i32>} : memref<32x128xf32, #tpu.memory_space<vmem>>, vector<1x16xf32>,
      %get3A_157 = arith.constant 3 : i32
      %get3A_158 = arith.index_cast %get3A_157 : i32 to index
      %get3A_159 = arith.constant 0 : index
      %get3A_160 = tpu.vector_load %arg7[%get3A_158, %get3A_159] {strides = array<i32>} : memref<4x128xf32, #tpu.memory_space<vmem>>, vector<1x16xf32>,
      %get3A_161 = vector.shape_cast %get3A_160 : vector<1x16xf32> to vector<16xf32>
      %add3A_162 = arith.addf %get3A_121, %get3A_161 : vector<16xf32>
      %swap3A_163 = arith.constant 3 : i32
      %swap3A_164 = arith.index_cast %swap3A_163 : i32 to index
      %swap3A_165 = arith.constant 0 : index
      %swap3A_166 = tpu.vector_load %arg8[%swap3A_164, %swap3A_165] {strides = array<i32>} : memref<32x128xf32, #tpu.memory_space<vmem>>, vector<1x16xf32>,
      %swap3A_167 = vector.shape_cast %swap3A_166 : vector<1x16xf32> to vector<16xf32>
      %swap3A_168 = vector.shape_cast %add3A_162 : vector<16xf32> to vector<1x16xf32>
      tpu.vector_store %arg8[%swap3A_164, %swap3A_165], %swap3A_168 {strides = array<i32>} : memref<32x128xf32, #tpu.memory_space<vmem>>, vector<1x16xf32>,
      %get3A_169 = arith.constant 0 : i32
      %get3A_170 = arith.index_cast %get3A_169 : i32 to index
      %get3A_171 = arith.constant 16 : index
      %get3A_172 = tpu.vector_load %arg6[%get3A_170, %get3A_171] {strides = array<i32>} : memref<8x128xf32, #tpu.memory_space<vmem>>, vector<1x16xf32>,
      %get3A_173 = vector.shape_cast %get3A_172 : vector<1x16xf32> to vector<16xf32>
      %get3A_174 = arith.constant 0 : i32
      %get3A_175 = arith.index_cast %get3A_174 : i32 to index
      %get3A_176 = arith.constant 16 : index
      %get3A_177 = tpu.vector_load %arg7[%get3A_175, %get3A_176] {strides = array<i32>} : memref<4x128xf32, #tpu.memory_space<vmem>>, vector<1x16xf32>,
      %get3A_178 = vector.shape_cast %get3A_177 : vector<1x16xf32> to vector<16xf32>
      %add3A_179 = arith.addf %get3A_173, %get3A_178 : vector<16xf32>
      %swap3A_180 = arith.constant 0 : i32
      %swap3A_181 = arith.index_cast %swap3A_180 : i32 to index
      %swap3A_182 = arith.constant 16 : index
      %swap3A_183 = tpu.vector_load %arg8[%swap3A_181, %swap3A_182] {strides = array<i32>} : memref<32x128xf32, #tpu.memory_space<vmem>>, vector<1x16xf32>,
      %swap3A_184 = vector.shape_cast %swap3A_183 : vector<1x16xf32> to vector<16xf32>
      %swap3A_185 = vector.shape_cast %add3A_179 : vector<16xf32> to vector<1x16xf32>
      tpu.vector_store %arg8[%swap3A_181, %swap3A_182], %swap3A_185 {strides = array<i32>} : memref<32x128xf32, #tpu.memory_space<vmem>>, vector<1x16xf32>,
      %get3A_186 = arith.constant 1 : i32
      %get3A_187 = arith.index_cast %get3A_186 : i32 to index
      %get3A_188 = arith.constant 16 : index
      %get3A_189 = tpu.vector_load %arg7[%get3A_187, %get3A_188] {strides = array<i32>} : memref<4x128xf32, #tpu.memory_space<vmem>>, vector<1x16xf32>,
      %get3A_190 = vector.shape_cast %get3A_189 : vector<1x16xf32> to vector<16xf32>
      %add3A_191 = arith.addf %get3A_173, %get3A_190 : vector<16xf32>
      %swap3A_192 = arith.constant 1 : i32
      %swap3A_193 = arith.index_cast %swap3A_192 : i32 to index
      %swap3A_194 = arith.constant 16 : index
      %swap3A_195 = tpu.vector_load %arg8[%swap3A_193, %swap3A_194] {strides = array<i32>} : memref<32x128xf32, #tpu.memory_space<vmem>>, vector<1x16xf32>,
      %swap3A_196 = vector.shape_cast %swap3A_195 : vector<1x16xf32> to vector<16xf32>
      %swap3A_197 = vector.shape_cast %add3A_191 : vector<16xf32> to vector<1x16xf32>
      tpu.vector_store %arg8[%swap3A_193, %swap3A_194], %swap3A_197 {strides = array<i32>} : memref<32x128xf32, #tpu.memory_space<vmem>>, vector<1x16xf32>,
      %get3A_198 = arith.constant 2 : i32
      %get3A_199 = arith.index_cast %get3A_198 : i32 to index
      %get3A_200 = arith.constant 16 : index
      %get3A_201 = tpu.vector_load %arg7[%get3A_199, %get3A_200] {strides = array<i32>} : memref<4x128xf32, #tpu.memory_space<vmem>>, vector<1x16xf32>,
      %get3A_202 = vector.shape_cast %get3A_201 : vector<1x16xf32> to vector<16xf32>
      %add3A_203 = arith.addf %get3A_173, %get3A_202 : vector<16xf32>
      %swap3A_204 = arith.constant 2 : i32
      %swap3A_205 = arith.index_cast %swap3A_204 : i32 to index
      %swap3A_206 = arith.constant 16 : index
      %swap3A_207 = tpu.vector_load %arg8[%swap3A_205, %swap3A_206] {strides = array<i32>} : memref<32x128xf32, #tpu.memory_space<vmem>>, vector<1x16xf32>,
      %swap3A_208 = vector.shape_cast %swap3A_207 : vector<1x16xf32> to vector<16xf32>
      %swap3A_209 = vector.shape_cast %add3A_203 : vector<16xf32> to vector<1x16xf32>
      tpu.vector_store %arg8[%swap3A_205, %swap3A_206], %swap3A_209 {strides = array<i32>} : memref<32x128xf32, #tpu.memory_space<vmem>>, vector<1x16xf32>,
      %get3A_210 = arith.constant 3 : i32
      %get3A_211 = arith.index_cast %get3A_210 : i32 to index
      %get3A_212 = arith.constant 16 : index
      %get3A_213 = tpu.vector_load %arg7[%get3A_211, %get3A_212] {strides = array<i32>} : memref<4x128xf32, #tpu.memory_space<vmem>>, vector<1x16xf32>,
      %get3A_214 = vector.shape_cast %get3A_213 : vector<1x16xf32> to vector<16xf32>
      %add3A_215 = arith.addf %get3A_173, %get3A_214 : vector<16xf32>
      %swap3A_216 = arith.constant 3 : i32
      %swap3A_217 = arith.index_cast %swap3A_216 : i32 to index
      %swap3A_218 = arith.constant 16 : index
      %swap3A_219 = tpu.vector_load %arg8[%swap3A_217, %swap3A_218] {strides = array<i32>} : memref<32x128xf32, #tpu.memory_space<vmem>>, vector<1x16xf32>,
      %swap3A_220 = vector.shape_cast %swap3A_219 : vector<1x16xf32> to vector<16xf32>
      %swap3A_221 = vector.shape_cast %add3A_215 : vector<16xf32> to vector<1x16xf32>
      tpu.vector_store %arg8[%swap3A_217, %swap3A_218], %swap3A_221 {strides = array<i32>} : memref<32x128xf32, #tpu.memory_space<vmem>>, vector<1x16xf32>,
      %get3A_222 = arith.constant 0 : i32
      %get3A_223 = arith.index_cast %get3A_222 : i32 to index
      %get3A_224 = arith.constant 32 : index
      %get3A_225 = tpu.vector_load %arg6[%get3A_223, %get3A_224] {strides = array<i32>} : memref<8x128xf32, #tpu.memory_space<vmem>>, vector<1x16xf32>,
      %get3A_226 = vector.shape_cast %get3A_225 : vector<1x16xf32> to vector<16xf32>
      %get3A_227 = arith.constant 0 : i32
      %get3A_228 = arith.index_cast %get3A_227 : i32 to index
      %get3A_229 = arith.constant 32 : index
      %get3A_230 = tpu.vector_load %arg7[%get3A_228, %get3A_229] {strides = array<i32>} : memref<4x128xf32, #tpu.memory_space<vmem>>, vector<1x16xf32>,
      %get3A_231 = vector.shape_cast %get3A_230 : vector<1x16xf32> to vector<16xf32>
      %add3A_232 = arith.addf %get3A_226, %get3A_231 : vector<16xf32>
      %swap3A_233 = arith.constant 0 : i32
      %swap3A_234 = arith.index_cast %swap3A_233 : i32 to index
      %swap3A_235 = arith.constant 32 : index
      %swap3A_236 = tpu.vector_load %arg8[%swap3A_234, %swap3A_235] {strides = array<i32>} : memref<32x128xf32, #tpu.memory_space<vmem>>, vector<1x16xf32>,
      %swap3A_237 = vector.shape_cast %swap3A_236 : vector<1x16xf32> to vector<16xf32>
      %swap3A_238 = vector.shape_cast %add3A_232 : vector<16xf32> to vector<1x16xf32>
      tpu.vector_store %arg8[%swap3A_234, %swap3A_235], %swap3A_238 {strides = array<i32>} : memref<32x128xf32, #tpu.memory_space<vmem>>, vector<1x16xf32>,
      %get3A_239 = arith.constant 1 : i32
      %get3A_240 = arith.index_cast %get3A_239 : i32 to index
      %get3A_241 = arith.constant 32 : index
      %get3A_242 = tpu.vector_load %arg7[%get3A_240, %get3A_241] {strides = array<i32>} : memref<4x128xf32, #tpu.memory_space<vmem>>, vector<1x16xf32>,
      %get3A_243 = vector.shape_cast %get3A_242 : vector<1x16xf32> to vector<16xf32>
      %add3A_244 = arith.addf %get3A_226, %get3A_243 : vector<16xf32>
      %swap3A_245 = arith.constant 1 : i32
      %swap3A_246 = arith.index_cast %swap3A_245 : i32 to index
      %swap3A_247 = arith.constant 32 : index
      %swap3A_248 = tpu.vector_load %arg8[%swap3A_246, %swap3A_247] {strides = array<i32>} : memref<32x128xf32, #tpu.memory_space<vmem>>, vector<1x16xf32>,
      %swap3A_249 = vector.shape_cast %swap3A_248 : vector<1x16xf32> to vector<16xf32>
      %swap3A_250 = vector.shape_cast %add3A_244 : vector<16xf32> to vector<1x16xf32>
      tpu.vector_store %arg8[%swap3A_246, %swap3A_247], %swap3A_250 {strides = array<i32>} : memref<32x128xf32, #tpu.memory_space<vmem>>, vector<1x16xf32>,
      %get3A_251 = arith.constant 2 : i32
      %get3A_252 = arith.index_cast %get3A_251 : i32 to index
      %get3A_253 = arith.constant 32 : index
      %get3A_254 = tpu.vector_load %arg7[%get3A_252, %get3A_253] {strides = array<i32>} : memref<4x128xf32, #tpu.memory_space<vmem>>, vector<1x16xf32>,
      %get3A_255 = vector.shape_cast %get3A_254 : vector<1x16xf32> to vector<16xf32>
      %add3A_256 = arith.addf %get3A_226, %get3A_255 : vector<16xf32>
      %swap3A_257 = arith.constant 2 : i32
      %swap3A_258 = arith.index_cast %swap3A_257 : i32 to index
      %swap3A_259 = arith.constant 32 : index
      %swap3A_260 = tpu.vector_load %arg8[%swap3A_258, %swap3A_259] {strides = array<i32>} : memref<32x128xf32, #tpu.memory_space<vmem>>, vector<1x16xf32>,
      %swap3A_261 = vector.shape_cast %swap3A_260 : vector<1x16xf32> to vector<16xf32>
      %swap3A_262 = vector.shape_cast %add3A_256 : vector<16xf32> to vector<1x16xf32>
      tpu.vector_store %arg8[%swap3A_258, %swap3A_259], %swap3A_262 {strides = array<i32>} : memref<32x128xf32, #tpu.memory_space<vmem>>, vector<1x16xf32>,
      %get3A_263 = arith.constant 3 : i32
      %get3A_264 = arith.index_cast %get3A_263 : i32 to index
      %get3A_265 = arith.constant 32 : index
      %get3A_266 = tpu.vector_load %arg7[%get3A_264, %get3A_265] {strides = array<i32>} : memref<4x128xf32, #tpu.memory_space<vmem>>, vector<1x16xf32>,
      %get3A_267 = vector.shape_cast %get3A_266 : vector<1x16xf32> to vector<16xf32>
      %add3A_268 = arith.addf %get3A_226, %get3A_267 : vector<16xf32>
      %swap3A_269 = arith.constant 3 : i32
      %swap3A_270 = arith.index_cast %swap3A_269 : i32 to index
      %swap3A_271 = arith.constant 32 : index
      %swap3A_272 = tpu.vector_load %arg8[%swap3A_270, %swap3A_271] {strides = array<i32>} : memref<32x128xf32, #tpu.memory_space<vmem>>, vector<1x16xf32>,
      %swap3A_273 = vector.shape_cast %swap3A_272 : vector<1x16xf32> to vector<16xf32>
      %swap3A_274 = vector.shape_cast %add3A_268 : vector<16xf32> to vector<1x16xf32>
      tpu.vector_store %arg8[%swap3A_270, %swap3A_271], %swap3A_274 {strides = array<i32>} : memref<32x128xf32, #tpu.memory_space<vmem>>, vector<1x16xf32>,
      %get3A_275 = arith.constant 0 : i32
      %get3A_276 = arith.index_cast %get3A_275 : i32 to index
      %get3A_277 = arith.constant 48 : index
      %get3A_278 = tpu.vector_load %arg6[%get3A_276, %get3A_277] {strides = array<i32>} : memref<8x128xf32, #tpu.memory_space<vmem>>, vector<1x16xf32>,
      %get3A_279 = vector.shape_cast %get3A_278 : vector<1x16xf32> to vector<16xf32>
      %get3A_280 = arith.constant 0 : i32
      %get3A_281 = arith.index_cast %get3A_280 : i32 to index
      %get3A_282 = arith.constant 48 : index
      %get3A_283 = tpu.vector_load %arg7[%get3A_281, %get3A_282] {strides = array<i32>} : memref<4x128xf32, #tpu.memory_space<vmem>>, vector<1x16xf32>,
      %get3A_284 = vector.shape_cast %get3A_283 : vector<1x16xf32> to vector<16xf32>
      %add3A_285 = arith.addf %get3A_279, %get3A_284 : vector<16xf32>
      %swap3A_286 = arith.constant 0 : i32
      %swap3A_287 = arith.index_cast %swap3A_286 : i32 to index
      %swap3A_288 = arith.constant 48 : index
      %swap3A_289 = tpu.vector_load %arg8[%swap3A_287, %swap3A_288] {strides = array<i32>} : memref<32x128xf32, #tpu.memory_space<vmem>>, vector<1x16xf32>,
      %swap3A_290 = vector.shape_cast %swap3A_289 : vector<1x16xf32> to vector<16xf32>
      %swap3A_291 = vector.shape_cast %add3A_285 : vector<16xf32> to vector<1x16xf32>
      tpu.vector_store %arg8[%swap3A_287, %swap3A_288], %swap3A_291 {strides = array<i32>} : memref<32x128xf32, #tpu.memory_space<vmem>>, vector<1x16xf32>,
      %get3A_292 = arith.constant 1 : i32
      %get3A_293 = arith.index_cast %get3A_292 : i32 to index
      %get3A_294 = arith.constant 48 : index
      %get3A_295 = tpu.vector_load %arg7[%get3A_293, %get3A_294] {strides = array<i32>} : memref<4x128xf32, #tpu.memory_space<vmem>>, vector<1x16xf32>,
      %get3A_296 = vector.shape_cast %get3A_295 : vector<1x16xf32> to vector<16xf32>
      %add3A_297 = arith.addf %get3A_279, %get3A_296 : vector<16xf32>
      %swap3A_298 = arith.constant 1 : i32
      %swap3A_299 = arith.index_cast %swap3A_298 : i32 to index
      %swap3A_300 = arith.constant 48 : index
      %swap3A_301 = tpu.vector_load %arg8[%swap3A_299, %swap3A_300] {strides = array<i32>} : memref<32x128xf32, #tpu.memory_space<vmem>>, vector<1x16xf32>,
      %swap3A_302 = vector.shape_cast %swap3A_301 : vector<1x16xf32> to vector<16xf32>
      %swap3A_303 = vector.shape_cast %add3A_297 : vector<16xf32> to vector<1x16xf32>
      tpu.vector_store %arg8[%swap3A_299, %swap3A_300], %swap3A_303 {strides = array<i32>} : memref<32x128xf32, #tpu.memory_space<vmem>>, vector<1x16xf32>,
      %get3A_304 = arith.constant 2 : i32
      %get3A_305 = arith.index_cast %get3A_304 : i32 to index
      %get3A_306 = arith.constant 48 : index
      %get3A_307 = tpu.vector_load %arg7[%get3A_305, %get3A_306] {strides = array<i32>} : memref<4x128xf32, #tpu.memory_space<vmem>>, vector<1x16xf32>,
      %get3A_308 = vector.shape_cast %get3A_307 : vector<1x16xf32> to vector<16xf32>
      %add3A_309 = arith.addf %get3A_279, %get3A_308 : vector<16xf32>
      %swap3A_310 = arith.constant 2 : i32
      %swap3A_311 = arith.index_cast %swap3A_310 : i32 to index
      %swap3A_312 = arith.constant 48 : index
      %swap3A_313 = tpu.vector_load %arg8[%swap3A_311, %swap3A_312] {strides = array<i32>} : memref<32x128xf32, #tpu.memory_space<vmem>>, vector<1x16xf32>,
      %swap3A_314 = vector.shape_cast %swap3A_313 : vector<1x16xf32> to vector<16xf32>
      %swap3A_315 = vector.shape_cast %add3A_309 : vector<16xf32> to vector<1x16xf32>
      tpu.vector_store %arg8[%swap3A_311, %swap3A_312], %swap3A_315 {strides = array<i32>} : memref<32x128xf32, #tpu.memory_space<vmem>>, vector<1x16xf32>,
      %get3A_316 = arith.constant 3 : i32
      %get3A_317 = arith.index_cast %get3A_316 : i32 to index
      %get3A_318 = arith.constant 48 : index
      %get3A_319 = tpu.vector_load %arg7[%get3A_317, %get3A_318] {strides = array<i32>} : memref<4x128xf32, #tpu.memory_space<vmem>>, vector<1x16xf32>,
      %get3A_320 = vector.shape_cast %get3A_319 : vector<1x16xf32> to vector<16xf32>
      %add3A_321 = arith.addf %get3A_279, %get3A_320 : vector<16xf32>
      %swap3A_322 = arith.constant 3 : i32
      %swap3A_323 = arith.index_cast %swap3A_322 : i32 to index
      %swap3A_324 = arith.constant 48 : index
      %swap3A_325 = tpu.vector_load %arg8[%swap3A_323, %swap3A_324] {strides = array<i32>} : memref<32x128xf32, #tpu.memory_space<vmem>>, vector<1x16xf32>,
      %swap3A_326 = vector.shape_cast %swap3A_325 : vector<1x16xf32> to vector<16xf32>
      %swap3A_327 = vector.shape_cast %add3A_321 : vector<16xf32> to vector<1x16xf32>
      tpu.vector_store %arg8[%swap3A_323, %swap3A_324], %swap3A_327 {strides = array<i32>} : memref<32x128xf32, #tpu.memory_space<vmem>>, vector<1x16xf32>,
      %get3A_328 = arith.constant 0 : i32
      %get3A_329 = arith.index_cast %get3A_328 : i32 to index
      %get3A_330 = arith.constant 64 : index
      %get3A_331 = tpu.vector_load %arg6[%get3A_329, %get3A_330] {strides = array<i32>} : memref<8x128xf32, #tpu.memory_space<vmem>>, vector<1x16xf32>,
      %get3A_332 = vector.shape_cast %get3A_331 : vector<1x16xf32> to vector<16xf32>
      %get3A_333 = arith.constant 0 : i32
      %get3A_334 = arith.index_cast %get3A_333 : i32 to index
      %get3A_335 = arith.constant 64 : index
      %get3A_336 = tpu.vector_load %arg7[%get3A_334, %get3A_335] {strides = array<i32>} : memref<4x128xf32, #tpu.memory_space<vmem>>, vector<1x16xf32>,
      %get3A_337 = vector.shape_cast %get3A_336 : vector<1x16xf32> to vector<16xf32>
      %add3A_338 = arith.addf %get3A_332, %get3A_337 : vector<16xf32>
      %swap3A_339 = arith.constant 0 : i32
      %swap3A_340 = arith.index_cast %swap3A_339 : i32 to index
      %swap3A_341 = arith.constant 64 : index
      %swap3A_342 = tpu.vector_load %arg8[%swap3A_340, %swap3A_341] {strides = array<i32>} : memref<32x128xf32, #tpu.memory_space<vmem>>, vector<1x16xf32>,
      %swap3A_343 = vector.shape_cast %swap3A_342 : vector<1x16xf32> to vector<16xf32>
      %swap3A_344 = vector.shape_cast %add3A_338 : vector<16xf32> to vector<1x16xf32>
      tpu.vector_store %arg8[%swap3A_340, %swap3A_341], %swap3A_344 {strides = array<i32>} : memref<32x128xf32, #tpu.memory_space<vmem>>, vector<1x16xf32>,
      %get3A_345 = arith.constant 1 : i32
      %get3A_346 = arith.index_cast %get3A_345 : i32 to index
      %get3A_347 = arith.constant 64 : index
      %get3A_348 = tpu.vector_load %arg7[%get3A_346, %get3A_347] {strides = array<i32>} : memref<4x128xf32, #tpu.memory_space<vmem>>, vector<1x16xf32>,
      %get3A_349 = vector.shape_cast %get3A_348 : vector<1x16xf32> to vector<16xf32>
      %add3A_350 = arith.addf %get3A_332, %get3A_349 : vector<16xf32>
      %swap3A_351 = arith.constant 1 : i32
      %swap3A_352 = arith.index_cast %swap3A_351 : i32 to index
      %swap3A_353 = arith.constant 64 : index
      %swap3A_354 = tpu.vector_load %arg8[%swap3A_352, %swap3A_353] {strides = array<i32>} : memref<32x128xf32, #tpu.memory_space<vmem>>, vector<1x16xf32>,
      %swap3A_355 = vector.shape_cast %swap3A_354 : vector<1x16xf32> to vector<16xf32>
      %swap3A_356 = vector.shape_cast %add3A_350 : vector<16xf32> to vector<1x16xf32>
      tpu.vector_store %arg8[%swap3A_352, %swap3A_353], %swap3A_356 {strides = array<i32>} : memref<32x128xf32, #tpu.memory_space<vmem>>, vector<1x16xf32>,
      %get3A_357 = arith.constant 2 : i32
      %get3A_358 = arith.index_cast %get3A_357 : i32 to index
      %get3A_359 = arith.constant 64 : index
      %get3A_360 = tpu.vector_load %arg7[%get3A_358, %get3A_359] {strides = array<i32>} : memref<4x128xf32, #tpu.memory_space<vmem>>, vector<1x16xf32>,
      %get3A_361 = vector.shape_cast %get3A_360 : vector<1x16xf32> to vector<16xf32>
      %add3A_362 = arith.addf %get3A_332, %get3A_361 : vector<16xf32>
      %swap3A_363 = arith.constant 2 : i32
      %swap3A_364 = arith.index_cast %swap3A_363 : i32 to index
      %swap3A_365 = arith.constant 64 : index
      %swap3A_366 = tpu.vector_load %arg8[%swap3A_364, %swap3A_365] {strides = array<i32>} : memref<32x128xf32, #tpu.memory_space<vmem>>, vector<1x16xf32>,
      %swap3A_367 = vector.shape_cast %swap3A_366 : vector<1x16xf32> to vector<16xf32>
      %swap3A_368 = vector.shape_cast %add3A_362 : vector<16xf32> to vector<1x16xf32>
      tpu.vector_store %arg8[%swap3A_364, %swap3A_365], %swap3A_368 {strides = array<i32>} : memref<32x128xf32, #tpu.memory_space<vmem>>, vector<1x16xf32>,
      %get3A_369 = arith.constant 3 : i32
      %get3A_370 = arith.index_cast %get3A_369 : i32 to index
      %get3A_371 = arith.constant 64 : index
      %get3A_372 = tpu.vector_load %arg7[%get3A_370, %get3A_371] {strides = array<i32>} : memref<4x128xf32, #tpu.memory_space<vmem>>, vector<1x16xf32>,
      %get3A_373 = vector.shape_cast %get3A_372 : vector<1x16xf32> to vector<16xf32>
      %add3A_374 = arith.addf %get3A_332, %get3A_373 : vector<16xf32>
      %swap3A_375 = arith.constant 3 : i32
      %swap3A_376 = arith.index_cast %swap3A_375 : i32 to index
      %swap3A_377 = arith.constant 64 : index
      %swap3A_378 = tpu.vector_load %arg8[%swap3A_376, %swap3A_377] {strides = array<i32>} : memref<32x128xf32, #tpu.memory_space<vmem>>, vector<1x16xf32>,
      %swap3A_379 = vector.shape_cast %swap3A_378 : vector<1x16xf32> to vector<16xf32>
      %swap3A_380 = vector.shape_cast %add3A_374 : vector<16xf32> to vector<1x16xf32>
      tpu.vector_store %arg8[%swap3A_376, %swap3A_377], %swap3A_380 {strides = array<i32>} : memref<32x128xf32, #tpu.memory_space<vmem>>, vector<1x16xf32>,
      %get3A_381 = arith.constant 0 : i32
      %get3A_382 = arith.index_cast %get3A_381 : i32 to index
      %get3A_383 = arith.constant 80 : index
      %get3A_384 = tpu.vector_load %arg6[%get3A_382, %get3A_383] {strides = array<i32>} : memref<8x128xf32, #tpu.memory_space<vmem>>, vector<1x16xf32>,
      %get3A_385 = vector.shape_cast %get3A_384 : vector<1x16xf32> to vector<16xf32>
      %get3A_386 = arith.constant 0 : i32
      %get3A_387 = arith.index_cast %get3A_386 : i32 to index
      %get3A_388 = arith.constant 80 : index
      %get3A_389 = tpu.vector_load %arg7[%get3A_387, %get3A_388] {strides = array<i32>} : memref<4x128xf32, #tpu.memory_space<vmem>>, vector<1x16xf32>,
      %get3A_390 = vector.shape_cast %get3A_389 : vector<1x16xf32> to vector<16xf32>
      %add3A_391 = arith.addf %get3A_385, %get3A_390 : vector<16xf32>
      %swap3A_392 = arith.constant 0 : i32
      %swap3A_393 = arith.index_cast %swap3A_392 : i32 to index
      %swap3A_394 = arith.constant 80 : index
      %swap3A_395 = tpu.vector_load %arg8[%swap3A_393, %swap3A_394] {strides = array<i32>} : memref<32x128xf32, #tpu.memory_space<vmem>>, vector<1x16xf32>,
      %swap3A_396 = vector.shape_cast %swap3A_395 : vector<1x16xf32> to vector<16xf32>
      %swap3A_397 = vector.shape_cast %add3A_391 : vector<16xf32> to vector<1x16xf32>
      tpu.vector_store %arg8[%swap3A_393, %swap3A_394], %swap3A_397 {strides = array<i32>} : memref<32x128xf32, #tpu.memory_space<vmem>>, vector<1x16xf32>,
      %get3A_398 = arith.constant 1 : i32
      %get3A_399 = arith.index_cast %get3A_398 : i32 to index
      %get3A_400 = arith.constant 80 : index
      %get3A_401 = tpu.vector_load %arg7[%get3A_399, %get3A_400] {strides = array<i32>} : memref<4x128xf32, #tpu.memory_space<vmem>>, vector<1x16xf32>,
      %get3A_402 = vector.shape_cast %get3A_401 : vector<1x16xf32> to vector<16xf32>
      %add3A_403 = arith.addf %get3A_385, %get3A_402 : vector<16xf32>
      %swap3A_404 = arith.constant 1 : i32
      %swap3A_405 = arith.index_cast %swap3A_404 : i32 to index
      %swap3A_406 = arith.constant 80 : index
      %swap3A_407 = tpu.vector_load %arg8[%swap3A_405, %swap3A_406] {strides = array<i32>} : memref<32x128xf32, #tpu.memory_space<vmem>>, vector<1x16xf32>,
      %swap3A_408 = vector.shape_cast %swap3A_407 : vector<1x16xf32> to vector<16xf32>
      %swap3A_409 = vector.shape_cast %add3A_403 : vector<16xf32> to vector<1x16xf32>
      tpu.vector_store %arg8[%swap3A_405, %swap3A_406], %swap3A_409 {strides = array<i32>} : memref<32x128xf32, #tpu.memory_space<vmem>>, vector<1x16xf32>,
      %get3A_410 = arith.constant 2 : i32
      %get3A_411 = arith.index_cast %get3A_410 : i32 to index
      %get3A_412 = arith.constant 80 : index
      %get3A_413 = tpu.vector_load %arg7[%get3A_411, %get3A_412] {strides = array<i32>} : memref<4x128xf32, #tpu.memory_space<vmem>>, vector<1x16xf32>,
      %get3A_414 = vector.shape_cast %get3A_413 : vector<1x16xf32> to vector<16xf32>
      %add3A_415 = arith.addf %get3A_385, %get3A_414 : vector<16xf32>
      %swap3A_416 = arith.constant 2 : i32
      %swap3A_417 = arith.index_cast %swap3A_416 : i32 to index
      %swap3A_418 = arith.constant 80 : index
      %swap3A_419 = tpu.vector_load %arg8[%swap3A_417, %swap3A_418] {strides = array<i32>} : memref<32x128xf32, #tpu.memory_space<vmem>>, vector<1x16xf32>,
      %swap3A_420 = vector.shape_cast %swap3A_419 : vector<1x16xf32> to vector<16xf32>
      %swap3A_421 = vector.shape_cast %add3A_415 : vector<16xf32> to vector<1x16xf32>
      tpu.vector_store %arg8[%swap3A_417, %swap3A_418], %swap3A_421 {strides = array<i32>} : memref<32x128xf32, #tpu.memory_space<vmem>>, vector<1x16xf32>,
      %get3A_422 = arith.constant 3 : i32
      %get3A_423 = arith.index_cast %get3A_422 : i32 to index
      %get3A_424 = arith.constant 80 : index
      %get3A_425 = tpu.vector_load %arg7[%get3A_423, %get3A_424] {strides = array<i32>} : memref<4x128xf32, #tpu.memory_space<vmem>>, vector<1x16xf32>,
      %get3A_426 = vector.shape_cast %get3A_425 : vector<1x16xf32> to vector<16xf32>
      %add3A_427 = arith.addf %get3A_385, %get3A_426 : vector<16xf32>
      %swap3A_428 = arith.constant 3 : i32
      %swap3A_429 = arith.index_cast %swap3A_428 : i32 to index
      %swap3A_430 = arith.constant 80 : index
      %swap3A_431 = tpu.vector_load %arg8[%swap3A_429, %swap3A_430] {strides = array<i32>} : memref<32x128xf32, #tpu.memory_space<vmem>>, vector<1x16xf32>,
      %swap3A_432 = vector.shape_cast %swap3A_431 : vector<1x16xf32> to vector<16xf32>
      %swap3A_433 = vector.shape_cast %add3A_427 : vector<16xf32> to vector<1x16xf32>
      tpu.vector_store %arg8[%swap3A_429, %swap3A_430], %swap3A_433 {strides = array<i32>} : memref<32x128xf32, #tpu.memory_space<vmem>>, vector<1x16xf32>,
      %get3A_434 = arith.constant 0 : i32
      %get3A_435 = arith.index_cast %get3A_434 : i32 to index
      %get3A_436 = arith.constant 96 : index
      %get3A_437 = tpu.vector_load %arg6[%get3A_435, %get3A_436] {strides = array<i32>} : memref<8x128xf32, #tpu.memory_space<vmem>>, vector<1x16xf32>,
      %get3A_438 = vector.shape_cast %get3A_437 : vector<1x16xf32> to vector<16xf32>
      %get3A_439 = arith.constant 0 : i32
      %get3A_440 = arith.index_cast %get3A_439 : i32 to index
      %get3A_441 = arith.constant 96 : index
      %get3A_442 = tpu.vector_load %arg7[%get3A_440, %get3A_441] {strides = array<i32>} : memref<4x128xf32, #tpu.memory_space<vmem>>, vector<1x16xf32>,
      %get3A_443 = vector.shape_cast %get3A_442 : vector<1x16xf32> to vector<16xf32>
      %add3A_444 = arith.addf %get3A_438, %get3A_443 : vector<16xf32>
      %swap3A_445 = arith.constant 0 : i32
      %swap3A_446 = arith.index_cast %swap3A_445 : i32 to index
      %swap3A_447 = arith.constant 96 : index
      %swap3A_448 = tpu.vector_load %arg8[%swap3A_446, %swap3A_447] {strides = array<i32>} : memref<32x128xf32, #tpu.memory_space<vmem>>, vector<1x16xf32>,
      %swap3A_449 = vector.shape_cast %swap3A_448 : vector<1x16xf32> to vector<16xf32>
      %swap3A_450 = vector.shape_cast %add3A_444 : vector<16xf32> to vector<1x16xf32>
      tpu.vector_store %arg8[%swap3A_446, %swap3A_447], %swap3A_450 {strides = array<i32>} : memref<32x128xf32, #tpu.memory_space<vmem>>, vector<1x16xf32>,
      %get3A_451 = arith.constant 1 : i32
      %get3A_452 = arith.index_cast %get3A_451 : i32 to index
      %get3A_453 = arith.constant 96 : index
      %get3A_454 = tpu.vector_load %arg7[%get3A_452, %get3A_453] {strides = array<i32>} : memref<4x128xf32, #tpu.memory_space<vmem>>, vector<1x16xf32>,
      %get3A_455 = vector.shape_cast %get3A_454 : vector<1x16xf32> to vector<16xf32>
      %add3A_456 = arith.addf %get3A_438, %get3A_455 : vector<16xf32>
      %swap3A_457 = arith.constant 1 : i32
      %swap3A_458 = arith.index_cast %swap3A_457 : i32 to index
      %swap3A_459 = arith.constant 96 : index
      %swap3A_460 = tpu.vector_load %arg8[%swap3A_458, %swap3A_459] {strides = array<i32>} : memref<32x128xf32, #tpu.memory_space<vmem>>, vector<1x16xf32>,
      %swap3A_461 = vector.shape_cast %swap3A_460 : vector<1x16xf32> to vector<16xf32>
      %swap3A_462 = vector.shape_cast %add3A_456 : vector<16xf32> to vector<1x16xf32>
      tpu.vector_store %arg8[%swap3A_458, %swap3A_459], %swap3A_462 {strides = array<i32>} : memref<32x128xf32, #tpu.memory_space<vmem>>, vector<1x16xf32>,
      %get3A_463 = arith.constant 2 : i32
      %get3A_464 = arith.index_cast %get3A_463 : i32 to index
      %get3A_465 = arith.constant 96 : index
      %get3A_466 = tpu.vector_load %arg7[%get3A_464, %get3A_465] {strides = array<i32>} : memref<4x128xf32, #tpu.memory_space<vmem>>, vector<1x16xf32>,
      %get3A_467 = vector.shape_cast %get3A_466 : vector<1x16xf32> to vector<16xf32>
      %add3A_468 = arith.addf %get3A_438, %get3A_467 : vector<16xf32>
      %swap3A_469 = arith.constant 2 : i32
      %swap3A_470 = arith.index_cast %swap3A_469 : i32 to index
      %swap3A_471 = arith.constant 96 : index
      %swap3A_472 = tpu.vector_load %arg8[%swap3A_470, %swap3A_471] {strides = array<i32>} : memref<32x128xf32, #tpu.memory_space<vmem>>, vector<1x16xf32>,
      %swap3A_473 = vector.shape_cast %swap3A_472 : vector<1x16xf32> to vector<16xf32>
      %swap3A_474 = vector.shape_cast %add3A_468 : vector<16xf32> to vector<1x16xf32>
      tpu.vector_store %arg8[%swap3A_470, %swap3A_471], %swap3A_474 {strides = array<i32>} : memref<32x128xf32, #tpu.memory_space<vmem>>, vector<1x16xf32>,
      %get3A_475 = arith.constant 3 : i32
      %get3A_476 = arith.index_cast %get3A_475 : i32 to index
      %get3A_477 = arith.constant 96 : index
      %get3A_478 = tpu.vector_load %arg7[%get3A_476, %get3A_477] {strides = array<i32>} : memref<4x128xf32, #tpu.memory_space<vmem>>, vector<1x16xf32>,
      %get3A_479 = vector.shape_cast %get3A_478 : vector<1x16xf32> to vector<16xf32>
      %add3A_480 = arith.addf %get3A_438, %get3A_479 : vector<16xf32>
      %swap3A_481 = arith.constant 3 : i32
      %swap3A_482 = arith.index_cast %swap3A_481 : i32 to index
      %swap3A_483 = arith.constant 96 : index
      %swap3A_484 = tpu.vector_load %arg8[%swap3A_482, %swap3A_483] {strides = array<i32>} : memref<32x128xf32, #tpu.memory_space<vmem>>, vector<1x16xf32>,
      %swap3A_485 = vector.shape_cast %swap3A_484 : vector<1x16xf32> to vector<16xf32>
      %swap3A_486 = vector.shape_cast %add3A_480 : vector<16xf32> to vector<1x16xf32>
      tpu.vector_store %arg8[%swap3A_482, %swap3A_483], %swap3A_486 {strides = array<i32>} : memref<32x128xf32, #tpu.memory_space<vmem>>, vector<1x16xf32>,
      %get3A_487 = arith.constant 0 : i32
      %get3A_488 = arith.index_cast %get3A_487 : i32 to index
      %get3A_489 = arith.constant 112 : index
      %get3A_490 = tpu.vector_load %arg6[%get3A_488, %get3A_489] {strides = array<i32>} : memref<8x128xf32, #tpu.memory_space<vmem>>, vector<1x16xf32>,
      %get3A_491 = vector.shape_cast %get3A_490 : vector<1x16xf32> to vector<16xf32>
      %get3A_492 = arith.constant 0 : i32
      %get3A_493 = arith.index_cast %get3A_492 : i32 to index
      %get3A_494 = arith.constant 112 : index
      %get3A_495 = tpu.vector_load %arg7[%get3A_493, %get3A_494] {strides = array<i32>} : memref<4x128xf32, #tpu.memory_space<vmem>>, vector<1x16xf32>,
      %get3A_496 = vector.shape_cast %get3A_495 : vector<1x16xf32> to vector<16xf32>
      %add3A_497 = arith.addf %get3A_491, %get3A_496 : vector<16xf32>
      %swap3A_498 = arith.constant 0 : i32
      %swap3A_499 = arith.index_cast %swap3A_498 : i32 to index
      %swap3A_500 = arith.constant 112 : index
      %swap3A_501 = tpu.vector_load %arg8[%swap3A_499, %swap3A_500] {strides = array<i32>} : memref<32x128xf32, #tpu.memory_space<vmem>>, vector<1x16xf32>,
      %swap3A_502 = vector.shape_cast %swap3A_501 : vector<1x16xf32> to vector<16xf32>
      %swap3A_503 = vector.shape_cast %add3A_497 : vector<16xf32> to vector<1x16xf32>
      tpu.vector_store %arg8[%swap3A_499, %swap3A_500], %swap3A_503 {strides = array<i32>} : memref<32x128xf32, #tpu.memory_space<vmem>>, vector<1x16xf32>,
      %get3A_504 = arith.constant 1 : i32
      %get3A_505 = arith.index_cast %get3A_504 : i32 to index
      %get3A_506 = arith.constant 112 : index
      %get3A_507 = tpu.vector_load %arg7[%get3A_505, %get3A_506] {strides = array<i32>} : memref<4x128xf32, #tpu.memory_space<vmem>>, vector<1x16xf32>,
      %get3A_508 = vector.shape_cast %get3A_507 : vector<1x16xf32> to vector<16xf32>
      %add3A_509 = arith.addf %get3A_491, %get3A_508 : vector<16xf32>
      %swap3A_510 = arith.constant 1 : i32
      %swap3A_511 = arith.index_cast %swap3A_510 : i32 to index
      %swap3A_512 = arith.constant 112 : index
      %swap3A_513 = tpu.vector_load %arg8[%swap3A_511, %swap3A_512] {strides = array<i32>} : memref<32x128xf32, #tpu.memory_space<vmem>>, vector<1x16xf32>,
      %swap3A_514 = vector.shape_cast %swap3A_513 : vector<1x16xf32> to vector<16xf32>
      %swap3A_515 = vector.shape_cast %add3A_509 : vector<16xf32> to vector<1x16xf32>
      tpu.vector_store %arg8[%swap3A_511, %swap3A_512], %swap3A_515 {strides = array<i32>} : memref<32x128xf32, #tpu.memory_space<vmem>>, vector<1x16xf32>,
      %get3A_516 = arith.constant 2 : i32
      %get3A_517 = arith.index_cast %get3A_516 : i32 to index
      %get3A_518 = arith.constant 112 : index
      %get3A_519 = tpu.vector_load %arg7[%get3A_517, %get3A_518] {strides = array<i32>} : memref<4x128xf32, #tpu.memory_space<vmem>>, vector<1x16xf32>,
      %get3A_520 = vector.shape_cast %get3A_519 : vector<1x16xf32> to vector<16xf32>
      %add3A_521 = arith.addf %get3A_491, %get3A_520 : vector<16xf32>
      %swap3A_522 = arith.constant 2 : i32
      %swap3A_523 = arith.index_cast %swap3A_522 : i32 to index
      %swap3A_524 = arith.constant 112 : index
      %swap3A_525 = tpu.vector_load %arg8[%swap3A_523, %swap3A_524] {strides = array<i32>} : memref<32x128xf32, #tpu.memory_space<vmem>>, vector<1x16xf32>,
      %swap3A_526 = vector.shape_cast %swap3A_525 : vector<1x16xf32> to vector<16xf32>
      %swap3A_527 = vector.shape_cast %add3A_521 : vector<16xf32> to vector<1x16xf32>
      tpu.vector_store %arg8[%swap3A_523, %swap3A_524], %swap3A_527 {strides = array<i32>} : memref<32x128xf32, #tpu.memory_space<vmem>>, vector<1x16xf32>,
      %get3A_528 = arith.constant 3 : i32
      %get3A_529 = arith.index_cast %get3A_528 : i32 to index
      %get3A_530 = arith.constant 112 : index
      %get3A_531 = tpu.vector_load %arg7[%get3A_529, %get3A_530] {strides = array<i32>} : memref<4x128xf32, #tpu.memory_space<vmem>>, vector<1x16xf32>,
      %get3A_532 = vector.shape_cast %get3A_531 : vector<1x16xf32> to vector<16xf32>
      %add3A_533 = arith.addf %get3A_491, %get3A_532 : vector<16xf32>
      %swap3A_534 = arith.constant 3 : i32
      %swap3A_535 = arith.index_cast %swap3A_534 : i32 to index
      %swap3A_536 = arith.constant 112 : index
      %swap3A_537 = tpu.vector_load %arg8[%swap3A_535, %swap3A_536] {strides = array<i32>} : memref<32x128xf32, #tpu.memory_space<vmem>>, vector<1x16xf32>,
      %swap3A_538 = vector.shape_cast %swap3A_537 : vector<1x16xf32> to vector<16xf32>
      %swap3A_539 = vector.shape_cast %add3A_533 : vector<16xf32> to vector<1x16xf32>
      tpu.vector_store %arg8[%swap3A_535, %swap3A_536], %swap3A_539 {strides = array<i32>} : memref<32x128xf32, #tpu.memory_space<vmem>>, vector<1x16xf32>,
      %get3A_540 = arith.constant 1 : i32
      %get3A_541 = arith.index_cast %get3A_540 : i32 to index
      %get3A_542 = arith.constant 0 : index
      %get3A_543 = tpu.vector_load %arg6[%get3A_541, %get3A_542] {strides = array<i32>} : memref<8x128xf32, #tpu.memory_space<vmem>>, vector<1x16xf32>,
      %get3A_544 = vector.shape_cast %get3A_543 : vector<1x16xf32> to vector<16xf32>
      %get3A_545 = arith.constant 0 : i32
      %get3A_546 = arith.index_cast %get3A_545 : i32 to index
      %get3A_547 = arith.constant 0 : index
      %get3A_548 = tpu.vector_load %arg7[%get3A_546, %get3A_547] {strides = array<i32>} : memref<4x128xf32, #tpu.memory_space<vmem>>, vector<1x16xf32>,
      %get3A_549 = vector.shape_cast %get3A_548 : vector<1x16xf32> to vector<16xf32>
      %add3A_550 = arith.addf %get3A_544, %get3A_549 : vector<16xf32>
      %swap3A_551 = arith.constant 4 : i32
      %swap3A_552 = arith.index_cast %swap3A_551 : i32 to index
      %swap3A_553 = arith.constant 0 : index
      %swap3A_554 = tpu.vector_load %arg8[%swap3A_552, %swap3A_553] {strides = array<i32>} : memref<32x128xf32, #tpu.memory_space<vmem>>, vector<1x16xf32>,
      %swap3A_555 = vector.shape_cast %swap3A_554 : vector<1x16xf32> to vector<16xf32>
      %swap3A_556 = vector.shape_cast %add3A_550 : vector<16xf32> to vector<1x16xf32>
      tpu.vector_store %arg8[%swap3A_552, %swap3A_553], %swap3A_556 {strides = array<i32>} : memref<32x128xf32, #tpu.memory_space<vmem>>, vector<1x16xf32>,
      %get3A_557 = arith.constant 1 : i32
      %get3A_558 = arith.index_cast %get3A_557 : i32 to index
      %get3A_559 = arith.constant 0 : index
      %get3A_560 = tpu.vector_load %arg7[%get3A_558, %get3A_559] {strides = array<i32>} : memref<4x128xf32, #tpu.memory_space<vmem>>, vector<1x16xf32>,
      %get3A_561 = vector.shape_cast %get3A_560 : vector<1x16xf32> to vector<16xf32>
      %add3A_562 = arith.addf %get3A_544, %get3A_561 : vector<16xf32>
      %swap3A_563 = arith.constant 5 : i32
      %swap3A_564 = arith.index_cast %swap3A_563 : i32 to index
      %swap3A_565 = arith.constant 0 : index
      %swap3A_566 = tpu.vector_load %arg8[%swap3A_564, %swap3A_565] {strides = array<i32>} : memref<32x128xf32, #tpu.memory_space<vmem>>, vector<1x16xf32>,
      %swap3A_567 = vector.shape_cast %swap3A_566 : vector<1x16xf32> to vector<16xf32>
      %swap3A_568 = vector.shape_cast %add3A_562 : vector<16xf32> to vector<1x16xf32>
      tpu.vector_store %arg8[%swap3A_564, %swap3A_565], %swap3A_568 {strides = array<i32>} : memref<32x128xf32, #tpu.memory_space<vmem>>, vector<1x16xf32>,
      %get3A_569 = arith.constant 2 : i32
      %get3A_570 = arith.index_cast %get3A_569 : i32 to index
      %get3A_571 = arith.constant 0 : index
      %get3A_572 = tpu.vector_load %arg7[%get3A_570, %get3A_571] {strides = array<i32>} : memref<4x128xf32, #tpu.memory_space<vmem>>, vector<1x16xf32>,
      %get3A_573 = vector.shape_cast %get3A_572 : vector<1x16xf32> to vector<16xf32>
      %add3A_574 = arith.addf %get3A_544, %get3A_573 : vector<16xf32>
      %swap3A_575 = arith.constant 6 : i32
      %swap3A_576 = arith.index_cast %swap3A_575 : i32 to index
      %swap3A_577 = arith.constant 0 : index
      %swap3A_578 = tpu.vector_load %arg8[%swap3A_576, %swap3A_577] {strides = array<i32>} : memref<32x128xf32, #tpu.memory_space<vmem>>, vector<1x16xf32>,
      %swap3A_579 = vector.shape_cast %swap3A_578 : vector<1x16xf32> to vector<16xf32>
      %swap3A_580 = vector.shape_cast %add3A_574 : vector<16xf32> to vector<1x16xf32>
      tpu.vector_store %arg8[%swap3A_576, %swap3A_577], %swap3A_580 {strides = array<i32>} : memref<32x128xf32, #tpu.memory_space<vmem>>, vector<1x16xf32>,
      %get3A_581 = arith.constant 3 : i32
      %get3A_582 = arith.index_cast %get3A_581 : i32 to index
      %get3A_583 = arith.constant 0 : index
      %get3A_584 = tpu.vector_load %arg7[%get3A_582, %get3A_583] {strides = array<i32>} : memref<4x128xf32, #tpu.memory_space<vmem>>, vector<1x16xf32>,
      %get3A_585 = vector.shape_cast %get3A_584 : vector<1x16xf32> to vector<16xf32>
      %add3A_586 = arith.addf %get3A_544, %get3A_585 : vector<16xf32>
      %swap3A_587 = arith.constant 7 : i32
      %swap3A_588 = arith.index_cast %swap3A_587 : i32 to index
      %swap3A_589 = arith.constant 0 : index
      %swap3A_590 = tpu.vector_load %arg8[%swap3A_588, %swap3A_589] {strides = array<i32>} : memref<32x128xf32, #tpu.memory_space<vmem>>, vector<1x16xf32>,
      %swap3A_591 = vector.shape_cast %swap3A_590 : vector<1x16xf32> to vector<16xf32>
      %swap3A_592 = vector.shape_cast %add3A_586 : vector<16xf32> to vector<1x16xf32>
      tpu.vector_store %arg8[%swap3A_588, %swap3A_589], %swap3A_592 {strides = array<i32>} : memref<32x128xf32, #tpu.memory_space<vmem>>, vector<1x16xf32>,
      %get3A_593 = arith.constant 1 : i32
      %get3A_594 = arith.index_cast %get3A_593 : i32 to index
      %get3A_595 = arith.constant 16 : index
      %get3A_596 = tpu.vector_load %arg6[%get3A_594, %get3A_595] {strides = array<i32>} : memref<8x128xf32, #tpu.memory_space<vmem>>, vector<1x16xf32>,
      %get3A_597 = vector.shape_cast %get3A_596 : vector<1x16xf32> to vector<16xf32>
      %get3A_598 = arith.constant 0 : i32
      %get3A_599 = arith.index_cast %get3A_598 : i32 to index
      %get3A_600 = arith.constant 16 : index
      %get3A_601 = tpu.vector_load %arg7[%get3A_599, %get3A_600] {strides = array<i32>} : memref<4x128xf32, #tpu.memory_space<vmem>>, vector<1x16xf32>,
      %get3A_602 = vector.shape_cast %get3A_601 : vector<1x16xf32> to vector<16xf32>
      %add3A_603 = arith.addf %get3A_597, %get3A_602 : vector<16xf32>
      %swap3A_604 = arith.constant 4 : i32
      %swap3A_605 = arith.index_cast %swap3A_604 : i32 to index
      %swap3A_606 = arith.constant 16 : index
      %swap3A_607 = tpu.vector_load %arg8[%swap3A_605, %swap3A_606] {strides = array<i32>} : memref<32x128xf32, #tpu.memory_space<vmem>>, vector<1x16xf32>,
      %swap3A_608 = vector.shape_cast %swap3A_607 : vector<1x16xf32> to vector<16xf32>
      %swap3A_609 = vector.shape_cast %add3A_603 : vector<16xf32> to vector<1x16xf32>
      tpu.vector_store %arg8[%swap3A_605, %swap3A_606], %swap3A_609 {strides = array<i32>} : memref<32x128xf32, #tpu.memory_space<vmem>>, vector<1x16xf32>,
      %get3A_610 = arith.constant 1 : i32
      %get3A_611 = arith.index_cast %get3A_610 : i32 to index
      %get3A_612 = arith.constant 16 : index
      %get3A_613 = tpu.vector_load %arg7[%get3A_611, %get3A_612] {strides = array<i32>} : memref<4x128xf32, #tpu.memory_space<vmem>>, vector<1x16xf32>,
      %get3A_614 = vector.shape_cast %get3A_613 : vector<1x16xf32> to vector<16xf32>
      %add3A_615 = arith.addf %get3A_597, %get3A_614 : vector<16xf32>
      %swap3A_616 = arith.constant 5 : i32
      %swap3A_617 = arith.index_cast %swap3A_616 : i32 to index
      %swap3A_618 = arith.constant 16 : index
      %swap3A_619 = tpu.vector_load %arg8[%swap3A_617, %swap3A_618] {strides = array<i32>} : memref<32x128xf32, #tpu.memory_space<vmem>>, vector<1x16xf32>,
      %swap3A_620 = vector.shape_cast %swap3A_619 : vector<1x16xf32> to vector<16xf32>
      %swap3A_621 = vector.shape_cast %add3A_615 : vector<16xf32> to vector<1x16xf32>
      tpu.vector_store %arg8[%swap3A_617, %swap3A_618], %swap3A_621 {strides = array<i32>} : memref<32x128xf32, #tpu.memory_space<vmem>>, vector<1x16xf32>,
      %get3A_622 = arith.constant 2 : i32
      %get3A_623 = arith.index_cast %get3A_622 : i32 to index
      %get3A_624 = arith.constant 16 : index
      %get3A_625 = tpu.vector_load %arg7[%get3A_623, %get3A_624] {strides = array<i32>} : memref<4x128xf32, #tpu.memory_space<vmem>>, vector<1x16xf32>,
      %get3A_626 = vector.shape_cast %get3A_625 : vector<1x16xf32> to vector<16xf32>
      %add3A_627 = arith.addf %get3A_597, %get3A_626 : vector<16xf32>
      %swap3A_628 = arith.constant 6 : i32
      %swap3A_629 = arith.index_cast %swap3A_628 : i32 to index
      %swap3A_630 = arith.constant 16 : index
      %swap3A_631 = tpu.vector_load %arg8[%swap3A_629, %swap3A_630] {strides = array<i32>} : memref<32x128xf32, #tpu.memory_space<vmem>>, vector<1x16xf32>,
      %swap3A_632 = vector.shape_cast %swap3A_631 : vector<1x16xf32> to vector<16xf32>
      %swap3A_633 = vector.shape_cast %add3A_627 : vector<16xf32> to vector<1x16xf32>
      tpu.vector_store %arg8[%swap3A_629, %swap3A_630], %swap3A_633 {strides = array<i32>} : memref<32x128xf32, #tpu.memory_space<vmem>>, vector<1x16xf32>,
      %get3A_634 = arith.constant 3 : i32
      %get3A_635 = arith.index_cast %get3A_634 : i32 to index
      %get3A_636 = arith.constant 16 : index
      %get3A_637 = tpu.vector_load %arg7[%get3A_635, %get3A_636] {strides = array<i32>} : memref<4x128xf32, #tpu.memory_space<vmem>>, vector<1x16xf32>,
      %get3A_638 = vector.shape_cast %get3A_637 : vector<1x16xf32> to vector<16xf32>
      %add3A_639 = arith.addf %get3A_597, %get3A_638 : vector<16xf32>
      %swap3A_640 = arith.constant 7 : i32
      %swap3A_641 = arith.index_cast %swap3A_640 : i32 to index
      %swap3A_642 = arith.constant 16 : index
      %swap3A_643 = tpu.vector_load %arg8[%swap3A_641, %swap3A_642] {strides = array<i32>} : memref<32x128xf32, #tpu.memory_space<vmem>>, vector<1x16xf32>,
      %swap3A_644 = vector.shape_cast %swap3A_643 : vector<1x16xf32> to vector<16xf32>
      %swap3A_645 = vector.shape_cast %add3A_639 : vector<16xf32> to vector<1x16xf32>
      tpu.vector_store %arg8[%swap3A_641, %swap3A_642], %swap3A_645 {strides = array<i32>} : memref<32x128xf32, #tpu.memory_space<vmem>>, vector<1x16xf32>,
      %get3A_646 = arith.constant 1 : i32
      %get3A_647 = arith.index_cast %get3A_646 : i32 to index
      %get3A_648 = arith.constant 32 : index
      %get3A_649 = tpu.vector_load %arg6[%get3A_647, %get3A_648] {strides = array<i32>} : memref<8x128xf32, #tpu.memory_space<vmem>>, vector<1x16xf32>,
      %get3A_650 = vector.shape_cast %get3A_649 : vector<1x16xf32> to vector<16xf32>
      %get3A_651 = arith.constant 0 : i32
      %get3A_652 = arith.index_cast %get3A_651 : i32 to index
      %get3A_653 = arith.constant 32 : index
      %get3A_654 = tpu.vector_load %arg7[%get3A_652, %get3A_653] {strides = array<i32>} : memref<4x128xf32, #tpu.memory_space<vmem>>, vector<1x16xf32>,
      %get3A_655 = vector.shape_cast %get3A_654 : vector<1x16xf32> to vector<16xf32>
      %add3A_656 = arith.addf %get3A_650, %get3A_655 : vector<16xf32>
      %swap3A_657 = arith.constant 4 : i32
      %swap3A_658 = arith.index_cast %swap3A_657 : i32 to index
      %swap3A_659 = arith.constant 32 : index
      %swap3A_660 = tpu.vector_load %arg8[%swap3A_658, %swap3A_659] {strides = array<i32>} : memref<32x128xf32, #tpu.memory_space<vmem>>, vector<1x16xf32>,
      %swap3A_661 = vector.shape_cast %swap3A_660 : vector<1x16xf32> to vector<16xf32>
      %swap3A_662 = vector.shape_cast %add3A_656 : vector<16xf32> to vector<1x16xf32>
      tpu.vector_store %arg8[%swap3A_658, %swap3A_659], %swap3A_662 {strides = array<i32>} : memref<32x128xf32, #tpu.memory_space<vmem>>, vector<1x16xf32>,
      %get3A_663 = arith.constant 1 : i32
      %get3A_664 = arith.index_cast %get3A_663 : i32 to index
      %get3A_665 = arith.constant 32 : index
      %get3A_666 = tpu.vector_load %arg7[%get3A_664, %get3A_665] {strides = array<i32>} : memref<4x128xf32, #tpu.memory_space<vmem>>, vector<1x16xf32>,
      %get3A_667 = vector.shape_cast %get3A_666 : vector<1x16xf32> to vector<16xf32>
      %add3A_668 = arith.addf %get3A_650, %get3A_667 : vector<16xf32>
      %swap3A_669 = arith.constant 5 : i32
      %swap3A_670 = arith.index_cast %swap3A_669 : i32 to index
      %swap3A_671 = arith.constant 32 : index
      %swap3A_672 = tpu.vector_load %arg8[%swap3A_670, %swap3A_671] {strides = array<i32>} : memref<32x128xf32, #tpu.memory_space<vmem>>, vector<1x16xf32>,
      %swap3A_673 = vector.shape_cast %swap3A_672 : vector<1x16xf32> to vector<16xf32>
      %swap3A_674 = vector.shape_cast %add3A_668 : vector<16xf32> to vector<1x16xf32>
      tpu.vector_store %arg8[%swap3A_670, %swap3A_671], %swap3A_674 {strides = array<i32>} : memref<32x128xf32, #tpu.memory_space<vmem>>, vector<1x16xf32>,
      %get3A_675 = arith.constant 2 : i32
      %get3A_676 = arith.index_cast %get3A_675 : i32 to index
      %get3A_677 = arith.constant 32 : index
      %get3A_678 = tpu.vector_load %arg7[%get3A_676, %get3A_677] {strides = array<i32>} : memref<4x128xf32, #tpu.memory_space<vmem>>, vector<1x16xf32>,
      %get3A_679 = vector.shape_cast %get3A_678 : vector<1x16xf32> to vector<16xf32>
      %add3A_680 = arith.addf %get3A_650, %get3A_679 : vector<16xf32>
      %swap3A_681 = arith.constant 6 : i32
      %swap3A_682 = arith.index_cast %swap3A_681 : i32 to index
      %swap3A_683 = arith.constant 32 : index
      %swap3A_684 = tpu.vector_load %arg8[%swap3A_682, %swap3A_683] {strides = array<i32>} : memref<32x128xf32, #tpu.memory_space<vmem>>, vector<1x16xf32>,
      %swap3A_685 = vector.shape_cast %swap3A_684 : vector<1x16xf32> to vector<16xf32>
      %swap3A_686 = vector.shape_cast %add3A_680 : vector<16xf32> to vector<1x16xf32>
      tpu.vector_store %arg8[%swap3A_682, %swap3A_683], %swap3A_686 {strides = array<i32>} : memref<32x128xf32, #tpu.memory_space<vmem>>, vector<1x16xf32>,
      %get3A_687 = arith.constant 3 : i32
      %get3A_688 = arith.index_cast %get3A_687 : i32 to index
      %get3A_689 = arith.constant 32 : index
      %get3A_690 = tpu.vector_load %arg7[%get3A_688, %get3A_689] {strides = array<i32>} : memref<4x128xf32, #tpu.memory_space<vmem>>, vector<1x16xf32>,
      %get3A_691 = vector.shape_cast %get3A_690 : vector<1x16xf32> to vector<16xf32>
      %add3A_692 = arith.addf %get3A_650, %get3A_691 : vector<16xf32>
      %swap3A_693 = arith.constant 7 : i32
      %swap3A_694 = arith.index_cast %swap3A_693 : i32 to index
      %swap3A_695 = arith.constant 32 : index
      %swap3A_696 = tpu.vector_load %arg8[%swap3A_694, %swap3A_695] {strides = array<i32>} : memref<32x128xf32, #tpu.memory_space<vmem>>, vector<1x16xf32>,
      %swap3A_697 = vector.shape_cast %swap3A_696 : vector<1x16xf32> to vector<16xf32>
      %swap3A_698 = vector.shape_cast %add3A_692 : vector<16xf32> to vector<1x16xf32>
      tpu.vector_store %arg8[%swap3A_694, %swap3A_695], %swap3A_698 {strides = array<i32>} : memref<32x128xf32, #tpu.memory_space<vmem>>, vector<1x16xf32>,
      %get3A_699 = arith.constant 1 : i32
      %get3A_700 = arith.index_cast %get3A_699 : i32 to index
      %get3A_701 = arith.constant 48 : index
      %get3A_702 = tpu.vector_load %arg6[%get3A_700, %get3A_701] {strides = array<i32>} : memref<8x128xf32, #tpu.memory_space<vmem>>, vector<1x16xf32>,
      %get3A_703 = vector.shape_cast %get3A_702 : vector<1x16xf32> to vector<16xf32>
      %get3A_704 = arith.constant 0 : i32
      %get3A_705 = arith.index_cast %get3A_704 : i32 to index
      %get3A_706 = arith.constant 48 : index
      %get3A_707 = tpu.vector_load %arg7[%get3A_705, %get3A_706] {strides = array<i32>} : memref<4x128xf32, #tpu.memory_space<vmem>>, vector<1x16xf32>,
      %get3A_708 = vector.shape_cast %get3A_707 : vector<1x16xf32> to vector<16xf32>
      %add3A_709 = arith.addf %get3A_703, %get3A_708 : vector<16xf32>
      %swap3A_710 = arith.constant 4 : i32
      %swap3A_711 = arith.index_cast %swap3A_710 : i32 to index
      %swap3A_712 = arith.constant 48 : index
      %swap3A_713 = tpu.vector_load %arg8[%swap3A_711, %swap3A_712] {strides = array<i32>} : memref<32x128xf32, #tpu.memory_space<vmem>>, vector<1x16xf32>,
      %swap3A_714 = vector.shape_cast %swap3A_713 : vector<1x16xf32> to vector<16xf32>
      %swap3A_715 = vector.shape_cast %add3A_709 : vector<16xf32> to vector<1x16xf32>
      tpu.vector_store %arg8[%swap3A_711, %swap3A_712], %swap3A_715 {strides = array<i32>} : memref<32x128xf32, #tpu.memory_space<vmem>>, vector<1x16xf32>,
      %get3A_716 = arith.constant 1 : i32
      %get3A_717 = arith.index_cast %get3A_716 : i32 to index
      %get3A_718 = arith.constant 48 : index
      %get3A_719 = tpu.vector_load %arg7[%get3A_717, %get3A_718] {strides = array<i32>} : memref<4x128xf32, #tpu.memory_space<vmem>>, vector<1x16xf32>,
      %get3A_720 = vector.shape_cast %get3A_719 : vector<1x16xf32> to vector<16xf32>
      %add3A_721 = arith.addf %get3A_703, %get3A_720 : vector<16xf32>
      %swap3A_722 = arith.constant 5 : i32
      %swap3A_723 = arith.index_cast %swap3A_722 : i32 to index
      %swap3A_724 = arith.constant 48 : index
      %swap3A_725 = tpu.vector_load %arg8[%swap3A_723, %swap3A_724] {strides = array<i32>} : memref<32x128xf32, #tpu.memory_space<vmem>>, vector<1x16xf32>,
      %swap3A_726 = vector.shape_cast %swap3A_725 : vector<1x16xf32> to vector<16xf32>
      %swap3A_727 = vector.shape_cast %add3A_721 : vector<16xf32> to vector<1x16xf32>
      tpu.vector_store %arg8[%swap3A_723, %swap3A_724], %swap3A_727 {strides = array<i32>} : memref<32x128xf32, #tpu.memory_space<vmem>>, vector<1x16xf32>,
      %get3A_728 = arith.constant 2 : i32
      %get3A_729 = arith.index_cast %get3A_728 : i32 to index
      %get3A_730 = arith.constant 48 : index
      %get3A_731 = tpu.vector_load %arg7[%get3A_729, %get3A_730] {strides = array<i32>} : memref<4x128xf32, #tpu.memory_space<vmem>>, vector<1x16xf32>,
      %get3A_732 = vector.shape_cast %get3A_731 : vector<1x16xf32> to vector<16xf32>
      %add3A_733 = arith.addf %get3A_703, %get3A_732 : vector<16xf32>
      %swap3A_734 = arith.constant 6 : i32
      %swap3A_735 = arith.index_cast %swap3A_734 : i32 to index
      %swap3A_736 = arith.constant 48 : index
      %swap3A_737 = tpu.vector_load %arg8[%swap3A_735, %swap3A_736] {strides = array<i32>} : memref<32x128xf32, #tpu.memory_space<vmem>>, vector<1x16xf32>,
      %swap3A_738 = vector.shape_cast %swap3A_737 : vector<1x16xf32> to vector<16xf32>
      %swap3A_739 = vector.shape_cast %add3A_733 : vector<16xf32> to vector<1x16xf32>
      tpu.vector_store %arg8[%swap3A_735, %swap3A_736], %swap3A_739 {strides = array<i32>} : memref<32x128xf32, #tpu.memory_space<vmem>>, vector<1x16xf32>,
      %get3A_740 = arith.constant 3 : i32
      %get3A_741 = arith.index_cast %get3A_740 : i32 to index
      %get3A_742 = arith.constant 48 : index
      %get3A_743 = tpu.vector_load %arg7[%get3A_741, %get3A_742] {strides = array<i32>} : memref<4x128xf32, #tpu.memory_space<vmem>>, vector<1x16xf32>,
      %get3A_744 = vector.shape_cast %get3A_743 : vector<1x16xf32> to vector<16xf32>
      %add3A_745 = arith.addf %get3A_703, %get3A_744 : vector<16xf32>
      %swap3A_746 = arith.constant 7 : i32
      %swap3A_747 = arith.index_cast %swap3A_746 : i32 to index
      %swap3A_748 = arith.constant 48 : index
      %swap3A_749 = tpu.vector_load %arg8[%swap3A_747, %swap3A_748] {strides = array<i32>} : memref<32x128xf32, #tpu.memory_space<vmem>>, vector<1x16xf32>,
      %swap3A_750 = vector.shape_cast %swap3A_749 : vector<1x16xf32> to vector<16xf32>
      %swap3A_751 = vector.shape_cast %add3A_745 : vector<16xf32> to vector<1x16xf32>
      tpu.vector_store %arg8[%swap3A_747, %swap3A_748], %swap3A_751 {strides = array<i32>} : memref<32x128xf32, #tpu.memory_space<vmem>>, vector<1x16xf32>,
      %get3A_752 = arith.constant 1 : i32
      %get3A_753 = arith.index_cast %get3A_752 : i32 to index
      %get3A_754 = arith.constant 64 : index
      %get3A_755 = tpu.vector_load %arg6[%get3A_753, %get3A_754] {strides = array<i32>} : memref<8x128xf32, #tpu.memory_space<vmem>>, vector<1x16xf32>,
      %get3A_756 = vector.shape_cast %get3A_755 : vector<1x16xf32> to vector<16xf32>
      %get3A_757 = arith.constant 0 : i32
      %get3A_758 = arith.index_cast %get3A_757 : i32 to index
      %get3A_759 = arith.constant 64 : index
      %get3A_760 = tpu.vector_load %arg7[%get3A_758, %get3A_759] {strides = array<i32>} : memref<4x128xf32, #tpu.memory_space<vmem>>, vector<1x16xf32>,
      %get3A_761 = vector.shape_cast %get3A_760 : vector<1x16xf32> to vector<16xf32>
      %add3A_762 = arith.addf %get3A_756, %get3A_761 : vector<16xf32>
      %swap3A_763 = arith.constant 4 : i32
      %swap3A_764 = arith.index_cast %swap3A_763 : i32 to index
      %swap3A_765 = arith.constant 64 : index
      %swap3A_766 = tpu.vector_load %arg8[%swap3A_764, %swap3A_765] {strides = array<i32>} : memref<32x128xf32, #tpu.memory_space<vmem>>, vector<1x16xf32>,
      %swap3A_767 = vector.shape_cast %swap3A_766 : vector<1x16xf32> to vector<16xf32>
      %swap3A_768 = vector.shape_cast %add3A_762 : vector<16xf32> to vector<1x16xf32>
      tpu.vector_store %arg8[%swap3A_764, %swap3A_765], %swap3A_768 {strides = array<i32>} : memref<32x128xf32, #tpu.memory_space<vmem>>, vector<1x16xf32>,
      %get3A_769 = arith.constant 1 : i32
      %get3A_770 = arith.index_cast %get3A_769 : i32 to index
      %get3A_771 = arith.constant 64 : index
      %get3A_772 = tpu.vector_load %arg7[%get3A_770, %get3A_771] {strides = array<i32>} : memref<4x128xf32, #tpu.memory_space<vmem>>, vector<1x16xf32>,
      %get3A_773 = vector.shape_cast %get3A_772 : vector<1x16xf32> to vector<16xf32>
      %add3A_774 = arith.addf %get3A_756, %get3A_773 : vector<16xf32>
      %swap3A_775 = arith.constant 5 : i32
      %swap3A_776 = arith.index_cast %swap3A_775 : i32 to index
      %swap3A_777 = arith.constant 64 : index
      %swap3A_778 = tpu.vector_load %arg8[%swap3A_776, %swap3A_777] {strides = array<i32>} : memref<32x128xf32, #tpu.memory_space<vmem>>, vector<1x16xf32>,
      %swap3A_779 = vector.shape_cast %swap3A_778 : vector<1x16xf32> to vector<16xf32>
      %swap3A_780 = vector.shape_cast %add3A_774 : vector<16xf32> to vector<1x16xf32>
      tpu.vector_store %arg8[%swap3A_776, %swap3A_777], %swap3A_780 {strides = array<i32>} : memref<32x128xf32, #tpu.memory_space<vmem>>, vector<1x16xf32>,
      %get3A_781 = arith.constant 2 : i32
      %get3A_782 = arith.index_cast %get3A_781 : i32 to index
      %get3A_783 = arith.constant 64 : index
      %get3A_784 = tpu.vector_load %arg7[%get3A_782, %get3A_783] {strides = array<i32>} : memref<4x128xf32, #tpu.memory_space<vmem>>, vector<1x16xf32>,
      %get3A_785 = vector.shape_cast %get3A_784 : vector<1x16xf32> to vector<16xf32>
      %add3A_786 = arith.addf %get3A_756, %get3A_785 : vector<16xf32>
      %swap3A_787 = arith.constant 6 : i32
      %swap3A_788 = arith.index_cast %swap3A_787 : i32 to index
      %swap3A_789 = arith.constant 64 : index
      %swap3A_790 = tpu.vector_load %arg8[%swap3A_788, %swap3A_789] {strides = array<i32>} : memref<32x128xf32, #tpu.memory_space<vmem>>, vector<1x16xf32>,
      %swap3A_791 = vector.shape_cast %swap3A_790 : vector<1x16xf32> to vector<16xf32>
      %swap3A_792 = vector.shape_cast %add3A_786 : vector<16xf32> to vector<1x16xf32>
      tpu.vector_store %arg8[%swap3A_788, %swap3A_789], %swap3A_792 {strides = array<i32>} : memref<32x128xf32, #tpu.memory_space<vmem>>, vector<1x16xf32>,
      %get3A_793 = arith.constant 3 : i32
      %get3A_794 = arith.index_cast %get3A_793 : i32 to index
      %get3A_795 = arith.constant 64 : index
      %get3A_796 = tpu.vector_load %arg7[%get3A_794, %get3A_795] {strides = array<i32>} : memref<4x128xf32, #tpu.memory_space<vmem>>, vector<1x16xf32>,
      %get3A_797 = vector.shape_cast %get3A_796 : vector<1x16xf32> to vector<16xf32>
      %add3A_798 = arith.addf %get3A_756, %get3A_797 : vector<16xf32>
      %swap3A_799 = arith.constant 7 : i32
      %swap3A_800 = arith.index_cast %swap3A_799 : i32 to index
      %swap3A_801 = arith.constant 64 : index
      %swap3A_802 = tpu.vector_load %arg8[%swap3A_800, %swap3A_801] {strides = array<i32>} : memref<32x128xf32, #tpu.memory_space<vmem>>, vector<1x16xf32>,
      %swap3A_803 = vector.shape_cast %swap3A_802 : vector<1x16xf32> to vector<16xf32>
      %swap3A_804 = vector.shape_cast %add3A_798 : vector<16xf32> to vector<1x16xf32>
      tpu.vector_store %arg8[%swap3A_800, %swap3A_801], %swap3A_804 {strides = array<i32>} : memref<32x128xf32, #tpu.memory_space<vmem>>, vector<1x16xf32>,
      %get3A_805 = arith.constant 1 : i32
      %get3A_806 = arith.index_cast %get3A_805 : i32 to index
      %get3A_807 = arith.constant 80 : index
      %get3A_808 = tpu.vector_load %arg6[%get3A_806, %get3A_807] {strides = array<i32>} : memref<8x128xf32, #tpu.memory_space<vmem>>, vector<1x16xf32>,
      %get3A_809 = vector.shape_cast %get3A_808 : vector<1x16xf32> to vector<16xf32>
      %get3A_810 = arith.constant 0 : i32
      %get3A_811 = arith.index_cast %get3A_810 : i32 to index
      %get3A_812 = arith.constant 80 : index
      %get3A_813 = tpu.vector_load %arg7[%get3A_811, %get3A_812] {strides = array<i32>} : memref<4x128xf32, #tpu.memory_space<vmem>>, vector<1x16xf32>,
      %get3A_814 = vector.shape_cast %get3A_813 : vector<1x16xf32> to vector<16xf32>
      %add3A_815 = arith.addf %get3A_809, %get3A_814 : vector<16xf32>
      %swap3A_816 = arith.constant 4 : i32
      %swap3A_817 = arith.index_cast %swap3A_816 : i32 to index
      %swap3A_818 = arith.constant 80 : index
      %swap3A_819 = tpu.vector_load %arg8[%swap3A_817, %swap3A_818] {strides = array<i32>} : memref<32x128xf32, #tpu.memory_space<vmem>>, vector<1x16xf32>,
      %swap3A_820 = vector.shape_cast %swap3A_819 : vector<1x16xf32> to vector<16xf32>
      %swap3A_821 = vector.shape_cast %add3A_815 : vector<16xf32> to vector<1x16xf32>
      tpu.vector_store %arg8[%swap3A_817, %swap3A_818], %swap3A_821 {strides = array<i32>} : memref<32x128xf32, #tpu.memory_space<vmem>>, vector<1x16xf32>,
      %get3A_822 = arith.constant 1 : i32
      %get3A_823 = arith.index_cast %get3A_822 : i32 to index
      %get3A_824 = arith.constant 80 : index
      %get3A_825 = tpu.vector_load %arg7[%get3A_823, %get3A_824] {strides = array<i32>} : memref<4x128xf32, #tpu.memory_space<vmem>>, vector<1x16xf32>,
      %get3A_826 = vector.shape_cast %get3A_825 : vector<1x16xf32> to vector<16xf32>
      %add3A_827 = arith.addf %get3A_809, %get3A_826 : vector<16xf32>
      %swap3A_828 = arith.constant 5 : i32
      %swap3A_829 = arith.index_cast %swap3A_828 : i32 to index
      %swap3A_830 = arith.constant 80 : index
      %swap3A_831 = tpu.vector_load %arg8[%swap3A_829, %swap3A_830] {strides = array<i32>} : memref<32x128xf32, #tpu.memory_space<vmem>>, vector<1x16xf32>,
      %swap3A_832 = vector.shape_cast %swap3A_831 : vector<1x16xf32> to vector<16xf32>
      %swap3A_833 = vector.shape_cast %add3A_827 : vector<16xf32> to vector<1x16xf32>
      tpu.vector_store %arg8[%swap3A_829, %swap3A_830], %swap3A_833 {strides = array<i32>} : memref<32x128xf32, #tpu.memory_space<vmem>>, vector<1x16xf32>,
      %get3A_834 = arith.constant 2 : i32
      %get3A_835 = arith.index_cast %get3A_834 : i32 to index
      %get3A_836 = arith.constant 80 : index
      %get3A_837 = tpu.vector_load %arg7[%get3A_835, %get3A_836] {strides = array<i32>} : memref<4x128xf32, #tpu.memory_space<vmem>>, vector<1x16xf32>,
      %get3A_838 = vector.shape_cast %get3A_837 : vector<1x16xf32> to vector<16xf32>
      %add3A_839 = arith.addf %get3A_809, %get3A_838 : vector<16xf32>
      %swap3A_840 = arith.constant 6 : i32
      %swap3A_841 = arith.index_cast %swap3A_840 : i32 to index
      %swap3A_842 = arith.constant 80 : index
      %swap3A_843 = tpu.vector_load %arg8[%swap3A_841, %swap3A_842] {strides = array<i32>} : memref<32x128xf32, #tpu.memory_space<vmem>>, vector<1x16xf32>,
      %swap3A_844 = vector.shape_cast %swap3A_843 : vector<1x16xf32> to vector<16xf32>
      %swap3A_845 = vector.shape_cast %add3A_839 : vector<16xf32> to vector<1x16xf32>
      tpu.vector_store %arg8[%swap3A_841, %swap3A_842], %swap3A_845 {strides = array<i32>} : memref<32x128xf32, #tpu.memory_space<vmem>>, vector<1x16xf32>,
      %get3A_846 = arith.constant 3 : i32
      %get3A_847 = arith.index_cast %get3A_846 : i32 to index
      %get3A_848 = arith.constant 80 : index
      %get3A_849 = tpu.vector_load %arg7[%get3A_847, %get3A_848] {strides = array<i32>} : memref<4x128xf32, #tpu.memory_space<vmem>>, vector<1x16xf32>,
      %get3A_850 = vector.shape_cast %get3A_849 : vector<1x16xf32> to vector<16xf32>
      %add3A_851 = arith.addf %get3A_809, %get3A_850 : vector<16xf32>
      %swap3A_852 = arith.constant 7 : i32
      %swap3A_853 = arith.index_cast %swap3A_852 : i32 to index
      %swap3A_854 = arith.constant 80 : index
      %swap3A_855 = tpu.vector_load %arg8[%swap3A_853, %swap3A_854] {strides = array<i32>} : memref<32x128xf32, #tpu.memory_space<vmem>>, vector<1x16xf32>,
      %swap3A_856 = vector.shape_cast %swap3A_855 : vector<1x16xf32> to vector<16xf32>
      %swap3A_857 = vector.shape_cast %add3A_851 : vector<16xf32> to vector<1x16xf32>
      tpu.vector_store %arg8[%swap3A_853, %swap3A_854], %swap3A_857 {strides = array<i32>} : memref<32x128xf32, #tpu.memory_space<vmem>>, vector<1x16xf32>,
      %get3A_858 = arith.constant 1 : i32
      %get3A_859 = arith.index_cast %get3A_858 : i32 to index
      %get3A_860 = arith.constant 96 : index
      %get3A_861 = tpu.vector_load %arg6[%get3A_859, %get3A_860] {strides = array<i32>} : memref<8x128xf32, #tpu.memory_space<vmem>>, vector<1x16xf32>,
      %get3A_862 = vector.shape_cast %get3A_861 : vector<1x16xf32> to vector<16xf32>
      %get3A_863 = arith.constant 0 : i32
      %get3A_864 = arith.index_cast %get3A_863 : i32 to index
      %get3A_865 = arith.constant 96 : index
      %get3A_866 = tpu.vector_load %arg7[%get3A_864, %get3A_865] {strides = array<i32>} : memref<4x128xf32, #tpu.memory_space<vmem>>, vector<1x16xf32>,
      %get3A_867 = vector.shape_cast %get3A_866 : vector<1x16xf32> to vector<16xf32>
      %add3A_868 = arith.addf %get3A_862, %get3A_867 : vector<16xf32>
      %swap3A_869 = arith.constant 4 : i32
      %swap3A_870 = arith.index_cast %swap3A_869 : i32 to index
      %swap3A_871 = arith.constant 96 : index
      %swap3A_872 = tpu.vector_load %arg8[%swap3A_870, %swap3A_871] {strides = array<i32>} : memref<32x128xf32, #tpu.memory_space<vmem>>, vector<1x16xf32>,
      %swap3A_873 = vector.shape_cast %swap3A_872 : vector<1x16xf32> to vector<16xf32>
      %swap3A_874 = vector.shape_cast %add3A_868 : vector<16xf32> to vector<1x16xf32>
      tpu.vector_store %arg8[%swap3A_870, %swap3A_871], %swap3A_874 {strides = array<i32>} : memref<32x128xf32, #tpu.memory_space<vmem>>, vector<1x16xf32>,
      %get3A_875 = arith.constant 1 : i32
      %get3A_876 = arith.index_cast %get3A_875 : i32 to index
      %get3A_877 = arith.constant 96 : index
      %get3A_878 = tpu.vector_load %arg7[%get3A_876, %get3A_877] {strides = array<i32>} : memref<4x128xf32, #tpu.memory_space<vmem>>, vector<1x16xf32>,
      %get3A_879 = vector.shape_cast %get3A_878 : vector<1x16xf32> to vector<16xf32>
      %add3A_880 = arith.addf %get3A_862, %get3A_879 : vector<16xf32>
      %swap3A_881 = arith.constant 5 : i32
      %swap3A_882 = arith.index_cast %swap3A_881 : i32 to index
      %swap3A_883 = arith.constant 96 : index
      %swap3A_884 = tpu.vector_load %arg8[%swap3A_882, %swap3A_883] {strides = array<i32>} : memref<32x128xf32, #tpu.memory_space<vmem>>, vector<1x16xf32>,
      %swap3A_885 = vector.shape_cast %swap3A_884 : vector<1x16xf32> to vector<16xf32>
      %swap3A_886 = vector.shape_cast %add3A_880 : vector<16xf32> to vector<1x16xf32>
      tpu.vector_store %arg8[%swap3A_882, %swap3A_883], %swap3A_886 {strides = array<i32>} : memref<32x128xf32, #tpu.memory_space<vmem>>, vector<1x16xf32>,
      %get3A_887 = arith.constant 2 : i32
      %get3A_888 = arith.index_cast %get3A_887 : i32 to index
      %get3A_889 = arith.constant 96 : index
      %get3A_890 = tpu.vector_load %arg7[%get3A_888, %get3A_889] {strides = array<i32>} : memref<4x128xf32, #tpu.memory_space<vmem>>, vector<1x16xf32>,
      %get3A_891 = vector.shape_cast %get3A_890 : vector<1x16xf32> to vector<16xf32>
      %add3A_892 = arith.addf %get3A_862, %get3A_891 : vector<16xf32>
      %swap3A_893 = arith.constant 6 : i32
      %swap3A_894 = arith.index_cast %swap3A_893 : i32 to index
      %swap3A_895 = arith.constant 96 : index
      %swap3A_896 = tpu.vector_load %arg8[%swap3A_894, %swap3A_895] {strides = array<i32>} : memref<32x128xf32, #tpu.memory_space<vmem>>, vector<1x16xf32>,
      %swap3A_897 = vector.shape_cast %swap3A_896 : vector<1x16xf32> to vector<16xf32>
      %swap3A_898 = vector.shape_cast %add3A_892 : vector<16xf32> to vector<1x16xf32>
      tpu.vector_store %arg8[%swap3A_894, %swap3A_895], %swap3A_898 {strides = array<i32>} : memref<32x128xf32, #tpu.memory_space<vmem>>, vector<1x16xf32>,
      %get3A_899 = arith.constant 3 : i32
      %get3A_900 = arith.index_cast %get3A_899 : i32 to index
      %get3A_901 = arith.constant 96 : index
      %get3A_902 = tpu.vector_load %arg7[%get3A_900, %get3A_901] {strides = array<i32>} : memref<4x128xf32, #tpu.memory_space<vmem>>, vector<1x16xf32>,
      %get3A_903 = vector.shape_cast %get3A_902 : vector<1x16xf32> to vector<16xf32>
      %add3A_904 = arith.addf %get3A_862, %get3A_903 : vector<16xf32>
      %swap3A_905 = arith.constant 7 : i32
      %swap3A_906 = arith.index_cast %swap3A_905 : i32 to index
      %swap3A_907 = arith.constant 96 : index
      %swap3A_908 = tpu.vector_load %arg8[%swap3A_906, %swap3A_907] {strides = array<i32>} : memref<32x128xf32, #tpu.memory_space<vmem>>, vector<1x16xf32>,
      %swap3A_909 = vector.shape_cast %swap3A_908 : vector<1x16xf32> to vector<16xf32>
      %swap3A_910 = vector.shape_cast %add3A_904 : vector<16xf32> to vector<1x16xf32>
      tpu.vector_store %arg8[%swap3A_906, %swap3A_907], %swap3A_910 {strides = array<i32>} : memref<32x128xf32, #tpu.memory_space<vmem>>, vector<1x16xf32>,
      %get3A_911 = arith.constant 1 : i32
      %get3A_912 = arith.index_cast %get3A_911 : i32 to index
      %get3A_913 = arith.constant 112 : index
      %get3A_914 = tpu.vector_load %arg6[%get3A_912, %get3A_913] {strides = array<i32>} : memref<8x128xf32, #tpu.memory_space<vmem>>, vector<1x16xf32>,
      %get3A_915 = vector.shape_cast %get3A_914 : vector<1x16xf32> to vector<16xf32>
      %get3A_916 = arith.constant 0 : i32
      %get3A_917 = arith.index_cast %get3A_916 : i32 to index
      %get3A_918 = arith.constant 112 : index
      %get3A_919 = tpu.vector_load %arg7[%get3A_917, %get3A_918] {strides = array<i32>} : memref<4x128xf32, #tpu.memory_space<vmem>>, vector<1x16xf32>,
      %get3A_920 = vector.shape_cast %get3A_919 : vector<1x16xf32> to vector<16xf32>
      %add3A_921 = arith.addf %get3A_915, %get3A_920 : vector<16xf32>
      %swap3A_922 = arith.constant 4 : i32
      %swap3A_923 = arith.index_cast %swap3A_922 : i32 to index
      %swap3A_924 = arith.constant 112 : index
      %swap3A_925 = tpu.vector_load %arg8[%swap3A_923, %swap3A_924] {strides = array<i32>} : memref<32x128xf32, #tpu.memory_space<vmem>>, vector<1x16xf32>,
      %swap3A_926 = vector.shape_cast %swap3A_925 : vector<1x16xf32> to vector<16xf32>
      %swap3A_927 = vector.shape_cast %add3A_921 : vector<16xf32> to vector<1x16xf32>
      tpu.vector_store %arg8[%swap3A_923, %swap3A_924], %swap3A_927 {strides = array<i32>} : memref<32x128xf32, #tpu.memory_space<vmem>>, vector<1x16xf32>,
      %get3A_928 = arith.constant 1 : i32
      %get3A_929 = arith.index_cast %get3A_928 : i32 to index
      %get3A_930 = arith.constant 112 : index
      %get3A_931 = tpu.vector_load %arg7[%get3A_929, %get3A_930] {strides = array<i32>} : memref<4x128xf32, #tpu.memory_space<vmem>>, vector<1x16xf32>,
      %get3A_932 = vector.shape_cast %get3A_931 : vector<1x16xf32> to vector<16xf32>
      %add3A_933 = arith.addf %get3A_915, %get3A_932 : vector<16xf32>
      %swap3A_934 = arith.constant 5 : i32
      %swap3A_935 = arith.index_cast %swap3A_934 : i32 to index
      %swap3A_936 = arith.constant 112 : index
      %swap3A_937 = tpu.vector_load %arg8[%swap3A_935, %swap3A_936] {strides = array<i32>} : memref<32x128xf32, #tpu.memory_space<vmem>>, vector<1x16xf32>,
      %swap3A_938 = vector.shape_cast %swap3A_937 : vector<1x16xf32> to vector<16xf32>
      %swap3A_939 = vector.shape_cast %add3A_933 : vector<16xf32> to vector<1x16xf32>
      tpu.vector_store %arg8[%swap3A_935, %swap3A_936], %swap3A_939 {strides = array<i32>} : memref<32x128xf32, #tpu.memory_space<vmem>>, vector<1x16xf32>,
      %get3A_940 = arith.constant 2 : i32
      %get3A_941 = arith.index_cast %get3A_940 : i32 to index
      %get3A_942 = arith.constant 112 : index
      %get3A_943 = tpu.vector_load %arg7[%get3A_941, %get3A_942] {strides = array<i32>} : memref<4x128xf32, #tpu.memory_space<vmem>>, vector<1x16xf32>,
      %get3A_944 = vector.shape_cast %get3A_943 : vector<1x16xf32> to vector<16xf32>
      %add3A_945 = arith.addf %get3A_915, %get3A_944 : vector<16xf32>
      %swap3A_946 = arith.constant 6 : i32
      %swap3A_947 = arith.index_cast %swap3A_946 : i32 to index
      %swap3A_948 = arith.constant 112 : index
      %swap3A_949 = tpu.vector_load %arg8[%swap3A_947, %swap3A_948] {strides = array<i32>} : memref<32x128xf32, #tpu.memory_space<vmem>>, vector<1x16xf32>,
      %swap3A_950 = vector.shape_cast %swap3A_949 : vector<1x16xf32> to vector<16xf32>
      %swap3A_951 = vector.shape_cast %add3A_945 : vector<16xf32> to vector<1x16xf32>
      tpu.vector_store %arg8[%swap3A_947, %swap3A_948], %swap3A_951 {strides = array<i32>} : memref<32x128xf32, #tpu.memory_space<vmem>>, vector<1x16xf32>,
      %get3A_952 = arith.constant 3 : i32
      %get3A_953 = arith.index_cast %get3A_952 : i32 to index
      %get3A_954 = arith.constant 112 : index
      %get3A_955 = tpu.vector_load %arg7[%get3A_953, %get3A_954] {strides = array<i32>} : memref<4x128xf32, #tpu.memory_space<vmem>>, vector<1x16xf32>,
      %get3A_956 = vector.shape_cast %get3A_955 : vector<1x16xf32> to vector<16xf32>
      %add3A_957 = arith.addf %get3A_915, %get3A_956 : vector<16xf32>
      %swap3A_958 = arith.constant 7 : i32
      %swap3A_959 = arith.index_cast %swap3A_958 : i32 to index
      %swap3A_960 = arith.constant 112 : index
      %swap3A_961 = tpu.vector_load %arg8[%swap3A_959, %swap3A_960] {strides = array<i32>} : memref<32x128xf32, #tpu.memory_space<vmem>>, vector<1x16xf32>,
      %swap3A_962 = vector.shape_cast %swap3A_961 : vector<1x16xf32> to vector<16xf32>
      %swap3A_963 = vector.shape_cast %add3A_957 : vector<16xf32> to vector<1x16xf32>
      tpu.vector_store %arg8[%swap3A_959, %swap3A_960], %swap3A_963 {strides = array<i32>} : memref<32x128xf32, #tpu.memory_space<vmem>>, vector<1x16xf32>,
      %get3A_964 = arith.constant 2 : i32
      %get3A_965 = arith.index_cast %get3A_964 : i32 to index
      %get3A_966 = arith.constant 0 : index
      %get3A_967 = tpu.vector_load %arg6[%get3A_965, %get3A_966] {strides = array<i32>} : memref<8x128xf32, #tpu.memory_space<vmem>>, vector<1x16xf32>,
      %get3A_968 = vector.shape_cast %get3A_967 : vector<1x16xf32> to vector<16xf32>
      %get3A_969 = arith.constant 0 : i32
      %get3A_970 = arith.index_cast %get3A_969 : i32 to index
      %get3A_971 = arith.constant 0 : index
      %get3A_972 = tpu.vector_load %arg7[%get3A_970, %get3A_971] {strides = array<i32>} : memref<4x128xf32, #tpu.memory_space<vmem>>, vector<1x16xf32>,
      %get3A_973 = vector.shape_cast %get3A_972 : vector<1x16xf32> to vector<16xf32>
      %add3A_974 = arith.addf %get3A_968, %get3A_973 : vector<16xf32>
      %swap3A_975 = arith.constant 8 : i32
      %swap3A_976 = arith.index_cast %swap3A_975 : i32 to index
      %swap3A_977 = arith.constant 0 : index
      %swap3A_978 = tpu.vector_load %arg8[%swap3A_976, %swap3A_977] {strides = array<i32>} : memref<32x128xf32, #tpu.memory_space<vmem>>, vector<1x16xf32>,
      %swap3A_979 = vector.shape_cast %swap3A_978 : vector<1x16xf32> to vector<16xf32>
      %swap3A_980 = vector.shape_cast %add3A_974 : vector<16xf32> to vector<1x16xf32>
      tpu.vector_store %arg8[%swap3A_976, %swap3A_977], %swap3A_980 {strides = array<i32>} : memref<32x128xf32, #tpu.memory_space<vmem>>, vector<1x16xf32>,
      %get3A_981 = arith.constant 1 : i32
      %get3A_982 = arith.index_cast %get3A_981 : i32 to index
      %get3A_983 = arith.constant 0 : index
      %get3A_984 = tpu.vector_load %arg7[%get3A_982, %get3A_983] {strides = array<i32>} : memref<4x128xf32, #tpu.memory_space<vmem>>, vector<1x16xf32>,
      %get3A_985 = vector.shape_cast %get3A_984 : vector<1x16xf32> to vector<16xf32>
      %add3A_986 = arith.addf %get3A_968, %get3A_985 : vector<16xf32>
      %swap3A_987 = arith.constant 9 : i32
      %swap3A_988 = arith.index_cast %swap3A_987 : i32 to index
      %swap3A_989 = arith.constant 0 : index
      %swap3A_990 = tpu.vector_load %arg8[%swap3A_988, %swap3A_989] {strides = array<i32>} : memref<32x128xf32, #tpu.memory_space<vmem>>, vector<1x16xf32>,
      %swap3A_991 = vector.shape_cast %swap3A_990 : vector<1x16xf32> to vector<16xf32>
      %swap3A_992 = vector.shape_cast %add3A_986 : vector<16xf32> to vector<1x16xf32>
      tpu.vector_store %arg8[%swap3A_988, %swap3A_989], %swap3A_992 {strides = array<i32>} : memref<32x128xf32, #tpu.memory_space<vmem>>, vector<1x16xf32>,
      %get3A_993 = arith.constant 2 : i32
      %get3A_994 = arith.index_cast %get3A_993 : i32 to index
      %get3A_995 = arith.constant 0 : index
      %get3A_996 = tpu.vector_load %arg7[%get3A_994, %get3A_995] {strides = array<i32>} : memref<4x128xf32, #tpu.memory_space<vmem>>, vector<1x16xf32>,
      %get3A_997 = vector.shape_cast %get3A_996 : vector<1x16xf32> to vector<16xf32>
      %add3A_998 = arith.addf %get3A_968, %get3A_997 : vector<16xf32>
      %swap3A_999 = arith.constant 10 : i32
      %swap3A_1000 = arith.index_cast %swap3A_999 : i32 to index
      %swap3A_1001 = arith.constant 0 : index
      %swap3A_1002 = tpu.vector_load %arg8[%swap3A_1000, %swap3A_1001] {strides = array<i32>} : memref<32x128xf32, #tpu.memory_space<vmem>>, vector<1x16xf32>,
      %swap3A_1003 = vector.shape_cast %swap3A_1002 : vector<1x16xf32> to vector<16xf32>
      %swap3A_1004 = vector.shape_cast %add3A_998 : vector<16xf32> to vector<1x16xf32>
      tpu.vector_store %arg8[%swap3A_1000, %swap3A_1001], %swap3A_1004 {strides = array<i32>} : memref<32x128xf32, #tpu.memory_space<vmem>>, vector<1x16xf32>,
      %get3A_1005 = arith.constant 3 : i32
      %get3A_1006 = arith.index_cast %get3A_1005 : i32 to index
      %get3A_1007 = arith.constant 0 : index
      %get3A_1008 = tpu.vector_load %arg7[%get3A_1006, %get3A_1007] {strides = array<i32>} : memref<4x128xf32, #tpu.memory_space<vmem>>, vector<1x16xf32>,
      %get3A_1009 = vector.shape_cast %get3A_1008 : vector<1x16xf32> to vector<16xf32>
      %add3A_1010 = arith.addf %get3A_968, %get3A_1009 : vector<16xf32>
      %swap3A_1011 = arith.constant 11 : i32
      %swap3A_1012 = arith.index_cast %swap3A_1011 : i32 to index
      %swap3A_1013 = arith.constant 0 : index
      %swap3A_1014 = tpu.vector_load %arg8[%swap3A_1012, %swap3A_1013] {strides = array<i32>} : memref<32x128xf32, #tpu.memory_space<vmem>>, vector<1x16xf32>,
      %swap3A_1015 = vector.shape_cast %swap3A_1014 : vector<1x16xf32> to vector<16xf32>
      %swap3A_1016 = vector.shape_cast %add3A_1010 : vector<16xf32> to vector<1x16xf32>
      tpu.vector_store %arg8[%swap3A_1012, %swap3A_1013], %swap3A_1016 {strides = array<i32>} : memref<32x128xf32, #tpu.memory_space<vmem>>, vector<1x16xf32>,
      %get3A_1017 = arith.constant 2 : i32
      %get3A_1018 = arith.index_cast %get3A_1017 : i32 to index
      %get3A_1019 = arith.constant 16 : index
      %get3A_1020 = tpu.vector_load %arg6[%get3A_1018, %get3A_1019] {strides = array<i32>} : memref<8x128xf32, #tpu.memory_space<vmem>>, vector<1x16xf32>,
      %get3A_1021 = vector.shape_cast %get3A_1020 : vector<1x16xf32> to vector<16xf32>
      %get3A_1022 = arith.constant 0 : i32
      %get3A_1023 = arith.index_cast %get3A_1022 : i32 to index
      %get3A_1024 = arith.constant 16 : index
      %get3A_1025 = tpu.vector_load %arg7[%get3A_1023, %get3A_1024] {strides = array<i32>} : memref<4x128xf32, #tpu.memory_space<vmem>>, vector<1x16xf32>,
      %get3A_1026 = vector.shape_cast %get3A_1025 : vector<1x16xf32> to vector<16xf32>
      %add3A_1027 = arith.addf %get3A_1021, %get3A_1026 : vector<16xf32>
      %swap3A_1028 = arith.constant 8 : i32
      %swap3A_1029 = arith.index_cast %swap3A_1028 : i32 to index
      %swap3A_1030 = arith.constant 16 : index
      %swap3A_1031 = tpu.vector_load %arg8[%swap3A_1029, %swap3A_1030] {strides = array<i32>} : memref<32x128xf32, #tpu.memory_space<vmem>>, vector<1x16xf32>,
      %swap3A_1032 = vector.shape_cast %swap3A_1031 : vector<1x16xf32> to vector<16xf32>
      %swap3A_1033 = vector.shape_cast %add3A_1027 : vector<16xf32> to vector<1x16xf32>
      tpu.vector_store %arg8[%swap3A_1029, %swap3A_1030], %swap3A_1033 {strides = array<i32>} : memref<32x128xf32, #tpu.memory_space<vmem>>, vector<1x16xf32>,
      %get3A_1034 = arith.constant 1 : i32
      %get3A_1035 = arith.index_cast %get3A_1034 : i32 to index
      %get3A_1036 = arith.constant 16 : index
      %get3A_1037 = tpu.vector_load %arg7[%get3A_1035, %get3A_1036] {strides = array<i32>} : memref<4x128xf32, #tpu.memory_space<vmem>>, vector<1x16xf32>,
      %get3A_1038 = vector.shape_cast %get3A_1037 : vector<1x16xf32> to vector<16xf32>
      %add3A_1039 = arith.addf %get3A_1021, %get3A_1038 : vector<16xf32>
      %swap3A_1040 = arith.constant 9 : i32
      %swap3A_1041 = arith.index_cast %swap3A_1040 : i32 to index
      %swap3A_1042 = arith.constant 16 : index
      %swap3A_1043 = tpu.vector_load %arg8[%swap3A_1041, %swap3A_1042] {strides = array<i32>} : memref<32x128xf32, #tpu.memory_space<vmem>>, vector<1x16xf32>,
      %swap3A_1044 = vector.shape_cast %swap3A_1043 : vector<1x16xf32> to vector<16xf32>
      %swap3A_1045 = vector.shape_cast %add3A_1039 : vector<16xf32> to vector<1x16xf32>
      tpu.vector_store %arg8[%swap3A_1041, %swap3A_1042], %swap3A_1045 {strides = array<i32>} : memref<32x128xf32, #tpu.memory_space<vmem>>, vector<1x16xf32>,
      %get3A_1046 = arith.constant 2 : i32
      %get3A_1047 = arith.index_cast %get3A_1046 : i32 to index
      %get3A_1048 = arith.constant 16 : index
      %get3A_1049 = tpu.vector_load %arg7[%get3A_1047, %get3A_1048] {strides = array<i32>} : memref<4x128xf32, #tpu.memory_space<vmem>>, vector<1x16xf32>,
      %get3A_1050 = vector.shape_cast %get3A_1049 : vector<1x16xf32> to vector<16xf32>
      %add3A_1051 = arith.addf %get3A_1021, %get3A_1050 : vector<16xf32>
      %swap3A_1052 = arith.constant 10 : i32
      %swap3A_1053 = arith.index_cast %swap3A_1052 : i32 to index
      %swap3A_1054 = arith.constant 16 : index
      %swap3A_1055 = tpu.vector_load %arg8[%swap3A_1053, %swap3A_1054] {strides = array<i32>} : memref<32x128xf32, #tpu.memory_space<vmem>>, vector<1x16xf32>,
      %swap3A_1056 = vector.shape_cast %swap3A_1055 : vector<1x16xf32> to vector<16xf32>
      %swap3A_1057 = vector.shape_cast %add3A_1051 : vector<16xf32> to vector<1x16xf32>
      tpu.vector_store %arg8[%swap3A_1053, %swap3A_1054], %swap3A_1057 {strides = array<i32>} : memref<32x128xf32, #tpu.memory_space<vmem>>, vector<1x16xf32>,
      %get3A_1058 = arith.constant 3 : i32
      %get3A_1059 = arith.index_cast %get3A_1058 : i32 to index
      %get3A_1060 = arith.constant 16 : index
      %get3A_1061 = tpu.vector_load %arg7[%get3A_1059, %get3A_1060] {strides = array<i32>} : memref<4x128xf32, #tpu.memory_space<vmem>>, vector<1x16xf32>,
      %get3A_1062 = vector.shape_cast %get3A_1061 : vector<1x16xf32> to vector<16xf32>
      %add3A_1063 = arith.addf %get3A_1021, %get3A_1062 : vector<16xf32>
      %swap3A_1064 = arith.constant 11 : i32
      %swap3A_1065 = arith.index_cast %swap3A_1064 : i32 to index
      %swap3A_1066 = arith.constant 16 : index
      %swap3A_1067 = tpu.vector_load %arg8[%swap3A_1065, %swap3A_1066] {strides = array<i32>} : memref<32x128xf32, #tpu.memory_space<vmem>>, vector<1x16xf32>,
      %swap3A_1068 = vector.shape_cast %swap3A_1067 : vector<1x16xf32> to vector<16xf32>
      %swap3A_1069 = vector.shape_cast %add3A_1063 : vector<16xf32> to vector<1x16xf32>
      tpu.vector_store %arg8[%swap3A_1065, %swap3A_1066], %swap3A_1069 {strides = array<i32>} : memref<32x128xf32, #tpu.memory_space<vmem>>, vector<1x16xf32>,
      %get3A_1070 = arith.constant 2 : i32
      %get3A_1071 = arith.index_cast %get3A_1070 : i32 to index
      %get3A_1072 = arith.constant 32 : index
      %get3A_1073 = tpu.vector_load %arg6[%get3A_1071, %get3A_1072] {strides = array<i32>} : memref<8x128xf32, #tpu.memory_space<vmem>>, vector<1x16xf32>,
      %get3A_1074 = vector.shape_cast %get3A_1073 : vector<1x16xf32> to vector<16xf32>
      %get3A_1075 = arith.constant 0 : i32
      %get3A_1076 = arith.index_cast %get3A_1075 : i32 to index
      %get3A_1077 = arith.constant 32 : index
      %get3A_1078 = tpu.vector_load %arg7[%get3A_1076, %get3A_1077] {strides = array<i32>} : memref<4x128xf32, #tpu.memory_space<vmem>>, vector<1x16xf32>,
      %get3A_1079 = vector.shape_cast %get3A_1078 : vector<1x16xf32> to vector<16xf32>
      %add3A_1080 = arith.addf %get3A_1074, %get3A_1079 : vector<16xf32>
      %swap3A_1081 = arith.constant 8 : i32
      %swap3A_1082 = arith.index_cast %swap3A_1081 : i32 to index
      %swap3A_1083 = arith.constant 32 : index
      %swap3A_1084 = tpu.vector_load %arg8[%swap3A_1082, %swap3A_1083] {strides = array<i32>} : memref<32x128xf32, #tpu.memory_space<vmem>>, vector<1x16xf32>,
      %swap3A_1085 = vector.shape_cast %swap3A_1084 : vector<1x16xf32> to vector<16xf32>
      %swap3A_1086 = vector.shape_cast %add3A_1080 : vector<16xf32> to vector<1x16xf32>
      tpu.vector_store %arg8[%swap3A_1082, %swap3A_1083], %swap3A_1086 {strides = array<i32>} : memref<32x128xf32, #tpu.memory_space<vmem>>, vector<1x16xf32>,
      %get3A_1087 = arith.constant 1 : i32
      %get3A_1088 = arith.index_cast %get3A_1087 : i32 to index
      %get3A_1089 = arith.constant 32 : index
      %get3A_1090 = tpu.vector_load %arg7[%get3A_1088, %get3A_1089] {strides = array<i32>} : memref<4x128xf32, #tpu.memory_space<vmem>>, vector<1x16xf32>,
      %get3A_1091 = vector.shape_cast %get3A_1090 : vector<1x16xf32> to vector<16xf32>
      %add3A_1092 = arith.addf %get3A_1074, %get3A_1091 : vector<16xf32>
      %swap3A_1093 = arith.constant 9 : i32
      %swap3A_1094 = arith.index_cast %swap3A_1093 : i32 to index
      %swap3A_1095 = arith.constant 32 : index
      %swap3A_1096 = tpu.vector_load %arg8[%swap3A_1094, %swap3A_1095] {strides = array<i32>} : memref<32x128xf32, #tpu.memory_space<vmem>>, vector<1x16xf32>,
      %swap3A_1097 = vector.shape_cast %swap3A_1096 : vector<1x16xf32> to vector<16xf32>
      %swap3A_1098 = vector.shape_cast %add3A_1092 : vector<16xf32> to vector<1x16xf32>
      tpu.vector_store %arg8[%swap3A_1094, %swap3A_1095], %swap3A_1098 {strides = array<i32>} : memref<32x128xf32, #tpu.memory_space<vmem>>, vector<1x16xf32>,
      %get3A_1099 = arith.constant 2 : i32
      %get3A_1100 = arith.index_cast %get3A_1099 : i32 to index
      %get3A_1101 = arith.constant 32 : index
      %get3A_1102 = tpu.vector_load %arg7[%get3A_1100, %get3A_1101] {strides = array<i32>} : memref<4x128xf32, #tpu.memory_space<vmem>>, vector<1x16xf32>,
      %get3A_1103 = vector.shape_cast %get3A_1102 : vector<1x16xf32> to vector<16xf32>
      %add3A_1104 = arith.addf %get3A_1074, %get3A_1103 : vector<16xf32>
      %swap3A_1105 = arith.constant 10 : i32
      %swap3A_1106 = arith.index_cast %swap3A_1105 : i32 to index
      %swap3A_1107 = arith.constant 32 : index
      %swap3A_1108 = tpu.vector_load %arg8[%swap3A_1106, %swap3A_1107] {strides = array<i32>} : memref<32x128xf32, #tpu.memory_space<vmem>>, vector<1x16xf32>,
      %swap3A_1109 = vector.shape_cast %swap3A_1108 : vector<1x16xf32> to vector<16xf32>
      %swap3A_1110 = vector.shape_cast %add3A_1104 : vector<16xf32> to vector<1x16xf32>
      tpu.vector_store %arg8[%swap3A_1106, %swap3A_1107], %swap3A_1110 {strides = array<i32>} : memref<32x128xf32, #tpu.memory_space<vmem>>, vector<1x16xf32>,
      %get3A_1111 = arith.constant 3 : i32
      %get3A_1112 = arith.index_cast %get3A_1111 : i32 to index
      %get3A_1113 = arith.constant 32 : index
      %get3A_1114 = tpu.vector_load %arg7[%get3A_1112, %get3A_1113] {strides = array<i32>} : memref<4x128xf32, #tpu.memory_space<vmem>>, vector<1x16xf32>,
      %get3A_1115 = vector.shape_cast %get3A_1114 : vector<1x16xf32> to vector<16xf32>
      %add3A_1116 = arith.addf %get3A_1074, %get3A_1115 : vector<16xf32>
      %swap3A_1117 = arith.constant 11 : i32
      %swap3A_1118 = arith.index_cast %swap3A_1117 : i32 to index
      %swap3A_1119 = arith.constant 32 : index
      %swap3A_1120 = tpu.vector_load %arg8[%swap3A_1118, %swap3A_1119] {strides = array<i32>} : memref<32x128xf32, #tpu.memory_space<vmem>>, vector<1x16xf32>,
      %swap3A_1121 = vector.shape_cast %swap3A_1120 : vector<1x16xf32> to vector<16xf32>
      %swap3A_1122 = vector.shape_cast %add3A_1116 : vector<16xf32> to vector<1x16xf32>
      tpu.vector_store %arg8[%swap3A_1118, %swap3A_1119], %swap3A_1122 {strides = array<i32>} : memref<32x128xf32, #tpu.memory_space<vmem>>, vector<1x16xf32>,
      %get3A_1123 = arith.constant 2 : i32
      %get3A_1124 = arith.index_cast %get3A_1123 : i32 to index
      %get3A_1125 = arith.constant 48 : index
      %get3A_1126 = tpu.vector_load %arg6[%get3A_1124, %get3A_1125] {strides = array<i32>} : memref<8x128xf32, #tpu.memory_space<vmem>>, vector<1x16xf32>,
      %get3A_1127 = vector.shape_cast %get3A_1126 : vector<1x16xf32> to vector<16xf32>
      %get3A_1128 = arith.constant 0 : i32
      %get3A_1129 = arith.index_cast %get3A_1128 : i32 to index
      %get3A_1130 = arith.constant 48 : index
      %get3A_1131 = tpu.vector_load %arg7[%get3A_1129, %get3A_1130] {strides = array<i32>} : memref<4x128xf32, #tpu.memory_space<vmem>>, vector<1x16xf32>,
      %get3A_1132 = vector.shape_cast %get3A_1131 : vector<1x16xf32> to vector<16xf32>
      %add3A_1133 = arith.addf %get3A_1127, %get3A_1132 : vector<16xf32>
      %swap3A_1134 = arith.constant 8 : i32
      %swap3A_1135 = arith.index_cast %swap3A_1134 : i32 to index
      %swap3A_1136 = arith.constant 48 : index
      %swap3A_1137 = tpu.vector_load %arg8[%swap3A_1135, %swap3A_1136] {strides = array<i32>} : memref<32x128xf32, #tpu.memory_space<vmem>>, vector<1x16xf32>,
      %swap3A_1138 = vector.shape_cast %swap3A_1137 : vector<1x16xf32> to vector<16xf32>
      %swap3A_1139 = vector.shape_cast %add3A_1133 : vector<16xf32> to vector<1x16xf32>
      tpu.vector_store %arg8[%swap3A_1135, %swap3A_1136], %swap3A_1139 {strides = array<i32>} : memref<32x128xf32, #tpu.memory_space<vmem>>, vector<1x16xf32>,
      %get3A_1140 = arith.constant 1 : i32
      %get3A_1141 = arith.index_cast %get3A_1140 : i32 to index
      %get3A_1142 = arith.constant 48 : index
      %get3A_1143 = tpu.vector_load %arg7[%get3A_1141, %get3A_1142] {strides = array<i32>} : memref<4x128xf32, #tpu.memory_space<vmem>>, vector<1x16xf32>,
      %get3A_1144 = vector.shape_cast %get3A_1143 : vector<1x16xf32> to vector<16xf32>
      %add3A_1145 = arith.addf %get3A_1127, %get3A_1144 : vector<16xf32>
      %swap3A_1146 = arith.constant 9 : i32
      %swap3A_1147 = arith.index_cast %swap3A_1146 : i32 to index
      %swap3A_1148 = arith.constant 48 : index
      %swap3A_1149 = tpu.vector_load %arg8[%swap3A_1147, %swap3A_1148] {strides = array<i32>} : memref<32x128xf32, #tpu.memory_space<vmem>>, vector<1x16xf32>,
      %swap3A_1150 = vector.shape_cast %swap3A_1149 : vector<1x16xf32> to vector<16xf32>
      %swap3A_1151 = vector.shape_cast %add3A_1145 : vector<16xf32> to vector<1x16xf32>
      tpu.vector_store %arg8[%swap3A_1147, %swap3A_1148], %swap3A_1151 {strides = array<i32>} : memref<32x128xf32, #tpu.memory_space<vmem>>, vector<1x16xf32>,
      %get3A_1152 = arith.constant 2 : i32
      %get3A_1153 = arith.index_cast %get3A_1152 : i32 to index
      %get3A_1154 = arith.constant 48 : index
      %get3A_1155 = tpu.vector_load %arg7[%get3A_1153, %get3A_1154] {strides = array<i32>} : memref<4x128xf32, #tpu.memory_space<vmem>>, vector<1x16xf32>,
      %get3A_1156 = vector.shape_cast %get3A_1155 : vector<1x16xf32> to vector<16xf32>
      %add3A_1157 = arith.addf %get3A_1127, %get3A_1156 : vector<16xf32>
      %swap3A_1158 = arith.constant 10 : i32
      %swap3A_1159 = arith.index_cast %swap3A_1158 : i32 to index
      %swap3A_1160 = arith.constant 48 : index
      %swap3A_1161 = tpu.vector_load %arg8[%swap3A_1159, %swap3A_1160] {strides = array<i32>} : memref<32x128xf32, #tpu.memory_space<vmem>>, vector<1x16xf32>,
      %swap3A_1162 = vector.shape_cast %swap3A_1161 : vector<1x16xf32> to vector<16xf32>
      %swap3A_1163 = vector.shape_cast %add3A_1157 : vector<16xf32> to vector<1x16xf32>
      tpu.vector_store %arg8[%swap3A_1159, %swap3A_1160], %swap3A_1163 {strides = array<i32>} : memref<32x128xf32, #tpu.memory_space<vmem>>, vector<1x16xf32>,
      %get3A_1164 = arith.constant 3 : i32
      %get3A_1165 = arith.index_cast %get3A_1164 : i32 to index
      %get3A_1166 = arith.constant 48 : index
      %get3A_1167 = tpu.vector_load %arg7[%get3A_1165, %get3A_1166] {strides = array<i32>} : memref<4x128xf32, #tpu.memory_space<vmem>>, vector<1x16xf32>,
      %get3A_1168 = vector.shape_cast %get3A_1167 : vector<1x16xf32> to vector<16xf32>
      %add3A_1169 = arith.addf %get3A_1127, %get3A_1168 : vector<16xf32>
      %swap3A_1170 = arith.constant 11 : i32
      %swap3A_1171 = arith.index_cast %swap3A_1170 : i32 to index
      %swap3A_1172 = arith.constant 48 : index
      %swap3A_1173 = tpu.vector_load %arg8[%swap3A_1171, %swap3A_1172] {strides = array<i32>} : memref<32x128xf32, #tpu.memory_space<vmem>>, vector<1x16xf32>,
      %swap3A_1174 = vector.shape_cast %swap3A_1173 : vector<1x16xf32> to vector<16xf32>
      %swap3A_1175 = vector.shape_cast %add3A_1169 : vector<16xf32> to vector<1x16xf32>
      tpu.vector_store %arg8[%swap3A_1171, %swap3A_1172], %swap3A_1175 {strides = array<i32>} : memref<32x128xf32, #tpu.memory_space<vmem>>, vector<1x16xf32>,
      %get3A_1176 = arith.constant 2 : i32
      %get3A_1177 = arith.index_cast %get3A_1176 : i32 to index
      %get3A_1178 = arith.constant 64 : index
      %get3A_1179 = tpu.vector_load %arg6[%get3A_1177, %get3A_1178] {strides = array<i32>} : memref<8x128xf32, #tpu.memory_space<vmem>>, vector<1x16xf32>,
      %get3A_1180 = vector.shape_cast %get3A_1179 : vector<1x16xf32> to vector<16xf32>
      %get3A_1181 = arith.constant 0 : i32
      %get3A_1182 = arith.index_cast %get3A_1181 : i32 to index
      %get3A_1183 = arith.constant 64 : index
      %get3A_1184 = tpu.vector_load %arg7[%get3A_1182, %get3A_1183] {strides = array<i32>} : memref<4x128xf32, #tpu.memory_space<vmem>>, vector<1x16xf32>,
      %get3A_1185 = vector.shape_cast %get3A_1184 : vector<1x16xf32> to vector<16xf32>
      %add3A_1186 = arith.addf %get3A_1180, %get3A_1185 : vector<16xf32>
      %swap3A_1187 = arith.constant 8 : i32
      %swap3A_1188 = arith.index_cast %swap3A_1187 : i32 to index
      %swap3A_1189 = arith.constant 64 : index
      %swap3A_1190 = tpu.vector_load %arg8[%swap3A_1188, %swap3A_1189] {strides = array<i32>} : memref<32x128xf32, #tpu.memory_space<vmem>>, vector<1x16xf32>,
      %swap3A_1191 = vector.shape_cast %swap3A_1190 : vector<1x16xf32> to vector<16xf32>
      %swap3A_1192 = vector.shape_cast %add3A_1186 : vector<16xf32> to vector<1x16xf32>
      tpu.vector_store %arg8[%swap3A_1188, %swap3A_1189], %swap3A_1192 {strides = array<i32>} : memref<32x128xf32, #tpu.memory_space<vmem>>, vector<1x16xf32>,
      %get3A_1193 = arith.constant 1 : i32
      %get3A_1194 = arith.index_cast %get3A_1193 : i32 to index
      %get3A_1195 = arith.constant 64 : index
      %get3A_1196 = tpu.vector_load %arg7[%get3A_1194, %get3A_1195] {strides = array<i32>} : memref<4x128xf32, #tpu.memory_space<vmem>>, vector<1x16xf32>,
      %get3A_1197 = vector.shape_cast %get3A_1196 : vector<1x16xf32> to vector<16xf32>
      %add3A_1198 = arith.addf %get3A_1180, %get3A_1197 : vector<16xf32>
      %swap3A_1199 = arith.constant 9 : i32
      %swap3A_1200 = arith.index_cast %swap3A_1199 : i32 to index
      %swap3A_1201 = arith.constant 64 : index
      %swap3A_1202 = tpu.vector_load %arg8[%swap3A_1200, %swap3A_1201] {strides = array<i32>} : memref<32x128xf32, #tpu.memory_space<vmem>>, vector<1x16xf32>,
      %swap3A_1203 = vector.shape_cast %swap3A_1202 : vector<1x16xf32> to vector<16xf32>
      %swap3A_1204 = vector.shape_cast %add3A_1198 : vector<16xf32> to vector<1x16xf32>
      tpu.vector_store %arg8[%swap3A_1200, %swap3A_1201], %swap3A_1204 {strides = array<i32>} : memref<32x128xf32, #tpu.memory_space<vmem>>, vector<1x16xf32>,
      %get3A_1205 = arith.constant 2 : i32
      %get3A_1206 = arith.index_cast %get3A_1205 : i32 to index
      %get3A_1207 = arith.constant 64 : index
      %get3A_1208 = tpu.vector_load %arg7[%get3A_1206, %get3A_1207] {strides = array<i32>} : memref<4x128xf32, #tpu.memory_space<vmem>>, vector<1x16xf32>,
      %get3A_1209 = vector.shape_cast %get3A_1208 : vector<1x16xf32> to vector<16xf32>
      %add3A_1210 = arith.addf %get3A_1180, %get3A_1209 : vector<16xf32>
      %swap3A_1211 = arith.constant 10 : i32
      %swap3A_1212 = arith.index_cast %swap3A_1211 : i32 to index
      %swap3A_1213 = arith.constant 64 : index
      %swap3A_1214 = tpu.vector_load %arg8[%swap3A_1212, %swap3A_1213] {strides = array<i32>} : memref<32x128xf32, #tpu.memory_space<vmem>>, vector<1x16xf32>,
      %swap3A_1215 = vector.shape_cast %swap3A_1214 : vector<1x16xf32> to vector<16xf32>
      %swap3A_1216 = vector.shape_cast %add3A_1210 : vector<16xf32> to vector<1x16xf32>
      tpu.vector_store %arg8[%swap3A_1212, %swap3A_1213], %swap3A_1216 {strides = array<i32>} : memref<32x128xf32, #tpu.memory_space<vmem>>, vector<1x16xf32>,
      %get3A_1217 = arith.constant 3 : i32
      %get3A_1218 = arith.index_cast %get3A_1217 : i32 to index
      %get3A_1219 = arith.constant 64 : index
      %get3A_1220 = tpu.vector_load %arg7[%get3A_1218, %get3A_1219] {strides = array<i32>} : memref<4x128xf32, #tpu.memory_space<vmem>>, vector<1x16xf32>,
      %get3A_1221 = vector.shape_cast %get3A_1220 : vector<1x16xf32> to vector<16xf32>
      %add3A_1222 = arith.addf %get3A_1180, %get3A_1221 : vector<16xf32>
      %swap3A_1223 = arith.constant 11 : i32
      %swap3A_1224 = arith.index_cast %swap3A_1223 : i32 to index
      %swap3A_1225 = arith.constant 64 : index
      %swap3A_1226 = tpu.vector_load %arg8[%swap3A_1224, %swap3A_1225] {strides = array<i32>} : memref<32x128xf32, #tpu.memory_space<vmem>>, vector<1x16xf32>,
      %swap3A_1227 = vector.shape_cast %swap3A_1226 : vector<1x16xf32> to vector<16xf32>
      %swap3A_1228 = vector.shape_cast %add3A_1222 : vector<16xf32> to vector<1x16xf32>
      tpu.vector_store %arg8[%swap3A_1224, %swap3A_1225], %swap3A_1228 {strides = array<i32>} : memref<32x128xf32, #tpu.memory_space<vmem>>, vector<1x16xf32>,
      %get3A_1229 = arith.constant 2 : i32
      %get3A_1230 = arith.index_cast %get3A_1229 : i32 to index
      %get3A_1231 = arith.constant 80 : index
      %get3A_1232 = tpu.vector_load %arg6[%get3A_1230, %get3A_1231] {strides = array<i32>} : memref<8x128xf32, #tpu.memory_space<vmem>>, vector<1x16xf32>,
      %get3A_1233 = vector.shape_cast %get3A_1232 : vector<1x16xf32> to vector<16xf32>
      %get3A_1234 = arith.constant 0 : i32
      %get3A_1235 = arith.index_cast %get3A_1234 : i32 to index
      %get3A_1236 = arith.constant 80 : index
      %get3A_1237 = tpu.vector_load %arg7[%get3A_1235, %get3A_1236] {strides = array<i32>} : memref<4x128xf32, #tpu.memory_space<vmem>>, vector<1x16xf32>,
      %get3A_1238 = vector.shape_cast %get3A_1237 : vector<1x16xf32> to vector<16xf32>
      %add3A_1239 = arith.addf %get3A_1233, %get3A_1238 : vector<16xf32>
      %swap3A_1240 = arith.constant 8 : i32
      %swap3A_1241 = arith.index_cast %swap3A_1240 : i32 to index
      %swap3A_1242 = arith.constant 80 : index
      %swap3A_1243 = tpu.vector_load %arg8[%swap3A_1241, %swap3A_1242] {strides = array<i32>} : memref<32x128xf32, #tpu.memory_space<vmem>>, vector<1x16xf32>,
      %swap3A_1244 = vector.shape_cast %swap3A_1243 : vector<1x16xf32> to vector<16xf32>
      %swap3A_1245 = vector.shape_cast %add3A_1239 : vector<16xf32> to vector<1x16xf32>
      tpu.vector_store %arg8[%swap3A_1241, %swap3A_1242], %swap3A_1245 {strides = array<i32>} : memref<32x128xf32, #tpu.memory_space<vmem>>, vector<1x16xf32>,
      %get3A_1246 = arith.constant 1 : i32
      %get3A_1247 = arith.index_cast %get3A_1246 : i32 to index
      %get3A_1248 = arith.constant 80 : index
      %get3A_1249 = tpu.vector_load %arg7[%get3A_1247, %get3A_1248] {strides = array<i32>} : memref<4x128xf32, #tpu.memory_space<vmem>>, vector<1x16xf32>,
      %get3A_1250 = vector.shape_cast %get3A_1249 : vector<1x16xf32> to vector<16xf32>
      %add3A_1251 = arith.addf %get3A_1233, %get3A_1250 : vector<16xf32>
      %swap3A_1252 = arith.constant 9 : i32
      %swap3A_1253 = arith.index_cast %swap3A_1252 : i32 to index
      %swap3A_1254 = arith.constant 80 : index
      %swap3A_1255 = tpu.vector_load %arg8[%swap3A_1253, %swap3A_1254] {strides = array<i32>} : memref<32x128xf32, #tpu.memory_space<vmem>>, vector<1x16xf32>,
      %swap3A_1256 = vector.shape_cast %swap3A_1255 : vector<1x16xf32> to vector<16xf32>
      %swap3A_1257 = vector.shape_cast %add3A_1251 : vector<16xf32> to vector<1x16xf32>
      tpu.vector_store %arg8[%swap3A_1253, %swap3A_1254], %swap3A_1257 {strides = array<i32>} : memref<32x128xf32, #tpu.memory_space<vmem>>, vector<1x16xf32>,
      %get3A_1258 = arith.constant 2 : i32
      %get3A_1259 = arith.index_cast %get3A_1258 : i32 to index
      %get3A_1260 = arith.constant 80 : index
      %get3A_1261 = tpu.vector_load %arg7[%get3A_1259, %get3A_1260] {strides = array<i32>} : memref<4x128xf32, #tpu.memory_space<vmem>>, vector<1x16xf32>,
      %get3A_1262 = vector.shape_cast %get3A_1261 : vector<1x16xf32> to vector<16xf32>
      %add3A_1263 = arith.addf %get3A_1233, %get3A_1262 : vector<16xf32>
      %swap3A_1264 = arith.constant 10 : i32
      %swap3A_1265 = arith.index_cast %swap3A_1264 : i32 to index
      %swap3A_1266 = arith.constant 80 : index
      %swap3A_1267 = tpu.vector_load %arg8[%swap3A_1265, %swap3A_1266] {strides = array<i32>} : memref<32x128xf32, #tpu.memory_space<vmem>>, vector<1x16xf32>,
      %swap3A_1268 = vector.shape_cast %swap3A_1267 : vector<1x16xf32> to vector<16xf32>
      %swap3A_1269 = vector.shape_cast %add3A_1263 : vector<16xf32> to vector<1x16xf32>
      tpu.vector_store %arg8[%swap3A_1265, %swap3A_1266], %swap3A_1269 {strides = array<i32>} : memref<32x128xf32, #tpu.memory_space<vmem>>, vector<1x16xf32>,
      %get3A_1270 = arith.constant 3 : i32
      %get3A_1271 = arith.index_cast %get3A_1270 : i32 to index
      %get3A_1272 = arith.constant 80 : index
      %get3A_1273 = tpu.vector_load %arg7[%get3A_1271, %get3A_1272] {strides = array<i32>} : memref<4x128xf32, #tpu.memory_space<vmem>>, vector<1x16xf32>,
      %get3A_1274 = vector.shape_cast %get3A_1273 : vector<1x16xf32> to vector<16xf32>
      %add3A_1275 = arith.addf %get3A_1233, %get3A_1274 : vector<16xf32>
      %swap3A_1276 = arith.constant 11 : i32
      %swap3A_1277 = arith.index_cast %swap3A_1276 : i32 to index
      %swap3A_1278 = arith.constant 80 : index
      %swap3A_1279 = tpu.vector_load %arg8[%swap3A_1277, %swap3A_1278] {strides = array<i32>} : memref<32x128xf32, #tpu.memory_space<vmem>>, vector<1x16xf32>,
      %swap3A_1280 = vector.shape_cast %swap3A_1279 : vector<1x16xf32> to vector<16xf32>
      %swap3A_1281 = vector.shape_cast %add3A_1275 : vector<16xf32> to vector<1x16xf32>
      tpu.vector_store %arg8[%swap3A_1277, %swap3A_1278], %swap3A_1281 {strides = array<i32>} : memref<32x128xf32, #tpu.memory_space<vmem>>, vector<1x16xf32>,
      %get3A_1282 = arith.constant 2 : i32
      %get3A_1283 = arith.index_cast %get3A_1282 : i32 to index
      %get3A_1284 = arith.constant 96 : index
      %get3A_1285 = tpu.vector_load %arg6[%get3A_1283, %get3A_1284] {strides = array<i32>} : memref<8x128xf32, #tpu.memory_space<vmem>>, vector<1x16xf32>,
      %get3A_1286 = vector.shape_cast %get3A_1285 : vector<1x16xf32> to vector<16xf32>
      %get3A_1287 = arith.constant 0 : i32
      %get3A_1288 = arith.index_cast %get3A_1287 : i32 to index
      %get3A_1289 = arith.constant 96 : index
      %get3A_1290 = tpu.vector_load %arg7[%get3A_1288, %get3A_1289] {strides = array<i32>} : memref<4x128xf32, #tpu.memory_space<vmem>>, vector<1x16xf32>,
      %get3A_1291 = vector.shape_cast %get3A_1290 : vector<1x16xf32> to vector<16xf32>
      %add3A_1292 = arith.addf %get3A_1286, %get3A_1291 : vector<16xf32>
      %swap3A_1293 = arith.constant 8 : i32
      %swap3A_1294 = arith.index_cast %swap3A_1293 : i32 to index
      %swap3A_1295 = arith.constant 96 : index
      %swap3A_1296 = tpu.vector_load %arg8[%swap3A_1294, %swap3A_1295] {strides = array<i32>} : memref<32x128xf32, #tpu.memory_space<vmem>>, vector<1x16xf32>,
      %swap3A_1297 = vector.shape_cast %swap3A_1296 : vector<1x16xf32> to vector<16xf32>
      %swap3A_1298 = vector.shape_cast %add3A_1292 : vector<16xf32> to vector<1x16xf32>
      tpu.vector_store %arg8[%swap3A_1294, %swap3A_1295], %swap3A_1298 {strides = array<i32>} : memref<32x128xf32, #tpu.memory_space<vmem>>, vector<1x16xf32>,
      %get3A_1299 = arith.constant 1 : i32
      %get3A_1300 = arith.index_cast %get3A_1299 : i32 to index
      %get3A_1301 = arith.constant 96 : index
      %get3A_1302 = tpu.vector_load %arg7[%get3A_1300, %get3A_1301] {strides = array<i32>} : memref<4x128xf32, #tpu.memory_space<vmem>>, vector<1x16xf32>,
      %get3A_1303 = vector.shape_cast %get3A_1302 : vector<1x16xf32> to vector<16xf32>
      %add3A_1304 = arith.addf %get3A_1286, %get3A_1303 : vector<16xf32>
      %swap3A_1305 = arith.constant 9 : i32
      %swap3A_1306 = arith.index_cast %swap3A_1305 : i32 to index
      %swap3A_1307 = arith.constant 96 : index
      %swap3A_1308 = tpu.vector_load %arg8[%swap3A_1306, %swap3A_1307] {strides = array<i32>} : memref<32x128xf32, #tpu.memory_space<vmem>>, vector<1x16xf32>,
      %swap3A_1309 = vector.shape_cast %swap3A_1308 : vector<1x16xf32> to vector<16xf32>
      %swap3A_1310 = vector.shape_cast %add3A_1304 : vector<16xf32> to vector<1x16xf32>
      tpu.vector_store %arg8[%swap3A_1306, %swap3A_1307], %swap3A_1310 {strides = array<i32>} : memref<32x128xf32, #tpu.memory_space<vmem>>, vector<1x16xf32>,
      %get3A_1311 = arith.constant 2 : i32
      %get3A_1312 = arith.index_cast %get3A_1311 : i32 to index
      %get3A_1313 = arith.constant 96 : index
      %get3A_1314 = tpu.vector_load %arg7[%get3A_1312, %get3A_1313] {strides = array<i32>} : memref<4x128xf32, #tpu.memory_space<vmem>>, vector<1x16xf32>,
      %get3A_1315 = vector.shape_cast %get3A_1314 : vector<1x16xf32> to vector<16xf32>
      %add3A_1316 = arith.addf %get3A_1286, %get3A_1315 : vector<16xf32>
      %swap3A_1317 = arith.constant 10 : i32
      %swap3A_1318 = arith.index_cast %swap3A_1317 : i32 to index
      %swap3A_1319 = arith.constant 96 : index
      %swap3A_1320 = tpu.vector_load %arg8[%swap3A_1318, %swap3A_1319] {strides = array<i32>} : memref<32x128xf32, #tpu.memory_space<vmem>>, vector<1x16xf32>,
      %swap3A_1321 = vector.shape_cast %swap3A_1320 : vector<1x16xf32> to vector<16xf32>
      %swap3A_1322 = vector.shape_cast %add3A_1316 : vector<16xf32> to vector<1x16xf32>
      tpu.vector_store %arg8[%swap3A_1318, %swap3A_1319], %swap3A_1322 {strides = array<i32>} : memref<32x128xf32, #tpu.memory_space<vmem>>, vector<1x16xf32>,
      %get3A_1323 = arith.constant 3 : i32
      %get3A_1324 = arith.index_cast %get3A_1323 : i32 to index
      %get3A_1325 = arith.constant 96 : index
      %get3A_1326 = tpu.vector_load %arg7[%get3A_1324, %get3A_1325] {strides = array<i32>} : memref<4x128xf32, #tpu.memory_space<vmem>>, vector<1x16xf32>,
      %get3A_1327 = vector.shape_cast %get3A_1326 : vector<1x16xf32> to vector<16xf32>
      %add3A_1328 = arith.addf %get3A_1286, %get3A_1327 : vector<16xf32>
      %swap3A_1329 = arith.constant 11 : i32
      %swap3A_1330 = arith.index_cast %swap3A_1329 : i32 to index
      %swap3A_1331 = arith.constant 96 : index
      %swap3A_1332 = tpu.vector_load %arg8[%swap3A_1330, %swap3A_1331] {strides = array<i32>} : memref<32x128xf32, #tpu.memory_space<vmem>>, vector<1x16xf32>,
      %swap3A_1333 = vector.shape_cast %swap3A_1332 : vector<1x16xf32> to vector<16xf32>
      %swap3A_1334 = vector.shape_cast %add3A_1328 : vector<16xf32> to vector<1x16xf32>
      tpu.vector_store %arg8[%swap3A_1330, %swap3A_1331], %swap3A_1334 {strides = array<i32>} : memref<32x128xf32, #tpu.memory_space<vmem>>, vector<1x16xf32>,
      %get3A_1335 = arith.constant 2 : i32
      %get3A_1336 = arith.index_cast %get3A_1335 : i32 to index
      %get3A_1337 = arith.constant 112 : index
      %get3A_1338 = tpu.vector_load %arg6[%get3A_1336, %get3A_1337] {strides = array<i32>} : memref<8x128xf32, #tpu.memory_space<vmem>>, vector<1x16xf32>,
      %get3A_1339 = vector.shape_cast %get3A_1338 : vector<1x16xf32> to vector<16xf32>
      %get3A_1340 = arith.constant 0 : i32
      %get3A_1341 = arith.index_cast %get3A_1340 : i32 to index
      %get3A_1342 = arith.constant 112 : index
      %get3A_1343 = tpu.vector_load %arg7[%get3A_1341, %get3A_1342] {strides = array<i32>} : memref<4x128xf32, #tpu.memory_space<vmem>>, vector<1x16xf32>,
      %get3A_1344 = vector.shape_cast %get3A_1343 : vector<1x16xf32> to vector<16xf32>
      %add3A_1345 = arith.addf %get3A_1339, %get3A_1344 : vector<16xf32>
      %swap3A_1346 = arith.constant 8 : i32
      %swap3A_1347 = arith.index_cast %swap3A_1346 : i32 to index
      %swap3A_1348 = arith.constant 112 : index
      %swap3A_1349 = tpu.vector_load %arg8[%swap3A_1347, %swap3A_1348] {strides = array<i32>} : memref<32x128xf32, #tpu.memory_space<vmem>>, vector<1x16xf32>,
      %swap3A_1350 = vector.shape_cast %swap3A_1349 : vector<1x16xf32> to vector<16xf32>
      %swap3A_1351 = vector.shape_cast %add3A_1345 : vector<16xf32> to vector<1x16xf32>
      tpu.vector_store %arg8[%swap3A_1347, %swap3A_1348], %swap3A_1351 {strides = array<i32>} : memref<32x128xf32, #tpu.memory_space<vmem>>, vector<1x16xf32>,
      %get3A_1352 = arith.constant 1 : i32
      %get3A_1353 = arith.index_cast %get3A_1352 : i32 to index
      %get3A_1354 = arith.constant 112 : index
      %get3A_1355 = tpu.vector_load %arg7[%get3A_1353, %get3A_1354] {strides = array<i32>} : memref<4x128xf32, #tpu.memory_space<vmem>>, vector<1x16xf32>,
      %get3A_1356 = vector.shape_cast %get3A_1355 : vector<1x16xf32> to vector<16xf32>
      %add3A_1357 = arith.addf %get3A_1339, %get3A_1356 : vector<16xf32>
      %swap3A_1358 = arith.constant 9 : i32
      %swap3A_1359 = arith.index_cast %swap3A_1358 : i32 to index
      %swap3A_1360 = arith.constant 112 : index
      %swap3A_1361 = tpu.vector_load %arg8[%swap3A_1359, %swap3A_1360] {strides = array<i32>} : memref<32x128xf32, #tpu.memory_space<vmem>>, vector<1x16xf32>,
      %swap3A_1362 = vector.shape_cast %swap3A_1361 : vector<1x16xf32> to vector<16xf32>
      %swap3A_1363 = vector.shape_cast %add3A_1357 : vector<16xf32> to vector<1x16xf32>
      tpu.vector_store %arg8[%swap3A_1359, %swap3A_1360], %swap3A_1363 {strides = array<i32>} : memref<32x128xf32, #tpu.memory_space<vmem>>, vector<1x16xf32>,
      %get3A_1364 = arith.constant 2 : i32
      %get3A_1365 = arith.index_cast %get3A_1364 : i32 to index
      %get3A_1366 = arith.constant 112 : index
      %get3A_1367 = tpu.vector_load %arg7[%get3A_1365, %get3A_1366] {strides = array<i32>} : memref<4x128xf32, #tpu.memory_space<vmem>>, vector<1x16xf32>,
      %get3A_1368 = vector.shape_cast %get3A_1367 : vector<1x16xf32> to vector<16xf32>
      %add3A_1369 = arith.addf %get3A_1339, %get3A_1368 : vector<16xf32>
      %swap3A_1370 = arith.constant 10 : i32
      %swap3A_1371 = arith.index_cast %swap3A_1370 : i32 to index
      %swap3A_1372 = arith.constant 112 : index
      %swap3A_1373 = tpu.vector_load %arg8[%swap3A_1371, %swap3A_1372] {strides = array<i32>} : memref<32x128xf32, #tpu.memory_space<vmem>>, vector<1x16xf32>,
      %swap3A_1374 = vector.shape_cast %swap3A_1373 : vector<1x16xf32> to vector<16xf32>
      %swap3A_1375 = vector.shape_cast %add3A_1369 : vector<16xf32> to vector<1x16xf32>
      tpu.vector_store %arg8[%swap3A_1371, %swap3A_1372], %swap3A_1375 {strides = array<i32>} : memref<32x128xf32, #tpu.memory_space<vmem>>, vector<1x16xf32>,
      %get3A_1376 = arith.constant 3 : i32
      %get3A_1377 = arith.index_cast %get3A_1376 : i32 to index
      %get3A_1378 = arith.constant 112 : index
      %get3A_1379 = tpu.vector_load %arg7[%get3A_1377, %get3A_1378] {strides = array<i32>} : memref<4x128xf32, #tpu.memory_space<vmem>>, vector<1x16xf32>,
      %get3A_1380 = vector.shape_cast %get3A_1379 : vector<1x16xf32> to vector<16xf32>
      %add3A_1381 = arith.addf %get3A_1339, %get3A_1380 : vector<16xf32>
      %swap3A_1382 = arith.constant 11 : i32
      %swap3A_1383 = arith.index_cast %swap3A_1382 : i32 to index
      %swap3A_1384 = arith.constant 112 : index
      %swap3A_1385 = tpu.vector_load %arg8[%swap3A_1383, %swap3A_1384] {strides = array<i32>} : memref<32x128xf32, #tpu.memory_space<vmem>>, vector<1x16xf32>,
      %swap3A_1386 = vector.shape_cast %swap3A_1385 : vector<1x16xf32> to vector<16xf32>
      %swap3A_1387 = vector.shape_cast %add3A_1381 : vector<16xf32> to vector<1x16xf32>
      tpu.vector_store %arg8[%swap3A_1383, %swap3A_1384], %swap3A_1387 {strides = array<i32>} : memref<32x128xf32, #tpu.memory_space<vmem>>, vector<1x16xf32>,
      %get3A_1388 = arith.constant 3 : i32
      %get3A_1389 = arith.index_cast %get3A_1388 : i32 to index
      %get3A_1390 = arith.constant 0 : index
      %get3A_1391 = tpu.vector_load %arg6[%get3A_1389, %get3A_1390] {strides = array<i32>} : memref<8x128xf32, #tpu.memory_space<vmem>>, vector<1x16xf32>,
      %get3A_1392 = vector.shape_cast %get3A_1391 : vector<1x16xf32> to vector<16xf32>
      %get3A_1393 = arith.constant 0 : i32
      %get3A_1394 = arith.index_cast %get3A_1393 : i32 to index
      %get3A_1395 = arith.constant 0 : index
      %get3A_1396 = tpu.vector_load %arg7[%get3A_1394, %get3A_1395] {strides = array<i32>} : memref<4x128xf32, #tpu.memory_space<vmem>>, vector<1x16xf32>,
      %get3A_1397 = vector.shape_cast %get3A_1396 : vector<1x16xf32> to vector<16xf32>
      %add3A_1398 = arith.addf %get3A_1392, %get3A_1397 : vector<16xf32>
      %swap3A_1399 = arith.constant 12 : i32
      %swap3A_1400 = arith.index_cast %swap3A_1399 : i32 to index
      %swap3A_1401 = arith.constant 0 : index
      %swap3A_1402 = tpu.vector_load %arg8[%swap3A_1400, %swap3A_1401] {strides = array<i32>} : memref<32x128xf32, #tpu.memory_space<vmem>>, vector<1x16xf32>,
      %swap3A_1403 = vector.shape_cast %swap3A_1402 : vector<1x16xf32> to vector<16xf32>
      %swap3A_1404 = vector.shape_cast %add3A_1398 : vector<16xf32> to vector<1x16xf32>
      tpu.vector_store %arg8[%swap3A_1400, %swap3A_1401], %swap3A_1404 {strides = array<i32>} : memref<32x128xf32, #tpu.memory_space<vmem>>, vector<1x16xf32>,
      %get3A_1405 = arith.constant 1 : i32
      %get3A_1406 = arith.index_cast %get3A_1405 : i32 to index
      %get3A_1407 = arith.constant 0 : index
      %get3A_1408 = tpu.vector_load %arg7[%get3A_1406, %get3A_1407] {strides = array<i32>} : memref<4x128xf32, #tpu.memory_space<vmem>>, vector<1x16xf32>,
      %get3A_1409 = vector.shape_cast %get3A_1408 : vector<1x16xf32> to vector<16xf32>
      %add3A_1410 = arith.addf %get3A_1392, %get3A_1409 : vector<16xf32>
      %swap3A_1411 = arith.constant 13 : i32
      %swap3A_1412 = arith.index_cast %swap3A_1411 : i32 to index
      %swap3A_1413 = arith.constant 0 : index
      %swap3A_1414 = tpu.vector_load %arg8[%swap3A_1412, %swap3A_1413] {strides = array<i32>} : memref<32x128xf32, #tpu.memory_space<vmem>>, vector<1x16xf32>,
      %swap3A_1415 = vector.shape_cast %swap3A_1414 : vector<1x16xf32> to vector<16xf32>
      %swap3A_1416 = vector.shape_cast %add3A_1410 : vector<16xf32> to vector<1x16xf32>
      tpu.vector_store %arg8[%swap3A_1412, %swap3A_1413], %swap3A_1416 {strides = array<i32>} : memref<32x128xf32, #tpu.memory_space<vmem>>, vector<1x16xf32>,
      %get3A_1417 = arith.constant 2 : i32
      %get3A_1418 = arith.index_cast %get3A_1417 : i32 to index
      %get3A_1419 = arith.constant 0 : index
      %get3A_1420 = tpu.vector_load %arg7[%get3A_1418, %get3A_1419] {strides = array<i32>} : memref<4x128xf32, #tpu.memory_space<vmem>>, vector<1x16xf32>,
      %get3A_1421 = vector.shape_cast %get3A_1420 : vector<1x16xf32> to vector<16xf32>
      %add3A_1422 = arith.addf %get3A_1392, %get3A_1421 : vector<16xf32>
      %swap3A_1423 = arith.constant 14 : i32
      %swap3A_1424 = arith.index_cast %swap3A_1423 : i32 to index
      %swap3A_1425 = arith.constant 0 : index
      %swap3A_1426 = tpu.vector_load %arg8[%swap3A_1424, %swap3A_1425] {strides = array<i32>} : memref<32x128xf32, #tpu.memory_space<vmem>>, vector<1x16xf32>,
      %swap3A_1427 = vector.shape_cast %swap3A_1426 : vector<1x16xf32> to vector<16xf32>
      %swap3A_1428 = vector.shape_cast %add3A_1422 : vector<16xf32> to vector<1x16xf32>
      tpu.vector_store %arg8[%swap3A_1424, %swap3A_1425], %swap3A_1428 {strides = array<i32>} : memref<32x128xf32, #tpu.memory_space<vmem>>, vector<1x16xf32>,
      %get3A_1429 = arith.constant 3 : i32
      %get3A_1430 = arith.index_cast %get3A_1429 : i32 to index
      %get3A_1431 = arith.constant 0 : index
      %get3A_1432 = tpu.vector_load %arg7[%get3A_1430, %get3A_1431] {strides = array<i32>} : memref<4x128xf32, #tpu.memory_space<vmem>>, vector<1x16xf32>,
      %get3A_1433 = vector.shape_cast %get3A_1432 : vector<1x16xf32> to vector<16xf32>
      %add3A_1434 = arith.addf %get3A_1392, %get3A_1433 : vector<16xf32>
      %swap3A_1435 = arith.constant 15 : i32
      %swap3A_1436 = arith.index_cast %swap3A_1435 : i32 to index
      %swap3A_1437 = arith.constant 0 : index
      %swap3A_1438 = tpu.vector_load %arg8[%swap3A_1436, %swap3A_1437] {strides = array<i32>} : memref<32x128xf32, #tpu.memory_space<vmem>>, vector<1x16xf32>,
      %swap3A_1439 = vector.shape_cast %swap3A_1438 : vector<1x16xf32> to vector<16xf32>
      %swap3A_1440 = vector.shape_cast %add3A_1434 : vector<16xf32> to vector<1x16xf32>
      tpu.vector_store %arg8[%swap3A_1436, %swap3A_1437], %swap3A_1440 {strides = array<i32>} : memref<32x128xf32, #tpu.memory_space<vmem>>, vector<1x16xf32>,
      %get3A_1441 = arith.constant 3 : i32
      %get3A_1442 = arith.index_cast %get3A_1441 : i32 to index
      %get3A_1443 = arith.constant 16 : index
      %get3A_1444 = tpu.vector_load %arg6[%get3A_1442, %get3A_1443] {strides = array<i32>} : memref<8x128xf32, #tpu.memory_space<vmem>>, vector<1x16xf32>,
      %get3A_1445 = vector.shape_cast %get3A_1444 : vector<1x16xf32> to vector<16xf32>
      %get3A_1446 = arith.constant 0 : i32
      %get3A_1447 = arith.index_cast %get3A_1446 : i32 to index
      %get3A_1448 = arith.constant 16 : index
      %get3A_1449 = tpu.vector_load %arg7[%get3A_1447, %get3A_1448] {strides = array<i32>} : memref<4x128xf32, #tpu.memory_space<vmem>>, vector<1x16xf32>,
      %get3A_1450 = vector.shape_cast %get3A_1449 : vector<1x16xf32> to vector<16xf32>
      %add3A_1451 = arith.addf %get3A_1445, %get3A_1450 : vector<16xf32>
      %swap3A_1452 = arith.constant 12 : i32
      %swap3A_1453 = arith.index_cast %swap3A_1452 : i32 to index
      %swap3A_1454 = arith.constant 16 : index
      %swap3A_1455 = tpu.vector_load %arg8[%swap3A_1453, %swap3A_1454] {strides = array<i32>} : memref<32x128xf32, #tpu.memory_space<vmem>>, vector<1x16xf32>,
      %swap3A_1456 = vector.shape_cast %swap3A_1455 : vector<1x16xf32> to vector<16xf32>
      %swap3A_1457 = vector.shape_cast %add3A_1451 : vector<16xf32> to vector<1x16xf32>
      tpu.vector_store %arg8[%swap3A_1453, %swap3A_1454], %swap3A_1457 {strides = array<i32>} : memref<32x128xf32, #tpu.memory_space<vmem>>, vector<1x16xf32>,
      %get3A_1458 = arith.constant 1 : i32
      %get3A_1459 = arith.index_cast %get3A_1458 : i32 to index
      %get3A_1460 = arith.constant 16 : index
      %get3A_1461 = tpu.vector_load %arg7[%get3A_1459, %get3A_1460] {strides = array<i32>} : memref<4x128xf32, #tpu.memory_space<vmem>>, vector<1x16xf32>,
      %get3A_1462 = vector.shape_cast %get3A_1461 : vector<1x16xf32> to vector<16xf32>
      %add3A_1463 = arith.addf %get3A_1445, %get3A_1462 : vector<16xf32>
      %swap3A_1464 = arith.constant 13 : i32
      %swap3A_1465 = arith.index_cast %swap3A_1464 : i32 to index
      %swap3A_1466 = arith.constant 16 : index
      %swap3A_1467 = tpu.vector_load %arg8[%swap3A_1465, %swap3A_1466] {strides = array<i32>} : memref<32x128xf32, #tpu.memory_space<vmem>>, vector<1x16xf32>,
      %swap3A_1468 = vector.shape_cast %swap3A_1467 : vector<1x16xf32> to vector<16xf32>
      %swap3A_1469 = vector.shape_cast %add3A_1463 : vector<16xf32> to vector<1x16xf32>
      tpu.vector_store %arg8[%swap3A_1465, %swap3A_1466], %swap3A_1469 {strides = array<i32>} : memref<32x128xf32, #tpu.memory_space<vmem>>, vector<1x16xf32>,
      %get3A_1470 = arith.constant 2 : i32
      %get3A_1471 = arith.index_cast %get3A_1470 : i32 to index
      %get3A_1472 = arith.constant 16 : index
      %get3A_1473 = tpu.vector_load %arg7[%get3A_1471, %get3A_1472] {strides = array<i32>} : memref<4x128xf32, #tpu.memory_space<vmem>>, vector<1x16xf32>,
      %get3A_1474 = vector.shape_cast %get3A_1473 : vector<1x16xf32> to vector<16xf32>
      %add3A_1475 = arith.addf %get3A_1445, %get3A_1474 : vector<16xf32>
      %swap3A_1476 = arith.constant 14 : i32
      %swap3A_1477 = arith.index_cast %swap3A_1476 : i32 to index
      %swap3A_1478 = arith.constant 16 : index
      %swap3A_1479 = tpu.vector_load %arg8[%swap3A_1477, %swap3A_1478] {strides = array<i32>} : memref<32x128xf32, #tpu.memory_space<vmem>>, vector<1x16xf32>,
      %swap3A_1480 = vector.shape_cast %swap3A_1479 : vector<1x16xf32> to vector<16xf32>
      %swap3A_1481 = vector.shape_cast %add3A_1475 : vector<16xf32> to vector<1x16xf32>
      tpu.vector_store %arg8[%swap3A_1477, %swap3A_1478], %swap3A_1481 {strides = array<i32>} : memref<32x128xf32, #tpu.memory_space<vmem>>, vector<1x16xf32>,
      %get3A_1482 = arith.constant 3 : i32
      %get3A_1483 = arith.index_cast %get3A_1482 : i32 to index
      %get3A_1484 = arith.constant 16 : index
      %get3A_1485 = tpu.vector_load %arg7[%get3A_1483, %get3A_1484] {strides = array<i32>} : memref<4x128xf32, #tpu.memory_space<vmem>>, vector<1x16xf32>,
      %get3A_1486 = vector.shape_cast %get3A_1485 : vector<1x16xf32> to vector<16xf32>
      %add3A_1487 = arith.addf %get3A_1445, %get3A_1486 : vector<16xf32>
      %swap3A_1488 = arith.constant 15 : i32
      %swap3A_1489 = arith.index_cast %swap3A_1488 : i32 to index
      %swap3A_1490 = arith.constant 16 : index
      %swap3A_1491 = tpu.vector_load %arg8[%swap3A_1489, %swap3A_1490] {strides = array<i32>} : memref<32x128xf32, #tpu.memory_space<vmem>>, vector<1x16xf32>,
      %swap3A_1492 = vector.shape_cast %swap3A_1491 : vector<1x16xf32> to vector<16xf32>
      %swap3A_1493 = vector.shape_cast %add3A_1487 : vector<16xf32> to vector<1x16xf32>
      tpu.vector_store %arg8[%swap3A_1489, %swap3A_1490], %swap3A_1493 {strides = array<i32>} : memref<32x128xf32, #tpu.memory_space<vmem>>, vector<1x16xf32>,
      %get3A_1494 = arith.constant 3 : i32
      %get3A_1495 = arith.index_cast %get3A_1494 : i32 to index
      %get3A_1496 = arith.constant 32 : index
      %get3A_1497 = tpu.vector_load %arg6[%get3A_1495, %get3A_1496] {strides = array<i32>} : memref<8x128xf32, #tpu.memory_space<vmem>>, vector<1x16xf32>,
      %get3A_1498 = vector.shape_cast %get3A_1497 : vector<1x16xf32> to vector<16xf32>
      %get3A_1499 = arith.constant 0 : i32
      %get3A_1500 = arith.index_cast %get3A_1499 : i32 to index
      %get3A_1501 = arith.constant 32 : index
      %get3A_1502 = tpu.vector_load %arg7[%get3A_1500, %get3A_1501] {strides = array<i32>} : memref<4x128xf32, #tpu.memory_space<vmem>>, vector<1x16xf32>,
      %get3A_1503 = vector.shape_cast %get3A_1502 : vector<1x16xf32> to vector<16xf32>
      %add3A_1504 = arith.addf %get3A_1498, %get3A_1503 : vector<16xf32>
      %swap3A_1505 = arith.constant 12 : i32
      %swap3A_1506 = arith.index_cast %swap3A_1505 : i32 to index
      %swap3A_1507 = arith.constant 32 : index
      %swap3A_1508 = tpu.vector_load %arg8[%swap3A_1506, %swap3A_1507] {strides = array<i32>} : memref<32x128xf32, #tpu.memory_space<vmem>>, vector<1x16xf32>,
      %swap3A_1509 = vector.shape_cast %swap3A_1508 : vector<1x16xf32> to vector<16xf32>
      %swap3A_1510 = vector.shape_cast %add3A_1504 : vector<16xf32> to vector<1x16xf32>
      tpu.vector_store %arg8[%swap3A_1506, %swap3A_1507], %swap3A_1510 {strides = array<i32>} : memref<32x128xf32, #tpu.memory_space<vmem>>, vector<1x16xf32>,
      %get3A_1511 = arith.constant 1 : i32
      %get3A_1512 = arith.index_cast %get3A_1511 : i32 to index
      %get3A_1513 = arith.constant 32 : index
      %get3A_1514 = tpu.vector_load %arg7[%get3A_1512, %get3A_1513] {strides = array<i32>} : memref<4x128xf32, #tpu.memory_space<vmem>>, vector<1x16xf32>,
      %get3A_1515 = vector.shape_cast %get3A_1514 : vector<1x16xf32> to vector<16xf32>
      %add3A_1516 = arith.addf %get3A_1498, %get3A_1515 : vector<16xf32>
      %swap3A_1517 = arith.constant 13 : i32
      %swap3A_1518 = arith.index_cast %swap3A_1517 : i32 to index
      %swap3A_1519 = arith.constant 32 : index
      %swap3A_1520 = tpu.vector_load %arg8[%swap3A_1518, %swap3A_1519] {strides = array<i32>} : memref<32x128xf32, #tpu.memory_space<vmem>>, vector<1x16xf32>,
      %swap3A_1521 = vector.shape_cast %swap3A_1520 : vector<1x16xf32> to vector<16xf32>
      %swap3A_1522 = vector.shape_cast %add3A_1516 : vector<16xf32> to vector<1x16xf32>
      tpu.vector_store %arg8[%swap3A_1518, %swap3A_1519], %swap3A_1522 {strides = array<i32>} : memref<32x128xf32, #tpu.memory_space<vmem>>, vector<1x16xf32>,
      %get3A_1523 = arith.constant 2 : i32
      %get3A_1524 = arith.index_cast %get3A_1523 : i32 to index
      %get3A_1525 = arith.constant 32 : index
      %get3A_1526 = tpu.vector_load %arg7[%get3A_1524, %get3A_1525] {strides = array<i32>} : memref<4x128xf32, #tpu.memory_space<vmem>>, vector<1x16xf32>,
      %get3A_1527 = vector.shape_cast %get3A_1526 : vector<1x16xf32> to vector<16xf32>
      %add3A_1528 = arith.addf %get3A_1498, %get3A_1527 : vector<16xf32>
      %swap3A_1529 = arith.constant 14 : i32
      %swap3A_1530 = arith.index_cast %swap3A_1529 : i32 to index
      %swap3A_1531 = arith.constant 32 : index
      %swap3A_1532 = tpu.vector_load %arg8[%swap3A_1530, %swap3A_1531] {strides = array<i32>} : memref<32x128xf32, #tpu.memory_space<vmem>>, vector<1x16xf32>,
      %swap3A_1533 = vector.shape_cast %swap3A_1532 : vector<1x16xf32> to vector<16xf32>
      %swap3A_1534 = vector.shape_cast %add3A_1528 : vector<16xf32> to vector<1x16xf32>
      tpu.vector_store %arg8[%swap3A_1530, %swap3A_1531], %swap3A_1534 {strides = array<i32>} : memref<32x128xf32, #tpu.memory_space<vmem>>, vector<1x16xf32>,
      %get3A_1535 = arith.constant 3 : i32
      %get3A_1536 = arith.index_cast %get3A_1535 : i32 to index
      %get3A_1537 = arith.constant 32 : index
      %get3A_1538 = tpu.vector_load %arg7[%get3A_1536, %get3A_1537] {strides = array<i32>} : memref<4x128xf32, #tpu.memory_space<vmem>>, vector<1x16xf32>,
      %get3A_1539 = vector.shape_cast %get3A_1538 : vector<1x16xf32> to vector<16xf32>
      %add3A_1540 = arith.addf %get3A_1498, %get3A_1539 : vector<16xf32>
      %swap3A_1541 = arith.constant 15 : i32
      %swap3A_1542 = arith.index_cast %swap3A_1541 : i32 to index
      %swap3A_1543 = arith.constant 32 : index
      %swap3A_1544 = tpu.vector_load %arg8[%swap3A_1542, %swap3A_1543] {strides = array<i32>} : memref<32x128xf32, #tpu.memory_space<vmem>>, vector<1x16xf32>,
      %swap3A_1545 = vector.shape_cast %swap3A_1544 : vector<1x16xf32> to vector<16xf32>
      %swap3A_1546 = vector.shape_cast %add3A_1540 : vector<16xf32> to vector<1x16xf32>
      tpu.vector_store %arg8[%swap3A_1542, %swap3A_1543], %swap3A_1546 {strides = array<i32>} : memref<32x128xf32, #tpu.memory_space<vmem>>, vector<1x16xf32>,
      %get3A_1547 = arith.constant 3 : i32
      %get3A_1548 = arith.index_cast %get3A_1547 : i32 to index
      %get3A_1549 = arith.constant 48 : index
      %get3A_1550 = tpu.vector_load %arg6[%get3A_1548, %get3A_1549] {strides = array<i32>} : memref<8x128xf32, #tpu.memory_space<vmem>>, vector<1x16xf32>,
      %get3A_1551 = vector.shape_cast %get3A_1550 : vector<1x16xf32> to vector<16xf32>
      %get3A_1552 = arith.constant 0 : i32
      %get3A_1553 = arith.index_cast %get3A_1552 : i32 to index
      %get3A_1554 = arith.constant 48 : index
      %get3A_1555 = tpu.vector_load %arg7[%get3A_1553, %get3A_1554] {strides = array<i32>} : memref<4x128xf32, #tpu.memory_space<vmem>>, vector<1x16xf32>,
      %get3A_1556 = vector.shape_cast %get3A_1555 : vector<1x16xf32> to vector<16xf32>
      %add3A_1557 = arith.addf %get3A_1551, %get3A_1556 : vector<16xf32>
      %swap3A_1558 = arith.constant 12 : i32
      %swap3A_1559 = arith.index_cast %swap3A_1558 : i32 to index
      %swap3A_1560 = arith.constant 48 : index
      %swap3A_1561 = tpu.vector_load %arg8[%swap3A_1559, %swap3A_1560] {strides = array<i32>} : memref<32x128xf32, #tpu.memory_space<vmem>>, vector<1x16xf32>,
      %swap3A_1562 = vector.shape_cast %swap3A_1561 : vector<1x16xf32> to vector<16xf32>
      %swap3A_1563 = vector.shape_cast %add3A_1557 : vector<16xf32> to vector<1x16xf32>
      tpu.vector_store %arg8[%swap3A_1559, %swap3A_1560], %swap3A_1563 {strides = array<i32>} : memref<32x128xf32, #tpu.memory_space<vmem>>, vector<1x16xf32>,
      %get3A_1564 = arith.constant 1 : i32
      %get3A_1565 = arith.index_cast %get3A_1564 : i32 to index
      %get3A_1566 = arith.constant 48 : index
      %get3A_1567 = tpu.vector_load %arg7[%get3A_1565, %get3A_1566] {strides = array<i32>} : memref<4x128xf32, #tpu.memory_space<vmem>>, vector<1x16xf32>,
      %get3A_1568 = vector.shape_cast %get3A_1567 : vector<1x16xf32> to vector<16xf32>
      %add3A_1569 = arith.addf %get3A_1551, %get3A_1568 : vector<16xf32>
      %swap3A_1570 = arith.constant 13 : i32
      %swap3A_1571 = arith.index_cast %swap3A_1570 : i32 to index
      %swap3A_1572 = arith.constant 48 : index
      %swap3A_1573 = tpu.vector_load %arg8[%swap3A_1571, %swap3A_1572] {strides = array<i32>} : memref<32x128xf32, #tpu.memory_space<vmem>>, vector<1x16xf32>,
      %swap3A_1574 = vector.shape_cast %swap3A_1573 : vector<1x16xf32> to vector<16xf32>
      %swap3A_1575 = vector.shape_cast %add3A_1569 : vector<16xf32> to vector<1x16xf32>
      tpu.vector_store %arg8[%swap3A_1571, %swap3A_1572], %swap3A_1575 {strides = array<i32>} : memref<32x128xf32, #tpu.memory_space<vmem>>, vector<1x16xf32>,
      %get3A_1576 = arith.constant 2 : i32
      %get3A_1577 = arith.index_cast %get3A_1576 : i32 to index
      %get3A_1578 = arith.constant 48 : index
      %get3A_1579 = tpu.vector_load %arg7[%get3A_1577, %get3A_1578] {strides = array<i32>} : memref<4x128xf32, #tpu.memory_space<vmem>>, vector<1x16xf32>,
      %get3A_1580 = vector.shape_cast %get3A_1579 : vector<1x16xf32> to vector<16xf32>
      %add3A_1581 = arith.addf %get3A_1551, %get3A_1580 : vector<16xf32>
      %swap3A_1582 = arith.constant 14 : i32
      %swap3A_1583 = arith.index_cast %swap3A_1582 : i32 to index
      %swap3A_1584 = arith.constant 48 : index
      %swap3A_1585 = tpu.vector_load %arg8[%swap3A_1583, %swap3A_1584] {strides = array<i32>} : memref<32x128xf32, #tpu.memory_space<vmem>>, vector<1x16xf32>,
      %swap3A_1586 = vector.shape_cast %swap3A_1585 : vector<1x16xf32> to vector<16xf32>
      %swap3A_1587 = vector.shape_cast %add3A_1581 : vector<16xf32> to vector<1x16xf32>
      tpu.vector_store %arg8[%swap3A_1583, %swap3A_1584], %swap3A_1587 {strides = array<i32>} : memref<32x128xf32, #tpu.memory_space<vmem>>, vector<1x16xf32>,
      %get3A_1588 = arith.constant 3 : i32
      %get3A_1589 = arith.index_cast %get3A_1588 : i32 to index
      %get3A_1590 = arith.constant 48 : index
      %get3A_1591 = tpu.vector_load %arg7[%get3A_1589, %get3A_1590] {strides = array<i32>} : memref<4x128xf32, #tpu.memory_space<vmem>>, vector<1x16xf32>,
      %get3A_1592 = vector.shape_cast %get3A_1591 : vector<1x16xf32> to vector<16xf32>
      %add3A_1593 = arith.addf %get3A_1551, %get3A_1592 : vector<16xf32>
      %swap3A_1594 = arith.constant 15 : i32
      %swap3A_1595 = arith.index_cast %swap3A_1594 : i32 to index
      %swap3A_1596 = arith.constant 48 : index
      %swap3A_1597 = tpu.vector_load %arg8[%swap3A_1595, %swap3A_1596] {strides = array<i32>} : memref<32x128xf32, #tpu.memory_space<vmem>>, vector<1x16xf32>,
      %swap3A_1598 = vector.shape_cast %swap3A_1597 : vector<1x16xf32> to vector<16xf32>
      %swap3A_1599 = vector.shape_cast %add3A_1593 : vector<16xf32> to vector<1x16xf32>
      tpu.vector_store %arg8[%swap3A_1595, %swap3A_1596], %swap3A_1599 {strides = array<i32>} : memref<32x128xf32, #tpu.memory_space<vmem>>, vector<1x16xf32>,
      %get3A_1600 = arith.constant 3 : i32
      %get3A_1601 = arith.index_cast %get3A_1600 : i32 to index
      %get3A_1602 = arith.constant 64 : index
      %get3A_1603 = tpu.vector_load %arg6[%get3A_1601, %get3A_1602] {strides = array<i32>} : memref<8x128xf32, #tpu.memory_space<vmem>>, vector<1x16xf32>,
      %get3A_1604 = vector.shape_cast %get3A_1603 : vector<1x16xf32> to vector<16xf32>
      %get3A_1605 = arith.constant 0 : i32
      %get3A_1606 = arith.index_cast %get3A_1605 : i32 to index
      %get3A_1607 = arith.constant 64 : index
      %get3A_1608 = tpu.vector_load %arg7[%get3A_1606, %get3A_1607] {strides = array<i32>} : memref<4x128xf32, #tpu.memory_space<vmem>>, vector<1x16xf32>,
      %get3A_1609 = vector.shape_cast %get3A_1608 : vector<1x16xf32> to vector<16xf32>
      %add3A_1610 = arith.addf %get3A_1604, %get3A_1609 : vector<16xf32>
      %swap3A_1611 = arith.constant 12 : i32
      %swap3A_1612 = arith.index_cast %swap3A_1611 : i32 to index
      %swap3A_1613 = arith.constant 64 : index
      %swap3A_1614 = tpu.vector_load %arg8[%swap3A_1612, %swap3A_1613] {strides = array<i32>} : memref<32x128xf32, #tpu.memory_space<vmem>>, vector<1x16xf32>,
      %swap3A_1615 = vector.shape_cast %swap3A_1614 : vector<1x16xf32> to vector<16xf32>
      %swap3A_1616 = vector.shape_cast %add3A_1610 : vector<16xf32> to vector<1x16xf32>
      tpu.vector_store %arg8[%swap3A_1612, %swap3A_1613], %swap3A_1616 {strides = array<i32>} : memref<32x128xf32, #tpu.memory_space<vmem>>, vector<1x16xf32>,
      %get3A_1617 = arith.constant 1 : i32
      %get3A_1618 = arith.index_cast %get3A_1617 : i32 to index
      %get3A_1619 = arith.constant 64 : index
      %get3A_1620 = tpu.vector_load %arg7[%get3A_1618, %get3A_1619] {strides = array<i32>} : memref<4x128xf32, #tpu.memory_space<vmem>>, vector<1x16xf32>,
      %get3A_1621 = vector.shape_cast %get3A_1620 : vector<1x16xf32> to vector<16xf32>
      %add3A_1622 = arith.addf %get3A_1604, %get3A_1621 : vector<16xf32>
      %swap3A_1623 = arith.constant 13 : i32
      %swap3A_1624 = arith.index_cast %swap3A_1623 : i32 to index
      %swap3A_1625 = arith.constant 64 : index
      %swap3A_1626 = tpu.vector_load %arg8[%swap3A_1624, %swap3A_1625] {strides = array<i32>} : memref<32x128xf32, #tpu.memory_space<vmem>>, vector<1x16xf32>,
      %swap3A_1627 = vector.shape_cast %swap3A_1626 : vector<1x16xf32> to vector<16xf32>
      %swap3A_1628 = vector.shape_cast %add3A_1622 : vector<16xf32> to vector<1x16xf32>
      tpu.vector_store %arg8[%swap3A_1624, %swap3A_1625], %swap3A_1628 {strides = array<i32>} : memref<32x128xf32, #tpu.memory_space<vmem>>, vector<1x16xf32>,
      %get3A_1629 = arith.constant 2 : i32
      %get3A_1630 = arith.index_cast %get3A_1629 : i32 to index
      %get3A_1631 = arith.constant 64 : index
      %get3A_1632 = tpu.vector_load %arg7[%get3A_1630, %get3A_1631] {strides = array<i32>} : memref<4x128xf32, #tpu.memory_space<vmem>>, vector<1x16xf32>,
      %get3A_1633 = vector.shape_cast %get3A_1632 : vector<1x16xf32> to vector<16xf32>
      %add3A_1634 = arith.addf %get3A_1604, %get3A_1633 : vector<16xf32>
      %swap3A_1635 = arith.constant 14 : i32
      %swap3A_1636 = arith.index_cast %swap3A_1635 : i32 to index
      %swap3A_1637 = arith.constant 64 : index
      %swap3A_1638 = tpu.vector_load %arg8[%swap3A_1636, %swap3A_1637] {strides = array<i32>} : memref<32x128xf32, #tpu.memory_space<vmem>>, vector<1x16xf32>,
      %swap3A_1639 = vector.shape_cast %swap3A_1638 : vector<1x16xf32> to vector<16xf32>
      %swap3A_1640 = vector.shape_cast %add3A_1634 : vector<16xf32> to vector<1x16xf32>
      tpu.vector_store %arg8[%swap3A_1636, %swap3A_1637], %swap3A_1640 {strides = array<i32>} : memref<32x128xf32, #tpu.memory_space<vmem>>, vector<1x16xf32>,
      %get3A_1641 = arith.constant 3 : i32
      %get3A_1642 = arith.index_cast %get3A_1641 : i32 to index
      %get3A_1643 = arith.constant 64 : index
      %get3A_1644 = tpu.vector_load %arg7[%get3A_1642, %get3A_1643] {strides = array<i32>} : memref<4x128xf32, #tpu.memory_space<vmem>>, vector<1x16xf32>,
      %get3A_1645 = vector.shape_cast %get3A_1644 : vector<1x16xf32> to vector<16xf32>
      %add3A_1646 = arith.addf %get3A_1604, %get3A_1645 : vector<16xf32>
      %swap3A_1647 = arith.constant 15 : i32
      %swap3A_1648 = arith.index_cast %swap3A_1647 : i32 to index
      %swap3A_1649 = arith.constant 64 : index
      %swap3A_1650 = tpu.vector_load %arg8[%swap3A_1648, %swap3A_1649] {strides = array<i32>} : memref<32x128xf32, #tpu.memory_space<vmem>>, vector<1x16xf32>,
      %swap3A_1651 = vector.shape_cast %swap3A_1650 : vector<1x16xf32> to vector<16xf32>
      %swap3A_1652 = vector.shape_cast %add3A_1646 : vector<16xf32> to vector<1x16xf32>
      tpu.vector_store %arg8[%swap3A_1648, %swap3A_1649], %swap3A_1652 {strides = array<i32>} : memref<32x128xf32, #tpu.memory_space<vmem>>, vector<1x16xf32>,
      %get3A_1653 = arith.constant 3 : i32
      %get3A_1654 = arith.index_cast %get3A_1653 : i32 to index
      %get3A_1655 = arith.constant 80 : index
      %get3A_1656 = tpu.vector_load %arg6[%get3A_1654, %get3A_1655] {strides = array<i32>} : memref<8x128xf32, #tpu.memory_space<vmem>>, vector<1x16xf32>,
      %get3A_1657 = vector.shape_cast %get3A_1656 : vector<1x16xf32> to vector<16xf32>
      %get3A_1658 = arith.constant 0 : i32
      %get3A_1659 = arith.index_cast %get3A_1658 : i32 to index
      %get3A_1660 = arith.constant 80 : index
      %get3A_1661 = tpu.vector_load %arg7[%get3A_1659, %get3A_1660] {strides = array<i32>} : memref<4x128xf32, #tpu.memory_space<vmem>>, vector<1x16xf32>,
      %get3A_1662 = vector.shape_cast %get3A_1661 : vector<1x16xf32> to vector<16xf32>
      %add3A_1663 = arith.addf %get3A_1657, %get3A_1662 : vector<16xf32>
      %swap3A_1664 = arith.constant 12 : i32
      %swap3A_1665 = arith.index_cast %swap3A_1664 : i32 to index
      %swap3A_1666 = arith.constant 80 : index
      %swap3A_1667 = tpu.vector_load %arg8[%swap3A_1665, %swap3A_1666] {strides = array<i32>} : memref<32x128xf32, #tpu.memory_space<vmem>>, vector<1x16xf32>,
      %swap3A_1668 = vector.shape_cast %swap3A_1667 : vector<1x16xf32> to vector<16xf32>
      %swap3A_1669 = vector.shape_cast %add3A_1663 : vector<16xf32> to vector<1x16xf32>
      tpu.vector_store %arg8[%swap3A_1665, %swap3A_1666], %swap3A_1669 {strides = array<i32>} : memref<32x128xf32, #tpu.memory_space<vmem>>, vector<1x16xf32>,
      %get3A_1670 = arith.constant 1 : i32
      %get3A_1671 = arith.index_cast %get3A_1670 : i32 to index
      %get3A_1672 = arith.constant 80 : index
      %get3A_1673 = tpu.vector_load %arg7[%get3A_1671, %get3A_1672] {strides = array<i32>} : memref<4x128xf32, #tpu.memory_space<vmem>>, vector<1x16xf32>,
      %get3A_1674 = vector.shape_cast %get3A_1673 : vector<1x16xf32> to vector<16xf32>
      %add3A_1675 = arith.addf %get3A_1657, %get3A_1674 : vector<16xf32>
      %swap3A_1676 = arith.constant 13 : i32
      %swap3A_1677 = arith.index_cast %swap3A_1676 : i32 to index
      %swap3A_1678 = arith.constant 80 : index
      %swap3A_1679 = tpu.vector_load %arg8[%swap3A_1677, %swap3A_1678] {strides = array<i32>} : memref<32x128xf32, #tpu.memory_space<vmem>>, vector<1x16xf32>,
      %swap3A_1680 = vector.shape_cast %swap3A_1679 : vector<1x16xf32> to vector<16xf32>
      %swap3A_1681 = vector.shape_cast %add3A_1675 : vector<16xf32> to vector<1x16xf32>
      tpu.vector_store %arg8[%swap3A_1677, %swap3A_1678], %swap3A_1681 {strides = array<i32>} : memref<32x128xf32, #tpu.memory_space<vmem>>, vector<1x16xf32>,
      %get3A_1682 = arith.constant 2 : i32
      %get3A_1683 = arith.index_cast %get3A_1682 : i32 to index
      %get3A_1684 = arith.constant 80 : index
      %get3A_1685 = tpu.vector_load %arg7[%get3A_1683, %get3A_1684] {strides = array<i32>} : memref<4x128xf32, #tpu.memory_space<vmem>>, vector<1x16xf32>,
      %get3A_1686 = vector.shape_cast %get3A_1685 : vector<1x16xf32> to vector<16xf32>
      %add3A_1687 = arith.addf %get3A_1657, %get3A_1686 : vector<16xf32>
      %swap3A_1688 = arith.constant 14 : i32
      %swap3A_1689 = arith.index_cast %swap3A_1688 : i32 to index
      %swap3A_1690 = arith.constant 80 : index
      %swap3A_1691 = tpu.vector_load %arg8[%swap3A_1689, %swap3A_1690] {strides = array<i32>} : memref<32x128xf32, #tpu.memory_space<vmem>>, vector<1x16xf32>,
      %swap3A_1692 = vector.shape_cast %swap3A_1691 : vector<1x16xf32> to vector<16xf32>
      %swap3A_1693 = vector.shape_cast %add3A_1687 : vector<16xf32> to vector<1x16xf32>
      tpu.vector_store %arg8[%swap3A_1689, %swap3A_1690], %swap3A_1693 {strides = array<i32>} : memref<32x128xf32, #tpu.memory_space<vmem>>, vector<1x16xf32>,
      %get3A_1694 = arith.constant 3 : i32
      %get3A_1695 = arith.index_cast %get3A_1694 : i32 to index
      %get3A_1696 = arith.constant 80 : index
      %get3A_1697 = tpu.vector_load %arg7[%get3A_1695, %get3A_1696] {strides = array<i32>} : memref<4x128xf32, #tpu.memory_space<vmem>>, vector<1x16xf32>,
      %get3A_1698 = vector.shape_cast %get3A_1697 : vector<1x16xf32> to vector<16xf32>
      %add3A_1699 = arith.addf %get3A_1657, %get3A_1698 : vector<16xf32>
      %swap3A_1700 = arith.constant 15 : i32
      %swap3A_1701 = arith.index_cast %swap3A_1700 : i32 to index
      %swap3A_1702 = arith.constant 80 : index
      %swap3A_1703 = tpu.vector_load %arg8[%swap3A_1701, %swap3A_1702] {strides = array<i32>} : memref<32x128xf32, #tpu.memory_space<vmem>>, vector<1x16xf32>,
      %swap3A_1704 = vector.shape_cast %swap3A_1703 : vector<1x16xf32> to vector<16xf32>
      %swap3A_1705 = vector.shape_cast %add3A_1699 : vector<16xf32> to vector<1x16xf32>
      tpu.vector_store %arg8[%swap3A_1701, %swap3A_1702], %swap3A_1705 {strides = array<i32>} : memref<32x128xf32, #tpu.memory_space<vmem>>, vector<1x16xf32>,
      %get3A_1706 = arith.constant 3 : i32
      %get3A_1707 = arith.index_cast %get3A_1706 : i32 to index
      %get3A_1708 = arith.constant 96 : index
      %get3A_1709 = tpu.vector_load %arg6[%get3A_1707, %get3A_1708] {strides = array<i32>} : memref<8x128xf32, #tpu.memory_space<vmem>>, vector<1x16xf32>,
      %get3A_1710 = vector.shape_cast %get3A_1709 : vector<1x16xf32> to vector<16xf32>
      %get3A_1711 = arith.constant 0 : i32
      %get3A_1712 = arith.index_cast %get3A_1711 : i32 to index
      %get3A_1713 = arith.constant 96 : index
      %get3A_1714 = tpu.vector_load %arg7[%get3A_1712, %get3A_1713] {strides = array<i32>} : memref<4x128xf32, #tpu.memory_space<vmem>>, vector<1x16xf32>,
      %get3A_1715 = vector.shape_cast %get3A_1714 : vector<1x16xf32> to vector<16xf32>
      %add3A_1716 = arith.addf %get3A_1710, %get3A_1715 : vector<16xf32>
      %swap3A_1717 = arith.constant 12 : i32
      %swap3A_1718 = arith.index_cast %swap3A_1717 : i32 to index
      %swap3A_1719 = arith.constant 96 : index
      %swap3A_1720 = tpu.vector_load %arg8[%swap3A_1718, %swap3A_1719] {strides = array<i32>} : memref<32x128xf32, #tpu.memory_space<vmem>>, vector<1x16xf32>,
      %swap3A_1721 = vector.shape_cast %swap3A_1720 : vector<1x16xf32> to vector<16xf32>
      %swap3A_1722 = vector.shape_cast %add3A_1716 : vector<16xf32> to vector<1x16xf32>
      tpu.vector_store %arg8[%swap3A_1718, %swap3A_1719], %swap3A_1722 {strides = array<i32>} : memref<32x128xf32, #tpu.memory_space<vmem>>, vector<1x16xf32>,
      %get3A_1723 = arith.constant 1 : i32
      %get3A_1724 = arith.index_cast %get3A_1723 : i32 to index
      %get3A_1725 = arith.constant 96 : index
      %get3A_1726 = tpu.vector_load %arg7[%get3A_1724, %get3A_1725] {strides = array<i32>} : memref<4x128xf32, #tpu.memory_space<vmem>>, vector<1x16xf32>,
      %get3A_1727 = vector.shape_cast %get3A_1726 : vector<1x16xf32> to vector<16xf32>
      %add3A_1728 = arith.addf %get3A_1710, %get3A_1727 : vector<16xf32>
      %swap3A_1729 = arith.constant 13 : i32
      %swap3A_1730 = arith.index_cast %swap3A_1729 : i32 to index
      %swap3A_1731 = arith.constant 96 : index
      %swap3A_1732 = tpu.vector_load %arg8[%swap3A_1730, %swap3A_1731] {strides = array<i32>} : memref<32x128xf32, #tpu.memory_space<vmem>>, vector<1x16xf32>,
      %swap3A_1733 = vector.shape_cast %swap3A_1732 : vector<1x16xf32> to vector<16xf32>
      %swap3A_1734 = vector.shape_cast %add3A_1728 : vector<16xf32> to vector<1x16xf32>
      tpu.vector_store %arg8[%swap3A_1730, %swap3A_1731], %swap3A_1734 {strides = array<i32>} : memref<32x128xf32, #tpu.memory_space<vmem>>, vector<1x16xf32>,
      %get3A_1735 = arith.constant 2 : i32
      %get3A_1736 = arith.index_cast %get3A_1735 : i32 to index
      %get3A_1737 = arith.constant 96 : index
      %get3A_1738 = tpu.vector_load %arg7[%get3A_1736, %get3A_1737] {strides = array<i32>} : memref<4x128xf32, #tpu.memory_space<vmem>>, vector<1x16xf32>,
      %get3A_1739 = vector.shape_cast %get3A_1738 : vector<1x16xf32> to vector<16xf32>
      %add3A_1740 = arith.addf %get3A_1710, %get3A_1739 : vector<16xf32>
      %swap3A_1741 = arith.constant 14 : i32
      %swap3A_1742 = arith.index_cast %swap3A_1741 : i32 to index
      %swap3A_1743 = arith.constant 96 : index
      %swap3A_1744 = tpu.vector_load %arg8[%swap3A_1742, %swap3A_1743] {strides = array<i32>} : memref<32x128xf32, #tpu.memory_space<vmem>>, vector<1x16xf32>,
      %swap3A_1745 = vector.shape_cast %swap3A_1744 : vector<1x16xf32> to vector<16xf32>
      %swap3A_1746 = vector.shape_cast %add3A_1740 : vector<16xf32> to vector<1x16xf32>
      tpu.vector_store %arg8[%swap3A_1742, %swap3A_1743], %swap3A_1746 {strides = array<i32>} : memref<32x128xf32, #tpu.memory_space<vmem>>, vector<1x16xf32>,
      %get3A_1747 = arith.constant 3 : i32
      %get3A_1748 = arith.index_cast %get3A_1747 : i32 to index
      %get3A_1749 = arith.constant 96 : index
      %get3A_1750 = tpu.vector_load %arg7[%get3A_1748, %get3A_1749] {strides = array<i32>} : memref<4x128xf32, #tpu.memory_space<vmem>>, vector<1x16xf32>,
      %get3A_1751 = vector.shape_cast %get3A_1750 : vector<1x16xf32> to vector<16xf32>
      %add3A_1752 = arith.addf %get3A_1710, %get3A_1751 : vector<16xf32>
      %swap3A_1753 = arith.constant 15 : i32
      %swap3A_1754 = arith.index_cast %swap3A_1753 : i32 to index
      %swap3A_1755 = arith.constant 96 : index
      %swap3A_1756 = tpu.vector_load %arg8[%swap3A_1754, %swap3A_1755] {strides = array<i32>} : memref<32x128xf32, #tpu.memory_space<vmem>>, vector<1x16xf32>,
      %swap3A_1757 = vector.shape_cast %swap3A_1756 : vector<1x16xf32> to vector<16xf32>
      %swap3A_1758 = vector.shape_cast %add3A_1752 : vector<16xf32> to vector<1x16xf32>
      tpu.vector_store %arg8[%swap3A_1754, %swap3A_1755], %swap3A_1758 {strides = array<i32>} : memref<32x128xf32, #tpu.memory_space<vmem>>, vector<1x16xf32>,
      %get3A_1759 = arith.constant 3 : i32
      %get3A_1760 = arith.index_cast %get3A_1759 : i32 to index
      %get3A_1761 = arith.constant 112 : index
      %get3A_1762 = tpu.vector_load %arg6[%get3A_1760, %get3A_1761] {strides = array<i32>} : memref<8x128xf32, #tpu.memory_space<vmem>>, vector<1x16xf32>,
      %get3A_1763 = vector.shape_cast %get3A_1762 : vector<1x16xf32> to vector<16xf32>
      %get3A_1764 = arith.constant 0 : i32
      %get3A_1765 = arith.index_cast %get3A_1764 : i32 to index
      %get3A_1766 = arith.constant 112 : index
      %get3A_1767 = tpu.vector_load %arg7[%get3A_1765, %get3A_1766] {strides = array<i32>} : memref<4x128xf32, #tpu.memory_space<vmem>>, vector<1x16xf32>,
      %get3A_1768 = vector.shape_cast %get3A_1767 : vector<1x16xf32> to vector<16xf32>
      %add3A_1769 = arith.addf %get3A_1763, %get3A_1768 : vector<16xf32>
      %swap3A_1770 = arith.constant 12 : i32
      %swap3A_1771 = arith.index_cast %swap3A_1770 : i32 to index
      %swap3A_1772 = arith.constant 112 : index
      %swap3A_1773 = tpu.vector_load %arg8[%swap3A_1771, %swap3A_1772] {strides = array<i32>} : memref<32x128xf32, #tpu.memory_space<vmem>>, vector<1x16xf32>,
      %swap3A_1774 = vector.shape_cast %swap3A_1773 : vector<1x16xf32> to vector<16xf32>
      %swap3A_1775 = vector.shape_cast %add3A_1769 : vector<16xf32> to vector<1x16xf32>
      tpu.vector_store %arg8[%swap3A_1771, %swap3A_1772], %swap3A_1775 {strides = array<i32>} : memref<32x128xf32, #tpu.memory_space<vmem>>, vector<1x16xf32>,
      %get3A_1776 = arith.constant 1 : i32
      %get3A_1777 = arith.index_cast %get3A_1776 : i32 to index
      %get3A_1778 = arith.constant 112 : index
      %get3A_1779 = tpu.vector_load %arg7[%get3A_1777, %get3A_1778] {strides = array<i32>} : memref<4x128xf32, #tpu.memory_space<vmem>>, vector<1x16xf32>,
      %get3A_1780 = vector.shape_cast %get3A_1779 : vector<1x16xf32> to vector<16xf32>
      %add3A_1781 = arith.addf %get3A_1763, %get3A_1780 : vector<16xf32>
      %swap3A_1782 = arith.constant 13 : i32
      %swap3A_1783 = arith.index_cast %swap3A_1782 : i32 to index
      %swap3A_1784 = arith.constant 112 : index
      %swap3A_1785 = tpu.vector_load %arg8[%swap3A_1783, %swap3A_1784] {strides = array<i32>} : memref<32x128xf32, #tpu.memory_space<vmem>>, vector<1x16xf32>,
      %swap3A_1786 = vector.shape_cast %swap3A_1785 : vector<1x16xf32> to vector<16xf32>
      %swap3A_1787 = vector.shape_cast %add3A_1781 : vector<16xf32> to vector<1x16xf32>
      tpu.vector_store %arg8[%swap3A_1783, %swap3A_1784], %swap3A_1787 {strides = array<i32>} : memref<32x128xf32, #tpu.memory_space<vmem>>, vector<1x16xf32>,
      %get3A_1788 = arith.constant 2 : i32
      %get3A_1789 = arith.index_cast %get3A_1788 : i32 to index
      %get3A_1790 = arith.constant 112 : index
      %get3A_1791 = tpu.vector_load %arg7[%get3A_1789, %get3A_1790] {strides = array<i32>} : memref<4x128xf32, #tpu.memory_space<vmem>>, vector<1x16xf32>,
      %get3A_1792 = vector.shape_cast %get3A_1791 : vector<1x16xf32> to vector<16xf32>
      %add3A_1793 = arith.addf %get3A_1763, %get3A_1792 : vector<16xf32>
      %swap3A_1794 = arith.constant 14 : i32
      %swap3A_1795 = arith.index_cast %swap3A_1794 : i32 to index
      %swap3A_1796 = arith.constant 112 : index
      %swap3A_1797 = tpu.vector_load %arg8[%swap3A_1795, %swap3A_1796] {strides = array<i32>} : memref<32x128xf32, #tpu.memory_space<vmem>>, vector<1x16xf32>,
      %swap3A_1798 = vector.shape_cast %swap3A_1797 : vector<1x16xf32> to vector<16xf32>
      %swap3A_1799 = vector.shape_cast %add3A_1793 : vector<16xf32> to vector<1x16xf32>
      tpu.vector_store %arg8[%swap3A_1795, %swap3A_1796], %swap3A_1799 {strides = array<i32>} : memref<32x128xf32, #tpu.memory_space<vmem>>, vector<1x16xf32>,
      %get3A_1800 = arith.constant 3 : i32
      %get3A_1801 = arith.index_cast %get3A_1800 : i32 to index
      %get3A_1802 = arith.constant 112 : index
      %get3A_1803 = tpu.vector_load %arg7[%get3A_1801, %get3A_1802] {strides = array<i32>} : memref<4x128xf32, #tpu.memory_space<vmem>>, vector<1x16xf32>,
      %get3A_1804 = vector.shape_cast %get3A_1803 : vector<1x16xf32> to vector<16xf32>
      %add3A_1805 = arith.addf %get3A_1763, %get3A_1804 : vector<16xf32>
      %swap3A_1806 = arith.constant 15 : i32
      %swap3A_1807 = arith.index_cast %swap3A_1806 : i32 to index
      %swap3A_1808 = arith.constant 112 : index
      %swap3A_1809 = tpu.vector_load %arg8[%swap3A_1807, %swap3A_1808] {strides = array<i32>} : memref<32x128xf32, #tpu.memory_space<vmem>>, vector<1x16xf32>,
      %swap3A_1810 = vector.shape_cast %swap3A_1809 : vector<1x16xf32> to vector<16xf32>
      %swap3A_1811 = vector.shape_cast %add3A_1805 : vector<16xf32> to vector<1x16xf32>
      tpu.vector_store %arg8[%swap3A_1807, %swap3A_1808], %swap3A_1811 {strides = array<i32>} : memref<32x128xf32, #tpu.memory_space<vmem>>, vector<1x16xf32>,
      %get3A_1812 = arith.constant 4 : i32
      %get3A_1813 = arith.index_cast %get3A_1812 : i32 to index
      %get3A_1814 = arith.constant 0 : index
      %get3A_1815 = tpu.vector_load %arg6[%get3A_1813, %get3A_1814] {strides = array<i32>} : memref<8x128xf32, #tpu.memory_space<vmem>>, vector<1x16xf32>,
      %get3A_1816 = vector.shape_cast %get3A_1815 : vector<1x16xf32> to vector<16xf32>
      %get3A_1817 = arith.constant 0 : i32
      %get3A_1818 = arith.index_cast %get3A_1817 : i32 to index
      %get3A_1819 = arith.constant 0 : index
      %get3A_1820 = tpu.vector_load %arg7[%get3A_1818, %get3A_1819] {strides = array<i32>} : memref<4x128xf32, #tpu.memory_space<vmem>>, vector<1x16xf32>,
      %get3A_1821 = vector.shape_cast %get3A_1820 : vector<1x16xf32> to vector<16xf32>
      %add3A_1822 = arith.addf %get3A_1816, %get3A_1821 : vector<16xf32>
      %swap3A_1823 = arith.constant 16 : i32
      %swap3A_1824 = arith.index_cast %swap3A_1823 : i32 to index
      %swap3A_1825 = arith.constant 0 : index
      %swap3A_1826 = tpu.vector_load %arg8[%swap3A_1824, %swap3A_1825] {strides = array<i32>} : memref<32x128xf32, #tpu.memory_space<vmem>>, vector<1x16xf32>,
      %swap3A_1827 = vector.shape_cast %swap3A_1826 : vector<1x16xf32> to vector<16xf32>
      %swap3A_1828 = vector.shape_cast %add3A_1822 : vector<16xf32> to vector<1x16xf32>
      tpu.vector_store %arg8[%swap3A_1824, %swap3A_1825], %swap3A_1828 {strides = array<i32>} : memref<32x128xf32, #tpu.memory_space<vmem>>, vector<1x16xf32>,
      %get3A_1829 = arith.constant 1 : i32
      %get3A_1830 = arith.index_cast %get3A_1829 : i32 to index
      %get3A_1831 = arith.constant 0 : index
      %get3A_1832 = tpu.vector_load %arg7[%get3A_1830, %get3A_1831] {strides = array<i32>} : memref<4x128xf32, #tpu.memory_space<vmem>>, vector<1x16xf32>,
      %get3A_1833 = vector.shape_cast %get3A_1832 : vector<1x16xf32> to vector<16xf32>
      %add3A_1834 = arith.addf %get3A_1816, %get3A_1833 : vector<16xf32>
      %swap3A_1835 = arith.constant 17 : i32
      %swap3A_1836 = arith.index_cast %swap3A_1835 : i32 to index
      %swap3A_1837 = arith.constant 0 : index
      %swap3A_1838 = tpu.vector_load %arg8[%swap3A_1836, %swap3A_1837] {strides = array<i32>} : memref<32x128xf32, #tpu.memory_space<vmem>>, vector<1x16xf32>,
      %swap3A_1839 = vector.shape_cast %swap3A_1838 : vector<1x16xf32> to vector<16xf32>
      %swap3A_1840 = vector.shape_cast %add3A_1834 : vector<16xf32> to vector<1x16xf32>
      tpu.vector_store %arg8[%swap3A_1836, %swap3A_1837], %swap3A_1840 {strides = array<i32>} : memref<32x128xf32, #tpu.memory_space<vmem>>, vector<1x16xf32>,
      %get3A_1841 = arith.constant 2 : i32
      %get3A_1842 = arith.index_cast %get3A_1841 : i32 to index
      %get3A_1843 = arith.constant 0 : index
      %get3A_1844 = tpu.vector_load %arg7[%get3A_1842, %get3A_1843] {strides = array<i32>} : memref<4x128xf32, #tpu.memory_space<vmem>>, vector<1x16xf32>,
      %get3A_1845 = vector.shape_cast %get3A_1844 : vector<1x16xf32> to vector<16xf32>
      %add3A_1846 = arith.addf %get3A_1816, %get3A_1845 : vector<16xf32>
      %swap3A_1847 = arith.constant 18 : i32
      %swap3A_1848 = arith.index_cast %swap3A_1847 : i32 to index
      %swap3A_1849 = arith.constant 0 : index
      %swap3A_1850 = tpu.vector_load %arg8[%swap3A_1848, %swap3A_1849] {strides = array<i32>} : memref<32x128xf32, #tpu.memory_space<vmem>>, vector<1x16xf32>,
      %swap3A_1851 = vector.shape_cast %swap3A_1850 : vector<1x16xf32> to vector<16xf32>
      %swap3A_1852 = vector.shape_cast %add3A_1846 : vector<16xf32> to vector<1x16xf32>
      tpu.vector_store %arg8[%swap3A_1848, %swap3A_1849], %swap3A_1852 {strides = array<i32>} : memref<32x128xf32, #tpu.memory_space<vmem>>, vector<1x16xf32>,
      %get3A_1853 = arith.constant 3 : i32
      %get3A_1854 = arith.index_cast %get3A_1853 : i32 to index
      %get3A_1855 = arith.constant 0 : index
      %get3A_1856 = tpu.vector_load %arg7[%get3A_1854, %get3A_1855] {strides = array<i32>} : memref<4x128xf32, #tpu.memory_space<vmem>>, vector<1x16xf32>,
      %get3A_1857 = vector.shape_cast %get3A_1856 : vector<1x16xf32> to vector<16xf32>
      %add3A_1858 = arith.addf %get3A_1816, %get3A_1857 : vector<16xf32>
      %swap3A_1859 = arith.constant 19 : i32
      %swap3A_1860 = arith.index_cast %swap3A_1859 : i32 to index
      %swap3A_1861 = arith.constant 0 : index
      %swap3A_1862 = tpu.vector_load %arg8[%swap3A_1860, %swap3A_1861] {strides = array<i32>} : memref<32x128xf32, #tpu.memory_space<vmem>>, vector<1x16xf32>,
      %swap3A_1863 = vector.shape_cast %swap3A_1862 : vector<1x16xf32> to vector<16xf32>
      %swap3A_1864 = vector.shape_cast %add3A_1858 : vector<16xf32> to vector<1x16xf32>
      tpu.vector_store %arg8[%swap3A_1860, %swap3A_1861], %swap3A_1864 {strides = array<i32>} : memref<32x128xf32, #tpu.memory_space<vmem>>, vector<1x16xf32>,
      %get3A_1865 = arith.constant 4 : i32
      %get3A_1866 = arith.index_cast %get3A_1865 : i32 to index
      %get3A_1867 = arith.constant 16 : index
      %get3A_1868 = tpu.vector_load %arg6[%get3A_1866, %get3A_1867] {strides = array<i32>} : memref<8x128xf32, #tpu.memory_space<vmem>>, vector<1x16xf32>,
      %get3A_1869 = vector.shape_cast %get3A_1868 : vector<1x16xf32> to vector<16xf32>
      %get3A_1870 = arith.constant 0 : i32
      %get3A_1871 = arith.index_cast %get3A_1870 : i32 to index
      %get3A_1872 = arith.constant 16 : index
      %get3A_1873 = tpu.vector_load %arg7[%get3A_1871, %get3A_1872] {strides = array<i32>} : memref<4x128xf32, #tpu.memory_space<vmem>>, vector<1x16xf32>,
      %get3A_1874 = vector.shape_cast %get3A_1873 : vector<1x16xf32> to vector<16xf32>
      %add3A_1875 = arith.addf %get3A_1869, %get3A_1874 : vector<16xf32>
      %swap3A_1876 = arith.constant 16 : i32
      %swap3A_1877 = arith.index_cast %swap3A_1876 : i32 to index
      %swap3A_1878 = arith.constant 16 : index
      %swap3A_1879 = tpu.vector_load %arg8[%swap3A_1877, %swap3A_1878] {strides = array<i32>} : memref<32x128xf32, #tpu.memory_space<vmem>>, vector<1x16xf32>,
      %swap3A_1880 = vector.shape_cast %swap3A_1879 : vector<1x16xf32> to vector<16xf32>
      %swap3A_1881 = vector.shape_cast %add3A_1875 : vector<16xf32> to vector<1x16xf32>
      tpu.vector_store %arg8[%swap3A_1877, %swap3A_1878], %swap3A_1881 {strides = array<i32>} : memref<32x128xf32, #tpu.memory_space<vmem>>, vector<1x16xf32>,
      %get3A_1882 = arith.constant 1 : i32
      %get3A_1883 = arith.index_cast %get3A_1882 : i32 to index
      %get3A_1884 = arith.constant 16 : index
      %get3A_1885 = tpu.vector_load %arg7[%get3A_1883, %get3A_1884] {strides = array<i32>} : memref<4x128xf32, #tpu.memory_space<vmem>>, vector<1x16xf32>,
      %get3A_1886 = vector.shape_cast %get3A_1885 : vector<1x16xf32> to vector<16xf32>
      %add3A_1887 = arith.addf %get3A_1869, %get3A_1886 : vector<16xf32>
      %swap3A_1888 = arith.constant 17 : i32
      %swap3A_1889 = arith.index_cast %swap3A_1888 : i32 to index
      %swap3A_1890 = arith.constant 16 : index
      %swap3A_1891 = tpu.vector_load %arg8[%swap3A_1889, %swap3A_1890] {strides = array<i32>} : memref<32x128xf32, #tpu.memory_space<vmem>>, vector<1x16xf32>,
      %swap3A_1892 = vector.shape_cast %swap3A_1891 : vector<1x16xf32> to vector<16xf32>
      %swap3A_1893 = vector.shape_cast %add3A_1887 : vector<16xf32> to vector<1x16xf32>
      tpu.vector_store %arg8[%swap3A_1889, %swap3A_1890], %swap3A_1893 {strides = array<i32>} : memref<32x128xf32, #tpu.memory_space<vmem>>, vector<1x16xf32>,
      %get3A_1894 = arith.constant 2 : i32
      %get3A_1895 = arith.index_cast %get3A_1894 : i32 to index
      %get3A_1896 = arith.constant 16 : index
      %get3A_1897 = tpu.vector_load %arg7[%get3A_1895, %get3A_1896] {strides = array<i32>} : memref<4x128xf32, #tpu.memory_space<vmem>>, vector<1x16xf32>,
      %get3A_1898 = vector.shape_cast %get3A_1897 : vector<1x16xf32> to vector<16xf32>
      %add3A_1899 = arith.addf %get3A_1869, %get3A_1898 : vector<16xf32>
      %swap3A_1900 = arith.constant 18 : i32
      %swap3A_1901 = arith.index_cast %swap3A_1900 : i32 to index
      %swap3A_1902 = arith.constant 16 : index
      %swap3A_1903 = tpu.vector_load %arg8[%swap3A_1901, %swap3A_1902] {strides = array<i32>} : memref<32x128xf32, #tpu.memory_space<vmem>>, vector<1x16xf32>,
      %swap3A_1904 = vector.shape_cast %swap3A_1903 : vector<1x16xf32> to vector<16xf32>
      %swap3A_1905 = vector.shape_cast %add3A_1899 : vector<16xf32> to vector<1x16xf32>
      tpu.vector_store %arg8[%swap3A_1901, %swap3A_1902], %swap3A_1905 {strides = array<i32>} : memref<32x128xf32, #tpu.memory_space<vmem>>, vector<1x16xf32>,
      %get3A_1906 = arith.constant 3 : i32
      %get3A_1907 = arith.index_cast %get3A_1906 : i32 to index
      %get3A_1908 = arith.constant 16 : index
      %get3A_1909 = tpu.vector_load %arg7[%get3A_1907, %get3A_1908] {strides = array<i32>} : memref<4x128xf32, #tpu.memory_space<vmem>>, vector<1x16xf32>,
      %get3A_1910 = vector.shape_cast %get3A_1909 : vector<1x16xf32> to vector<16xf32>
      %add3A_1911 = arith.addf %get3A_1869, %get3A_1910 : vector<16xf32>
      %swap3A_1912 = arith.constant 19 : i32
      %swap3A_1913 = arith.index_cast %swap3A_1912 : i32 to index
      %swap3A_1914 = arith.constant 16 : index
      %swap3A_1915 = tpu.vector_load %arg8[%swap3A_1913, %swap3A_1914] {strides = array<i32>} : memref<32x128xf32, #tpu.memory_space<vmem>>, vector<1x16xf32>,
      %swap3A_1916 = vector.shape_cast %swap3A_1915 : vector<1x16xf32> to vector<16xf32>
      %swap3A_1917 = vector.shape_cast %add3A_1911 : vector<16xf32> to vector<1x16xf32>
      tpu.vector_store %arg8[%swap3A_1913, %swap3A_1914], %swap3A_1917 {strides = array<i32>} : memref<32x128xf32, #tpu.memory_space<vmem>>, vector<1x16xf32>,
      %get3A_1918 = arith.constant 4 : i32
      %get3A_1919 = arith.index_cast %get3A_1918 : i32 to index
      %get3A_1920 = arith.constant 32 : index
      %get3A_1921 = tpu.vector_load %arg6[%get3A_1919, %get3A_1920] {strides = array<i32>} : memref<8x128xf32, #tpu.memory_space<vmem>>, vector<1x16xf32>,
      %get3A_1922 = vector.shape_cast %get3A_1921 : vector<1x16xf32> to vector<16xf32>
      %get3A_1923 = arith.constant 0 : i32
      %get3A_1924 = arith.index_cast %get3A_1923 : i32 to index
      %get3A_1925 = arith.constant 32 : index
      %get3A_1926 = tpu.vector_load %arg7[%get3A_1924, %get3A_1925] {strides = array<i32>} : memref<4x128xf32, #tpu.memory_space<vmem>>, vector<1x16xf32>,
      %get3A_1927 = vector.shape_cast %get3A_1926 : vector<1x16xf32> to vector<16xf32>
      %add3A_1928 = arith.addf %get3A_1922, %get3A_1927 : vector<16xf32>
      %swap3A_1929 = arith.constant 16 : i32
      %swap3A_1930 = arith.index_cast %swap3A_1929 : i32 to index
      %swap3A_1931 = arith.constant 32 : index
      %swap3A_1932 = tpu.vector_load %arg8[%swap3A_1930, %swap3A_1931] {strides = array<i32>} : memref<32x128xf32, #tpu.memory_space<vmem>>, vector<1x16xf32>,
      %swap3A_1933 = vector.shape_cast %swap3A_1932 : vector<1x16xf32> to vector<16xf32>
      %swap3A_1934 = vector.shape_cast %add3A_1928 : vector<16xf32> to vector<1x16xf32>
      tpu.vector_store %arg8[%swap3A_1930, %swap3A_1931], %swap3A_1934 {strides = array<i32>} : memref<32x128xf32, #tpu.memory_space<vmem>>, vector<1x16xf32>,
      %get3A_1935 = arith.constant 1 : i32
      %get3A_1936 = arith.index_cast %get3A_1935 : i32 to index
      %get3A_1937 = arith.constant 32 : index
      %get3A_1938 = tpu.vector_load %arg7[%get3A_1936, %get3A_1937] {strides = array<i32>} : memref<4x128xf32, #tpu.memory_space<vmem>>, vector<1x16xf32>,
      %get3A_1939 = vector.shape_cast %get3A_1938 : vector<1x16xf32> to vector<16xf32>
      %add3A_1940 = arith.addf %get3A_1922, %get3A_1939 : vector<16xf32>
      %swap3A_1941 = arith.constant 17 : i32
      %swap3A_1942 = arith.index_cast %swap3A_1941 : i32 to index
      %swap3A_1943 = arith.constant 32 : index
      %swap3A_1944 = tpu.vector_load %arg8[%swap3A_1942, %swap3A_1943] {strides = array<i32>} : memref<32x128xf32, #tpu.memory_space<vmem>>, vector<1x16xf32>,
      %swap3A_1945 = vector.shape_cast %swap3A_1944 : vector<1x16xf32> to vector<16xf32>
      %swap3A_1946 = vector.shape_cast %add3A_1940 : vector<16xf32> to vector<1x16xf32>
      tpu.vector_store %arg8[%swap3A_1942, %swap3A_1943], %swap3A_1946 {strides = array<i32>} : memref<32x128xf32, #tpu.memory_space<vmem>>, vector<1x16xf32>,
      %get3A_1947 = arith.constant 2 : i32
      %get3A_1948 = arith.index_cast %get3A_1947 : i32 to index
      %get3A_1949 = arith.constant 32 : index
      %get3A_1950 = tpu.vector_load %arg7[%get3A_1948, %get3A_1949] {strides = array<i32>} : memref<4x128xf32, #tpu.memory_space<vmem>>, vector<1x16xf32>,
      %get3A_1951 = vector.shape_cast %get3A_1950 : vector<1x16xf32> to vector<16xf32>
      %add3A_1952 = arith.addf %get3A_1922, %get3A_1951 : vector<16xf32>
      %swap3A_1953 = arith.constant 18 : i32
      %swap3A_1954 = arith.index_cast %swap3A_1953 : i32 to index
      %swap3A_1955 = arith.constant 32 : index
      %swap3A_1956 = tpu.vector_load %arg8[%swap3A_1954, %swap3A_1955] {strides = array<i32>} : memref<32x128xf32, #tpu.memory_space<vmem>>, vector<1x16xf32>,
      %swap3A_1957 = vector.shape_cast %swap3A_1956 : vector<1x16xf32> to vector<16xf32>
      %swap3A_1958 = vector.shape_cast %add3A_1952 : vector<16xf32> to vector<1x16xf32>
      tpu.vector_store %arg8[%swap3A_1954, %swap3A_1955], %swap3A_1958 {strides = array<i32>} : memref<32x128xf32, #tpu.memory_space<vmem>>, vector<1x16xf32>,
      %get3A_1959 = arith.constant 3 : i32
      %get3A_1960 = arith.index_cast %get3A_1959 : i32 to index
      %get3A_1961 = arith.constant 32 : index
      %get3A_1962 = tpu.vector_load %arg7[%get3A_1960, %get3A_1961] {strides = array<i32>} : memref<4x128xf32, #tpu.memory_space<vmem>>, vector<1x16xf32>,
      %get3A_1963 = vector.shape_cast %get3A_1962 : vector<1x16xf32> to vector<16xf32>
      %add3A_1964 = arith.addf %get3A_1922, %get3A_1963 : vector<16xf32>
      %swap3A_1965 = arith.constant 19 : i32
      %swap3A_1966 = arith.index_cast %swap3A_1965 : i32 to index
      %swap3A_1967 = arith.constant 32 : index
      %swap3A_1968 = tpu.vector_load %arg8[%swap3A_1966, %swap3A_1967] {strides = array<i32>} : memref<32x128xf32, #tpu.memory_space<vmem>>, vector<1x16xf32>,
      %swap3A_1969 = vector.shape_cast %swap3A_1968 : vector<1x16xf32> to vector<16xf32>
      %swap3A_1970 = vector.shape_cast %add3A_1964 : vector<16xf32> to vector<1x16xf32>
      tpu.vector_store %arg8[%swap3A_1966, %swap3A_1967], %swap3A_1970 {strides = array<i32>} : memref<32x128xf32, #tpu.memory_space<vmem>>, vector<1x16xf32>,
      %get3A_1971 = arith.constant 4 : i32
      %get3A_1972 = arith.index_cast %get3A_1971 : i32 to index
      %get3A_1973 = arith.constant 48 : index
      %get3A_1974 = tpu.vector_load %arg6[%get3A_1972, %get3A_1973] {strides = array<i32>} : memref<8x128xf32, #tpu.memory_space<vmem>>, vector<1x16xf32>,
      %get3A_1975 = vector.shape_cast %get3A_1974 : vector<1x16xf32> to vector<16xf32>
      %get3A_1976 = arith.constant 0 : i32
      %get3A_1977 = arith.index_cast %get3A_1976 : i32 to index
      %get3A_1978 = arith.constant 48 : index
      %get3A_1979 = tpu.vector_load %arg7[%get3A_1977, %get3A_1978] {strides = array<i32>} : memref<4x128xf32, #tpu.memory_space<vmem>>, vector<1x16xf32>,
      %get3A_1980 = vector.shape_cast %get3A_1979 : vector<1x16xf32> to vector<16xf32>
      %add3A_1981 = arith.addf %get3A_1975, %get3A_1980 : vector<16xf32>
      %swap3A_1982 = arith.constant 16 : i32
      %swap3A_1983 = arith.index_cast %swap3A_1982 : i32 to index
      %swap3A_1984 = arith.constant 48 : index
      %swap3A_1985 = tpu.vector_load %arg8[%swap3A_1983, %swap3A_1984] {strides = array<i32>} : memref<32x128xf32, #tpu.memory_space<vmem>>, vector<1x16xf32>,
      %swap3A_1986 = vector.shape_cast %swap3A_1985 : vector<1x16xf32> to vector<16xf32>
      %swap3A_1987 = vector.shape_cast %add3A_1981 : vector<16xf32> to vector<1x16xf32>
      tpu.vector_store %arg8[%swap3A_1983, %swap3A_1984], %swap3A_1987 {strides = array<i32>} : memref<32x128xf32, #tpu.memory_space<vmem>>, vector<1x16xf32>,
      %get3A_1988 = arith.constant 1 : i32
      %get3A_1989 = arith.index_cast %get3A_1988 : i32 to index
      %get3A_1990 = arith.constant 48 : index
      %get3A_1991 = tpu.vector_load %arg7[%get3A_1989, %get3A_1990] {strides = array<i32>} : memref<4x128xf32, #tpu.memory_space<vmem>>, vector<1x16xf32>,
      %get3A_1992 = vector.shape_cast %get3A_1991 : vector<1x16xf32> to vector<16xf32>
      %add3A_1993 = arith.addf %get3A_1975, %get3A_1992 : vector<16xf32>
      %swap3A_1994 = arith.constant 17 : i32
      %swap3A_1995 = arith.index_cast %swap3A_1994 : i32 to index
      %swap3A_1996 = arith.constant 48 : index
      %swap3A_1997 = tpu.vector_load %arg8[%swap3A_1995, %swap3A_1996] {strides = array<i32>} : memref<32x128xf32, #tpu.memory_space<vmem>>, vector<1x16xf32>,
      %swap3A_1998 = vector.shape_cast %swap3A_1997 : vector<1x16xf32> to vector<16xf32>
      %swap3A_1999 = vector.shape_cast %add3A_1993 : vector<16xf32> to vector<1x16xf32>
      tpu.vector_store %arg8[%swap3A_1995, %swap3A_1996], %swap3A_1999 {strides = array<i32>} : memref<32x128xf32, #tpu.memory_space<vmem>>, vector<1x16xf32>,
      %get3A_2000 = arith.constant 2 : i32
      %get3A_2001 = arith.index_cast %get3A_2000 : i32 to index
      %get3A_2002 = arith.constant 48 : index
      %get3A_2003 = tpu.vector_load %arg7[%get3A_2001, %get3A_2002] {strides = array<i32>} : memref<4x128xf32, #tpu.memory_space<vmem>>, vector<1x16xf32>,
      %get3A_2004 = vector.shape_cast %get3A_2003 : vector<1x16xf32> to vector<16xf32>
      %add3A_2005 = arith.addf %get3A_1975, %get3A_2004 : vector<16xf32>
      %swap3A_2006 = arith.constant 18 : i32
      %swap3A_2007 = arith.index_cast %swap3A_2006 : i32 to index
      %swap3A_2008 = arith.constant 48 : index
      %swap3A_2009 = tpu.vector_load %arg8[%swap3A_2007, %swap3A_2008] {strides = array<i32>} : memref<32x128xf32, #tpu.memory_space<vmem>>, vector<1x16xf32>,
      %swap3A_2010 = vector.shape_cast %swap3A_2009 : vector<1x16xf32> to vector<16xf32>
      %swap3A_2011 = vector.shape_cast %add3A_2005 : vector<16xf32> to vector<1x16xf32>
      tpu.vector_store %arg8[%swap3A_2007, %swap3A_2008], %swap3A_2011 {strides = array<i32>} : memref<32x128xf32, #tpu.memory_space<vmem>>, vector<1x16xf32>,
      %get3A_2012 = arith.constant 3 : i32
      %get3A_2013 = arith.index_cast %get3A_2012 : i32 to index
      %get3A_2014 = arith.constant 48 : index
      %get3A_2015 = tpu.vector_load %arg7[%get3A_2013, %get3A_2014] {strides = array<i32>} : memref<4x128xf32, #tpu.memory_space<vmem>>, vector<1x16xf32>,
      %get3A_2016 = vector.shape_cast %get3A_2015 : vector<1x16xf32> to vector<16xf32>
      %add3A_2017 = arith.addf %get3A_1975, %get3A_2016 : vector<16xf32>
      %swap3A_2018 = arith.constant 19 : i32
      %swap3A_2019 = arith.index_cast %swap3A_2018 : i32 to index
      %swap3A_2020 = arith.constant 48 : index
      %swap3A_2021 = tpu.vector_load %arg8[%swap3A_2019, %swap3A_2020] {strides = array<i32>} : memref<32x128xf32, #tpu.memory_space<vmem>>, vector<1x16xf32>,
      %swap3A_2022 = vector.shape_cast %swap3A_2021 : vector<1x16xf32> to vector<16xf32>
      %swap3A_2023 = vector.shape_cast %add3A_2017 : vector<16xf32> to vector<1x16xf32>
      tpu.vector_store %arg8[%swap3A_2019, %swap3A_2020], %swap3A_2023 {strides = array<i32>} : memref<32x128xf32, #tpu.memory_space<vmem>>, vector<1x16xf32>,
      %get3A_2024 = arith.constant 4 : i32
      %get3A_2025 = arith.index_cast %get3A_2024 : i32 to index
      %get3A_2026 = arith.constant 64 : index
      %get3A_2027 = tpu.vector_load %arg6[%get3A_2025, %get3A_2026] {strides = array<i32>} : memref<8x128xf32, #tpu.memory_space<vmem>>, vector<1x16xf32>,
      %get3A_2028 = vector.shape_cast %get3A_2027 : vector<1x16xf32> to vector<16xf32>
      %get3A_2029 = arith.constant 0 : i32
      %get3A_2030 = arith.index_cast %get3A_2029 : i32 to index
      %get3A_2031 = arith.constant 64 : index
      %get3A_2032 = tpu.vector_load %arg7[%get3A_2030, %get3A_2031] {strides = array<i32>} : memref<4x128xf32, #tpu.memory_space<vmem>>, vector<1x16xf32>,
      %get3A_2033 = vector.shape_cast %get3A_2032 : vector<1x16xf32> to vector<16xf32>
      %add3A_2034 = arith.addf %get3A_2028, %get3A_2033 : vector<16xf32>
      %swap3A_2035 = arith.constant 16 : i32
      %swap3A_2036 = arith.index_cast %swap3A_2035 : i32 to index
      %swap3A_2037 = arith.constant 64 : index
      %swap3A_2038 = tpu.vector_load %arg8[%swap3A_2036, %swap3A_2037] {strides = array<i32>} : memref<32x128xf32, #tpu.memory_space<vmem>>, vector<1x16xf32>,
      %swap3A_2039 = vector.shape_cast %swap3A_2038 : vector<1x16xf32> to vector<16xf32>
      %swap3A_2040 = vector.shape_cast %add3A_2034 : vector<16xf32> to vector<1x16xf32>
      tpu.vector_store %arg8[%swap3A_2036, %swap3A_2037], %swap3A_2040 {strides = array<i32>} : memref<32x128xf32, #tpu.memory_space<vmem>>, vector<1x16xf32>,
      %get3A_2041 = arith.constant 1 : i32
      %get3A_2042 = arith.index_cast %get3A_2041 : i32 to index
      %get3A_2043 = arith.constant 64 : index
      %get3A_2044 = tpu.vector_load %arg7[%get3A_2042, %get3A_2043] {strides = array<i32>} : memref<4x128xf32, #tpu.memory_space<vmem>>, vector<1x16xf32>,
      %get3A_2045 = vector.shape_cast %get3A_2044 : vector<1x16xf32> to vector<16xf32>
      %add3A_2046 = arith.addf %get3A_2028, %get3A_2045 : vector<16xf32>
      %swap3A_2047 = arith.constant 17 : i32
      %swap3A_2048 = arith.index_cast %swap3A_2047 : i32 to index
      %swap3A_2049 = arith.constant 64 : index
      %swap3A_2050 = tpu.vector_load %arg8[%swap3A_2048, %swap3A_2049] {strides = array<i32>} : memref<32x128xf32, #tpu.memory_space<vmem>>, vector<1x16xf32>,
      %swap3A_2051 = vector.shape_cast %swap3A_2050 : vector<1x16xf32> to vector<16xf32>
      %swap3A_2052 = vector.shape_cast %add3A_2046 : vector<16xf32> to vector<1x16xf32>
      tpu.vector_store %arg8[%swap3A_2048, %swap3A_2049], %swap3A_2052 {strides = array<i32>} : memref<32x128xf32, #tpu.memory_space<vmem>>, vector<1x16xf32>,
      %get3A_2053 = arith.constant 2 : i32
      %get3A_2054 = arith.index_cast %get3A_2053 : i32 to index
      %get3A_2055 = arith.constant 64 : index
      %get3A_2056 = tpu.vector_load %arg7[%get3A_2054, %get3A_2055] {strides = array<i32>} : memref<4x128xf32, #tpu.memory_space<vmem>>, vector<1x16xf32>,
      %get3A_2057 = vector.shape_cast %get3A_2056 : vector<1x16xf32> to vector<16xf32>
      %add3A_2058 = arith.addf %get3A_2028, %get3A_2057 : vector<16xf32>
      %swap3A_2059 = arith.constant 18 : i32
      %swap3A_2060 = arith.index_cast %swap3A_2059 : i32 to index
      %swap3A_2061 = arith.constant 64 : index
      %swap3A_2062 = tpu.vector_load %arg8[%swap3A_2060, %swap3A_2061] {strides = array<i32>} : memref<32x128xf32, #tpu.memory_space<vmem>>, vector<1x16xf32>,
      %swap3A_2063 = vector.shape_cast %swap3A_2062 : vector<1x16xf32> to vector<16xf32>
      %swap3A_2064 = vector.shape_cast %add3A_2058 : vector<16xf32> to vector<1x16xf32>
      tpu.vector_store %arg8[%swap3A_2060, %swap3A_2061], %swap3A_2064 {strides = array<i32>} : memref<32x128xf32, #tpu.memory_space<vmem>>, vector<1x16xf32>,
      %get3A_2065 = arith.constant 3 : i32
      %get3A_2066 = arith.index_cast %get3A_2065 : i32 to index
      %get3A_2067 = arith.constant 64 : index
      %get3A_2068 = tpu.vector_load %arg7[%get3A_2066, %get3A_2067] {strides = array<i32>} : memref<4x128xf32, #tpu.memory_space<vmem>>, vector<1x16xf32>,
      %get3A_2069 = vector.shape_cast %get3A_2068 : vector<1x16xf32> to vector<16xf32>
      %add3A_2070 = arith.addf %get3A_2028, %get3A_2069 : vector<16xf32>
      %swap3A_2071 = arith.constant 19 : i32
      %swap3A_2072 = arith.index_cast %swap3A_2071 : i32 to index
      %swap3A_2073 = arith.constant 64 : index
      %swap3A_2074 = tpu.vector_load %arg8[%swap3A_2072, %swap3A_2073] {strides = array<i32>} : memref<32x128xf32, #tpu.memory_space<vmem>>, vector<1x16xf32>,
      %swap3A_2075 = vector.shape_cast %swap3A_2074 : vector<1x16xf32> to vector<16xf32>
      %swap3A_2076 = vector.shape_cast %add3A_2070 : vector<16xf32> to vector<1x16xf32>
      tpu.vector_store %arg8[%swap3A_2072, %swap3A_2073], %swap3A_2076 {strides = array<i32>} : memref<32x128xf32, #tpu.memory_space<vmem>>, vector<1x16xf32>,
      %get3A_2077 = arith.constant 4 : i32
      %get3A_2078 = arith.index_cast %get3A_2077 : i32 to index
      %get3A_2079 = arith.constant 80 : index
      %get3A_2080 = tpu.vector_load %arg6[%get3A_2078, %get3A_2079] {strides = array<i32>} : memref<8x128xf32, #tpu.memory_space<vmem>>, vector<1x16xf32>,
      %get3A_2081 = vector.shape_cast %get3A_2080 : vector<1x16xf32> to vector<16xf32>
      %get3A_2082 = arith.constant 0 : i32
      %get3A_2083 = arith.index_cast %get3A_2082 : i32 to index
      %get3A_2084 = arith.constant 80 : index
      %get3A_2085 = tpu.vector_load %arg7[%get3A_2083, %get3A_2084] {strides = array<i32>} : memref<4x128xf32, #tpu.memory_space<vmem>>, vector<1x16xf32>,
      %get3A_2086 = vector.shape_cast %get3A_2085 : vector<1x16xf32> to vector<16xf32>
      %add3A_2087 = arith.addf %get3A_2081, %get3A_2086 : vector<16xf32>
      %swap3A_2088 = arith.constant 16 : i32
      %swap3A_2089 = arith.index_cast %swap3A_2088 : i32 to index
      %swap3A_2090 = arith.constant 80 : index
      %swap3A_2091 = tpu.vector_load %arg8[%swap3A_2089, %swap3A_2090] {strides = array<i32>} : memref<32x128xf32, #tpu.memory_space<vmem>>, vector<1x16xf32>,
      %swap3A_2092 = vector.shape_cast %swap3A_2091 : vector<1x16xf32> to vector<16xf32>
      %swap3A_2093 = vector.shape_cast %add3A_2087 : vector<16xf32> to vector<1x16xf32>
      tpu.vector_store %arg8[%swap3A_2089, %swap3A_2090], %swap3A_2093 {strides = array<i32>} : memref<32x128xf32, #tpu.memory_space<vmem>>, vector<1x16xf32>,
      %get3A_2094 = arith.constant 1 : i32
      %get3A_2095 = arith.index_cast %get3A_2094 : i32 to index
      %get3A_2096 = arith.constant 80 : index
      %get3A_2097 = tpu.vector_load %arg7[%get3A_2095, %get3A_2096] {strides = array<i32>} : memref<4x128xf32, #tpu.memory_space<vmem>>, vector<1x16xf32>,
      %get3A_2098 = vector.shape_cast %get3A_2097 : vector<1x16xf32> to vector<16xf32>
      %add3A_2099 = arith.addf %get3A_2081, %get3A_2098 : vector<16xf32>
      %swap3A_2100 = arith.constant 17 : i32
      %swap3A_2101 = arith.index_cast %swap3A_2100 : i32 to index
      %swap3A_2102 = arith.constant 80 : index
      %swap3A_2103 = tpu.vector_load %arg8[%swap3A_2101, %swap3A_2102] {strides = array<i32>} : memref<32x128xf32, #tpu.memory_space<vmem>>, vector<1x16xf32>,
      %swap3A_2104 = vector.shape_cast %swap3A_2103 : vector<1x16xf32> to vector<16xf32>
      %swap3A_2105 = vector.shape_cast %add3A_2099 : vector<16xf32> to vector<1x16xf32>
      tpu.vector_store %arg8[%swap3A_2101, %swap3A_2102], %swap3A_2105 {strides = array<i32>} : memref<32x128xf32, #tpu.memory_space<vmem>>, vector<1x16xf32>,
      %get3A_2106 = arith.constant 2 : i32
      %get3A_2107 = arith.index_cast %get3A_2106 : i32 to index
      %get3A_2108 = arith.constant 80 : index
      %get3A_2109 = tpu.vector_load %arg7[%get3A_2107, %get3A_2108] {strides = array<i32>} : memref<4x128xf32, #tpu.memory_space<vmem>>, vector<1x16xf32>,
      %get3A_2110 = vector.shape_cast %get3A_2109 : vector<1x16xf32> to vector<16xf32>
      %add3A_2111 = arith.addf %get3A_2081, %get3A_2110 : vector<16xf32>
      %swap3A_2112 = arith.constant 18 : i32
      %swap3A_2113 = arith.index_cast %swap3A_2112 : i32 to index
      %swap3A_2114 = arith.constant 80 : index
      %swap3A_2115 = tpu.vector_load %arg8[%swap3A_2113, %swap3A_2114] {strides = array<i32>} : memref<32x128xf32, #tpu.memory_space<vmem>>, vector<1x16xf32>,
      %swap3A_2116 = vector.shape_cast %swap3A_2115 : vector<1x16xf32> to vector<16xf32>
      %swap3A_2117 = vector.shape_cast %add3A_2111 : vector<16xf32> to vector<1x16xf32>
      tpu.vector_store %arg8[%swap3A_2113, %swap3A_2114], %swap3A_2117 {strides = array<i32>} : memref<32x128xf32, #tpu.memory_space<vmem>>, vector<1x16xf32>,
      %get3A_2118 = arith.constant 3 : i32
      %get3A_2119 = arith.index_cast %get3A_2118 : i32 to index
      %get3A_2120 = arith.constant 80 : index
      %get3A_2121 = tpu.vector_load %arg7[%get3A_2119, %get3A_2120] {strides = array<i32>} : memref<4x128xf32, #tpu.memory_space<vmem>>, vector<1x16xf32>,
      %get3A_2122 = vector.shape_cast %get3A_2121 : vector<1x16xf32> to vector<16xf32>
      %add3A_2123 = arith.addf %get3A_2081, %get3A_2122 : vector<16xf32>
      %swap3A_2124 = arith.constant 19 : i32
      %swap3A_2125 = arith.index_cast %swap3A_2124 : i32 to index
      %swap3A_2126 = arith.constant 80 : index
      %swap3A_2127 = tpu.vector_load %arg8[%swap3A_2125, %swap3A_2126] {strides = array<i32>} : memref<32x128xf32, #tpu.memory_space<vmem>>, vector<1x16xf32>,
      %swap3A_2128 = vector.shape_cast %swap3A_2127 : vector<1x16xf32> to vector<16xf32>
      %swap3A_2129 = vector.shape_cast %add3A_2123 : vector<16xf32> to vector<1x16xf32>
      tpu.vector_store %arg8[%swap3A_2125, %swap3A_2126], %swap3A_2129 {strides = array<i32>} : memref<32x128xf32, #tpu.memory_space<vmem>>, vector<1x16xf32>,
      %get3A_2130 = arith.constant 4 : i32
      %get3A_2131 = arith.index_cast %get3A_2130 : i32 to index
      %get3A_2132 = arith.constant 96 : index
      %get3A_2133 = tpu.vector_load %arg6[%get3A_2131, %get3A_2132] {strides = array<i32>} : memref<8x128xf32, #tpu.memory_space<vmem>>, vector<1x16xf32>,
      %get3A_2134 = vector.shape_cast %get3A_2133 : vector<1x16xf32> to vector<16xf32>
      %get3A_2135 = arith.constant 0 : i32
      %get3A_2136 = arith.index_cast %get3A_2135 : i32 to index
      %get3A_2137 = arith.constant 96 : index
      %get3A_2138 = tpu.vector_load %arg7[%get3A_2136, %get3A_2137] {strides = array<i32>} : memref<4x128xf32, #tpu.memory_space<vmem>>, vector<1x16xf32>,
      %get3A_2139 = vector.shape_cast %get3A_2138 : vector<1x16xf32> to vector<16xf32>
      %add3A_2140 = arith.addf %get3A_2134, %get3A_2139 : vector<16xf32>
      %swap3A_2141 = arith.constant 16 : i32
      %swap3A_2142 = arith.index_cast %swap3A_2141 : i32 to index
      %swap3A_2143 = arith.constant 96 : index
      %swap3A_2144 = tpu.vector_load %arg8[%swap3A_2142, %swap3A_2143] {strides = array<i32>} : memref<32x128xf32, #tpu.memory_space<vmem>>, vector<1x16xf32>,
      %swap3A_2145 = vector.shape_cast %swap3A_2144 : vector<1x16xf32> to vector<16xf32>
      %swap3A_2146 = vector.shape_cast %add3A_2140 : vector<16xf32> to vector<1x16xf32>
      tpu.vector_store %arg8[%swap3A_2142, %swap3A_2143], %swap3A_2146 {strides = array<i32>} : memref<32x128xf32, #tpu.memory_space<vmem>>, vector<1x16xf32>,
      %get3A_2147 = arith.constant 1 : i32
      %get3A_2148 = arith.index_cast %get3A_2147 : i32 to index
      %get3A_2149 = arith.constant 96 : index
      %get3A_2150 = tpu.vector_load %arg7[%get3A_2148, %get3A_2149] {strides = array<i32>} : memref<4x128xf32, #tpu.memory_space<vmem>>, vector<1x16xf32>,
      %get3A_2151 = vector.shape_cast %get3A_2150 : vector<1x16xf32> to vector<16xf32>
      %add3A_2152 = arith.addf %get3A_2134, %get3A_2151 : vector<16xf32>
      %swap3A_2153 = arith.constant 17 : i32
      %swap3A_2154 = arith.index_cast %swap3A_2153 : i32 to index
      %swap3A_2155 = arith.constant 96 : index
      %swap3A_2156 = tpu.vector_load %arg8[%swap3A_2154, %swap3A_2155] {strides = array<i32>} : memref<32x128xf32, #tpu.memory_space<vmem>>, vector<1x16xf32>,
      %swap3A_2157 = vector.shape_cast %swap3A_2156 : vector<1x16xf32> to vector<16xf32>
      %swap3A_2158 = vector.shape_cast %add3A_2152 : vector<16xf32> to vector<1x16xf32>
      tpu.vector_store %arg8[%swap3A_2154, %swap3A_2155], %swap3A_2158 {strides = array<i32>} : memref<32x128xf32, #tpu.memory_space<vmem>>, vector<1x16xf32>,
      %get3A_2159 = arith.constant 2 : i32
      %get3A_2160 = arith.index_cast %get3A_2159 : i32 to index
      %get3A_2161 = arith.constant 96 : index
      %get3A_2162 = tpu.vector_load %arg7[%get3A_2160, %get3A_2161] {strides = array<i32>} : memref<4x128xf32, #tpu.memory_space<vmem>>, vector<1x16xf32>,
      %get3A_2163 = vector.shape_cast %get3A_2162 : vector<1x16xf32> to vector<16xf32>
      %add3A_2164 = arith.addf %get3A_2134, %get3A_2163 : vector<16xf32>
      %swap3A_2165 = arith.constant 18 : i32
      %swap3A_2166 = arith.index_cast %swap3A_2165 : i32 to index
      %swap3A_2167 = arith.constant 96 : index
      %swap3A_2168 = tpu.vector_load %arg8[%swap3A_2166, %swap3A_2167] {strides = array<i32>} : memref<32x128xf32, #tpu.memory_space<vmem>>, vector<1x16xf32>,
      %swap3A_2169 = vector.shape_cast %swap3A_2168 : vector<1x16xf32> to vector<16xf32>
      %swap3A_2170 = vector.shape_cast %add3A_2164 : vector<16xf32> to vector<1x16xf32>
      tpu.vector_store %arg8[%swap3A_2166, %swap3A_2167], %swap3A_2170 {strides = array<i32>} : memref<32x128xf32, #tpu.memory_space<vmem>>, vector<1x16xf32>,
      %get3A_2171 = arith.constant 3 : i32
      %get3A_2172 = arith.index_cast %get3A_2171 : i32 to index
      %get3A_2173 = arith.constant 96 : index
      %get3A_2174 = tpu.vector_load %arg7[%get3A_2172, %get3A_2173] {strides = array<i32>} : memref<4x128xf32, #tpu.memory_space<vmem>>, vector<1x16xf32>,
      %get3A_2175 = vector.shape_cast %get3A_2174 : vector<1x16xf32> to vector<16xf32>
      %add3A_2176 = arith.addf %get3A_2134, %get3A_2175 : vector<16xf32>
      %swap3A_2177 = arith.constant 19 : i32
      %swap3A_2178 = arith.index_cast %swap3A_2177 : i32 to index
      %swap3A_2179 = arith.constant 96 : index
      %swap3A_2180 = tpu.vector_load %arg8[%swap3A_2178, %swap3A_2179] {strides = array<i32>} : memref<32x128xf32, #tpu.memory_space<vmem>>, vector<1x16xf32>,
      %swap3A_2181 = vector.shape_cast %swap3A_2180 : vector<1x16xf32> to vector<16xf32>
      %swap3A_2182 = vector.shape_cast %add3A_2176 : vector<16xf32> to vector<1x16xf32>
      tpu.vector_store %arg8[%swap3A_2178, %swap3A_2179], %swap3A_2182 {strides = array<i32>} : memref<32x128xf32, #tpu.memory_space<vmem>>, vector<1x16xf32>,
      %get3A_2183 = arith.constant 4 : i32
      %get3A_2184 = arith.index_cast %get3A_2183 : i32 to index
      %get3A_2185 = arith.constant 112 : index
      %get3A_2186 = tpu.vector_load %arg6[%get3A_2184, %get3A_2185] {strides = array<i32>} : memref<8x128xf32, #tpu.memory_space<vmem>>, vector<1x16xf32>,
      %get3A_2187 = vector.shape_cast %get3A_2186 : vector<1x16xf32> to vector<16xf32>
      %get3A_2188 = arith.constant 0 : i32
      %get3A_2189 = arith.index_cast %get3A_2188 : i32 to index
      %get3A_2190 = arith.constant 112 : index
      %get3A_2191 = tpu.vector_load %arg7[%get3A_2189, %get3A_2190] {strides = array<i32>} : memref<4x128xf32, #tpu.memory_space<vmem>>, vector<1x16xf32>,
      %get3A_2192 = vector.shape_cast %get3A_2191 : vector<1x16xf32> to vector<16xf32>
      %add3A_2193 = arith.addf %get3A_2187, %get3A_2192 : vector<16xf32>
      %swap3A_2194 = arith.constant 16 : i32
      %swap3A_2195 = arith.index_cast %swap3A_2194 : i32 to index
      %swap3A_2196 = arith.constant 112 : index
      %swap3A_2197 = tpu.vector_load %arg8[%swap3A_2195, %swap3A_2196] {strides = array<i32>} : memref<32x128xf32, #tpu.memory_space<vmem>>, vector<1x16xf32>,
      %swap3A_2198 = vector.shape_cast %swap3A_2197 : vector<1x16xf32> to vector<16xf32>
      %swap3A_2199 = vector.shape_cast %add3A_2193 : vector<16xf32> to vector<1x16xf32>
      tpu.vector_store %arg8[%swap3A_2195, %swap3A_2196], %swap3A_2199 {strides = array<i32>} : memref<32x128xf32, #tpu.memory_space<vmem>>, vector<1x16xf32>,
      %get3A_2200 = arith.constant 1 : i32
      %get3A_2201 = arith.index_cast %get3A_2200 : i32 to index
      %get3A_2202 = arith.constant 112 : index
      %get3A_2203 = tpu.vector_load %arg7[%get3A_2201, %get3A_2202] {strides = array<i32>} : memref<4x128xf32, #tpu.memory_space<vmem>>, vector<1x16xf32>,
      %get3A_2204 = vector.shape_cast %get3A_2203 : vector<1x16xf32> to vector<16xf32>
      %add3A_2205 = arith.addf %get3A_2187, %get3A_2204 : vector<16xf32>
      %swap3A_2206 = arith.constant 17 : i32
      %swap3A_2207 = arith.index_cast %swap3A_2206 : i32 to index
      %swap3A_2208 = arith.constant 112 : index
      %swap3A_2209 = tpu.vector_load %arg8[%swap3A_2207, %swap3A_2208] {strides = array<i32>} : memref<32x128xf32, #tpu.memory_space<vmem>>, vector<1x16xf32>,
      %swap3A_2210 = vector.shape_cast %swap3A_2209 : vector<1x16xf32> to vector<16xf32>
      %swap3A_2211 = vector.shape_cast %add3A_2205 : vector<16xf32> to vector<1x16xf32>
      tpu.vector_store %arg8[%swap3A_2207, %swap3A_2208], %swap3A_2211 {strides = array<i32>} : memref<32x128xf32, #tpu.memory_space<vmem>>, vector<1x16xf32>,
      %get3A_2212 = arith.constant 2 : i32
      %get3A_2213 = arith.index_cast %get3A_2212 : i32 to index
      %get3A_2214 = arith.constant 112 : index
      %get3A_2215 = tpu.vector_load %arg7[%get3A_2213, %get3A_2214] {strides = array<i32>} : memref<4x128xf32, #tpu.memory_space<vmem>>, vector<1x16xf32>,
      %get3A_2216 = vector.shape_cast %get3A_2215 : vector<1x16xf32> to vector<16xf32>
      %add3A_2217 = arith.addf %get3A_2187, %get3A_2216 : vector<16xf32>
      %swap3A_2218 = arith.constant 18 : i32
      %swap3A_2219 = arith.index_cast %swap3A_2218 : i32 to index
      %swap3A_2220 = arith.constant 112 : index
      %swap3A_2221 = tpu.vector_load %arg8[%swap3A_2219, %swap3A_2220] {strides = array<i32>} : memref<32x128xf32, #tpu.memory_space<vmem>>, vector<1x16xf32>,
      %swap3A_2222 = vector.shape_cast %swap3A_2221 : vector<1x16xf32> to vector<16xf32>
      %swap3A_2223 = vector.shape_cast %add3A_2217 : vector<16xf32> to vector<1x16xf32>
      tpu.vector_store %arg8[%swap3A_2219, %swap3A_2220], %swap3A_2223 {strides = array<i32>} : memref<32x128xf32, #tpu.memory_space<vmem>>, vector<1x16xf32>,
      %get3A_2224 = arith.constant 3 : i32
      %get3A_2225 = arith.index_cast %get3A_2224 : i32 to index
      %get3A_2226 = arith.constant 112 : index
      %get3A_2227 = tpu.vector_load %arg7[%get3A_2225, %get3A_2226] {strides = array<i32>} : memref<4x128xf32, #tpu.memory_space<vmem>>, vector<1x16xf32>,
      %get3A_2228 = vector.shape_cast %get3A_2227 : vector<1x16xf32> to vector<16xf32>
      %add3A_2229 = arith.addf %get3A_2187, %get3A_2228 : vector<16xf32>
      %swap3A_2230 = arith.constant 19 : i32
      %swap3A_2231 = arith.index_cast %swap3A_2230 : i32 to index
      %swap3A_2232 = arith.constant 112 : index
      %swap3A_2233 = tpu.vector_load %arg8[%swap3A_2231, %swap3A_2232] {strides = array<i32>} : memref<32x128xf32, #tpu.memory_space<vmem>>, vector<1x16xf32>,
      %swap3A_2234 = vector.shape_cast %swap3A_2233 : vector<1x16xf32> to vector<16xf32>
      %swap3A_2235 = vector.shape_cast %add3A_2229 : vector<16xf32> to vector<1x16xf32>
      tpu.vector_store %arg8[%swap3A_2231, %swap3A_2232], %swap3A_2235 {strides = array<i32>} : memref<32x128xf32, #tpu.memory_space<vmem>>, vector<1x16xf32>,
      %get3A_2236 = arith.constant 5 : i32
      %get3A_2237 = arith.index_cast %get3A_2236 : i32 to index
      %get3A_2238 = arith.constant 0 : index
      %get3A_2239 = tpu.vector_load %arg6[%get3A_2237, %get3A_2238] {strides = array<i32>} : memref<8x128xf32, #tpu.memory_space<vmem>>, vector<1x16xf32>,
      %get3A_2240 = vector.shape_cast %get3A_2239 : vector<1x16xf32> to vector<16xf32>
      %get3A_2241 = arith.constant 0 : i32
      %get3A_2242 = arith.index_cast %get3A_2241 : i32 to index
      %get3A_2243 = arith.constant 0 : index
      %get3A_2244 = tpu.vector_load %arg7[%get3A_2242, %get3A_2243] {strides = array<i32>} : memref<4x128xf32, #tpu.memory_space<vmem>>, vector<1x16xf32>,
      %get3A_2245 = vector.shape_cast %get3A_2244 : vector<1x16xf32> to vector<16xf32>
      %add3A_2246 = arith.addf %get3A_2240, %get3A_2245 : vector<16xf32>
      %swap3A_2247 = arith.constant 20 : i32
      %swap3A_2248 = arith.index_cast %swap3A_2247 : i32 to index
      %swap3A_2249 = arith.constant 0 : index
      %swap3A_2250 = tpu.vector_load %arg8[%swap3A_2248, %swap3A_2249] {strides = array<i32>} : memref<32x128xf32, #tpu.memory_space<vmem>>, vector<1x16xf32>,
      %swap3A_2251 = vector.shape_cast %swap3A_2250 : vector<1x16xf32> to vector<16xf32>
      %swap3A_2252 = vector.shape_cast %add3A_2246 : vector<16xf32> to vector<1x16xf32>
      tpu.vector_store %arg8[%swap3A_2248, %swap3A_2249], %swap3A_2252 {strides = array<i32>} : memref<32x128xf32, #tpu.memory_space<vmem>>, vector<1x16xf32>,
      %get3A_2253 = arith.constant 1 : i32
      %get3A_2254 = arith.index_cast %get3A_2253 : i32 to index
      %get3A_2255 = arith.constant 0 : index
      %get3A_2256 = tpu.vector_load %arg7[%get3A_2254, %get3A_2255] {strides = array<i32>} : memref<4x128xf32, #tpu.memory_space<vmem>>, vector<1x16xf32>,
      %get3A_2257 = vector.shape_cast %get3A_2256 : vector<1x16xf32> to vector<16xf32>
      %add3A_2258 = arith.addf %get3A_2240, %get3A_2257 : vector<16xf32>
      %swap3A_2259 = arith.constant 21 : i32
      %swap3A_2260 = arith.index_cast %swap3A_2259 : i32 to index
      %swap3A_2261 = arith.constant 0 : index
      %swap3A_2262 = tpu.vector_load %arg8[%swap3A_2260, %swap3A_2261] {strides = array<i32>} : memref<32x128xf32, #tpu.memory_space<vmem>>, vector<1x16xf32>,
      %swap3A_2263 = vector.shape_cast %swap3A_2262 : vector<1x16xf32> to vector<16xf32>
      %swap3A_2264 = vector.shape_cast %add3A_2258 : vector<16xf32> to vector<1x16xf32>
      tpu.vector_store %arg8[%swap3A_2260, %swap3A_2261], %swap3A_2264 {strides = array<i32>} : memref<32x128xf32, #tpu.memory_space<vmem>>, vector<1x16xf32>,
      %get3A_2265 = arith.constant 2 : i32
      %get3A_2266 = arith.index_cast %get3A_2265 : i32 to index
      %get3A_2267 = arith.constant 0 : index
      %get3A_2268 = tpu.vector_load %arg7[%get3A_2266, %get3A_2267] {strides = array<i32>} : memref<4x128xf32, #tpu.memory_space<vmem>>, vector<1x16xf32>,
      %get3A_2269 = vector.shape_cast %get3A_2268 : vector<1x16xf32> to vector<16xf32>
      %add3A_2270 = arith.addf %get3A_2240, %get3A_2269 : vector<16xf32>
      %swap3A_2271 = arith.constant 22 : i32
      %swap3A_2272 = arith.index_cast %swap3A_2271 : i32 to index
      %swap3A_2273 = arith.constant 0 : index
      %swap3A_2274 = tpu.vector_load %arg8[%swap3A_2272, %swap3A_2273] {strides = array<i32>} : memref<32x128xf32, #tpu.memory_space<vmem>>, vector<1x16xf32>,
      %swap3A_2275 = vector.shape_cast %swap3A_2274 : vector<1x16xf32> to vector<16xf32>
      %swap3A_2276 = vector.shape_cast %add3A_2270 : vector<16xf32> to vector<1x16xf32>
      tpu.vector_store %arg8[%swap3A_2272, %swap3A_2273], %swap3A_2276 {strides = array<i32>} : memref<32x128xf32, #tpu.memory_space<vmem>>, vector<1x16xf32>,
      %get3A_2277 = arith.constant 3 : i32
      %get3A_2278 = arith.index_cast %get3A_2277 : i32 to index
      %get3A_2279 = arith.constant 0 : index
      %get3A_2280 = tpu.vector_load %arg7[%get3A_2278, %get3A_2279] {strides = array<i32>} : memref<4x128xf32, #tpu.memory_space<vmem>>, vector<1x16xf32>,
      %get3A_2281 = vector.shape_cast %get3A_2280 : vector<1x16xf32> to vector<16xf32>
      %add3A_2282 = arith.addf %get3A_2240, %get3A_2281 : vector<16xf32>
      %swap3A_2283 = arith.constant 23 : i32
      %swap3A_2284 = arith.index_cast %swap3A_2283 : i32 to index
      %swap3A_2285 = arith.constant 0 : index
      %swap3A_2286 = tpu.vector_load %arg8[%swap3A_2284, %swap3A_2285] {strides = array<i32>} : memref<32x128xf32, #tpu.memory_space<vmem>>, vector<1x16xf32>,
      %swap3A_2287 = vector.shape_cast %swap3A_2286 : vector<1x16xf32> to vector<16xf32>
      %swap3A_2288 = vector.shape_cast %add3A_2282 : vector<16xf32> to vector<1x16xf32>
      tpu.vector_store %arg8[%swap3A_2284, %swap3A_2285], %swap3A_2288 {strides = array<i32>} : memref<32x128xf32, #tpu.memory_space<vmem>>, vector<1x16xf32>,
      %get3A_2289 = arith.constant 5 : i32
      %get3A_2290 = arith.index_cast %get3A_2289 : i32 to index
      %get3A_2291 = arith.constant 16 : index
      %get3A_2292 = tpu.vector_load %arg6[%get3A_2290, %get3A_2291] {strides = array<i32>} : memref<8x128xf32, #tpu.memory_space<vmem>>, vector<1x16xf32>,
      %get3A_2293 = vector.shape_cast %get3A_2292 : vector<1x16xf32> to vector<16xf32>
      %get3A_2294 = arith.constant 0 : i32
      %get3A_2295 = arith.index_cast %get3A_2294 : i32 to index
      %get3A_2296 = arith.constant 16 : index
      %get3A_2297 = tpu.vector_load %arg7[%get3A_2295, %get3A_2296] {strides = array<i32>} : memref<4x128xf32, #tpu.memory_space<vmem>>, vector<1x16xf32>,
      %get3A_2298 = vector.shape_cast %get3A_2297 : vector<1x16xf32> to vector<16xf32>
      %add3A_2299 = arith.addf %get3A_2293, %get3A_2298 : vector<16xf32>
      %swap3A_2300 = arith.constant 20 : i32
      %swap3A_2301 = arith.index_cast %swap3A_2300 : i32 to index
      %swap3A_2302 = arith.constant 16 : index
      %swap3A_2303 = tpu.vector_load %arg8[%swap3A_2301, %swap3A_2302] {strides = array<i32>} : memref<32x128xf32, #tpu.memory_space<vmem>>, vector<1x16xf32>,
      %swap3A_2304 = vector.shape_cast %swap3A_2303 : vector<1x16xf32> to vector<16xf32>
      %swap3A_2305 = vector.shape_cast %add3A_2299 : vector<16xf32> to vector<1x16xf32>
      tpu.vector_store %arg8[%swap3A_2301, %swap3A_2302], %swap3A_2305 {strides = array<i32>} : memref<32x128xf32, #tpu.memory_space<vmem>>, vector<1x16xf32>,
      %get3A_2306 = arith.constant 1 : i32
      %get3A_2307 = arith.index_cast %get3A_2306 : i32 to index
      %get3A_2308 = arith.constant 16 : index
      %get3A_2309 = tpu.vector_load %arg7[%get3A_2307, %get3A_2308] {strides = array<i32>} : memref<4x128xf32, #tpu.memory_space<vmem>>, vector<1x16xf32>,
      %get3A_2310 = vector.shape_cast %get3A_2309 : vector<1x16xf32> to vector<16xf32>
      %add3A_2311 = arith.addf %get3A_2293, %get3A_2310 : vector<16xf32>
      %swap3A_2312 = arith.constant 21 : i32
      %swap3A_2313 = arith.index_cast %swap3A_2312 : i32 to index
      %swap3A_2314 = arith.constant 16 : index
      %swap3A_2315 = tpu.vector_load %arg8[%swap3A_2313, %swap3A_2314] {strides = array<i32>} : memref<32x128xf32, #tpu.memory_space<vmem>>, vector<1x16xf32>,
      %swap3A_2316 = vector.shape_cast %swap3A_2315 : vector<1x16xf32> to vector<16xf32>
      %swap3A_2317 = vector.shape_cast %add3A_2311 : vector<16xf32> to vector<1x16xf32>
      tpu.vector_store %arg8[%swap3A_2313, %swap3A_2314], %swap3A_2317 {strides = array<i32>} : memref<32x128xf32, #tpu.memory_space<vmem>>, vector<1x16xf32>,
      %get3A_2318 = arith.constant 2 : i32
      %get3A_2319 = arith.index_cast %get3A_2318 : i32 to index
      %get3A_2320 = arith.constant 16 : index
      %get3A_2321 = tpu.vector_load %arg7[%get3A_2319, %get3A_2320] {strides = array<i32>} : memref<4x128xf32, #tpu.memory_space<vmem>>, vector<1x16xf32>,
      %get3A_2322 = vector.shape_cast %get3A_2321 : vector<1x16xf32> to vector<16xf32>
      %add3A_2323 = arith.addf %get3A_2293, %get3A_2322 : vector<16xf32>
      %swap3A_2324 = arith.constant 22 : i32
      %swap3A_2325 = arith.index_cast %swap3A_2324 : i32 to index
      %swap3A_2326 = arith.constant 16 : index
      %swap3A_2327 = tpu.vector_load %arg8[%swap3A_2325, %swap3A_2326] {strides = array<i32>} : memref<32x128xf32, #tpu.memory_space<vmem>>, vector<1x16xf32>,
      %swap3A_2328 = vector.shape_cast %swap3A_2327 : vector<1x16xf32> to vector<16xf32>
      %swap3A_2329 = vector.shape_cast %add3A_2323 : vector<16xf32> to vector<1x16xf32>
      tpu.vector_store %arg8[%swap3A_2325, %swap3A_2326], %swap3A_2329 {strides = array<i32>} : memref<32x128xf32, #tpu.memory_space<vmem>>, vector<1x16xf32>,
      %get3A_2330 = arith.constant 3 : i32
      %get3A_2331 = arith.index_cast %get3A_2330 : i32 to index
      %get3A_2332 = arith.constant 16 : index
      %get3A_2333 = tpu.vector_load %arg7[%get3A_2331, %get3A_2332] {strides = array<i32>} : memref<4x128xf32, #tpu.memory_space<vmem>>, vector<1x16xf32>,
      %get3A_2334 = vector.shape_cast %get3A_2333 : vector<1x16xf32> to vector<16xf32>
      %add3A_2335 = arith.addf %get3A_2293, %get3A_2334 : vector<16xf32>
      %swap3A_2336 = arith.constant 23 : i32
      %swap3A_2337 = arith.index_cast %swap3A_2336 : i32 to index
      %swap3A_2338 = arith.constant 16 : index
      %swap3A_2339 = tpu.vector_load %arg8[%swap3A_2337, %swap3A_2338] {strides = array<i32>} : memref<32x128xf32, #tpu.memory_space<vmem>>, vector<1x16xf32>,
      %swap3A_2340 = vector.shape_cast %swap3A_2339 : vector<1x16xf32> to vector<16xf32>
      %swap3A_2341 = vector.shape_cast %add3A_2335 : vector<16xf32> to vector<1x16xf32>
      tpu.vector_store %arg8[%swap3A_2337, %swap3A_2338], %swap3A_2341 {strides = array<i32>} : memref<32x128xf32, #tpu.memory_space<vmem>>, vector<1x16xf32>,
      %get3A_2342 = arith.constant 5 : i32
      %get3A_2343 = arith.index_cast %get3A_2342 : i32 to index
      %get3A_2344 = arith.constant 32 : index
      %get3A_2345 = tpu.vector_load %arg6[%get3A_2343, %get3A_2344] {strides = array<i32>} : memref<8x128xf32, #tpu.memory_space<vmem>>, vector<1x16xf32>,
      %get3A_2346 = vector.shape_cast %get3A_2345 : vector<1x16xf32> to vector<16xf32>
      %get3A_2347 = arith.constant 0 : i32
      %get3A_2348 = arith.index_cast %get3A_2347 : i32 to index
      %get3A_2349 = arith.constant 32 : index
      %get3A_2350 = tpu.vector_load %arg7[%get3A_2348, %get3A_2349] {strides = array<i32>} : memref<4x128xf32, #tpu.memory_space<vmem>>, vector<1x16xf32>,
      %get3A_2351 = vector.shape_cast %get3A_2350 : vector<1x16xf32> to vector<16xf32>
      %add3A_2352 = arith.addf %get3A_2346, %get3A_2351 : vector<16xf32>
      %swap3A_2353 = arith.constant 20 : i32
      %swap3A_2354 = arith.index_cast %swap3A_2353 : i32 to index
      %swap3A_2355 = arith.constant 32 : index
      %swap3A_2356 = tpu.vector_load %arg8[%swap3A_2354, %swap3A_2355] {strides = array<i32>} : memref<32x128xf32, #tpu.memory_space<vmem>>, vector<1x16xf32>,
      %swap3A_2357 = vector.shape_cast %swap3A_2356 : vector<1x16xf32> to vector<16xf32>
      %swap3A_2358 = vector.shape_cast %add3A_2352 : vector<16xf32> to vector<1x16xf32>
      tpu.vector_store %arg8[%swap3A_2354, %swap3A_2355], %swap3A_2358 {strides = array<i32>} : memref<32x128xf32, #tpu.memory_space<vmem>>, vector<1x16xf32>,
      %get3A_2359 = arith.constant 1 : i32
      %get3A_2360 = arith.index_cast %get3A_2359 : i32 to index
      %get3A_2361 = arith.constant 32 : index
      %get3A_2362 = tpu.vector_load %arg7[%get3A_2360, %get3A_2361] {strides = array<i32>} : memref<4x128xf32, #tpu.memory_space<vmem>>, vector<1x16xf32>,
      %get3A_2363 = vector.shape_cast %get3A_2362 : vector<1x16xf32> to vector<16xf32>
      %add3A_2364 = arith.addf %get3A_2346, %get3A_2363 : vector<16xf32>
      %swap3A_2365 = arith.constant 21 : i32
      %swap3A_2366 = arith.index_cast %swap3A_2365 : i32 to index
      %swap3A_2367 = arith.constant 32 : index
      %swap3A_2368 = tpu.vector_load %arg8[%swap3A_2366, %swap3A_2367] {strides = array<i32>} : memref<32x128xf32, #tpu.memory_space<vmem>>, vector<1x16xf32>,
      %swap3A_2369 = vector.shape_cast %swap3A_2368 : vector<1x16xf32> to vector<16xf32>
      %swap3A_2370 = vector.shape_cast %add3A_2364 : vector<16xf32> to vector<1x16xf32>
      tpu.vector_store %arg8[%swap3A_2366, %swap3A_2367], %swap3A_2370 {strides = array<i32>} : memref<32x128xf32, #tpu.memory_space<vmem>>, vector<1x16xf32>,
      %get3A_2371 = arith.constant 2 : i32
      %get3A_2372 = arith.index_cast %get3A_2371 : i32 to index
      %get3A_2373 = arith.constant 32 : index
      %get3A_2374 = tpu.vector_load %arg7[%get3A_2372, %get3A_2373] {strides = array<i32>} : memref<4x128xf32, #tpu.memory_space<vmem>>, vector<1x16xf32>,
      %get3A_2375 = vector.shape_cast %get3A_2374 : vector<1x16xf32> to vector<16xf32>
      %add3A_2376 = arith.addf %get3A_2346, %get3A_2375 : vector<16xf32>
      %swap3A_2377 = arith.constant 22 : i32
      %swap3A_2378 = arith.index_cast %swap3A_2377 : i32 to index
      %swap3A_2379 = arith.constant 32 : index
      %swap3A_2380 = tpu.vector_load %arg8[%swap3A_2378, %swap3A_2379] {strides = array<i32>} : memref<32x128xf32, #tpu.memory_space<vmem>>, vector<1x16xf32>,
      %swap3A_2381 = vector.shape_cast %swap3A_2380 : vector<1x16xf32> to vector<16xf32>
      %swap3A_2382 = vector.shape_cast %add3A_2376 : vector<16xf32> to vector<1x16xf32>
      tpu.vector_store %arg8[%swap3A_2378, %swap3A_2379], %swap3A_2382 {strides = array<i32>} : memref<32x128xf32, #tpu.memory_space<vmem>>, vector<1x16xf32>,
      %get3A_2383 = arith.constant 3 : i32
      %get3A_2384 = arith.index_cast %get3A_2383 : i32 to index
      %get3A_2385 = arith.constant 32 : index
      %get3A_2386 = tpu.vector_load %arg7[%get3A_2384, %get3A_2385] {strides = array<i32>} : memref<4x128xf32, #tpu.memory_space<vmem>>, vector<1x16xf32>,
      %get3A_2387 = vector.shape_cast %get3A_2386 : vector<1x16xf32> to vector<16xf32>
      %add3A_2388 = arith.addf %get3A_2346, %get3A_2387 : vector<16xf32>
      %swap3A_2389 = arith.constant 23 : i32
      %swap3A_2390 = arith.index_cast %swap3A_2389 : i32 to index
      %swap3A_2391 = arith.constant 32 : index
      %swap3A_2392 = tpu.vector_load %arg8[%swap3A_2390, %swap3A_2391] {strides = array<i32>} : memref<32x128xf32, #tpu.memory_space<vmem>>, vector<1x16xf32>,
      %swap3A_2393 = vector.shape_cast %swap3A_2392 : vector<1x16xf32> to vector<16xf32>
      %swap3A_2394 = vector.shape_cast %add3A_2388 : vector<16xf32> to vector<1x16xf32>
      tpu.vector_store %arg8[%swap3A_2390, %swap3A_2391], %swap3A_2394 {strides = array<i32>} : memref<32x128xf32, #tpu.memory_space<vmem>>, vector<1x16xf32>,
      %get3A_2395 = arith.constant 5 : i32
      %get3A_2396 = arith.index_cast %get3A_2395 : i32 to index
      %get3A_2397 = arith.constant 48 : index
      %get3A_2398 = tpu.vector_load %arg6[%get3A_2396, %get3A_2397] {strides = array<i32>} : memref<8x128xf32, #tpu.memory_space<vmem>>, vector<1x16xf32>,
      %get3A_2399 = vector.shape_cast %get3A_2398 : vector<1x16xf32> to vector<16xf32>
      %get3A_2400 = arith.constant 0 : i32
      %get3A_2401 = arith.index_cast %get3A_2400 : i32 to index
      %get3A_2402 = arith.constant 48 : index
      %get3A_2403 = tpu.vector_load %arg7[%get3A_2401, %get3A_2402] {strides = array<i32>} : memref<4x128xf32, #tpu.memory_space<vmem>>, vector<1x16xf32>,
      %get3A_2404 = vector.shape_cast %get3A_2403 : vector<1x16xf32> to vector<16xf32>
      %add3A_2405 = arith.addf %get3A_2399, %get3A_2404 : vector<16xf32>
      %swap3A_2406 = arith.constant 20 : i32
      %swap3A_2407 = arith.index_cast %swap3A_2406 : i32 to index
      %swap3A_2408 = arith.constant 48 : index
      %swap3A_2409 = tpu.vector_load %arg8[%swap3A_2407, %swap3A_2408] {strides = array<i32>} : memref<32x128xf32, #tpu.memory_space<vmem>>, vector<1x16xf32>,
      %swap3A_2410 = vector.shape_cast %swap3A_2409 : vector<1x16xf32> to vector<16xf32>
      %swap3A_2411 = vector.shape_cast %add3A_2405 : vector<16xf32> to vector<1x16xf32>
      tpu.vector_store %arg8[%swap3A_2407, %swap3A_2408], %swap3A_2411 {strides = array<i32>} : memref<32x128xf32, #tpu.memory_space<vmem>>, vector<1x16xf32>,
      %get3A_2412 = arith.constant 1 : i32
      %get3A_2413 = arith.index_cast %get3A_2412 : i32 to index
      %get3A_2414 = arith.constant 48 : index
      %get3A_2415 = tpu.vector_load %arg7[%get3A_2413, %get3A_2414] {strides = array<i32>} : memref<4x128xf32, #tpu.memory_space<vmem>>, vector<1x16xf32>,
      %get3A_2416 = vector.shape_cast %get3A_2415 : vector<1x16xf32> to vector<16xf32>
      %add3A_2417 = arith.addf %get3A_2399, %get3A_2416 : vector<16xf32>
      %swap3A_2418 = arith.constant 21 : i32
      %swap3A_2419 = arith.index_cast %swap3A_2418 : i32 to index
      %swap3A_2420 = arith.constant 48 : index
      %swap3A_2421 = tpu.vector_load %arg8[%swap3A_2419, %swap3A_2420] {strides = array<i32>} : memref<32x128xf32, #tpu.memory_space<vmem>>, vector<1x16xf32>,
      %swap3A_2422 = vector.shape_cast %swap3A_2421 : vector<1x16xf32> to vector<16xf32>
      %swap3A_2423 = vector.shape_cast %add3A_2417 : vector<16xf32> to vector<1x16xf32>
      tpu.vector_store %arg8[%swap3A_2419, %swap3A_2420], %swap3A_2423 {strides = array<i32>} : memref<32x128xf32, #tpu.memory_space<vmem>>, vector<1x16xf32>,
      %get3A_2424 = arith.constant 2 : i32
      %get3A_2425 = arith.index_cast %get3A_2424 : i32 to index
      %get3A_2426 = arith.constant 48 : index
      %get3A_2427 = tpu.vector_load %arg7[%get3A_2425, %get3A_2426] {strides = array<i32>} : memref<4x128xf32, #tpu.memory_space<vmem>>, vector<1x16xf32>,
      %get3A_2428 = vector.shape_cast %get3A_2427 : vector<1x16xf32> to vector<16xf32>
      %add3A_2429 = arith.addf %get3A_2399, %get3A_2428 : vector<16xf32>
      %swap3A_2430 = arith.constant 22 : i32
      %swap3A_2431 = arith.index_cast %swap3A_2430 : i32 to index
      %swap3A_2432 = arith.constant 48 : index
      %swap3A_2433 = tpu.vector_load %arg8[%swap3A_2431, %swap3A_2432] {strides = array<i32>} : memref<32x128xf32, #tpu.memory_space<vmem>>, vector<1x16xf32>,
      %swap3A_2434 = vector.shape_cast %swap3A_2433 : vector<1x16xf32> to vector<16xf32>
      %swap3A_2435 = vector.shape_cast %add3A_2429 : vector<16xf32> to vector<1x16xf32>
      tpu.vector_store %arg8[%swap3A_2431, %swap3A_2432], %swap3A_2435 {strides = array<i32>} : memref<32x128xf32, #tpu.memory_space<vmem>>, vector<1x16xf32>,
      %get3A_2436 = arith.constant 3 : i32
      %get3A_2437 = arith.index_cast %get3A_2436 : i32 to index
      %get3A_2438 = arith.constant 48 : index
      %get3A_2439 = tpu.vector_load %arg7[%get3A_2437, %get3A_2438] {strides = array<i32>} : memref<4x128xf32, #tpu.memory_space<vmem>>, vector<1x16xf32>,
      %get3A_2440 = vector.shape_cast %get3A_2439 : vector<1x16xf32> to vector<16xf32>
      %add3A_2441 = arith.addf %get3A_2399, %get3A_2440 : vector<16xf32>
      %swap3A_2442 = arith.constant 23 : i32
      %swap3A_2443 = arith.index_cast %swap3A_2442 : i32 to index
      %swap3A_2444 = arith.constant 48 : index
      %swap3A_2445 = tpu.vector_load %arg8[%swap3A_2443, %swap3A_2444] {strides = array<i32>} : memref<32x128xf32, #tpu.memory_space<vmem>>, vector<1x16xf32>,
      %swap3A_2446 = vector.shape_cast %swap3A_2445 : vector<1x16xf32> to vector<16xf32>
      %swap3A_2447 = vector.shape_cast %add3A_2441 : vector<16xf32> to vector<1x16xf32>
      tpu.vector_store %arg8[%swap3A_2443, %swap3A_2444], %swap3A_2447 {strides = array<i32>} : memref<32x128xf32, #tpu.memory_space<vmem>>, vector<1x16xf32>,
      %get3A_2448 = arith.constant 5 : i32
      %get3A_2449 = arith.index_cast %get3A_2448 : i32 to index
      %get3A_2450 = arith.constant 64 : index
      %get3A_2451 = tpu.vector_load %arg6[%get3A_2449, %get3A_2450] {strides = array<i32>} : memref<8x128xf32, #tpu.memory_space<vmem>>, vector<1x16xf32>,
      %get3A_2452 = vector.shape_cast %get3A_2451 : vector<1x16xf32> to vector<16xf32>
      %get3A_2453 = arith.constant 0 : i32
      %get3A_2454 = arith.index_cast %get3A_2453 : i32 to index
      %get3A_2455 = arith.constant 64 : index
      %get3A_2456 = tpu.vector_load %arg7[%get3A_2454, %get3A_2455] {strides = array<i32>} : memref<4x128xf32, #tpu.memory_space<vmem>>, vector<1x16xf32>,
      %get3A_2457 = vector.shape_cast %get3A_2456 : vector<1x16xf32> to vector<16xf32>
      %add3A_2458 = arith.addf %get3A_2452, %get3A_2457 : vector<16xf32>
      %swap3A_2459 = arith.constant 20 : i32
      %swap3A_2460 = arith.index_cast %swap3A_2459 : i32 to index
      %swap3A_2461 = arith.constant 64 : index
      %swap3A_2462 = tpu.vector_load %arg8[%swap3A_2460, %swap3A_2461] {strides = array<i32>} : memref<32x128xf32, #tpu.memory_space<vmem>>, vector<1x16xf32>,
      %swap3A_2463 = vector.shape_cast %swap3A_2462 : vector<1x16xf32> to vector<16xf32>
      %swap3A_2464 = vector.shape_cast %add3A_2458 : vector<16xf32> to vector<1x16xf32>
      tpu.vector_store %arg8[%swap3A_2460, %swap3A_2461], %swap3A_2464 {strides = array<i32>} : memref<32x128xf32, #tpu.memory_space<vmem>>, vector<1x16xf32>,
      %get3A_2465 = arith.constant 1 : i32
      %get3A_2466 = arith.index_cast %get3A_2465 : i32 to index
      %get3A_2467 = arith.constant 64 : index
      %get3A_2468 = tpu.vector_load %arg7[%get3A_2466, %get3A_2467] {strides = array<i32>} : memref<4x128xf32, #tpu.memory_space<vmem>>, vector<1x16xf32>,
      %get3A_2469 = vector.shape_cast %get3A_2468 : vector<1x16xf32> to vector<16xf32>
      %add3A_2470 = arith.addf %get3A_2452, %get3A_2469 : vector<16xf32>
      %swap3A_2471 = arith.constant 21 : i32
      %swap3A_2472 = arith.index_cast %swap3A_2471 : i32 to index
      %swap3A_2473 = arith.constant 64 : index
      %swap3A_2474 = tpu.vector_load %arg8[%swap3A_2472, %swap3A_2473] {strides = array<i32>} : memref<32x128xf32, #tpu.memory_space<vmem>>, vector<1x16xf32>,
      %swap3A_2475 = vector.shape_cast %swap3A_2474 : vector<1x16xf32> to vector<16xf32>
      %swap3A_2476 = vector.shape_cast %add3A_2470 : vector<16xf32> to vector<1x16xf32>
      tpu.vector_store %arg8[%swap3A_2472, %swap3A_2473], %swap3A_2476 {strides = array<i32>} : memref<32x128xf32, #tpu.memory_space<vmem>>, vector<1x16xf32>,
      %get3A_2477 = arith.constant 2 : i32
      %get3A_2478 = arith.index_cast %get3A_2477 : i32 to index
      %get3A_2479 = arith.constant 64 : index
      %get3A_2480 = tpu.vector_load %arg7[%get3A_2478, %get3A_2479] {strides = array<i32>} : memref<4x128xf32, #tpu.memory_space<vmem>>, vector<1x16xf32>,
      %get3A_2481 = vector.shape_cast %get3A_2480 : vector<1x16xf32> to vector<16xf32>
      %add3A_2482 = arith.addf %get3A_2452, %get3A_2481 : vector<16xf32>
      %swap3A_2483 = arith.constant 22 : i32
      %swap3A_2484 = arith.index_cast %swap3A_2483 : i32 to index
      %swap3A_2485 = arith.constant 64 : index
      %swap3A_2486 = tpu.vector_load %arg8[%swap3A_2484, %swap3A_2485] {strides = array<i32>} : memref<32x128xf32, #tpu.memory_space<vmem>>, vector<1x16xf32>,
      %swap3A_2487 = vector.shape_cast %swap3A_2486 : vector<1x16xf32> to vector<16xf32>
      %swap3A_2488 = vector.shape_cast %add3A_2482 : vector<16xf32> to vector<1x16xf32>
      tpu.vector_store %arg8[%swap3A_2484, %swap3A_2485], %swap3A_2488 {strides = array<i32>} : memref<32x128xf32, #tpu.memory_space<vmem>>, vector<1x16xf32>,
      %get3A_2489 = arith.constant 3 : i32
      %get3A_2490 = arith.index_cast %get3A_2489 : i32 to index
      %get3A_2491 = arith.constant 64 : index
      %get3A_2492 = tpu.vector_load %arg7[%get3A_2490, %get3A_2491] {strides = array<i32>} : memref<4x128xf32, #tpu.memory_space<vmem>>, vector<1x16xf32>,
      %get3A_2493 = vector.shape_cast %get3A_2492 : vector<1x16xf32> to vector<16xf32>
      %add3A_2494 = arith.addf %get3A_2452, %get3A_2493 : vector<16xf32>
      %swap3A_2495 = arith.constant 23 : i32
      %swap3A_2496 = arith.index_cast %swap3A_2495 : i32 to index
      %swap3A_2497 = arith.constant 64 : index
      %swap3A_2498 = tpu.vector_load %arg8[%swap3A_2496, %swap3A_2497] {strides = array<i32>} : memref<32x128xf32, #tpu.memory_space<vmem>>, vector<1x16xf32>,
      %swap3A_2499 = vector.shape_cast %swap3A_2498 : vector<1x16xf32> to vector<16xf32>
      %swap3A_2500 = vector.shape_cast %add3A_2494 : vector<16xf32> to vector<1x16xf32>
      tpu.vector_store %arg8[%swap3A_2496, %swap3A_2497], %swap3A_2500 {strides = array<i32>} : memref<32x128xf32, #tpu.memory_space<vmem>>, vector<1x16xf32>,
      %get3A_2501 = arith.constant 5 : i32
      %get3A_2502 = arith.index_cast %get3A_2501 : i32 to index
      %get3A_2503 = arith.constant 80 : index
      %get3A_2504 = tpu.vector_load %arg6[%get3A_2502, %get3A_2503] {strides = array<i32>} : memref<8x128xf32, #tpu.memory_space<vmem>>, vector<1x16xf32>,
      %get3A_2505 = vector.shape_cast %get3A_2504 : vector<1x16xf32> to vector<16xf32>
      %get3A_2506 = arith.constant 0 : i32
      %get3A_2507 = arith.index_cast %get3A_2506 : i32 to index
      %get3A_2508 = arith.constant 80 : index
      %get3A_2509 = tpu.vector_load %arg7[%get3A_2507, %get3A_2508] {strides = array<i32>} : memref<4x128xf32, #tpu.memory_space<vmem>>, vector<1x16xf32>,
      %get3A_2510 = vector.shape_cast %get3A_2509 : vector<1x16xf32> to vector<16xf32>
      %add3A_2511 = arith.addf %get3A_2505, %get3A_2510 : vector<16xf32>
      %swap3A_2512 = arith.constant 20 : i32
      %swap3A_2513 = arith.index_cast %swap3A_2512 : i32 to index
      %swap3A_2514 = arith.constant 80 : index
      %swap3A_2515 = tpu.vector_load %arg8[%swap3A_2513, %swap3A_2514] {strides = array<i32>} : memref<32x128xf32, #tpu.memory_space<vmem>>, vector<1x16xf32>,
      %swap3A_2516 = vector.shape_cast %swap3A_2515 : vector<1x16xf32> to vector<16xf32>
      %swap3A_2517 = vector.shape_cast %add3A_2511 : vector<16xf32> to vector<1x16xf32>
      tpu.vector_store %arg8[%swap3A_2513, %swap3A_2514], %swap3A_2517 {strides = array<i32>} : memref<32x128xf32, #tpu.memory_space<vmem>>, vector<1x16xf32>,
      %get3A_2518 = arith.constant 1 : i32
      %get3A_2519 = arith.index_cast %get3A_2518 : i32 to index
      %get3A_2520 = arith.constant 80 : index
      %get3A_2521 = tpu.vector_load %arg7[%get3A_2519, %get3A_2520] {strides = array<i32>} : memref<4x128xf32, #tpu.memory_space<vmem>>, vector<1x16xf32>,
      %get3A_2522 = vector.shape_cast %get3A_2521 : vector<1x16xf32> to vector<16xf32>
      %add3A_2523 = arith.addf %get3A_2505, %get3A_2522 : vector<16xf32>
      %swap3A_2524 = arith.constant 21 : i32
      %swap3A_2525 = arith.index_cast %swap3A_2524 : i32 to index
      %swap3A_2526 = arith.constant 80 : index
      %swap3A_2527 = tpu.vector_load %arg8[%swap3A_2525, %swap3A_2526] {strides = array<i32>} : memref<32x128xf32, #tpu.memory_space<vmem>>, vector<1x16xf32>,
      %swap3A_2528 = vector.shape_cast %swap3A_2527 : vector<1x16xf32> to vector<16xf32>
      %swap3A_2529 = vector.shape_cast %add3A_2523 : vector<16xf32> to vector<1x16xf32>
      tpu.vector_store %arg8[%swap3A_2525, %swap3A_2526], %swap3A_2529 {strides = array<i32>} : memref<32x128xf32, #tpu.memory_space<vmem>>, vector<1x16xf32>,
      %get3A_2530 = arith.constant 2 : i32
      %get3A_2531 = arith.index_cast %get3A_2530 : i32 to index
      %get3A_2532 = arith.constant 80 : index
      %get3A_2533 = tpu.vector_load %arg7[%get3A_2531, %get3A_2532] {strides = array<i32>} : memref<4x128xf32, #tpu.memory_space<vmem>>, vector<1x16xf32>,
      %get3A_2534 = vector.shape_cast %get3A_2533 : vector<1x16xf32> to vector<16xf32>
      %add3A_2535 = arith.addf %get3A_2505, %get3A_2534 : vector<16xf32>
      %swap3A_2536 = arith.constant 22 : i32
      %swap3A_2537 = arith.index_cast %swap3A_2536 : i32 to index
      %swap3A_2538 = arith.constant 80 : index
      %swap3A_2539 = tpu.vector_load %arg8[%swap3A_2537, %swap3A_2538] {strides = array<i32>} : memref<32x128xf32, #tpu.memory_space<vmem>>, vector<1x16xf32>,
      %swap3A_2540 = vector.shape_cast %swap3A_2539 : vector<1x16xf32> to vector<16xf32>
      %swap3A_2541 = vector.shape_cast %add3A_2535 : vector<16xf32> to vector<1x16xf32>
      tpu.vector_store %arg8[%swap3A_2537, %swap3A_2538], %swap3A_2541 {strides = array<i32>} : memref<32x128xf32, #tpu.memory_space<vmem>>, vector<1x16xf32>,
      %get3A_2542 = arith.constant 3 : i32
      %get3A_2543 = arith.index_cast %get3A_2542 : i32 to index
      %get3A_2544 = arith.constant 80 : index
      %get3A_2545 = tpu.vector_load %arg7[%get3A_2543, %get3A_2544] {strides = array<i32>} : memref<4x128xf32, #tpu.memory_space<vmem>>, vector<1x16xf32>,
      %get3A_2546 = vector.shape_cast %get3A_2545 : vector<1x16xf32> to vector<16xf32>
      %add3A_2547 = arith.addf %get3A_2505, %get3A_2546 : vector<16xf32>
      %swap3A_2548 = arith.constant 23 : i32
      %swap3A_2549 = arith.index_cast %swap3A_2548 : i32 to index
      %swap3A_2550 = arith.constant 80 : index
      %swap3A_2551 = tpu.vector_load %arg8[%swap3A_2549, %swap3A_2550] {strides = array<i32>} : memref<32x128xf32, #tpu.memory_space<vmem>>, vector<1x16xf32>,
      %swap3A_2552 = vector.shape_cast %swap3A_2551 : vector<1x16xf32> to vector<16xf32>
      %swap3A_2553 = vector.shape_cast %add3A_2547 : vector<16xf32> to vector<1x16xf32>
      tpu.vector_store %arg8[%swap3A_2549, %swap3A_2550], %swap3A_2553 {strides = array<i32>} : memref<32x128xf32, #tpu.memory_space<vmem>>, vector<1x16xf32>,
      %get3A_2554 = arith.constant 5 : i32
      %get3A_2555 = arith.index_cast %get3A_2554 : i32 to index
      %get3A_2556 = arith.constant 96 : index
      %get3A_2557 = tpu.vector_load %arg6[%get3A_2555, %get3A_2556] {strides = array<i32>} : memref<8x128xf32, #tpu.memory_space<vmem>>, vector<1x16xf32>,
      %get3A_2558 = vector.shape_cast %get3A_2557 : vector<1x16xf32> to vector<16xf32>
      %get3A_2559 = arith.constant 0 : i32
      %get3A_2560 = arith.index_cast %get3A_2559 : i32 to index
      %get3A_2561 = arith.constant 96 : index
      %get3A_2562 = tpu.vector_load %arg7[%get3A_2560, %get3A_2561] {strides = array<i32>} : memref<4x128xf32, #tpu.memory_space<vmem>>, vector<1x16xf32>,
      %get3A_2563 = vector.shape_cast %get3A_2562 : vector<1x16xf32> to vector<16xf32>
      %add3A_2564 = arith.addf %get3A_2558, %get3A_2563 : vector<16xf32>
      %swap3A_2565 = arith.constant 20 : i32
      %swap3A_2566 = arith.index_cast %swap3A_2565 : i32 to index
      %swap3A_2567 = arith.constant 96 : index
      %swap3A_2568 = tpu.vector_load %arg8[%swap3A_2566, %swap3A_2567] {strides = array<i32>} : memref<32x128xf32, #tpu.memory_space<vmem>>, vector<1x16xf32>,
      %swap3A_2569 = vector.shape_cast %swap3A_2568 : vector<1x16xf32> to vector<16xf32>
      %swap3A_2570 = vector.shape_cast %add3A_2564 : vector<16xf32> to vector<1x16xf32>
      tpu.vector_store %arg8[%swap3A_2566, %swap3A_2567], %swap3A_2570 {strides = array<i32>} : memref<32x128xf32, #tpu.memory_space<vmem>>, vector<1x16xf32>,
      %get3A_2571 = arith.constant 1 : i32
      %get3A_2572 = arith.index_cast %get3A_2571 : i32 to index
      %get3A_2573 = arith.constant 96 : index
      %get3A_2574 = tpu.vector_load %arg7[%get3A_2572, %get3A_2573] {strides = array<i32>} : memref<4x128xf32, #tpu.memory_space<vmem>>, vector<1x16xf32>,
      %get3A_2575 = vector.shape_cast %get3A_2574 : vector<1x16xf32> to vector<16xf32>
      %add3A_2576 = arith.addf %get3A_2558, %get3A_2575 : vector<16xf32>
      %swap3A_2577 = arith.constant 21 : i32
      %swap3A_2578 = arith.index_cast %swap3A_2577 : i32 to index
      %swap3A_2579 = arith.constant 96 : index
      %swap3A_2580 = tpu.vector_load %arg8[%swap3A_2578, %swap3A_2579] {strides = array<i32>} : memref<32x128xf32, #tpu.memory_space<vmem>>, vector<1x16xf32>,
      %swap3A_2581 = vector.shape_cast %swap3A_2580 : vector<1x16xf32> to vector<16xf32>
      %swap3A_2582 = vector.shape_cast %add3A_2576 : vector<16xf32> to vector<1x16xf32>
      tpu.vector_store %arg8[%swap3A_2578, %swap3A_2579], %swap3A_2582 {strides = array<i32>} : memref<32x128xf32, #tpu.memory_space<vmem>>, vector<1x16xf32>,
      %get3A_2583 = arith.constant 2 : i32
      %get3A_2584 = arith.index_cast %get3A_2583 : i32 to index
      %get3A_2585 = arith.constant 96 : index
      %get3A_2586 = tpu.vector_load %arg7[%get3A_2584, %get3A_2585] {strides = array<i32>} : memref<4x128xf32, #tpu.memory_space<vmem>>, vector<1x16xf32>,
      %get3A_2587 = vector.shape_cast %get3A_2586 : vector<1x16xf32> to vector<16xf32>
      %add3A_2588 = arith.addf %get3A_2558, %get3A_2587 : vector<16xf32>
      %swap3A_2589 = arith.constant 22 : i32
      %swap3A_2590 = arith.index_cast %swap3A_2589 : i32 to index
      %swap3A_2591 = arith.constant 96 : index
      %swap3A_2592 = tpu.vector_load %arg8[%swap3A_2590, %swap3A_2591] {strides = array<i32>} : memref<32x128xf32, #tpu.memory_space<vmem>>, vector<1x16xf32>,
      %swap3A_2593 = vector.shape_cast %swap3A_2592 : vector<1x16xf32> to vector<16xf32>
      %swap3A_2594 = vector.shape_cast %add3A_2588 : vector<16xf32> to vector<1x16xf32>
      tpu.vector_store %arg8[%swap3A_2590, %swap3A_2591], %swap3A_2594 {strides = array<i32>} : memref<32x128xf32, #tpu.memory_space<vmem>>, vector<1x16xf32>,
      %get3A_2595 = arith.constant 3 : i32
      %get3A_2596 = arith.index_cast %get3A_2595 : i32 to index
      %get3A_2597 = arith.constant 96 : index
      %get3A_2598 = tpu.vector_load %arg7[%get3A_2596, %get3A_2597] {strides = array<i32>} : memref<4x128xf32, #tpu.memory_space<vmem>>, vector<1x16xf32>,
      %get3A_2599 = vector.shape_cast %get3A_2598 : vector<1x16xf32> to vector<16xf32>
      %add3A_2600 = arith.addf %get3A_2558, %get3A_2599 : vector<16xf32>
      %swap3A_2601 = arith.constant 23 : i32
      %swap3A_2602 = arith.index_cast %swap3A_2601 : i32 to index
      %swap3A_2603 = arith.constant 96 : index
      %swap3A_2604 = tpu.vector_load %arg8[%swap3A_2602, %swap3A_2603] {strides = array<i32>} : memref<32x128xf32, #tpu.memory_space<vmem>>, vector<1x16xf32>,
      %swap3A_2605 = vector.shape_cast %swap3A_2604 : vector<1x16xf32> to vector<16xf32>
      %swap3A_2606 = vector.shape_cast %add3A_2600 : vector<16xf32> to vector<1x16xf32>
      tpu.vector_store %arg8[%swap3A_2602, %swap3A_2603], %swap3A_2606 {strides = array<i32>} : memref<32x128xf32, #tpu.memory_space<vmem>>, vector<1x16xf32>,
      %get3A_2607 = arith.constant 5 : i32
      %get3A_2608 = arith.index_cast %get3A_2607 : i32 to index
      %get3A_2609 = arith.constant 112 : index
      %get3A_2610 = tpu.vector_load %arg6[%get3A_2608, %get3A_2609] {strides = array<i32>} : memref<8x128xf32, #tpu.memory_space<vmem>>, vector<1x16xf32>,
      %get3A_2611 = vector.shape_cast %get3A_2610 : vector<1x16xf32> to vector<16xf32>
      %get3A_2612 = arith.constant 0 : i32
      %get3A_2613 = arith.index_cast %get3A_2612 : i32 to index
      %get3A_2614 = arith.constant 112 : index
      %get3A_2615 = tpu.vector_load %arg7[%get3A_2613, %get3A_2614] {strides = array<i32>} : memref<4x128xf32, #tpu.memory_space<vmem>>, vector<1x16xf32>,
      %get3A_2616 = vector.shape_cast %get3A_2615 : vector<1x16xf32> to vector<16xf32>
      %add3A_2617 = arith.addf %get3A_2611, %get3A_2616 : vector<16xf32>
      %swap3A_2618 = arith.constant 20 : i32
      %swap3A_2619 = arith.index_cast %swap3A_2618 : i32 to index
      %swap3A_2620 = arith.constant 112 : index
      %swap3A_2621 = tpu.vector_load %arg8[%swap3A_2619, %swap3A_2620] {strides = array<i32>} : memref<32x128xf32, #tpu.memory_space<vmem>>, vector<1x16xf32>,
      %swap3A_2622 = vector.shape_cast %swap3A_2621 : vector<1x16xf32> to vector<16xf32>
      %swap3A_2623 = vector.shape_cast %add3A_2617 : vector<16xf32> to vector<1x16xf32>
      tpu.vector_store %arg8[%swap3A_2619, %swap3A_2620], %swap3A_2623 {strides = array<i32>} : memref<32x128xf32, #tpu.memory_space<vmem>>, vector<1x16xf32>,
      %get3A_2624 = arith.constant 1 : i32
      %get3A_2625 = arith.index_cast %get3A_2624 : i32 to index
      %get3A_2626 = arith.constant 112 : index
      %get3A_2627 = tpu.vector_load %arg7[%get3A_2625, %get3A_2626] {strides = array<i32>} : memref<4x128xf32, #tpu.memory_space<vmem>>, vector<1x16xf32>,
      %get3A_2628 = vector.shape_cast %get3A_2627 : vector<1x16xf32> to vector<16xf32>
      %add3A_2629 = arith.addf %get3A_2611, %get3A_2628 : vector<16xf32>
      %swap3A_2630 = arith.constant 21 : i32
      %swap3A_2631 = arith.index_cast %swap3A_2630 : i32 to index
      %swap3A_2632 = arith.constant 112 : index
      %swap3A_2633 = tpu.vector_load %arg8[%swap3A_2631, %swap3A_2632] {strides = array<i32>} : memref<32x128xf32, #tpu.memory_space<vmem>>, vector<1x16xf32>,
      %swap3A_2634 = vector.shape_cast %swap3A_2633 : vector<1x16xf32> to vector<16xf32>
      %swap3A_2635 = vector.shape_cast %add3A_2629 : vector<16xf32> to vector<1x16xf32>
      tpu.vector_store %arg8[%swap3A_2631, %swap3A_2632], %swap3A_2635 {strides = array<i32>} : memref<32x128xf32, #tpu.memory_space<vmem>>, vector<1x16xf32>,
      %get3A_2636 = arith.constant 2 : i32
      %get3A_2637 = arith.index_cast %get3A_2636 : i32 to index
      %get3A_2638 = arith.constant 112 : index
      %get3A_2639 = tpu.vector_load %arg7[%get3A_2637, %get3A_2638] {strides = array<i32>} : memref<4x128xf32, #tpu.memory_space<vmem>>, vector<1x16xf32>,
      %get3A_2640 = vector.shape_cast %get3A_2639 : vector<1x16xf32> to vector<16xf32>
      %add3A_2641 = arith.addf %get3A_2611, %get3A_2640 : vector<16xf32>
      %swap3A_2642 = arith.constant 22 : i32
      %swap3A_2643 = arith.index_cast %swap3A_2642 : i32 to index
      %swap3A_2644 = arith.constant 112 : index
      %swap3A_2645 = tpu.vector_load %arg8[%swap3A_2643, %swap3A_2644] {strides = array<i32>} : memref<32x128xf32, #tpu.memory_space<vmem>>, vector<1x16xf32>,
      %swap3A_2646 = vector.shape_cast %swap3A_2645 : vector<1x16xf32> to vector<16xf32>
      %swap3A_2647 = vector.shape_cast %add3A_2641 : vector<16xf32> to vector<1x16xf32>
      tpu.vector_store %arg8[%swap3A_2643, %swap3A_2644], %swap3A_2647 {strides = array<i32>} : memref<32x128xf32, #tpu.memory_space<vmem>>, vector<1x16xf32>,
      %get3A_2648 = arith.constant 3 : i32
      %get3A_2649 = arith.index_cast %get3A_2648 : i32 to index
      %get3A_2650 = arith.constant 112 : index
      %get3A_2651 = tpu.vector_load %arg7[%get3A_2649, %get3A_2650] {strides = array<i32>} : memref<4x128xf32, #tpu.memory_space<vmem>>, vector<1x16xf32>,
      %get3A_2652 = vector.shape_cast %get3A_2651 : vector<1x16xf32> to vector<16xf32>
      %add3A_2653 = arith.addf %get3A_2611, %get3A_2652 : vector<16xf32>
      %swap3A_2654 = arith.constant 23 : i32
      %swap3A_2655 = arith.index_cast %swap3A_2654 : i32 to index
      %swap3A_2656 = arith.constant 112 : index
      %swap3A_2657 = tpu.vector_load %arg8[%swap3A_2655, %swap3A_2656] {strides = array<i32>} : memref<32x128xf32, #tpu.memory_space<vmem>>, vector<1x16xf32>,
      %swap3A_2658 = vector.shape_cast %swap3A_2657 : vector<1x16xf32> to vector<16xf32>
      %swap3A_2659 = vector.shape_cast %add3A_2653 : vector<16xf32> to vector<1x16xf32>
      tpu.vector_store %arg8[%swap3A_2655, %swap3A_2656], %swap3A_2659 {strides = array<i32>} : memref<32x128xf32, #tpu.memory_space<vmem>>, vector<1x16xf32>,
      %get3A_2660 = arith.constant 6 : i32
      %get3A_2661 = arith.index_cast %get3A_2660 : i32 to index
      %get3A_2662 = arith.constant 0 : index
      %get3A_2663 = tpu.vector_load %arg6[%get3A_2661, %get3A_2662] {strides = array<i32>} : memref<8x128xf32, #tpu.memory_space<vmem>>, vector<1x16xf32>,
      %get3A_2664 = vector.shape_cast %get3A_2663 : vector<1x16xf32> to vector<16xf32>
      %get3A_2665 = arith.constant 0 : i32
      %get3A_2666 = arith.index_cast %get3A_2665 : i32 to index
      %get3A_2667 = arith.constant 0 : index
      %get3A_2668 = tpu.vector_load %arg7[%get3A_2666, %get3A_2667] {strides = array<i32>} : memref<4x128xf32, #tpu.memory_space<vmem>>, vector<1x16xf32>,
      %get3A_2669 = vector.shape_cast %get3A_2668 : vector<1x16xf32> to vector<16xf32>
      %add3A_2670 = arith.addf %get3A_2664, %get3A_2669 : vector<16xf32>
      %swap3A_2671 = arith.constant 24 : i32
      %swap3A_2672 = arith.index_cast %swap3A_2671 : i32 to index
      %swap3A_2673 = arith.constant 0 : index
      %swap3A_2674 = tpu.vector_load %arg8[%swap3A_2672, %swap3A_2673] {strides = array<i32>} : memref<32x128xf32, #tpu.memory_space<vmem>>, vector<1x16xf32>,
      %swap3A_2675 = vector.shape_cast %swap3A_2674 : vector<1x16xf32> to vector<16xf32>
      %swap3A_2676 = vector.shape_cast %add3A_2670 : vector<16xf32> to vector<1x16xf32>
      tpu.vector_store %arg8[%swap3A_2672, %swap3A_2673], %swap3A_2676 {strides = array<i32>} : memref<32x128xf32, #tpu.memory_space<vmem>>, vector<1x16xf32>,
      %get3A_2677 = arith.constant 1 : i32
      %get3A_2678 = arith.index_cast %get3A_2677 : i32 to index
      %get3A_2679 = arith.constant 0 : index
      %get3A_2680 = tpu.vector_load %arg7[%get3A_2678, %get3A_2679] {strides = array<i32>} : memref<4x128xf32, #tpu.memory_space<vmem>>, vector<1x16xf32>,
      %get3A_2681 = vector.shape_cast %get3A_2680 : vector<1x16xf32> to vector<16xf32>
      %add3A_2682 = arith.addf %get3A_2664, %get3A_2681 : vector<16xf32>
      %swap3A_2683 = arith.constant 25 : i32
      %swap3A_2684 = arith.index_cast %swap3A_2683 : i32 to index
      %swap3A_2685 = arith.constant 0 : index
      %swap3A_2686 = tpu.vector_load %arg8[%swap3A_2684, %swap3A_2685] {strides = array<i32>} : memref<32x128xf32, #tpu.memory_space<vmem>>, vector<1x16xf32>,
      %swap3A_2687 = vector.shape_cast %swap3A_2686 : vector<1x16xf32> to vector<16xf32>
      %swap3A_2688 = vector.shape_cast %add3A_2682 : vector<16xf32> to vector<1x16xf32>
      tpu.vector_store %arg8[%swap3A_2684, %swap3A_2685], %swap3A_2688 {strides = array<i32>} : memref<32x128xf32, #tpu.memory_space<vmem>>, vector<1x16xf32>,
      %get3A_2689 = arith.constant 2 : i32
      %get3A_2690 = arith.index_cast %get3A_2689 : i32 to index
      %get3A_2691 = arith.constant 0 : index
      %get3A_2692 = tpu.vector_load %arg7[%get3A_2690, %get3A_2691] {strides = array<i32>} : memref<4x128xf32, #tpu.memory_space<vmem>>, vector<1x16xf32>,
      %get3A_2693 = vector.shape_cast %get3A_2692 : vector<1x16xf32> to vector<16xf32>
      %add3A_2694 = arith.addf %get3A_2664, %get3A_2693 : vector<16xf32>
      %swap3A_2695 = arith.constant 26 : i32
      %swap3A_2696 = arith.index_cast %swap3A_2695 : i32 to index
      %swap3A_2697 = arith.constant 0 : index
      %swap3A_2698 = tpu.vector_load %arg8[%swap3A_2696, %swap3A_2697] {strides = array<i32>} : memref<32x128xf32, #tpu.memory_space<vmem>>, vector<1x16xf32>,
      %swap3A_2699 = vector.shape_cast %swap3A_2698 : vector<1x16xf32> to vector<16xf32>
      %swap3A_2700 = vector.shape_cast %add3A_2694 : vector<16xf32> to vector<1x16xf32>
      tpu.vector_store %arg8[%swap3A_2696, %swap3A_2697], %swap3A_2700 {strides = array<i32>} : memref<32x128xf32, #tpu.memory_space<vmem>>, vector<1x16xf32>,
      %get3A_2701 = arith.constant 3 : i32
      %get3A_2702 = arith.index_cast %get3A_2701 : i32 to index
      %get3A_2703 = arith.constant 0 : index
      %get3A_2704 = tpu.vector_load %arg7[%get3A_2702, %get3A_2703] {strides = array<i32>} : memref<4x128xf32, #tpu.memory_space<vmem>>, vector<1x16xf32>,
      %get3A_2705 = vector.shape_cast %get3A_2704 : vector<1x16xf32> to vector<16xf32>
      %add3A_2706 = arith.addf %get3A_2664, %get3A_2705 : vector<16xf32>
      %swap3A_2707 = arith.constant 27 : i32
      %swap3A_2708 = arith.index_cast %swap3A_2707 : i32 to index
      %swap3A_2709 = arith.constant 0 : index
      %swap3A_2710 = tpu.vector_load %arg8[%swap3A_2708, %swap3A_2709] {strides = array<i32>} : memref<32x128xf32, #tpu.memory_space<vmem>>, vector<1x16xf32>,
      %swap3A_2711 = vector.shape_cast %swap3A_2710 : vector<1x16xf32> to vector<16xf32>
      %swap3A_2712 = vector.shape_cast %add3A_2706 : vector<16xf32> to vector<1x16xf32>
      tpu.vector_store %arg8[%swap3A_2708, %swap3A_2709], %swap3A_2712 {strides = array<i32>} : memref<32x128xf32, #tpu.memory_space<vmem>>, vector<1x16xf32>,
      %get3A_2713 = arith.constant 6 : i32
      %get3A_2714 = arith.index_cast %get3A_2713 : i32 to index
      %get3A_2715 = arith.constant 16 : index
      %get3A_2716 = tpu.vector_load %arg6[%get3A_2714, %get3A_2715] {strides = array<i32>} : memref<8x128xf32, #tpu.memory_space<vmem>>, vector<1x16xf32>,
      %get3A_2717 = vector.shape_cast %get3A_2716 : vector<1x16xf32> to vector<16xf32>
      %get3A_2718 = arith.constant 0 : i32
      %get3A_2719 = arith.index_cast %get3A_2718 : i32 to index
      %get3A_2720 = arith.constant 16 : index
      %get3A_2721 = tpu.vector_load %arg7[%get3A_2719, %get3A_2720] {strides = array<i32>} : memref<4x128xf32, #tpu.memory_space<vmem>>, vector<1x16xf32>,
      %get3A_2722 = vector.shape_cast %get3A_2721 : vector<1x16xf32> to vector<16xf32>
      %add3A_2723 = arith.addf %get3A_2717, %get3A_2722 : vector<16xf32>
      %swap3A_2724 = arith.constant 24 : i32
      %swap3A_2725 = arith.index_cast %swap3A_2724 : i32 to index
      %swap3A_2726 = arith.constant 16 : index
      %swap3A_2727 = tpu.vector_load %arg8[%swap3A_2725, %swap3A_2726] {strides = array<i32>} : memref<32x128xf32, #tpu.memory_space<vmem>>, vector<1x16xf32>,
      %swap3A_2728 = vector.shape_cast %swap3A_2727 : vector<1x16xf32> to vector<16xf32>
      %swap3A_2729 = vector.shape_cast %add3A_2723 : vector<16xf32> to vector<1x16xf32>
      tpu.vector_store %arg8[%swap3A_2725, %swap3A_2726], %swap3A_2729 {strides = array<i32>} : memref<32x128xf32, #tpu.memory_space<vmem>>, vector<1x16xf32>,
      %get3A_2730 = arith.constant 1 : i32
      %get3A_2731 = arith.index_cast %get3A_2730 : i32 to index
      %get3A_2732 = arith.constant 16 : index
      %get3A_2733 = tpu.vector_load %arg7[%get3A_2731, %get3A_2732] {strides = array<i32>} : memref<4x128xf32, #tpu.memory_space<vmem>>, vector<1x16xf32>,
      %get3A_2734 = vector.shape_cast %get3A_2733 : vector<1x16xf32> to vector<16xf32>
      %add3A_2735 = arith.addf %get3A_2717, %get3A_2734 : vector<16xf32>
      %swap3A_2736 = arith.constant 25 : i32
      %swap3A_2737 = arith.index_cast %swap3A_2736 : i32 to index
      %swap3A_2738 = arith.constant 16 : index
      %swap3A_2739 = tpu.vector_load %arg8[%swap3A_2737, %swap3A_2738] {strides = array<i32>} : memref<32x128xf32, #tpu.memory_space<vmem>>, vector<1x16xf32>,
      %swap3A_2740 = vector.shape_cast %swap3A_2739 : vector<1x16xf32> to vector<16xf32>
      %swap3A_2741 = vector.shape_cast %add3A_2735 : vector<16xf32> to vector<1x16xf32>
      tpu.vector_store %arg8[%swap3A_2737, %swap3A_2738], %swap3A_2741 {strides = array<i32>} : memref<32x128xf32, #tpu.memory_space<vmem>>, vector<1x16xf32>,
      %get3A_2742 = arith.constant 2 : i32
      %get3A_2743 = arith.index_cast %get3A_2742 : i32 to index
      %get3A_2744 = arith.constant 16 : index
      %get3A_2745 = tpu.vector_load %arg7[%get3A_2743, %get3A_2744] {strides = array<i32>} : memref<4x128xf32, #tpu.memory_space<vmem>>, vector<1x16xf32>,
      %get3A_2746 = vector.shape_cast %get3A_2745 : vector<1x16xf32> to vector<16xf32>
      %add3A_2747 = arith.addf %get3A_2717, %get3A_2746 : vector<16xf32>
      %swap3A_2748 = arith.constant 26 : i32
      %swap3A_2749 = arith.index_cast %swap3A_2748 : i32 to index
      %swap3A_2750 = arith.constant 16 : index
      %swap3A_2751 = tpu.vector_load %arg8[%swap3A_2749, %swap3A_2750] {strides = array<i32>} : memref<32x128xf32, #tpu.memory_space<vmem>>, vector<1x16xf32>,
      %swap3A_2752 = vector.shape_cast %swap3A_2751 : vector<1x16xf32> to vector<16xf32>
      %swap3A_2753 = vector.shape_cast %add3A_2747 : vector<16xf32> to vector<1x16xf32>
      tpu.vector_store %arg8[%swap3A_2749, %swap3A_2750], %swap3A_2753 {strides = array<i32>} : memref<32x128xf32, #tpu.memory_space<vmem>>, vector<1x16xf32>,
      %get3A_2754 = arith.constant 3 : i32
      %get3A_2755 = arith.index_cast %get3A_2754 : i32 to index
      %get3A_2756 = arith.constant 16 : index
      %get3A_2757 = tpu.vector_load %arg7[%get3A_2755, %get3A_2756] {strides = array<i32>} : memref<4x128xf32, #tpu.memory_space<vmem>>, vector<1x16xf32>,
      %get3A_2758 = vector.shape_cast %get3A_2757 : vector<1x16xf32> to vector<16xf32>
      %add3A_2759 = arith.addf %get3A_2717, %get3A_2758 : vector<16xf32>
      %swap3A_2760 = arith.constant 27 : i32
      %swap3A_2761 = arith.index_cast %swap3A_2760 : i32 to index
      %swap3A_2762 = arith.constant 16 : index
      %swap3A_2763 = tpu.vector_load %arg8[%swap3A_2761, %swap3A_2762] {strides = array<i32>} : memref<32x128xf32, #tpu.memory_space<vmem>>, vector<1x16xf32>,
      %swap3A_2764 = vector.shape_cast %swap3A_2763 : vector<1x16xf32> to vector<16xf32>
      %swap3A_2765 = vector.shape_cast %add3A_2759 : vector<16xf32> to vector<1x16xf32>
      tpu.vector_store %arg8[%swap3A_2761, %swap3A_2762], %swap3A_2765 {strides = array<i32>} : memref<32x128xf32, #tpu.memory_space<vmem>>, vector<1x16xf32>,
      %get3A_2766 = arith.constant 6 : i32
      %get3A_2767 = arith.index_cast %get3A_2766 : i32 to index
      %get3A_2768 = arith.constant 32 : index
      %get3A_2769 = tpu.vector_load %arg6[%get3A_2767, %get3A_2768] {strides = array<i32>} : memref<8x128xf32, #tpu.memory_space<vmem>>, vector<1x16xf32>,
      %get3A_2770 = vector.shape_cast %get3A_2769 : vector<1x16xf32> to vector<16xf32>
      %get3A_2771 = arith.constant 0 : i32
      %get3A_2772 = arith.index_cast %get3A_2771 : i32 to index
      %get3A_2773 = arith.constant 32 : index
      %get3A_2774 = tpu.vector_load %arg7[%get3A_2772, %get3A_2773] {strides = array<i32>} : memref<4x128xf32, #tpu.memory_space<vmem>>, vector<1x16xf32>,
      %get3A_2775 = vector.shape_cast %get3A_2774 : vector<1x16xf32> to vector<16xf32>
      %add3A_2776 = arith.addf %get3A_2770, %get3A_2775 : vector<16xf32>
      %swap3A_2777 = arith.constant 24 : i32
      %swap3A_2778 = arith.index_cast %swap3A_2777 : i32 to index
      %swap3A_2779 = arith.constant 32 : index
      %swap3A_2780 = tpu.vector_load %arg8[%swap3A_2778, %swap3A_2779] {strides = array<i32>} : memref<32x128xf32, #tpu.memory_space<vmem>>, vector<1x16xf32>,
      %swap3A_2781 = vector.shape_cast %swap3A_2780 : vector<1x16xf32> to vector<16xf32>
      %swap3A_2782 = vector.shape_cast %add3A_2776 : vector<16xf32> to vector<1x16xf32>
      tpu.vector_store %arg8[%swap3A_2778, %swap3A_2779], %swap3A_2782 {strides = array<i32>} : memref<32x128xf32, #tpu.memory_space<vmem>>, vector<1x16xf32>,
      %get3A_2783 = arith.constant 1 : i32
      %get3A_2784 = arith.index_cast %get3A_2783 : i32 to index
      %get3A_2785 = arith.constant 32 : index
      %get3A_2786 = tpu.vector_load %arg7[%get3A_2784, %get3A_2785] {strides = array<i32>} : memref<4x128xf32, #tpu.memory_space<vmem>>, vector<1x16xf32>,
      %get3A_2787 = vector.shape_cast %get3A_2786 : vector<1x16xf32> to vector<16xf32>
      %add3A_2788 = arith.addf %get3A_2770, %get3A_2787 : vector<16xf32>
      %swap3A_2789 = arith.constant 25 : i32
      %swap3A_2790 = arith.index_cast %swap3A_2789 : i32 to index
      %swap3A_2791 = arith.constant 32 : index
      %swap3A_2792 = tpu.vector_load %arg8[%swap3A_2790, %swap3A_2791] {strides = array<i32>} : memref<32x128xf32, #tpu.memory_space<vmem>>, vector<1x16xf32>,
      %swap3A_2793 = vector.shape_cast %swap3A_2792 : vector<1x16xf32> to vector<16xf32>
      %swap3A_2794 = vector.shape_cast %add3A_2788 : vector<16xf32> to vector<1x16xf32>
      tpu.vector_store %arg8[%swap3A_2790, %swap3A_2791], %swap3A_2794 {strides = array<i32>} : memref<32x128xf32, #tpu.memory_space<vmem>>, vector<1x16xf32>,
      %get3A_2795 = arith.constant 2 : i32
      %get3A_2796 = arith.index_cast %get3A_2795 : i32 to index
      %get3A_2797 = arith.constant 32 : index
      %get3A_2798 = tpu.vector_load %arg7[%get3A_2796, %get3A_2797] {strides = array<i32>} : memref<4x128xf32, #tpu.memory_space<vmem>>, vector<1x16xf32>,
      %get3A_2799 = vector.shape_cast %get3A_2798 : vector<1x16xf32> to vector<16xf32>
      %add3A_2800 = arith.addf %get3A_2770, %get3A_2799 : vector<16xf32>
      %swap3A_2801 = arith.constant 26 : i32
      %swap3A_2802 = arith.index_cast %swap3A_2801 : i32 to index
      %swap3A_2803 = arith.constant 32 : index
      %swap3A_2804 = tpu.vector_load %arg8[%swap3A_2802, %swap3A_2803] {strides = array<i32>} : memref<32x128xf32, #tpu.memory_space<vmem>>, vector<1x16xf32>,
      %swap3A_2805 = vector.shape_cast %swap3A_2804 : vector<1x16xf32> to vector<16xf32>
      %swap3A_2806 = vector.shape_cast %add3A_2800 : vector<16xf32> to vector<1x16xf32>
      tpu.vector_store %arg8[%swap3A_2802, %swap3A_2803], %swap3A_2806 {strides = array<i32>} : memref<32x128xf32, #tpu.memory_space<vmem>>, vector<1x16xf32>,
      %get3A_2807 = arith.constant 3 : i32
      %get3A_2808 = arith.index_cast %get3A_2807 : i32 to index
      %get3A_2809 = arith.constant 32 : index
      %get3A_2810 = tpu.vector_load %arg7[%get3A_2808, %get3A_2809] {strides = array<i32>} : memref<4x128xf32, #tpu.memory_space<vmem>>, vector<1x16xf32>,
      %get3A_2811 = vector.shape_cast %get3A_2810 : vector<1x16xf32> to vector<16xf32>
      %add3A_2812 = arith.addf %get3A_2770, %get3A_2811 : vector<16xf32>
      %swap3A_2813 = arith.constant 27 : i32
      %swap3A_2814 = arith.index_cast %swap3A_2813 : i32 to index
      %swap3A_2815 = arith.constant 32 : index
      %swap3A_2816 = tpu.vector_load %arg8[%swap3A_2814, %swap3A_2815] {strides = array<i32>} : memref<32x128xf32, #tpu.memory_space<vmem>>, vector<1x16xf32>,
      %swap3A_2817 = vector.shape_cast %swap3A_2816 : vector<1x16xf32> to vector<16xf32>
      %swap3A_2818 = vector.shape_cast %add3A_2812 : vector<16xf32> to vector<1x16xf32>
      tpu.vector_store %arg8[%swap3A_2814, %swap3A_2815], %swap3A_2818 {strides = array<i32>} : memref<32x128xf32, #tpu.memory_space<vmem>>, vector<1x16xf32>,
      %get3A_2819 = arith.constant 6 : i32
      %get3A_2820 = arith.index_cast %get3A_2819 : i32 to index
      %get3A_2821 = arith.constant 48 : index
      %get3A_2822 = tpu.vector_load %arg6[%get3A_2820, %get3A_2821] {strides = array<i32>} : memref<8x128xf32, #tpu.memory_space<vmem>>, vector<1x16xf32>,
      %get3A_2823 = vector.shape_cast %get3A_2822 : vector<1x16xf32> to vector<16xf32>
      %get3A_2824 = arith.constant 0 : i32
      %get3A_2825 = arith.index_cast %get3A_2824 : i32 to index
      %get3A_2826 = arith.constant 48 : index
      %get3A_2827 = tpu.vector_load %arg7[%get3A_2825, %get3A_2826] {strides = array<i32>} : memref<4x128xf32, #tpu.memory_space<vmem>>, vector<1x16xf32>,
      %get3A_2828 = vector.shape_cast %get3A_2827 : vector<1x16xf32> to vector<16xf32>
      %add3A_2829 = arith.addf %get3A_2823, %get3A_2828 : vector<16xf32>
      %swap3A_2830 = arith.constant 24 : i32
      %swap3A_2831 = arith.index_cast %swap3A_2830 : i32 to index
      %swap3A_2832 = arith.constant 48 : index
      %swap3A_2833 = tpu.vector_load %arg8[%swap3A_2831, %swap3A_2832] {strides = array<i32>} : memref<32x128xf32, #tpu.memory_space<vmem>>, vector<1x16xf32>,
      %swap3A_2834 = vector.shape_cast %swap3A_2833 : vector<1x16xf32> to vector<16xf32>
      %swap3A_2835 = vector.shape_cast %add3A_2829 : vector<16xf32> to vector<1x16xf32>
      tpu.vector_store %arg8[%swap3A_2831, %swap3A_2832], %swap3A_2835 {strides = array<i32>} : memref<32x128xf32, #tpu.memory_space<vmem>>, vector<1x16xf32>,
      %get3A_2836 = arith.constant 1 : i32
      %get3A_2837 = arith.index_cast %get3A_2836 : i32 to index
      %get3A_2838 = arith.constant 48 : index
      %get3A_2839 = tpu.vector_load %arg7[%get3A_2837, %get3A_2838] {strides = array<i32>} : memref<4x128xf32, #tpu.memory_space<vmem>>, vector<1x16xf32>,
      %get3A_2840 = vector.shape_cast %get3A_2839 : vector<1x16xf32> to vector<16xf32>
      %add3A_2841 = arith.addf %get3A_2823, %get3A_2840 : vector<16xf32>
      %swap3A_2842 = arith.constant 25 : i32
      %swap3A_2843 = arith.index_cast %swap3A_2842 : i32 to index
      %swap3A_2844 = arith.constant 48 : index
      %swap3A_2845 = tpu.vector_load %arg8[%swap3A_2843, %swap3A_2844] {strides = array<i32>} : memref<32x128xf32, #tpu.memory_space<vmem>>, vector<1x16xf32>,
      %swap3A_2846 = vector.shape_cast %swap3A_2845 : vector<1x16xf32> to vector<16xf32>
      %swap3A_2847 = vector.shape_cast %add3A_2841 : vector<16xf32> to vector<1x16xf32>
      tpu.vector_store %arg8[%swap3A_2843, %swap3A_2844], %swap3A_2847 {strides = array<i32>} : memref<32x128xf32, #tpu.memory_space<vmem>>, vector<1x16xf32>,
      %get3A_2848 = arith.constant 2 : i32
      %get3A_2849 = arith.index_cast %get3A_2848 : i32 to index
      %get3A_2850 = arith.constant 48 : index
      %get3A_2851 = tpu.vector_load %arg7[%get3A_2849, %get3A_2850] {strides = array<i32>} : memref<4x128xf32, #tpu.memory_space<vmem>>, vector<1x16xf32>,
      %get3A_2852 = vector.shape_cast %get3A_2851 : vector<1x16xf32> to vector<16xf32>
      %add3A_2853 = arith.addf %get3A_2823, %get3A_2852 : vector<16xf32>
      %swap3A_2854 = arith.constant 26 : i32
      %swap3A_2855 = arith.index_cast %swap3A_2854 : i32 to index
      %swap3A_2856 = arith.constant 48 : index
      %swap3A_2857 = tpu.vector_load %arg8[%swap3A_2855, %swap3A_2856] {strides = array<i32>} : memref<32x128xf32, #tpu.memory_space<vmem>>, vector<1x16xf32>,
      %swap3A_2858 = vector.shape_cast %swap3A_2857 : vector<1x16xf32> to vector<16xf32>
      %swap3A_2859 = vector.shape_cast %add3A_2853 : vector<16xf32> to vector<1x16xf32>
      tpu.vector_store %arg8[%swap3A_2855, %swap3A_2856], %swap3A_2859 {strides = array<i32>} : memref<32x128xf32, #tpu.memory_space<vmem>>, vector<1x16xf32>,
      %get3A_2860 = arith.constant 3 : i32
      %get3A_2861 = arith.index_cast %get3A_2860 : i32 to index
      %get3A_2862 = arith.constant 48 : index
      %get3A_2863 = tpu.vector_load %arg7[%get3A_2861, %get3A_2862] {strides = array<i32>} : memref<4x128xf32, #tpu.memory_space<vmem>>, vector<1x16xf32>,
      %get3A_2864 = vector.shape_cast %get3A_2863 : vector<1x16xf32> to vector<16xf32>
      %add3A_2865 = arith.addf %get3A_2823, %get3A_2864 : vector<16xf32>
      %swap3A_2866 = arith.constant 27 : i32
      %swap3A_2867 = arith.index_cast %swap3A_2866 : i32 to index
      %swap3A_2868 = arith.constant 48 : index
      %swap3A_2869 = tpu.vector_load %arg8[%swap3A_2867, %swap3A_2868] {strides = array<i32>} : memref<32x128xf32, #tpu.memory_space<vmem>>, vector<1x16xf32>,
      %swap3A_2870 = vector.shape_cast %swap3A_2869 : vector<1x16xf32> to vector<16xf32>
      %swap3A_2871 = vector.shape_cast %add3A_2865 : vector<16xf32> to vector<1x16xf32>
      tpu.vector_store %arg8[%swap3A_2867, %swap3A_2868], %swap3A_2871 {strides = array<i32>} : memref<32x128xf32, #tpu.memory_space<vmem>>, vector<1x16xf32>,
      %get3A_2872 = arith.constant 6 : i32
      %get3A_2873 = arith.index_cast %get3A_2872 : i32 to index
      %get3A_2874 = arith.constant 64 : index
      %get3A_2875 = tpu.vector_load %arg6[%get3A_2873, %get3A_2874] {strides = array<i32>} : memref<8x128xf32, #tpu.memory_space<vmem>>, vector<1x16xf32>,
      %get3A_2876 = vector.shape_cast %get3A_2875 : vector<1x16xf32> to vector<16xf32>
      %get3A_2877 = arith.constant 0 : i32
      %get3A_2878 = arith.index_cast %get3A_2877 : i32 to index
      %get3A_2879 = arith.constant 64 : index
      %get3A_2880 = tpu.vector_load %arg7[%get3A_2878, %get3A_2879] {strides = array<i32>} : memref<4x128xf32, #tpu.memory_space<vmem>>, vector<1x16xf32>,
      %get3A_2881 = vector.shape_cast %get3A_2880 : vector<1x16xf32> to vector<16xf32>
      %add3A_2882 = arith.addf %get3A_2876, %get3A_2881 : vector<16xf32>
      %swap3A_2883 = arith.constant 24 : i32
      %swap3A_2884 = arith.index_cast %swap3A_2883 : i32 to index
      %swap3A_2885 = arith.constant 64 : index
      %swap3A_2886 = tpu.vector_load %arg8[%swap3A_2884, %swap3A_2885] {strides = array<i32>} : memref<32x128xf32, #tpu.memory_space<vmem>>, vector<1x16xf32>,
      %swap3A_2887 = vector.shape_cast %swap3A_2886 : vector<1x16xf32> to vector<16xf32>
      %swap3A_2888 = vector.shape_cast %add3A_2882 : vector<16xf32> to vector<1x16xf32>
      tpu.vector_store %arg8[%swap3A_2884, %swap3A_2885], %swap3A_2888 {strides = array<i32>} : memref<32x128xf32, #tpu.memory_space<vmem>>, vector<1x16xf32>,
      %get3A_2889 = arith.constant 1 : i32
      %get3A_2890 = arith.index_cast %get3A_2889 : i32 to index
      %get3A_2891 = arith.constant 64 : index
      %get3A_2892 = tpu.vector_load %arg7[%get3A_2890, %get3A_2891] {strides = array<i32>} : memref<4x128xf32, #tpu.memory_space<vmem>>, vector<1x16xf32>,
      %get3A_2893 = vector.shape_cast %get3A_2892 : vector<1x16xf32> to vector<16xf32>
      %add3A_2894 = arith.addf %get3A_2876, %get3A_2893 : vector<16xf32>
      %swap3A_2895 = arith.constant 25 : i32
      %swap3A_2896 = arith.index_cast %swap3A_2895 : i32 to index
      %swap3A_2897 = arith.constant 64 : index
      %swap3A_2898 = tpu.vector_load %arg8[%swap3A_2896, %swap3A_2897] {strides = array<i32>} : memref<32x128xf32, #tpu.memory_space<vmem>>, vector<1x16xf32>,
      %swap3A_2899 = vector.shape_cast %swap3A_2898 : vector<1x16xf32> to vector<16xf32>
      %swap3A_2900 = vector.shape_cast %add3A_2894 : vector<16xf32> to vector<1x16xf32>
      tpu.vector_store %arg8[%swap3A_2896, %swap3A_2897], %swap3A_2900 {strides = array<i32>} : memref<32x128xf32, #tpu.memory_space<vmem>>, vector<1x16xf32>,
      %get3A_2901 = arith.constant 2 : i32
      %get3A_2902 = arith.index_cast %get3A_2901 : i32 to index
      %get3A_2903 = arith.constant 64 : index
      %get3A_2904 = tpu.vector_load %arg7[%get3A_2902, %get3A_2903] {strides = array<i32>} : memref<4x128xf32, #tpu.memory_space<vmem>>, vector<1x16xf32>,
      %get3A_2905 = vector.shape_cast %get3A_2904 : vector<1x16xf32> to vector<16xf32>
      %add3A_2906 = arith.addf %get3A_2876, %get3A_2905 : vector<16xf32>
      %swap3A_2907 = arith.constant 26 : i32
      %swap3A_2908 = arith.index_cast %swap3A_2907 : i32 to index
      %swap3A_2909 = arith.constant 64 : index
      %swap3A_2910 = tpu.vector_load %arg8[%swap3A_2908, %swap3A_2909] {strides = array<i32>} : memref<32x128xf32, #tpu.memory_space<vmem>>, vector<1x16xf32>,
      %swap3A_2911 = vector.shape_cast %swap3A_2910 : vector<1x16xf32> to vector<16xf32>
      %swap3A_2912 = vector.shape_cast %add3A_2906 : vector<16xf32> to vector<1x16xf32>
      tpu.vector_store %arg8[%swap3A_2908, %swap3A_2909], %swap3A_2912 {strides = array<i32>} : memref<32x128xf32, #tpu.memory_space<vmem>>, vector<1x16xf32>,
      %get3A_2913 = arith.constant 3 : i32
      %get3A_2914 = arith.index_cast %get3A_2913 : i32 to index
      %get3A_2915 = arith.constant 64 : index
      %get3A_2916 = tpu.vector_load %arg7[%get3A_2914, %get3A_2915] {strides = array<i32>} : memref<4x128xf32, #tpu.memory_space<vmem>>, vector<1x16xf32>,
      %get3A_2917 = vector.shape_cast %get3A_2916 : vector<1x16xf32> to vector<16xf32>
      %add3A_2918 = arith.addf %get3A_2876, %get3A_2917 : vector<16xf32>
      %swap3A_2919 = arith.constant 27 : i32
      %swap3A_2920 = arith.index_cast %swap3A_2919 : i32 to index
      %swap3A_2921 = arith.constant 64 : index
      %swap3A_2922 = tpu.vector_load %arg8[%swap3A_2920, %swap3A_2921] {strides = array<i32>} : memref<32x128xf32, #tpu.memory_space<vmem>>, vector<1x16xf32>,
      %swap3A_2923 = vector.shape_cast %swap3A_2922 : vector<1x16xf32> to vector<16xf32>
      %swap3A_2924 = vector.shape_cast %add3A_2918 : vector<16xf32> to vector<1x16xf32>
      tpu.vector_store %arg8[%swap3A_2920, %swap3A_2921], %swap3A_2924 {strides = array<i32>} : memref<32x128xf32, #tpu.memory_space<vmem>>, vector<1x16xf32>,
      %get3A_2925 = arith.constant 6 : i32
      %get3A_2926 = arith.index_cast %get3A_2925 : i32 to index
      %get3A_2927 = arith.constant 80 : index
      %get3A_2928 = tpu.vector_load %arg6[%get3A_2926, %get3A_2927] {strides = array<i32>} : memref<8x128xf32, #tpu.memory_space<vmem>>, vector<1x16xf32>,
      %get3A_2929 = vector.shape_cast %get3A_2928 : vector<1x16xf32> to vector<16xf32>
      %get3A_2930 = arith.constant 0 : i32
      %get3A_2931 = arith.index_cast %get3A_2930 : i32 to index
      %get3A_2932 = arith.constant 80 : index
      %get3A_2933 = tpu.vector_load %arg7[%get3A_2931, %get3A_2932] {strides = array<i32>} : memref<4x128xf32, #tpu.memory_space<vmem>>, vector<1x16xf32>,
      %get3A_2934 = vector.shape_cast %get3A_2933 : vector<1x16xf32> to vector<16xf32>
      %add3A_2935 = arith.addf %get3A_2929, %get3A_2934 : vector<16xf32>
      %swap3A_2936 = arith.constant 24 : i32
      %swap3A_2937 = arith.index_cast %swap3A_2936 : i32 to index
      %swap3A_2938 = arith.constant 80 : index
      %swap3A_2939 = tpu.vector_load %arg8[%swap3A_2937, %swap3A_2938] {strides = array<i32>} : memref<32x128xf32, #tpu.memory_space<vmem>>, vector<1x16xf32>,
      %swap3A_2940 = vector.shape_cast %swap3A_2939 : vector<1x16xf32> to vector<16xf32>
      %swap3A_2941 = vector.shape_cast %add3A_2935 : vector<16xf32> to vector<1x16xf32>
      tpu.vector_store %arg8[%swap3A_2937, %swap3A_2938], %swap3A_2941 {strides = array<i32>} : memref<32x128xf32, #tpu.memory_space<vmem>>, vector<1x16xf32>,
      %get3A_2942 = arith.constant 1 : i32
      %get3A_2943 = arith.index_cast %get3A_2942 : i32 to index
      %get3A_2944 = arith.constant 80 : index
      %get3A_2945 = tpu.vector_load %arg7[%get3A_2943, %get3A_2944] {strides = array<i32>} : memref<4x128xf32, #tpu.memory_space<vmem>>, vector<1x16xf32>,
      %get3A_2946 = vector.shape_cast %get3A_2945 : vector<1x16xf32> to vector<16xf32>
      %add3A_2947 = arith.addf %get3A_2929, %get3A_2946 : vector<16xf32>
      %swap3A_2948 = arith.constant 25 : i32
      %swap3A_2949 = arith.index_cast %swap3A_2948 : i32 to index
      %swap3A_2950 = arith.constant 80 : index
      %swap3A_2951 = tpu.vector_load %arg8[%swap3A_2949, %swap3A_2950] {strides = array<i32>} : memref<32x128xf32, #tpu.memory_space<vmem>>, vector<1x16xf32>,
      %swap3A_2952 = vector.shape_cast %swap3A_2951 : vector<1x16xf32> to vector<16xf32>
      %swap3A_2953 = vector.shape_cast %add3A_2947 : vector<16xf32> to vector<1x16xf32>
      tpu.vector_store %arg8[%swap3A_2949, %swap3A_2950], %swap3A_2953 {strides = array<i32>} : memref<32x128xf32, #tpu.memory_space<vmem>>, vector<1x16xf32>,
      %get3A_2954 = arith.constant 2 : i32
      %get3A_2955 = arith.index_cast %get3A_2954 : i32 to index
      %get3A_2956 = arith.constant 80 : index
      %get3A_2957 = tpu.vector_load %arg7[%get3A_2955, %get3A_2956] {strides = array<i32>} : memref<4x128xf32, #tpu.memory_space<vmem>>, vector<1x16xf32>,
      %get3A_2958 = vector.shape_cast %get3A_2957 : vector<1x16xf32> to vector<16xf32>
      %add3A_2959 = arith.addf %get3A_2929, %get3A_2958 : vector<16xf32>
      %swap3A_2960 = arith.constant 26 : i32
      %swap3A_2961 = arith.index_cast %swap3A_2960 : i32 to index
      %swap3A_2962 = arith.constant 80 : index
      %swap3A_2963 = tpu.vector_load %arg8[%swap3A_2961, %swap3A_2962] {strides = array<i32>} : memref<32x128xf32, #tpu.memory_space<vmem>>, vector<1x16xf32>,
      %swap3A_2964 = vector.shape_cast %swap3A_2963 : vector<1x16xf32> to vector<16xf32>
      %swap3A_2965 = vector.shape_cast %add3A_2959 : vector<16xf32> to vector<1x16xf32>
      tpu.vector_store %arg8[%swap3A_2961, %swap3A_2962], %swap3A_2965 {strides = array<i32>} : memref<32x128xf32, #tpu.memory_space<vmem>>, vector<1x16xf32>,
      %get3A_2966 = arith.constant 3 : i32
      %get3A_2967 = arith.index_cast %get3A_2966 : i32 to index
      %get3A_2968 = arith.constant 80 : index
      %get3A_2969 = tpu.vector_load %arg7[%get3A_2967, %get3A_2968] {strides = array<i32>} : memref<4x128xf32, #tpu.memory_space<vmem>>, vector<1x16xf32>,
      %get3A_2970 = vector.shape_cast %get3A_2969 : vector<1x16xf32> to vector<16xf32>
      %add3A_2971 = arith.addf %get3A_2929, %get3A_2970 : vector<16xf32>
      %swap3A_2972 = arith.constant 27 : i32
      %swap3A_2973 = arith.index_cast %swap3A_2972 : i32 to index
      %swap3A_2974 = arith.constant 80 : index
      %swap3A_2975 = tpu.vector_load %arg8[%swap3A_2973, %swap3A_2974] {strides = array<i32>} : memref<32x128xf32, #tpu.memory_space<vmem>>, vector<1x16xf32>,
      %swap3A_2976 = vector.shape_cast %swap3A_2975 : vector<1x16xf32> to vector<16xf32>
      %swap3A_2977 = vector.shape_cast %add3A_2971 : vector<16xf32> to vector<1x16xf32>
      tpu.vector_store %arg8[%swap3A_2973, %swap3A_2974], %swap3A_2977 {strides = array<i32>} : memref<32x128xf32, #tpu.memory_space<vmem>>, vector<1x16xf32>,
      %get3A_2978 = arith.constant 6 : i32
      %get3A_2979 = arith.index_cast %get3A_2978 : i32 to index
      %get3A_2980 = arith.constant 96 : index
      %get3A_2981 = tpu.vector_load %arg6[%get3A_2979, %get3A_2980] {strides = array<i32>} : memref<8x128xf32, #tpu.memory_space<vmem>>, vector<1x16xf32>,
      %get3A_2982 = vector.shape_cast %get3A_2981 : vector<1x16xf32> to vector<16xf32>
      %get3A_2983 = arith.constant 0 : i32
      %get3A_2984 = arith.index_cast %get3A_2983 : i32 to index
      %get3A_2985 = arith.constant 96 : index
      %get3A_2986 = tpu.vector_load %arg7[%get3A_2984, %get3A_2985] {strides = array<i32>} : memref<4x128xf32, #tpu.memory_space<vmem>>, vector<1x16xf32>,
      %get3A_2987 = vector.shape_cast %get3A_2986 : vector<1x16xf32> to vector<16xf32>
      %add3A_2988 = arith.addf %get3A_2982, %get3A_2987 : vector<16xf32>
      %swap3A_2989 = arith.constant 24 : i32
      %swap3A_2990 = arith.index_cast %swap3A_2989 : i32 to index
      %swap3A_2991 = arith.constant 96 : index
      %swap3A_2992 = tpu.vector_load %arg8[%swap3A_2990, %swap3A_2991] {strides = array<i32>} : memref<32x128xf32, #tpu.memory_space<vmem>>, vector<1x16xf32>,
      %swap3A_2993 = vector.shape_cast %swap3A_2992 : vector<1x16xf32> to vector<16xf32>
      %swap3A_2994 = vector.shape_cast %add3A_2988 : vector<16xf32> to vector<1x16xf32>
      tpu.vector_store %arg8[%swap3A_2990, %swap3A_2991], %swap3A_2994 {strides = array<i32>} : memref<32x128xf32, #tpu.memory_space<vmem>>, vector<1x16xf32>,
      %get3A_2995 = arith.constant 1 : i32
      %get3A_2996 = arith.index_cast %get3A_2995 : i32 to index
      %get3A_2997 = arith.constant 96 : index
      %get3A_2998 = tpu.vector_load %arg7[%get3A_2996, %get3A_2997] {strides = array<i32>} : memref<4x128xf32, #tpu.memory_space<vmem>>, vector<1x16xf32>,
      %get3A_2999 = vector.shape_cast %get3A_2998 : vector<1x16xf32> to vector<16xf32>
      %add3A_3000 = arith.addf %get3A_2982, %get3A_2999 : vector<16xf32>
      %swap3A_3001 = arith.constant 25 : i32
      %swap3A_3002 = arith.index_cast %swap3A_3001 : i32 to index
      %swap3A_3003 = arith.constant 96 : index
      %swap3A_3004 = tpu.vector_load %arg8[%swap3A_3002, %swap3A_3003] {strides = array<i32>} : memref<32x128xf32, #tpu.memory_space<vmem>>, vector<1x16xf32>,
      %swap3A_3005 = vector.shape_cast %swap3A_3004 : vector<1x16xf32> to vector<16xf32>
      %swap3A_3006 = vector.shape_cast %add3A_3000 : vector<16xf32> to vector<1x16xf32>
      tpu.vector_store %arg8[%swap3A_3002, %swap3A_3003], %swap3A_3006 {strides = array<i32>} : memref<32x128xf32, #tpu.memory_space<vmem>>, vector<1x16xf32>,
      %get3A_3007 = arith.constant 2 : i32
      %get3A_3008 = arith.index_cast %get3A_3007 : i32 to index
      %get3A_3009 = arith.constant 96 : index
      %get3A_3010 = tpu.vector_load %arg7[%get3A_3008, %get3A_3009] {strides = array<i32>} : memref<4x128xf32, #tpu.memory_space<vmem>>, vector<1x16xf32>,
      %get3A_3011 = vector.shape_cast %get3A_3010 : vector<1x16xf32> to vector<16xf32>
      %add3A_3012 = arith.addf %get3A_2982, %get3A_3011 : vector<16xf32>
      %swap3A_3013 = arith.constant 26 : i32
      %swap3A_3014 = arith.index_cast %swap3A_3013 : i32 to index
      %swap3A_3015 = arith.constant 96 : index
      %swap3A_3016 = tpu.vector_load %arg8[%swap3A_3014, %swap3A_3015] {strides = array<i32>} : memref<32x128xf32, #tpu.memory_space<vmem>>, vector<1x16xf32>,
      %swap3A_3017 = vector.shape_cast %swap3A_3016 : vector<1x16xf32> to vector<16xf32>
      %swap3A_3018 = vector.shape_cast %add3A_3012 : vector<16xf32> to vector<1x16xf32>
      tpu.vector_store %arg8[%swap3A_3014, %swap3A_3015], %swap3A_3018 {strides = array<i32>} : memref<32x128xf32, #tpu.memory_space<vmem>>, vector<1x16xf32>,
      %get3A_3019 = arith.constant 3 : i32
      %get3A_3020 = arith.index_cast %get3A_3019 : i32 to index
      %get3A_3021 = arith.constant 96 : index
      %get3A_3022 = tpu.vector_load %arg7[%get3A_3020, %get3A_3021] {strides = array<i32>} : memref<4x128xf32, #tpu.memory_space<vmem>>, vector<1x16xf32>,
      %get3A_3023 = vector.shape_cast %get3A_3022 : vector<1x16xf32> to vector<16xf32>
      %add3A_3024 = arith.addf %get3A_2982, %get3A_3023 : vector<16xf32>
      %swap3A_3025 = arith.constant 27 : i32
      %swap3A_3026 = arith.index_cast %swap3A_3025 : i32 to index
      %swap3A_3027 = arith.constant 96 : index
      %swap3A_3028 = tpu.vector_load %arg8[%swap3A_3026, %swap3A_3027] {strides = array<i32>} : memref<32x128xf32, #tpu.memory_space<vmem>>, vector<1x16xf32>,
      %swap3A_3029 = vector.shape_cast %swap3A_3028 : vector<1x16xf32> to vector<16xf32>
      %swap3A_3030 = vector.shape_cast %add3A_3024 : vector<16xf32> to vector<1x16xf32>
      tpu.vector_store %arg8[%swap3A_3026, %swap3A_3027], %swap3A_3030 {strides = array<i32>} : memref<32x128xf32, #tpu.memory_space<vmem>>, vector<1x16xf32>,
      %get3A_3031 = arith.constant 6 : i32
      %get3A_3032 = arith.index_cast %get3A_3031 : i32 to index
      %get3A_3033 = arith.constant 112 : index
      %get3A_3034 = tpu.vector_load %arg6[%get3A_3032, %get3A_3033] {strides = array<i32>} : memref<8x128xf32, #tpu.memory_space<vmem>>, vector<1x16xf32>,
      %get3A_3035 = vector.shape_cast %get3A_3034 : vector<1x16xf32> to vector<16xf32>
      %get3A_3036 = arith.constant 0 : i32
      %get3A_3037 = arith.index_cast %get3A_3036 : i32 to index
      %get3A_3038 = arith.constant 112 : index
      %get3A_3039 = tpu.vector_load %arg7[%get3A_3037, %get3A_3038] {strides = array<i32>} : memref<4x128xf32, #tpu.memory_space<vmem>>, vector<1x16xf32>,
      %get3A_3040 = vector.shape_cast %get3A_3039 : vector<1x16xf32> to vector<16xf32>
      %add3A_3041 = arith.addf %get3A_3035, %get3A_3040 : vector<16xf32>
      %swap3A_3042 = arith.constant 24 : i32
      %swap3A_3043 = arith.index_cast %swap3A_3042 : i32 to index
      %swap3A_3044 = arith.constant 112 : index
      %swap3A_3045 = tpu.vector_load %arg8[%swap3A_3043, %swap3A_3044] {strides = array<i32>} : memref<32x128xf32, #tpu.memory_space<vmem>>, vector<1x16xf32>,
      %swap3A_3046 = vector.shape_cast %swap3A_3045 : vector<1x16xf32> to vector<16xf32>
      %swap3A_3047 = vector.shape_cast %add3A_3041 : vector<16xf32> to vector<1x16xf32>
      tpu.vector_store %arg8[%swap3A_3043, %swap3A_3044], %swap3A_3047 {strides = array<i32>} : memref<32x128xf32, #tpu.memory_space<vmem>>, vector<1x16xf32>,
      %get3A_3048 = arith.constant 1 : i32
      %get3A_3049 = arith.index_cast %get3A_3048 : i32 to index
      %get3A_3050 = arith.constant 112 : index
      %get3A_3051 = tpu.vector_load %arg7[%get3A_3049, %get3A_3050] {strides = array<i32>} : memref<4x128xf32, #tpu.memory_space<vmem>>, vector<1x16xf32>,
      %get3A_3052 = vector.shape_cast %get3A_3051 : vector<1x16xf32> to vector<16xf32>
      %add3A_3053 = arith.addf %get3A_3035, %get3A_3052 : vector<16xf32>
      %swap3A_3054 = arith.constant 25 : i32
      %swap3A_3055 = arith.index_cast %swap3A_3054 : i32 to index
      %swap3A_3056 = arith.constant 112 : index
      %swap3A_3057 = tpu.vector_load %arg8[%swap3A_3055, %swap3A_3056] {strides = array<i32>} : memref<32x128xf32, #tpu.memory_space<vmem>>, vector<1x16xf32>,
      %swap3A_3058 = vector.shape_cast %swap3A_3057 : vector<1x16xf32> to vector<16xf32>
      %swap3A_3059 = vector.shape_cast %add3A_3053 : vector<16xf32> to vector<1x16xf32>
      tpu.vector_store %arg8[%swap3A_3055, %swap3A_3056], %swap3A_3059 {strides = array<i32>} : memref<32x128xf32, #tpu.memory_space<vmem>>, vector<1x16xf32>,
      %get3A_3060 = arith.constant 2 : i32
      %get3A_3061 = arith.index_cast %get3A_3060 : i32 to index
      %get3A_3062 = arith.constant 112 : index
      %get3A_3063 = tpu.vector_load %arg7[%get3A_3061, %get3A_3062] {strides = array<i32>} : memref<4x128xf32, #tpu.memory_space<vmem>>, vector<1x16xf32>,
      %get3A_3064 = vector.shape_cast %get3A_3063 : vector<1x16xf32> to vector<16xf32>
      %add3A_3065 = arith.addf %get3A_3035, %get3A_3064 : vector<16xf32>
      %swap3A_3066 = arith.constant 26 : i32
      %swap3A_3067 = arith.index_cast %swap3A_3066 : i32 to index
      %swap3A_3068 = arith.constant 112 : index
      %swap3A_3069 = tpu.vector_load %arg8[%swap3A_3067, %swap3A_3068] {strides = array<i32>} : memref<32x128xf32, #tpu.memory_space<vmem>>, vector<1x16xf32>,
      %swap3A_3070 = vector.shape_cast %swap3A_3069 : vector<1x16xf32> to vector<16xf32>
      %swap3A_3071 = vector.shape_cast %add3A_3065 : vector<16xf32> to vector<1x16xf32>
      tpu.vector_store %arg8[%swap3A_3067, %swap3A_3068], %swap3A_3071 {strides = array<i32>} : memref<32x128xf32, #tpu.memory_space<vmem>>, vector<1x16xf32>,
      %get3A_3072 = arith.constant 3 : i32
      %get3A_3073 = arith.index_cast %get3A_3072 : i32 to index
      %get3A_3074 = arith.constant 112 : index
      %get3A_3075 = tpu.vector_load %arg7[%get3A_3073, %get3A_3074] {strides = array<i32>} : memref<4x128xf32, #tpu.memory_space<vmem>>, vector<1x16xf32>,
      %get3A_3076 = vector.shape_cast %get3A_3075 : vector<1x16xf32> to vector<16xf32>
      %add3A_3077 = arith.addf %get3A_3035, %get3A_3076 : vector<16xf32>
      %swap3A_3078 = arith.constant 27 : i32
      %swap3A_3079 = arith.index_cast %swap3A_3078 : i32 to index
      %swap3A_3080 = arith.constant 112 : index
      %swap3A_3081 = tpu.vector_load %arg8[%swap3A_3079, %swap3A_3080] {strides = array<i32>} : memref<32x128xf32, #tpu.memory_space<vmem>>, vector<1x16xf32>,
      %swap3A_3082 = vector.shape_cast %swap3A_3081 : vector<1x16xf32> to vector<16xf32>
      %swap3A_3083 = vector.shape_cast %add3A_3077 : vector<16xf32> to vector<1x16xf32>
      tpu.vector_store %arg8[%swap3A_3079, %swap3A_3080], %swap3A_3083 {strides = array<i32>} : memref<32x128xf32, #tpu.memory_space<vmem>>, vector<1x16xf32>,
      %get3A_3084 = arith.constant 7 : i32
      %get3A_3085 = arith.index_cast %get3A_3084 : i32 to index
      %get3A_3086 = arith.constant 0 : index
      %get3A_3087 = tpu.vector_load %arg6[%get3A_3085, %get3A_3086] {strides = array<i32>} : memref<8x128xf32, #tpu.memory_space<vmem>>, vector<1x16xf32>,
      %get3A_3088 = vector.shape_cast %get3A_3087 : vector<1x16xf32> to vector<16xf32>
      %get3A_3089 = arith.constant 0 : i32
      %get3A_3090 = arith.index_cast %get3A_3089 : i32 to index
      %get3A_3091 = arith.constant 0 : index
      %get3A_3092 = tpu.vector_load %arg7[%get3A_3090, %get3A_3091] {strides = array<i32>} : memref<4x128xf32, #tpu.memory_space<vmem>>, vector<1x16xf32>,
      %get3A_3093 = vector.shape_cast %get3A_3092 : vector<1x16xf32> to vector<16xf32>
      %add3A_3094 = arith.addf %get3A_3088, %get3A_3093 : vector<16xf32>
      %swap3A_3095 = arith.constant 28 : i32
      %swap3A_3096 = arith.index_cast %swap3A_3095 : i32 to index
      %swap3A_3097 = arith.constant 0 : index
      %swap3A_3098 = tpu.vector_load %arg8[%swap3A_3096, %swap3A_3097] {strides = array<i32>} : memref<32x128xf32, #tpu.memory_space<vmem>>, vector<1x16xf32>,
      %swap3A_3099 = vector.shape_cast %swap3A_3098 : vector<1x16xf32> to vector<16xf32>
      %swap3A_3100 = vector.shape_cast %add3A_3094 : vector<16xf32> to vector<1x16xf32>
      tpu.vector_store %arg8[%swap3A_3096, %swap3A_3097], %swap3A_3100 {strides = array<i32>} : memref<32x128xf32, #tpu.memory_space<vmem>>, vector<1x16xf32>,
      %get3A_3101 = arith.constant 1 : i32
      %get3A_3102 = arith.index_cast %get3A_3101 : i32 to index
      %get3A_3103 = arith.constant 0 : index
      %get3A_3104 = tpu.vector_load %arg7[%get3A_3102, %get3A_3103] {strides = array<i32>} : memref<4x128xf32, #tpu.memory_space<vmem>>, vector<1x16xf32>,
      %get3A_3105 = vector.shape_cast %get3A_3104 : vector<1x16xf32> to vector<16xf32>
      %add3A_3106 = arith.addf %get3A_3088, %get3A_3105 : vector<16xf32>
      %swap3A_3107 = arith.constant 29 : i32
      %swap3A_3108 = arith.index_cast %swap3A_3107 : i32 to index
      %swap3A_3109 = arith.constant 0 : index
      %swap3A_3110 = tpu.vector_load %arg8[%swap3A_3108, %swap3A_3109] {strides = array<i32>} : memref<32x128xf32, #tpu.memory_space<vmem>>, vector<1x16xf32>,
      %swap3A_3111 = vector.shape_cast %swap3A_3110 : vector<1x16xf32> to vector<16xf32>
      %swap3A_3112 = vector.shape_cast %add3A_3106 : vector<16xf32> to vector<1x16xf32>
      tpu.vector_store %arg8[%swap3A_3108, %swap3A_3109], %swap3A_3112 {strides = array<i32>} : memref<32x128xf32, #tpu.memory_space<vmem>>, vector<1x16xf32>,
      %get3A_3113 = arith.constant 2 : i32
      %get3A_3114 = arith.index_cast %get3A_3113 : i32 to index
      %get3A_3115 = arith.constant 0 : index
      %get3A_3116 = tpu.vector_load %arg7[%get3A_3114, %get3A_3115] {strides = array<i32>} : memref<4x128xf32, #tpu.memory_space<vmem>>, vector<1x16xf32>,
      %get3A_3117 = vector.shape_cast %get3A_3116 : vector<1x16xf32> to vector<16xf32>
      %add3A_3118 = arith.addf %get3A_3088, %get3A_3117 : vector<16xf32>
      %swap3A_3119 = arith.constant 30 : i32
      %swap3A_3120 = arith.index_cast %swap3A_3119 : i32 to index
      %swap3A_3121 = arith.constant 0 : index
      %swap3A_3122 = tpu.vector_load %arg8[%swap3A_3120, %swap3A_3121] {strides = array<i32>} : memref<32x128xf32, #tpu.memory_space<vmem>>, vector<1x16xf32>,
      %swap3A_3123 = vector.shape_cast %swap3A_3122 : vector<1x16xf32> to vector<16xf32>
      %swap3A_3124 = vector.shape_cast %add3A_3118 : vector<16xf32> to vector<1x16xf32>
      tpu.vector_store %arg8[%swap3A_3120, %swap3A_3121], %swap3A_3124 {strides = array<i32>} : memref<32x128xf32, #tpu.memory_space<vmem>>, vector<1x16xf32>,
      %get3A_3125 = arith.constant 3 : i32
      %get3A_3126 = arith.index_cast %get3A_3125 : i32 to index
      %get3A_3127 = arith.constant 0 : index
      %get3A_3128 = tpu.vector_load %arg7[%get3A_3126, %get3A_3127] {strides = array<i32>} : memref<4x128xf32, #tpu.memory_space<vmem>>, vector<1x16xf32>,
      %get3A_3129 = vector.shape_cast %get3A_3128 : vector<1x16xf32> to vector<16xf32>
      %add3A_3130 = arith.addf %get3A_3088, %get3A_3129 : vector<16xf32>
      %swap3A_3131 = arith.constant 31 : i32
      %swap3A_3132 = arith.index_cast %swap3A_3131 : i32 to index
      %swap3A_3133 = arith.constant 0 : index
      %swap3A_3134 = tpu.vector_load %arg8[%swap3A_3132, %swap3A_3133] {strides = array<i32>} : memref<32x128xf32, #tpu.memory_space<vmem>>, vector<1x16xf32>,
      %swap3A_3135 = vector.shape_cast %swap3A_3134 : vector<1x16xf32> to vector<16xf32>
      %swap3A_3136 = vector.shape_cast %add3A_3130 : vector<16xf32> to vector<1x16xf32>
      tpu.vector_store %arg8[%swap3A_3132, %swap3A_3133], %swap3A_3136 {strides = array<i32>} : memref<32x128xf32, #tpu.memory_space<vmem>>, vector<1x16xf32>,
      %get3A_3137 = arith.constant 7 : i32
      %get3A_3138 = arith.index_cast %get3A_3137 : i32 to index
      %get3A_3139 = arith.constant 16 : index
      %get3A_3140 = tpu.vector_load %arg6[%get3A_3138, %get3A_3139] {strides = array<i32>} : memref<8x128xf32, #tpu.memory_space<vmem>>, vector<1x16xf32>,
      %get3A_3141 = vector.shape_cast %get3A_3140 : vector<1x16xf32> to vector<16xf32>
      %get3A_3142 = arith.constant 0 : i32
      %get3A_3143 = arith.index_cast %get3A_3142 : i32 to index
      %get3A_3144 = arith.constant 16 : index
      %get3A_3145 = tpu.vector_load %arg7[%get3A_3143, %get3A_3144] {strides = array<i32>} : memref<4x128xf32, #tpu.memory_space<vmem>>, vector<1x16xf32>,
      %get3A_3146 = vector.shape_cast %get3A_3145 : vector<1x16xf32> to vector<16xf32>
      %add3A_3147 = arith.addf %get3A_3141, %get3A_3146 : vector<16xf32>
      %swap3A_3148 = arith.constant 28 : i32
      %swap3A_3149 = arith.index_cast %swap3A_3148 : i32 to index
      %swap3A_3150 = arith.constant 16 : index
      %swap3A_3151 = tpu.vector_load %arg8[%swap3A_3149, %swap3A_3150] {strides = array<i32>} : memref<32x128xf32, #tpu.memory_space<vmem>>, vector<1x16xf32>,
      %swap3A_3152 = vector.shape_cast %swap3A_3151 : vector<1x16xf32> to vector<16xf32>
      %swap3A_3153 = vector.shape_cast %add3A_3147 : vector<16xf32> to vector<1x16xf32>
      tpu.vector_store %arg8[%swap3A_3149, %swap3A_3150], %swap3A_3153 {strides = array<i32>} : memref<32x128xf32, #tpu.memory_space<vmem>>, vector<1x16xf32>,
      %get3A_3154 = arith.constant 1 : i32
      %get3A_3155 = arith.index_cast %get3A_3154 : i32 to index
      %get3A_3156 = arith.constant 16 : index
      %get3A_3157 = tpu.vector_load %arg7[%get3A_3155, %get3A_3156] {strides = array<i32>} : memref<4x128xf32, #tpu.memory_space<vmem>>, vector<1x16xf32>,
      %get3A_3158 = vector.shape_cast %get3A_3157 : vector<1x16xf32> to vector<16xf32>
      %add3A_3159 = arith.addf %get3A_3141, %get3A_3158 : vector<16xf32>
      %swap3A_3160 = arith.constant 29 : i32
      %swap3A_3161 = arith.index_cast %swap3A_3160 : i32 to index
      %swap3A_3162 = arith.constant 16 : index
      %swap3A_3163 = tpu.vector_load %arg8[%swap3A_3161, %swap3A_3162] {strides = array<i32>} : memref<32x128xf32, #tpu.memory_space<vmem>>, vector<1x16xf32>,
      %swap3A_3164 = vector.shape_cast %swap3A_3163 : vector<1x16xf32> to vector<16xf32>
      %swap3A_3165 = vector.shape_cast %add3A_3159 : vector<16xf32> to vector<1x16xf32>
      tpu.vector_store %arg8[%swap3A_3161, %swap3A_3162], %swap3A_3165 {strides = array<i32>} : memref<32x128xf32, #tpu.memory_space<vmem>>, vector<1x16xf32>,
      %get3A_3166 = arith.constant 2 : i32
      %get3A_3167 = arith.index_cast %get3A_3166 : i32 to index
      %get3A_3168 = arith.constant 16 : index
      %get3A_3169 = tpu.vector_load %arg7[%get3A_3167, %get3A_3168] {strides = array<i32>} : memref<4x128xf32, #tpu.memory_space<vmem>>, vector<1x16xf32>,
      %get3A_3170 = vector.shape_cast %get3A_3169 : vector<1x16xf32> to vector<16xf32>
      %add3A_3171 = arith.addf %get3A_3141, %get3A_3170 : vector<16xf32>
      %swap3A_3172 = arith.constant 30 : i32
      %swap3A_3173 = arith.index_cast %swap3A_3172 : i32 to index
      %swap3A_3174 = arith.constant 16 : index
      %swap3A_3175 = tpu.vector_load %arg8[%swap3A_3173, %swap3A_3174] {strides = array<i32>} : memref<32x128xf32, #tpu.memory_space<vmem>>, vector<1x16xf32>,
      %swap3A_3176 = vector.shape_cast %swap3A_3175 : vector<1x16xf32> to vector<16xf32>
      %swap3A_3177 = vector.shape_cast %add3A_3171 : vector<16xf32> to vector<1x16xf32>
      tpu.vector_store %arg8[%swap3A_3173, %swap3A_3174], %swap3A_3177 {strides = array<i32>} : memref<32x128xf32, #tpu.memory_space<vmem>>, vector<1x16xf32>,
      %get3A_3178 = arith.constant 3 : i32
      %get3A_3179 = arith.index_cast %get3A_3178 : i32 to index
      %get3A_3180 = arith.constant 16 : index
      %get3A_3181 = tpu.vector_load %arg7[%get3A_3179, %get3A_3180] {strides = array<i32>} : memref<4x128xf32, #tpu.memory_space<vmem>>, vector<1x16xf32>,
      %get3A_3182 = vector.shape_cast %get3A_3181 : vector<1x16xf32> to vector<16xf32>
      %add3A_3183 = arith.addf %get3A_3141, %get3A_3182 : vector<16xf32>
      %swap3A_3184 = arith.constant 31 : i32
      %swap3A_3185 = arith.index_cast %swap3A_3184 : i32 to index
      %swap3A_3186 = arith.constant 16 : index
      %swap3A_3187 = tpu.vector_load %arg8[%swap3A_3185, %swap3A_3186] {strides = array<i32>} : memref<32x128xf32, #tpu.memory_space<vmem>>, vector<1x16xf32>,
      %swap3A_3188 = vector.shape_cast %swap3A_3187 : vector<1x16xf32> to vector<16xf32>
      %swap3A_3189 = vector.shape_cast %add3A_3183 : vector<16xf32> to vector<1x16xf32>
      tpu.vector_store %arg8[%swap3A_3185, %swap3A_3186], %swap3A_3189 {strides = array<i32>} : memref<32x128xf32, #tpu.memory_space<vmem>>, vector<1x16xf32>,
      %get3A_3190 = arith.constant 7 : i32
      %get3A_3191 = arith.index_cast %get3A_3190 : i32 to index
      %get3A_3192 = arith.constant 32 : index
      %get3A_3193 = tpu.vector_load %arg6[%get3A_3191, %get3A_3192] {strides = array<i32>} : memref<8x128xf32, #tpu.memory_space<vmem>>, vector<1x16xf32>,
      %get3A_3194 = vector.shape_cast %get3A_3193 : vector<1x16xf32> to vector<16xf32>
      %get3A_3195 = arith.constant 0 : i32
      %get3A_3196 = arith.index_cast %get3A_3195 : i32 to index
      %get3A_3197 = arith.constant 32 : index
      %get3A_3198 = tpu.vector_load %arg7[%get3A_3196, %get3A_3197] {strides = array<i32>} : memref<4x128xf32, #tpu.memory_space<vmem>>, vector<1x16xf32>,
      %get3A_3199 = vector.shape_cast %get3A_3198 : vector<1x16xf32> to vector<16xf32>
      %add3A_3200 = arith.addf %get3A_3194, %get3A_3199 : vector<16xf32>
      %swap3A_3201 = arith.constant 28 : i32
      %swap3A_3202 = arith.index_cast %swap3A_3201 : i32 to index
      %swap3A_3203 = arith.constant 32 : index
      %swap3A_3204 = tpu.vector_load %arg8[%swap3A_3202, %swap3A_3203] {strides = array<i32>} : memref<32x128xf32, #tpu.memory_space<vmem>>, vector<1x16xf32>,
      %swap3A_3205 = vector.shape_cast %swap3A_3204 : vector<1x16xf32> to vector<16xf32>
      %swap3A_3206 = vector.shape_cast %add3A_3200 : vector<16xf32> to vector<1x16xf32>
      tpu.vector_store %arg8[%swap3A_3202, %swap3A_3203], %swap3A_3206 {strides = array<i32>} : memref<32x128xf32, #tpu.memory_space<vmem>>, vector<1x16xf32>,
      %get3A_3207 = arith.constant 1 : i32
      %get3A_3208 = arith.index_cast %get3A_3207 : i32 to index
      %get3A_3209 = arith.constant 32 : index
      %get3A_3210 = tpu.vector_load %arg7[%get3A_3208, %get3A_3209] {strides = array<i32>} : memref<4x128xf32, #tpu.memory_space<vmem>>, vector<1x16xf32>,
      %get3A_3211 = vector.shape_cast %get3A_3210 : vector<1x16xf32> to vector<16xf32>
      %add3A_3212 = arith.addf %get3A_3194, %get3A_3211 : vector<16xf32>
      %swap3A_3213 = arith.constant 29 : i32
      %swap3A_3214 = arith.index_cast %swap3A_3213 : i32 to index
      %swap3A_3215 = arith.constant 32 : index
      %swap3A_3216 = tpu.vector_load %arg8[%swap3A_3214, %swap3A_3215] {strides = array<i32>} : memref<32x128xf32, #tpu.memory_space<vmem>>, vector<1x16xf32>,
      %swap3A_3217 = vector.shape_cast %swap3A_3216 : vector<1x16xf32> to vector<16xf32>
      %swap3A_3218 = vector.shape_cast %add3A_3212 : vector<16xf32> to vector<1x16xf32>
      tpu.vector_store %arg8[%swap3A_3214, %swap3A_3215], %swap3A_3218 {strides = array<i32>} : memref<32x128xf32, #tpu.memory_space<vmem>>, vector<1x16xf32>,
      %get3A_3219 = arith.constant 2 : i32
      %get3A_3220 = arith.index_cast %get3A_3219 : i32 to index
      %get3A_3221 = arith.constant 32 : index
      %get3A_3222 = tpu.vector_load %arg7[%get3A_3220, %get3A_3221] {strides = array<i32>} : memref<4x128xf32, #tpu.memory_space<vmem>>, vector<1x16xf32>,
      %get3A_3223 = vector.shape_cast %get3A_3222 : vector<1x16xf32> to vector<16xf32>
      %add3A_3224 = arith.addf %get3A_3194, %get3A_3223 : vector<16xf32>
      %swap3A_3225 = arith.constant 30 : i32
      %swap3A_3226 = arith.index_cast %swap3A_3225 : i32 to index
      %swap3A_3227 = arith.constant 32 : index
      %swap3A_3228 = tpu.vector_load %arg8[%swap3A_3226, %swap3A_3227] {strides = array<i32>} : memref<32x128xf32, #tpu.memory_space<vmem>>, vector<1x16xf32>,
      %swap3A_3229 = vector.shape_cast %swap3A_3228 : vector<1x16xf32> to vector<16xf32>
      %swap3A_3230 = vector.shape_cast %add3A_3224 : vector<16xf32> to vector<1x16xf32>
      tpu.vector_store %arg8[%swap3A_3226, %swap3A_3227], %swap3A_3230 {strides = array<i32>} : memref<32x128xf32, #tpu.memory_space<vmem>>, vector<1x16xf32>,
      %get3A_3231 = arith.constant 3 : i32
      %get3A_3232 = arith.index_cast %get3A_3231 : i32 to index
      %get3A_3233 = arith.constant 32 : index
      %get3A_3234 = tpu.vector_load %arg7[%get3A_3232, %get3A_3233] {strides = array<i32>} : memref<4x128xf32, #tpu.memory_space<vmem>>, vector<1x16xf32>,
      %get3A_3235 = vector.shape_cast %get3A_3234 : vector<1x16xf32> to vector<16xf32>
      %add3A_3236 = arith.addf %get3A_3194, %get3A_3235 : vector<16xf32>
      %swap3A_3237 = arith.constant 31 : i32
      %swap3A_3238 = arith.index_cast %swap3A_3237 : i32 to index
      %swap3A_3239 = arith.constant 32 : index
      %swap3A_3240 = tpu.vector_load %arg8[%swap3A_3238, %swap3A_3239] {strides = array<i32>} : memref<32x128xf32, #tpu.memory_space<vmem>>, vector<1x16xf32>,
      %swap3A_3241 = vector.shape_cast %swap3A_3240 : vector<1x16xf32> to vector<16xf32>
      %swap3A_3242 = vector.shape_cast %add3A_3236 : vector<16xf32> to vector<1x16xf32>
      tpu.vector_store %arg8[%swap3A_3238, %swap3A_3239], %swap3A_3242 {strides = array<i32>} : memref<32x128xf32, #tpu.memory_space<vmem>>, vector<1x16xf32>,
      %get3A_3243 = arith.constant 7 : i32
      %get3A_3244 = arith.index_cast %get3A_3243 : i32 to index
      %get3A_3245 = arith.constant 48 : index
      %get3A_3246 = tpu.vector_load %arg6[%get3A_3244, %get3A_3245] {strides = array<i32>} : memref<8x128xf32, #tpu.memory_space<vmem>>, vector<1x16xf32>,
      %get3A_3247 = vector.shape_cast %get3A_3246 : vector<1x16xf32> to vector<16xf32>
      %get3A_3248 = arith.constant 0 : i32
      %get3A_3249 = arith.index_cast %get3A_3248 : i32 to index
      %get3A_3250 = arith.constant 48 : index
      %get3A_3251 = tpu.vector_load %arg7[%get3A_3249, %get3A_3250] {strides = array<i32>} : memref<4x128xf32, #tpu.memory_space<vmem>>, vector<1x16xf32>,
      %get3A_3252 = vector.shape_cast %get3A_3251 : vector<1x16xf32> to vector<16xf32>
      %add3A_3253 = arith.addf %get3A_3247, %get3A_3252 : vector<16xf32>
      %swap3A_3254 = arith.constant 28 : i32
      %swap3A_3255 = arith.index_cast %swap3A_3254 : i32 to index
      %swap3A_3256 = arith.constant 48 : index
      %swap3A_3257 = tpu.vector_load %arg8[%swap3A_3255, %swap3A_3256] {strides = array<i32>} : memref<32x128xf32, #tpu.memory_space<vmem>>, vector<1x16xf32>,
      %swap3A_3258 = vector.shape_cast %swap3A_3257 : vector<1x16xf32> to vector<16xf32>
      %swap3A_3259 = vector.shape_cast %add3A_3253 : vector<16xf32> to vector<1x16xf32>
      tpu.vector_store %arg8[%swap3A_3255, %swap3A_3256], %swap3A_3259 {strides = array<i32>} : memref<32x128xf32, #tpu.memory_space<vmem>>, vector<1x16xf32>,
      %get3A_3260 = arith.constant 1 : i32
      %get3A_3261 = arith.index_cast %get3A_3260 : i32 to index
      %get3A_3262 = arith.constant 48 : index
      %get3A_3263 = tpu.vector_load %arg7[%get3A_3261, %get3A_3262] {strides = array<i32>} : memref<4x128xf32, #tpu.memory_space<vmem>>, vector<1x16xf32>,
      %get3A_3264 = vector.shape_cast %get3A_3263 : vector<1x16xf32> to vector<16xf32>
      %add3A_3265 = arith.addf %get3A_3247, %get3A_3264 : vector<16xf32>
      %swap3A_3266 = arith.constant 29 : i32
      %swap3A_3267 = arith.index_cast %swap3A_3266 : i32 to index
      %swap3A_3268 = arith.constant 48 : index
      %swap3A_3269 = tpu.vector_load %arg8[%swap3A_3267, %swap3A_3268] {strides = array<i32>} : memref<32x128xf32, #tpu.memory_space<vmem>>, vector<1x16xf32>,
      %swap3A_3270 = vector.shape_cast %swap3A_3269 : vector<1x16xf32> to vector<16xf32>
      %swap3A_3271 = vector.shape_cast %add3A_3265 : vector<16xf32> to vector<1x16xf32>
      tpu.vector_store %arg8[%swap3A_3267, %swap3A_3268], %swap3A_3271 {strides = array<i32>} : memref<32x128xf32, #tpu.memory_space<vmem>>, vector<1x16xf32>,
      %get3A_3272 = arith.constant 2 : i32
      %get3A_3273 = arith.index_cast %get3A_3272 : i32 to index
      %get3A_3274 = arith.constant 48 : index
      %get3A_3275 = tpu.vector_load %arg7[%get3A_3273, %get3A_3274] {strides = array<i32>} : memref<4x128xf32, #tpu.memory_space<vmem>>, vector<1x16xf32>,
      %get3A_3276 = vector.shape_cast %get3A_3275 : vector<1x16xf32> to vector<16xf32>
      %add3A_3277 = arith.addf %get3A_3247, %get3A_3276 : vector<16xf32>
      %swap3A_3278 = arith.constant 30 : i32
      %swap3A_3279 = arith.index_cast %swap3A_3278 : i32 to index
      %swap3A_3280 = arith.constant 48 : index
      %swap3A_3281 = tpu.vector_load %arg8[%swap3A_3279, %swap3A_3280] {strides = array<i32>} : memref<32x128xf32, #tpu.memory_space<vmem>>, vector<1x16xf32>,
      %swap3A_3282 = vector.shape_cast %swap3A_3281 : vector<1x16xf32> to vector<16xf32>
      %swap3A_3283 = vector.shape_cast %add3A_3277 : vector<16xf32> to vector<1x16xf32>
      tpu.vector_store %arg8[%swap3A_3279, %swap3A_3280], %swap3A_3283 {strides = array<i32>} : memref<32x128xf32, #tpu.memory_space<vmem>>, vector<1x16xf32>,
      %get3A_3284 = arith.constant 3 : i32
      %get3A_3285 = arith.index_cast %get3A_3284 : i32 to index
      %get3A_3286 = arith.constant 48 : index
      %get3A_3287 = tpu.vector_load %arg7[%get3A_3285, %get3A_3286] {strides = array<i32>} : memref<4x128xf32, #tpu.memory_space<vmem>>, vector<1x16xf32>,
      %get3A_3288 = vector.shape_cast %get3A_3287 : vector<1x16xf32> to vector<16xf32>
      %add3A_3289 = arith.addf %get3A_3247, %get3A_3288 : vector<16xf32>
      %swap3A_3290 = arith.constant 31 : i32
      %swap3A_3291 = arith.index_cast %swap3A_3290 : i32 to index
      %swap3A_3292 = arith.constant 48 : index
      %swap3A_3293 = tpu.vector_load %arg8[%swap3A_3291, %swap3A_3292] {strides = array<i32>} : memref<32x128xf32, #tpu.memory_space<vmem>>, vector<1x16xf32>,
      %swap3A_3294 = vector.shape_cast %swap3A_3293 : vector<1x16xf32> to vector<16xf32>
      %swap3A_3295 = vector.shape_cast %add3A_3289 : vector<16xf32> to vector<1x16xf32>
      tpu.vector_store %arg8[%swap3A_3291, %swap3A_3292], %swap3A_3295 {strides = array<i32>} : memref<32x128xf32, #tpu.memory_space<vmem>>, vector<1x16xf32>,
      %get3A_3296 = arith.constant 7 : i32
      %get3A_3297 = arith.index_cast %get3A_3296 : i32 to index
      %get3A_3298 = arith.constant 64 : index
      %get3A_3299 = tpu.vector_load %arg6[%get3A_3297, %get3A_3298] {strides = array<i32>} : memref<8x128xf32, #tpu.memory_space<vmem>>, vector<1x16xf32>,
      %get3A_3300 = vector.shape_cast %get3A_3299 : vector<1x16xf32> to vector<16xf32>
      %get3A_3301 = arith.constant 0 : i32
      %get3A_3302 = arith.index_cast %get3A_3301 : i32 to index
      %get3A_3303 = arith.constant 64 : index
      %get3A_3304 = tpu.vector_load %arg7[%get3A_3302, %get3A_3303] {strides = array<i32>} : memref<4x128xf32, #tpu.memory_space<vmem>>, vector<1x16xf32>,
      %get3A_3305 = vector.shape_cast %get3A_3304 : vector<1x16xf32> to vector<16xf32>
      %add3A_3306 = arith.addf %get3A_3300, %get3A_3305 : vector<16xf32>
      %swap3A_3307 = arith.constant 28 : i32
      %swap3A_3308 = arith.index_cast %swap3A_3307 : i32 to index
      %swap3A_3309 = arith.constant 64 : index
      %swap3A_3310 = tpu.vector_load %arg8[%swap3A_3308, %swap3A_3309] {strides = array<i32>} : memref<32x128xf32, #tpu.memory_space<vmem>>, vector<1x16xf32>,
      %swap3A_3311 = vector.shape_cast %swap3A_3310 : vector<1x16xf32> to vector<16xf32>
      %swap3A_3312 = vector.shape_cast %add3A_3306 : vector<16xf32> to vector<1x16xf32>
      tpu.vector_store %arg8[%swap3A_3308, %swap3A_3309], %swap3A_3312 {strides = array<i32>} : memref<32x128xf32, #tpu.memory_space<vmem>>, vector<1x16xf32>,
      %get3A_3313 = arith.constant 1 : i32
      %get3A_3314 = arith.index_cast %get3A_3313 : i32 to index
      %get3A_3315 = arith.constant 64 : index
      %get3A_3316 = tpu.vector_load %arg7[%get3A_3314, %get3A_3315] {strides = array<i32>} : memref<4x128xf32, #tpu.memory_space<vmem>>, vector<1x16xf32>,
      %get3A_3317 = vector.shape_cast %get3A_3316 : vector<1x16xf32> to vector<16xf32>
      %add3A_3318 = arith.addf %get3A_3300, %get3A_3317 : vector<16xf32>
      %swap3A_3319 = arith.constant 29 : i32
      %swap3A_3320 = arith.index_cast %swap3A_3319 : i32 to index
      %swap3A_3321 = arith.constant 64 : index
      %swap3A_3322 = tpu.vector_load %arg8[%swap3A_3320, %swap3A_3321] {strides = array<i32>} : memref<32x128xf32, #tpu.memory_space<vmem>>, vector<1x16xf32>,
      %swap3A_3323 = vector.shape_cast %swap3A_3322 : vector<1x16xf32> to vector<16xf32>
      %swap3A_3324 = vector.shape_cast %add3A_3318 : vector<16xf32> to vector<1x16xf32>
      tpu.vector_store %arg8[%swap3A_3320, %swap3A_3321], %swap3A_3324 {strides = array<i32>} : memref<32x128xf32, #tpu.memory_space<vmem>>, vector<1x16xf32>,
      %get3A_3325 = arith.constant 2 : i32
      %get3A_3326 = arith.index_cast %get3A_3325 : i32 to index
      %get3A_3327 = arith.constant 64 : index
      %get3A_3328 = tpu.vector_load %arg7[%get3A_3326, %get3A_3327] {strides = array<i32>} : memref<4x128xf32, #tpu.memory_space<vmem>>, vector<1x16xf32>,
      %get3A_3329 = vector.shape_cast %get3A_3328 : vector<1x16xf32> to vector<16xf32>
      %add3A_3330 = arith.addf %get3A_3300, %get3A_3329 : vector<16xf32>
      %swap3A_3331 = arith.constant 30 : i32
      %swap3A_3332 = arith.index_cast %swap3A_3331 : i32 to index
      %swap3A_3333 = arith.constant 64 : index
      %swap3A_3334 = tpu.vector_load %arg8[%swap3A_3332, %swap3A_3333] {strides = array<i32>} : memref<32x128xf32, #tpu.memory_space<vmem>>, vector<1x16xf32>,
      %swap3A_3335 = vector.shape_cast %swap3A_3334 : vector<1x16xf32> to vector<16xf32>
      %swap3A_3336 = vector.shape_cast %add3A_3330 : vector<16xf32> to vector<1x16xf32>
      tpu.vector_store %arg8[%swap3A_3332, %swap3A_3333], %swap3A_3336 {strides = array<i32>} : memref<32x128xf32, #tpu.memory_space<vmem>>, vector<1x16xf32>,
      %get3A_3337 = arith.constant 3 : i32
      %get3A_3338 = arith.index_cast %get3A_3337 : i32 to index
      %get3A_3339 = arith.constant 64 : index
      %get3A_3340 = tpu.vector_load %arg7[%get3A_3338, %get3A_3339] {strides = array<i32>} : memref<4x128xf32, #tpu.memory_space<vmem>>, vector<1x16xf32>,
      %get3A_3341 = vector.shape_cast %get3A_3340 : vector<1x16xf32> to vector<16xf32>
      %add3A_3342 = arith.addf %get3A_3300, %get3A_3341 : vector<16xf32>
      %swap3A_3343 = arith.constant 31 : i32
      %swap3A_3344 = arith.index_cast %swap3A_3343 : i32 to index
      %swap3A_3345 = arith.constant 64 : index
      %swap3A_3346 = tpu.vector_load %arg8[%swap3A_3344, %swap3A_3345] {strides = array<i32>} : memref<32x128xf32, #tpu.memory_space<vmem>>, vector<1x16xf32>,
      %swap3A_3347 = vector.shape_cast %swap3A_3346 : vector<1x16xf32> to vector<16xf32>
      %swap3A_3348 = vector.shape_cast %add3A_3342 : vector<16xf32> to vector<1x16xf32>
      tpu.vector_store %arg8[%swap3A_3344, %swap3A_3345], %swap3A_3348 {strides = array<i32>} : memref<32x128xf32, #tpu.memory_space<vmem>>, vector<1x16xf32>,
      %get3A_3349 = arith.constant 7 : i32
      %get3A_3350 = arith.index_cast %get3A_3349 : i32 to index
      %get3A_3351 = arith.constant 80 : index
      %get3A_3352 = tpu.vector_load %arg6[%get3A_3350, %get3A_3351] {strides = array<i32>} : memref<8x128xf32, #tpu.memory_space<vmem>>, vector<1x16xf32>,
      %get3A_3353 = vector.shape_cast %get3A_3352 : vector<1x16xf32> to vector<16xf32>
      %get3A_3354 = arith.constant 0 : i32
      %get3A_3355 = arith.index_cast %get3A_3354 : i32 to index
      %get3A_3356 = arith.constant 80 : index
      %get3A_3357 = tpu.vector_load %arg7[%get3A_3355, %get3A_3356] {strides = array<i32>} : memref<4x128xf32, #tpu.memory_space<vmem>>, vector<1x16xf32>,
      %get3A_3358 = vector.shape_cast %get3A_3357 : vector<1x16xf32> to vector<16xf32>
      %add3A_3359 = arith.addf %get3A_3353, %get3A_3358 : vector<16xf32>
      %swap3A_3360 = arith.constant 28 : i32
      %swap3A_3361 = arith.index_cast %swap3A_3360 : i32 to index
      %swap3A_3362 = arith.constant 80 : index
      %swap3A_3363 = tpu.vector_load %arg8[%swap3A_3361, %swap3A_3362] {strides = array<i32>} : memref<32x128xf32, #tpu.memory_space<vmem>>, vector<1x16xf32>,
      %swap3A_3364 = vector.shape_cast %swap3A_3363 : vector<1x16xf32> to vector<16xf32>
      %swap3A_3365 = vector.shape_cast %add3A_3359 : vector<16xf32> to vector<1x16xf32>
      tpu.vector_store %arg8[%swap3A_3361, %swap3A_3362], %swap3A_3365 {strides = array<i32>} : memref<32x128xf32, #tpu.memory_space<vmem>>, vector<1x16xf32>,
      %get3A_3366 = arith.constant 1 : i32
      %get3A_3367 = arith.index_cast %get3A_3366 : i32 to index
      %get3A_3368 = arith.constant 80 : index
      %get3A_3369 = tpu.vector_load %arg7[%get3A_3367, %get3A_3368] {strides = array<i32>} : memref<4x128xf32, #tpu.memory_space<vmem>>, vector<1x16xf32>,
      %get3A_3370 = vector.shape_cast %get3A_3369 : vector<1x16xf32> to vector<16xf32>
      %add3A_3371 = arith.addf %get3A_3353, %get3A_3370 : vector<16xf32>
      %swap3A_3372 = arith.constant 29 : i32
      %swap3A_3373 = arith.index_cast %swap3A_3372 : i32 to index
      %swap3A_3374 = arith.constant 80 : index
      %swap3A_3375 = tpu.vector_load %arg8[%swap3A_3373, %swap3A_3374] {strides = array<i32>} : memref<32x128xf32, #tpu.memory_space<vmem>>, vector<1x16xf32>,
      %swap3A_3376 = vector.shape_cast %swap3A_3375 : vector<1x16xf32> to vector<16xf32>
      %swap3A_3377 = vector.shape_cast %add3A_3371 : vector<16xf32> to vector<1x16xf32>
      tpu.vector_store %arg8[%swap3A_3373, %swap3A_3374], %swap3A_3377 {strides = array<i32>} : memref<32x128xf32, #tpu.memory_space<vmem>>, vector<1x16xf32>,
      %get3A_3378 = arith.constant 2 : i32
      %get3A_3379 = arith.index_cast %get3A_3378 : i32 to index
      %get3A_3380 = arith.constant 80 : index
      %get3A_3381 = tpu.vector_load %arg7[%get3A_3379, %get3A_3380] {strides = array<i32>} : memref<4x128xf32, #tpu.memory_space<vmem>>, vector<1x16xf32>,
      %get3A_3382 = vector.shape_cast %get3A_3381 : vector<1x16xf32> to vector<16xf32>
      %add3A_3383 = arith.addf %get3A_3353, %get3A_3382 : vector<16xf32>
      %swap3A_3384 = arith.constant 30 : i32
      %swap3A_3385 = arith.index_cast %swap3A_3384 : i32 to index
      %swap3A_3386 = arith.constant 80 : index
      %swap3A_3387 = tpu.vector_load %arg8[%swap3A_3385, %swap3A_3386] {strides = array<i32>} : memref<32x128xf32, #tpu.memory_space<vmem>>, vector<1x16xf32>,
      %swap3A_3388 = vector.shape_cast %swap3A_3387 : vector<1x16xf32> to vector<16xf32>
      %swap3A_3389 = vector.shape_cast %add3A_3383 : vector<16xf32> to vector<1x16xf32>
      tpu.vector_store %arg8[%swap3A_3385, %swap3A_3386], %swap3A_3389 {strides = array<i32>} : memref<32x128xf32, #tpu.memory_space<vmem>>, vector<1x16xf32>,
      %get3A_3390 = arith.constant 3 : i32
      %get3A_3391 = arith.index_cast %get3A_3390 : i32 to index
      %get3A_3392 = arith.constant 80 : index
      %get3A_3393 = tpu.vector_load %arg7[%get3A_3391, %get3A_3392] {strides = array<i32>} : memref<4x128xf32, #tpu.memory_space<vmem>>, vector<1x16xf32>,
      %get3A_3394 = vector.shape_cast %get3A_3393 : vector<1x16xf32> to vector<16xf32>
      %add3A_3395 = arith.addf %get3A_3353, %get3A_3394 : vector<16xf32>
      %swap3A_3396 = arith.constant 31 : i32
      %swap3A_3397 = arith.index_cast %swap3A_3396 : i32 to index
      %swap3A_3398 = arith.constant 80 : index
      %swap3A_3399 = tpu.vector_load %arg8[%swap3A_3397, %swap3A_3398] {strides = array<i32>} : memref<32x128xf32, #tpu.memory_space<vmem>>, vector<1x16xf32>,
      %swap3A_3400 = vector.shape_cast %swap3A_3399 : vector<1x16xf32> to vector<16xf32>
      %swap3A_3401 = vector.shape_cast %add3A_3395 : vector<16xf32> to vector<1x16xf32>
      tpu.vector_store %arg8[%swap3A_3397, %swap3A_3398], %swap3A_3401 {strides = array<i32>} : memref<32x128xf32, #tpu.memory_space<vmem>>, vector<1x16xf32>,
      %get3A_3402 = arith.constant 7 : i32
      %get3A_3403 = arith.index_cast %get3A_3402 : i32 to index
      %get3A_3404 = arith.constant 96 : index
      %get3A_3405 = tpu.vector_load %arg6[%get3A_3403, %get3A_3404] {strides = array<i32>} : memref<8x128xf32, #tpu.memory_space<vmem>>, vector<1x16xf32>,
      %get3A_3406 = vector.shape_cast %get3A_3405 : vector<1x16xf32> to vector<16xf32>
      %get3A_3407 = arith.constant 0 : i32
      %get3A_3408 = arith.index_cast %get3A_3407 : i32 to index
      %get3A_3409 = arith.constant 96 : index
      %get3A_3410 = tpu.vector_load %arg7[%get3A_3408, %get3A_3409] {strides = array<i32>} : memref<4x128xf32, #tpu.memory_space<vmem>>, vector<1x16xf32>,
      %get3A_3411 = vector.shape_cast %get3A_3410 : vector<1x16xf32> to vector<16xf32>
      %add3A_3412 = arith.addf %get3A_3406, %get3A_3411 : vector<16xf32>
      %swap3A_3413 = arith.constant 28 : i32
      %swap3A_3414 = arith.index_cast %swap3A_3413 : i32 to index
      %swap3A_3415 = arith.constant 96 : index
      %swap3A_3416 = tpu.vector_load %arg8[%swap3A_3414, %swap3A_3415] {strides = array<i32>} : memref<32x128xf32, #tpu.memory_space<vmem>>, vector<1x16xf32>,
      %swap3A_3417 = vector.shape_cast %swap3A_3416 : vector<1x16xf32> to vector<16xf32>
      %swap3A_3418 = vector.shape_cast %add3A_3412 : vector<16xf32> to vector<1x16xf32>
      tpu.vector_store %arg8[%swap3A_3414, %swap3A_3415], %swap3A_3418 {strides = array<i32>} : memref<32x128xf32, #tpu.memory_space<vmem>>, vector<1x16xf32>,
      %get3A_3419 = arith.constant 1 : i32
      %get3A_3420 = arith.index_cast %get3A_3419 : i32 to index
      %get3A_3421 = arith.constant 96 : index
      %get3A_3422 = tpu.vector_load %arg7[%get3A_3420, %get3A_3421] {strides = array<i32>} : memref<4x128xf32, #tpu.memory_space<vmem>>, vector<1x16xf32>,
      %get3A_3423 = vector.shape_cast %get3A_3422 : vector<1x16xf32> to vector<16xf32>
      %add3A_3424 = arith.addf %get3A_3406, %get3A_3423 : vector<16xf32>
      %swap3A_3425 = arith.constant 29 : i32
      %swap3A_3426 = arith.index_cast %swap3A_3425 : i32 to index
      %swap3A_3427 = arith.constant 96 : index
      %swap3A_3428 = tpu.vector_load %arg8[%swap3A_3426, %swap3A_3427] {strides = array<i32>} : memref<32x128xf32, #tpu.memory_space<vmem>>, vector<1x16xf32>,
      %swap3A_3429 = vector.shape_cast %swap3A_3428 : vector<1x16xf32> to vector<16xf32>
      %swap3A_3430 = vector.shape_cast %add3A_3424 : vector<16xf32> to vector<1x16xf32>
      tpu.vector_store %arg8[%swap3A_3426, %swap3A_3427], %swap3A_3430 {strides = array<i32>} : memref<32x128xf32, #tpu.memory_space<vmem>>, vector<1x16xf32>,
      %get3A_3431 = arith.constant 2 : i32
      %get3A_3432 = arith.index_cast %get3A_3431 : i32 to index
      %get3A_3433 = arith.constant 96 : index
      %get3A_3434 = tpu.vector_load %arg7[%get3A_3432, %get3A_3433] {strides = array<i32>} : memref<4x128xf32, #tpu.memory_space<vmem>>, vector<1x16xf32>,
      %get3A_3435 = vector.shape_cast %get3A_3434 : vector<1x16xf32> to vector<16xf32>
      %add3A_3436 = arith.addf %get3A_3406, %get3A_3435 : vector<16xf32>
      %swap3A_3437 = arith.constant 30 : i32
      %swap3A_3438 = arith.index_cast %swap3A_3437 : i32 to index
      %swap3A_3439 = arith.constant 96 : index
      %swap3A_3440 = tpu.vector_load %arg8[%swap3A_3438, %swap3A_3439] {strides = array<i32>} : memref<32x128xf32, #tpu.memory_space<vmem>>, vector<1x16xf32>,
      %swap3A_3441 = vector.shape_cast %swap3A_3440 : vector<1x16xf32> to vector<16xf32>
      %swap3A_3442 = vector.shape_cast %add3A_3436 : vector<16xf32> to vector<1x16xf32>
      tpu.vector_store %arg8[%swap3A_3438, %swap3A_3439], %swap3A_3442 {strides = array<i32>} : memref<32x128xf32, #tpu.memory_space<vmem>>, vector<1x16xf32>,
      %get3A_3443 = arith.constant 3 : i32
      %get3A_3444 = arith.index_cast %get3A_3443 : i32 to index
      %get3A_3445 = arith.constant 96 : index
      %get3A_3446 = tpu.vector_load %arg7[%get3A_3444, %get3A_3445] {strides = array<i32>} : memref<4x128xf32, #tpu.memory_space<vmem>>, vector<1x16xf32>,
      %get3A_3447 = vector.shape_cast %get3A_3446 : vector<1x16xf32> to vector<16xf32>
      %add3A_3448 = arith.addf %get3A_3406, %get3A_3447 : vector<16xf32>
      %swap3A_3449 = arith.constant 31 : i32
      %swap3A_3450 = arith.index_cast %swap3A_3449 : i32 to index
      %swap3A_3451 = arith.constant 96 : index
      %swap3A_3452 = tpu.vector_load %arg8[%swap3A_3450, %swap3A_3451] {strides = array<i32>} : memref<32x128xf32, #tpu.memory_space<vmem>>, vector<1x16xf32>,
      %swap3A_3453 = vector.shape_cast %swap3A_3452 : vector<1x16xf32> to vector<16xf32>
      %swap3A_3454 = vector.shape_cast %add3A_3448 : vector<16xf32> to vector<1x16xf32>
      tpu.vector_store %arg8[%swap3A_3450, %swap3A_3451], %swap3A_3454 {strides = array<i32>} : memref<32x128xf32, #tpu.memory_space<vmem>>, vector<1x16xf32>,
      %get3A_3455 = arith.constant 7 : i32
      %get3A_3456 = arith.index_cast %get3A_3455 : i32 to index
      %get3A_3457 = arith.constant 112 : index
      %get3A_3458 = tpu.vector_load %arg6[%get3A_3456, %get3A_3457] {strides = array<i32>} : memref<8x128xf32, #tpu.memory_space<vmem>>, vector<1x16xf32>,
      %get3A_3459 = vector.shape_cast %get3A_3458 : vector<1x16xf32> to vector<16xf32>
      %get3A_3460 = arith.constant 0 : i32
      %get3A_3461 = arith.index_cast %get3A_3460 : i32 to index
      %get3A_3462 = arith.constant 112 : index
      %get3A_3463 = tpu.vector_load %arg7[%get3A_3461, %get3A_3462] {strides = array<i32>} : memref<4x128xf32, #tpu.memory_space<vmem>>, vector<1x16xf32>,
      %get3A_3464 = vector.shape_cast %get3A_3463 : vector<1x16xf32> to vector<16xf32>
      %add3A_3465 = arith.addf %get3A_3459, %get3A_3464 : vector<16xf32>
      %swap3A_3466 = arith.constant 28 : i32
      %swap3A_3467 = arith.index_cast %swap3A_3466 : i32 to index
      %swap3A_3468 = arith.constant 112 : index
      %swap3A_3469 = tpu.vector_load %arg8[%swap3A_3467, %swap3A_3468] {strides = array<i32>} : memref<32x128xf32, #tpu.memory_space<vmem>>, vector<1x16xf32>,
      %swap3A_3470 = vector.shape_cast %swap3A_3469 : vector<1x16xf32> to vector<16xf32>
      %swap3A_3471 = vector.shape_cast %add3A_3465 : vector<16xf32> to vector<1x16xf32>
      tpu.vector_store %arg8[%swap3A_3467, %swap3A_3468], %swap3A_3471 {strides = array<i32>} : memref<32x128xf32, #tpu.memory_space<vmem>>, vector<1x16xf32>,
      %get3A_3472 = arith.constant 1 : i32
      %get3A_3473 = arith.index_cast %get3A_3472 : i32 to index
      %get3A_3474 = arith.constant 112 : index
      %get3A_3475 = tpu.vector_load %arg7[%get3A_3473, %get3A_3474] {strides = array<i32>} : memref<4x128xf32, #tpu.memory_space<vmem>>, vector<1x16xf32>,
      %get3A_3476 = vector.shape_cast %get3A_3475 : vector<1x16xf32> to vector<16xf32>
      %add3A_3477 = arith.addf %get3A_3459, %get3A_3476 : vector<16xf32>
      %swap3A_3478 = arith.constant 29 : i32
      %swap3A_3479 = arith.index_cast %swap3A_3478 : i32 to index
      %swap3A_3480 = arith.constant 112 : index
      %swap3A_3481 = tpu.vector_load %arg8[%swap3A_3479, %swap3A_3480] {strides = array<i32>} : memref<32x128xf32, #tpu.memory_space<vmem>>, vector<1x16xf32>,
      %swap3A_3482 = vector.shape_cast %swap3A_3481 : vector<1x16xf32> to vector<16xf32>
      %swap3A_3483 = vector.shape_cast %add3A_3477 : vector<16xf32> to vector<1x16xf32>
      tpu.vector_store %arg8[%swap3A_3479, %swap3A_3480], %swap3A_3483 {strides = array<i32>} : memref<32x128xf32, #tpu.memory_space<vmem>>, vector<1x16xf32>,
      %get3A_3484 = arith.constant 2 : i32
      %get3A_3485 = arith.index_cast %get3A_3484 : i32 to index
      %get3A_3486 = arith.constant 112 : index
      %get3A_3487 = tpu.vector_load %arg7[%get3A_3485, %get3A_3486] {strides = array<i32>} : memref<4x128xf32, #tpu.memory_space<vmem>>, vector<1x16xf32>,
      %get3A_3488 = vector.shape_cast %get3A_3487 : vector<1x16xf32> to vector<16xf32>
      %add3A_3489 = arith.addf %get3A_3459, %get3A_3488 : vector<16xf32>
      %swap3A_3490 = arith.constant 30 : i32
      %swap3A_3491 = arith.index_cast %swap3A_3490 : i32 to index
      %swap3A_3492 = arith.constant 112 : index
      %swap3A_3493 = tpu.vector_load %arg8[%swap3A_3491, %swap3A_3492] {strides = array<i32>} : memref<32x128xf32, #tpu.memory_space<vmem>>, vector<1x16xf32>,
      %swap3A_3494 = vector.shape_cast %swap3A_3493 : vector<1x16xf32> to vector<16xf32>
      %swap3A_3495 = vector.shape_cast %add3A_3489 : vector<16xf32> to vector<1x16xf32>
      tpu.vector_store %arg8[%swap3A_3491, %swap3A_3492], %swap3A_3495 {strides = array<i32>} : memref<32x128xf32, #tpu.memory_space<vmem>>, vector<1x16xf32>,
      %get3A_3496 = arith.constant 3 : i32
      %get3A_3497 = arith.index_cast %get3A_3496 : i32 to index
      %get3A_3498 = arith.constant 112 : index
      %get3A_3499 = tpu.vector_load %arg7[%get3A_3497, %get3A_3498] {strides = array<i32>} : memref<4x128xf32, #tpu.memory_space<vmem>>, vector<1x16xf32>,
      %get3A_3500 = vector.shape_cast %get3A_3499 : vector<1x16xf32> to vector<16xf32>
      %add3A_3501 = arith.addf %get3A_3459, %get3A_3500 : vector<16xf32>
      %swap3A_3502 = arith.constant 31 : i32
      %swap3A_3503 = arith.index_cast %swap3A_3502 : i32 to index
      %swap3A_3504 = arith.constant 112 : index
      %swap3A_3505 = tpu.vector_load %arg8[%swap3A_3503, %swap3A_3504] {strides = array<i32>} : memref<32x128xf32, #tpu.memory_space<vmem>>, vector<1x16xf32>,
      %swap3A_3506 = vector.shape_cast %swap3A_3505 : vector<1x16xf32> to vector<16xf32>
      %swap3A_3507 = vector.shape_cast %add3A_3501 : vector<16xf32> to vector<1x16xf32>
      tpu.vector_store %arg8[%swap3A_3503, %swap3A_3504], %swap3A_3507 {strides = array<i32>} : memref<32x128xf32, #tpu.memory_space<vmem>>, vector<1x16xf32>,
      "tpu.region"() ({
        %run_scoped3A = tpu.sem_alloc : memref<!tpu.dma_semaphore, #tpu.memory_space<semaphore_mem>>
        tpu.enqueue_dma source(%arg8 : memref<32x128xf32, #tpu.memory_space<vmem>>) target(%arg9 : memref<32x128xf32, #tpu.memory_space<vmem_shared>>) target_semaphore(%run_scoped3A : memref<!tpu.dma_semaphore, #tpu.memory_space<semaphore_mem>>)
        tpu.wait_dma2 semaphore(%run_scoped3A : memref<!tpu.dma_semaphore, #tpu.memory_space<semaphore_mem>>) src(%arg8 : memref<32x128xf32, #tpu.memory_space<vmem>>) dst(%arg9 : memref<32x128xf32, #tpu.memory_space<vmem_shared>>)
        tpu.yield
      }) : () -> ()
    } else {
    }
    %mul3A_5 = arith.constant 200 : i32
    %mul3A_6 = arith.muli %add3A, %mul3A_5 : i32
    "tpu.region"() ({
      %run_scoped3A = tpu.sem_alloc : memref<!tpu.dma_semaphore, #tpu.memory_space<semaphore_mem>>
      %dma_start3A_118 = arith.constant 0 : i32
      %dma_start3A_119 = tpu.memref_slice %arg2[%mul3A_6, %dma_start3A_118] : memref<6400x128xi32, #tpu.memory_space<hbm>> -> memref<200x128xi32, #tpu.memory_space<hbm>>
      %dma_start3A_120 = arith.constant 0 : i32
      %dma_start3A_121 = tpu.memref_slice %arg2[%mul3A_6, %dma_start3A_120] : memref<6400x128xi32, #tpu.memory_space<hbm>> -> memref<200x128xi32, #tpu.memory_space<hbm>>
      tpu.enqueue_dma source(%dma_start3A_121 : memref<200x128xi32, #tpu.memory_space<hbm>>) target(%arg10 : memref<200x128xi32, #tpu.memory_space<vmem>>) target_semaphore(%run_scoped3A : memref<!tpu.dma_semaphore, #tpu.memory_space<semaphore_mem>>)
      %dma_wait3A_122 = arith.constant 0 : i32
      %dma_wait3A_123 = tpu.memref_slice %arg2[%mul3A_6, %dma_wait3A_122] : memref<6400x128xi32, #tpu.memory_space<hbm>> -> memref<200x128xi32, #tpu.memory_space<hbm>>
      %dma_wait3A_124 = arith.constant 0 : i32
      %dma_wait3A_125 = tpu.memref_slice %arg2[%mul3A_6, %dma_wait3A_124] : memref<6400x128xi32, #tpu.memory_space<hbm>> -> memref<200x128xi32, #tpu.memory_space<hbm>>
      tpu.wait_dma2 semaphore(%run_scoped3A : memref<!tpu.dma_semaphore, #tpu.memory_space<semaphore_mem>>) src(%dma_wait3A_125 : memref<200x128xi32, #tpu.memory_space<hbm>>) dst(%arg10 : memref<200x128xi32, #tpu.memory_space<vmem>>)
      tpu.yield
    }) : () -> ()
    %barrier3A = arith.constant 0 : index
    tpu.barrier barrier_id(%barrier3A)
    %dma_start3A = arith.constant 0 : i32
    %dma_start3A_7 = arith.constant 0 : i32
    %dma_start3A_8 = arith.constant 0 : i32
    %dma_start3A_9 = arith.constant 0 : i32
    %dma_start3A_10 = tpu.memref_slice %arg11[%dma_start3A_7, %dma_start3A_8, %dma_start3A_9] : memref<4x128x128xf32, #tpu.memory_space<vmem>> -> memref<1x128x128xf32, #tpu.memory_space<vmem>>
    %dma_start3A_11 = tpu.memref_squeeze %dma_start3A_10 : memref<1x128x128xf32, #tpu.memory_space<vmem>> -> memref<128x128xf32, #tpu.memory_space<vmem>>
    %dma_start3A_12 = arith.constant 0 : i32
    %dma_start3A_13 = tpu.memref_slice %arg10[%dma_start3A, %dma_start3A_12] : memref<200x128xi32, #tpu.memory_space<vmem>> -> memref<1x128xi32, #tpu.memory_space<vmem>>
    %dma_start3A_14 = tpu.memref_squeeze %dma_start3A_13 : memref<1x128xi32, #tpu.memory_space<vmem>> -> memref<128xi32, #tpu.memory_space<vmem>>
    %dma_start3A_15 = arith.constant 0 : i32
    %dma_start3A_16 = arith.constant 0 : i32
    %dma_start3A_17 = tpu.memref_slice %arg9[%dma_start3A_15, %dma_start3A_16] : memref<32x128xf32, #tpu.memory_space<vmem_shared>> -> memref<32x128xf32, #tpu.memory_space<vmem_shared>>
    tpu.enqueue_indirect_dma source(%dma_start3A_17 : memref<32x128xf32, #tpu.memory_space<vmem_shared>>) target(%dma_start3A_11 : memref<128x128xf32, #tpu.memory_space<vmem>>) offsets(%dma_start3A_14 : memref<128xi32, #tpu.memory_space<vmem>>) semaphore(%arg12 : memref<!tpu.dma_semaphore, #tpu.memory_space<semaphore_mem>>)
    %dma_start3A_18 = arith.constant 1 : i32
    %dma_start3A_19 = arith.constant 1 : i32
    %dma_start3A_20 = arith.constant 0 : i32
    %dma_start3A_21 = arith.constant 0 : i32
    %dma_start3A_22 = tpu.memref_slice %arg11[%dma_start3A_19, %dma_start3A_20, %dma_start3A_21] : memref<4x128x128xf32, #tpu.memory_space<vmem>> -> memref<1x128x128xf32, #tpu.memory_space<vmem>>
    %dma_start3A_23 = tpu.memref_squeeze %dma_start3A_22 : memref<1x128x128xf32, #tpu.memory_space<vmem>> -> memref<128x128xf32, #tpu.memory_space<vmem>>
    %dma_start3A_24 = arith.constant 0 : i32
    %dma_start3A_25 = tpu.memref_slice %arg10[%dma_start3A_18, %dma_start3A_24] : memref<200x128xi32, #tpu.memory_space<vmem>> -> memref<1x128xi32, #tpu.memory_space<vmem>>
    %dma_start3A_26 = tpu.memref_squeeze %dma_start3A_25 : memref<1x128xi32, #tpu.memory_space<vmem>> -> memref<128xi32, #tpu.memory_space<vmem>>
    %dma_start3A_27 = arith.constant 0 : i32
    %dma_start3A_28 = arith.constant 0 : i32
    %dma_start3A_29 = tpu.memref_slice %arg9[%dma_start3A_27, %dma_start3A_28] : memref<32x128xf32, #tpu.memory_space<vmem_shared>> -> memref<32x128xf32, #tpu.memory_space<vmem_shared>>
    tpu.enqueue_indirect_dma source(%dma_start3A_29 : memref<32x128xf32, #tpu.memory_space<vmem_shared>>) target(%dma_start3A_23 : memref<128x128xf32, #tpu.memory_space<vmem>>) offsets(%dma_start3A_26 : memref<128xi32, #tpu.memory_space<vmem>>) semaphore(%arg13 : memref<!tpu.dma_semaphore, #tpu.memory_space<semaphore_mem>>)
    %dma_start3A_30 = arith.constant 2 : i32
    %dma_start3A_31 = arith.constant 2 : i32
    %dma_start3A_32 = arith.constant 0 : i32
    %dma_start3A_33 = arith.constant 0 : i32
    %dma_start3A_34 = tpu.memref_slice %arg11[%dma_start3A_31, %dma_start3A_32, %dma_start3A_33] : memref<4x128x128xf32, #tpu.memory_space<vmem>> -> memref<1x128x128xf32, #tpu.memory_space<vmem>>
    %dma_start3A_35 = tpu.memref_squeeze %dma_start3A_34 : memref<1x128x128xf32, #tpu.memory_space<vmem>> -> memref<128x128xf32, #tpu.memory_space<vmem>>
    %dma_start3A_36 = arith.constant 0 : i32
    %dma_start3A_37 = tpu.memref_slice %arg10[%dma_start3A_30, %dma_start3A_36] : memref<200x128xi32, #tpu.memory_space<vmem>> -> memref<1x128xi32, #tpu.memory_space<vmem>>
    %dma_start3A_38 = tpu.memref_squeeze %dma_start3A_37 : memref<1x128xi32, #tpu.memory_space<vmem>> -> memref<128xi32, #tpu.memory_space<vmem>>
    %dma_start3A_39 = arith.constant 0 : i32
    %dma_start3A_40 = arith.constant 0 : i32
    %dma_start3A_41 = tpu.memref_slice %arg9[%dma_start3A_39, %dma_start3A_40] : memref<32x128xf32, #tpu.memory_space<vmem_shared>> -> memref<32x128xf32, #tpu.memory_space<vmem_shared>>
    tpu.enqueue_indirect_dma source(%dma_start3A_41 : memref<32x128xf32, #tpu.memory_space<vmem_shared>>) target(%dma_start3A_35 : memref<128x128xf32, #tpu.memory_space<vmem>>) offsets(%dma_start3A_38 : memref<128xi32, #tpu.memory_space<vmem>>) semaphore(%arg14 : memref<!tpu.dma_semaphore, #tpu.memory_space<semaphore_mem>>)
    %dma_start3A_42 = arith.constant 3 : i32
    %dma_start3A_43 = arith.constant 3 : i32
    %dma_start3A_44 = arith.constant 0 : i32
    %dma_start3A_45 = arith.constant 0 : i32
    %dma_start3A_46 = tpu.memref_slice %arg11[%dma_start3A_43, %dma_start3A_44, %dma_start3A_45] : memref<4x128x128xf32, #tpu.memory_space<vmem>> -> memref<1x128x128xf32, #tpu.memory_space<vmem>>
    %dma_start3A_47 = tpu.memref_squeeze %dma_start3A_46 : memref<1x128x128xf32, #tpu.memory_space<vmem>> -> memref<128x128xf32, #tpu.memory_space<vmem>>
    %dma_start3A_48 = arith.constant 0 : i32
    %dma_start3A_49 = tpu.memref_slice %arg10[%dma_start3A_42, %dma_start3A_48] : memref<200x128xi32, #tpu.memory_space<vmem>> -> memref<1x128xi32, #tpu.memory_space<vmem>>
    %dma_start3A_50 = tpu.memref_squeeze %dma_start3A_49 : memref<1x128xi32, #tpu.memory_space<vmem>> -> memref<128xi32, #tpu.memory_space<vmem>>
    %dma_start3A_51 = arith.constant 0 : i32
    %dma_start3A_52 = arith.constant 0 : i32
    %dma_start3A_53 = tpu.memref_slice %arg9[%dma_start3A_51, %dma_start3A_52] : memref<32x128xf32, #tpu.memory_space<vmem_shared>> -> memref<32x128xf32, #tpu.memory_space<vmem_shared>>
    tpu.enqueue_indirect_dma source(%dma_start3A_53 : memref<32x128xf32, #tpu.memory_space<vmem_shared>>) target(%dma_start3A_47 : memref<128x128xf32, #tpu.memory_space<vmem>>) offsets(%dma_start3A_50 : memref<128xi32, #tpu.memory_space<vmem>>) semaphore(%arg15 : memref<!tpu.dma_semaphore, #tpu.memory_space<semaphore_mem>>)
    %scan3A = arith.constant 0 : i32
    %scan3A_54 = arith.constant 0 : i32
    %scan3A_55 = arith.constant 50 : i32
    %scan3A_56 = arith.addi %scan3A_54, %scan3A_55 : i32
    %scan3A_57 = arith.constant 1 : i32
    scf.for %scan3A_118 = %scan3A_54 to %scan3A_56 step %scan3A_57  : i32 {
      %mul3A_119 = arith.constant 4 : i32
      %mul3A_120 = arith.muli %scan3A_118, %mul3A_119 : i32
      %add3A_121 = arith.constant 0 : i32
      %add3A_122 = arith.addi %mul3A_120, %add3A_121 : i32
      %mul3A_123 = arith.constant 128 : i32
      %mul3A_124 = arith.muli %add3A_122, %mul3A_123 : i32
      %add3A_125 = arith.addi %mul3A_2, %mul3A_124 : i32
      %dma_wait3A_126 = arith.constant 0 : i32
      %dma_wait3A_127 = arith.constant 0 : i32
      %dma_wait3A_128 = arith.constant 0 : i32
      %dma_wait3A_129 = tpu.memref_slice %arg11[%dma_wait3A_126, %dma_wait3A_127, %dma_wait3A_128] : memref<4x128x128xf32, #tpu.memory_space<vmem>> -> memref<1x128x128xf32, #tpu.memory_space<vmem>>
      %dma_wait3A_130 = tpu.memref_squeeze %dma_wait3A_129 : memref<1x128x128xf32, #tpu.memory_space<vmem>> -> memref<128x128xf32, #tpu.memory_space<vmem>>
      %dma_wait3A_131 = arith.constant 0 : i32
      %dma_wait3A_132 = tpu.memref_slice %arg10[%add3A_122, %dma_wait3A_131] : memref<200x128xi32, #tpu.memory_space<vmem>> -> memref<1x128xi32, #tpu.memory_space<vmem>>
      %dma_wait3A_133 = tpu.memref_squeeze %dma_wait3A_132 : memref<1x128xi32, #tpu.memory_space<vmem>> -> memref<128xi32, #tpu.memory_space<vmem>>
      %dma_wait3A_134 = arith.constant 0 : i32
      %dma_wait3A_135 = arith.constant 0 : i32
      %dma_wait3A_136 = tpu.memref_slice %arg9[%dma_wait3A_134, %dma_wait3A_135] : memref<32x128xf32, #tpu.memory_space<vmem_shared>> -> memref<32x128xf32, #tpu.memory_space<vmem_shared>>
      tpu.wait_indirect_dma semaphore(%arg12 : memref<!tpu.dma_semaphore, #tpu.memory_space<semaphore_mem>>) src(%dma_wait3A_136 : memref<32x128xf32, #tpu.memory_space<vmem_shared>>) dst(%dma_wait3A_130 : memref<128x128xf32, #tpu.memory_space<vmem>>)
      %dma_start3A_137 = arith.constant 0 : i32
      %dma_start3A_138 = arith.constant 0 : i32
      %dma_start3A_139 = arith.constant 0 : i32
      %dma_start3A_140 = tpu.memref_slice %arg11[%dma_start3A_137, %dma_start3A_138, %dma_start3A_139] : memref<4x128x128xf32, #tpu.memory_space<vmem>> -> memref<1x128x128xf32, #tpu.memory_space<vmem>>
      %dma_start3A_141 = tpu.memref_squeeze %dma_start3A_140 : memref<1x128x128xf32, #tpu.memory_space<vmem>> -> memref<128x128xf32, #tpu.memory_space<vmem>>
      %dma_start3A_142 = arith.constant 0 : i32
      %dma_start3A_143 = tpu.memref_slice %arg5[%add3A_125, %dma_start3A_142] : memref<819200x128xf32, #tpu.memory_space<hbm>> -> memref<128x128xf32, #tpu.memory_space<hbm>>
      %dma_start3A_144 = arith.constant 0 : i32
      %dma_start3A_145 = tpu.memref_slice %arg5[%add3A_125, %dma_start3A_144] : memref<819200x128xf32, #tpu.memory_space<hbm>> -> memref<128x128xf32, #tpu.memory_space<hbm>>
      %dma_start3A_146 = arith.constant 0 : i32
      %dma_start3A_147 = arith.constant 0 : i32
      %dma_start3A_148 = tpu.memref_slice %arg11[%dma_start3A_137, %dma_start3A_146, %dma_start3A_147] : memref<4x128x128xf32, #tpu.memory_space<vmem>> -> memref<1x128x128xf32, #tpu.memory_space<vmem>>
      %dma_start3A_149 = tpu.memref_squeeze %dma_start3A_148 : memref<1x128x128xf32, #tpu.memory_space<vmem>> -> memref<128x128xf32, #tpu.memory_space<vmem>>
      tpu.enqueue_dma source(%dma_start3A_149 : memref<128x128xf32, #tpu.memory_space<vmem>>) target(%dma_start3A_145 : memref<128x128xf32, #tpu.memory_space<hbm>>) target_semaphore(%arg16 : memref<!tpu.dma_semaphore, #tpu.memory_space<semaphore_mem>>)
      %add3A_150 = arith.constant 4 : i32
      %add3A_151 = arith.addi %add3A_122, %add3A_150 : i32
      %lt3A = arith.constant 200 : i32
      %lt3A_152 = arith.cmpi slt, %add3A_151, %lt3A : i32
      %convert_element_type3A_153 = arith.extui %lt3A_152 : i1 to i32
      %cond3A_154 = arith.constant 0 : i32
      %cond3A_155 = arith.cmpi ne, %convert_element_type3A_153, %cond3A_154 : i32
      scf.if %cond3A_155 {
        %mul3A_264 = arith.constant 128 : i32
        %mul3A_265 = arith.muli %add3A_122, %mul3A_264 : i32
        %add3A_266 = arith.addi %mul3A_2, %mul3A_265 : i32
        %dma_wait3A_267 = arith.constant 0 : i32
        %dma_wait3A_268 = arith.constant 0 : i32
        %dma_wait3A_269 = arith.constant 0 : i32
        %dma_wait3A_270 = tpu.memref_slice %arg11[%dma_wait3A_267, %dma_wait3A_268, %dma_wait3A_269] : memref<4x128x128xf32, #tpu.memory_space<vmem>> -> memref<1x128x128xf32, #tpu.memory_space<vmem>>
        %dma_wait3A_271 = tpu.memref_squeeze %dma_wait3A_270 : memref<1x128x128xf32, #tpu.memory_space<vmem>> -> memref<128x128xf32, #tpu.memory_space<vmem>>
        %dma_wait3A_272 = arith.constant 0 : i32
        %dma_wait3A_273 = tpu.memref_slice %arg5[%add3A_266, %dma_wait3A_272] : memref<819200x128xf32, #tpu.memory_space<hbm>> -> memref<128x128xf32, #tpu.memory_space<hbm>>
        %dma_wait3A_274 = arith.constant 0 : i32
        %dma_wait3A_275 = tpu.memref_slice %arg5[%add3A_266, %dma_wait3A_274] : memref<819200x128xf32, #tpu.memory_space<hbm>> -> memref<128x128xf32, #tpu.memory_space<hbm>>
        %dma_wait3A_276 = arith.constant 0 : i32
        %dma_wait3A_277 = arith.constant 0 : i32
        %dma_wait3A_278 = tpu.memref_slice %arg11[%dma_wait3A_267, %dma_wait3A_276, %dma_wait3A_277] : memref<4x128x128xf32, #tpu.memory_space<vmem>> -> memref<1x128x128xf32, #tpu.memory_space<vmem>>
        %dma_wait3A_279 = tpu.memref_squeeze %dma_wait3A_278 : memref<1x128x128xf32, #tpu.memory_space<vmem>> -> memref<128x128xf32, #tpu.memory_space<vmem>>
        tpu.wait_dma2 semaphore(%arg16 : memref<!tpu.dma_semaphore, #tpu.memory_space<semaphore_mem>>) src(%dma_wait3A_279 : memref<128x128xf32, #tpu.memory_space<vmem>>) dst(%dma_wait3A_275 : memref<128x128xf32, #tpu.memory_space<hbm>>)
        %add3A_280 = arith.constant 4 : i32
        %add3A_281 = arith.addi %add3A_122, %add3A_280 : i32
        %dma_start3A_282 = arith.constant 0 : i32
        %dma_start3A_283 = arith.constant 0 : i32
        %dma_start3A_284 = arith.constant 0 : i32
        %dma_start3A_285 = tpu.memref_slice %arg11[%dma_start3A_282, %dma_start3A_283, %dma_start3A_284] : memref<4x128x128xf32, #tpu.memory_space<vmem>> -> memref<1x128x128xf32, #tpu.memory_space<vmem>>
        %dma_start3A_286 = tpu.memref_squeeze %dma_start3A_285 : memref<1x128x128xf32, #tpu.memory_space<vmem>> -> memref<128x128xf32, #tpu.memory_space<vmem>>
        %dma_start3A_287 = arith.constant 0 : i32
        %dma_start3A_288 = tpu.memref_slice %arg10[%add3A_281, %dma_start3A_287] : memref<200x128xi32, #tpu.memory_space<vmem>> -> memref<1x128xi32, #tpu.memory_space<vmem>>
        %dma_start3A_289 = tpu.memref_squeeze %dma_start3A_288 : memref<1x128xi32, #tpu.memory_space<vmem>> -> memref<128xi32, #tpu.memory_space<vmem>>
        %dma_start3A_290 = arith.constant 0 : i32
        %dma_start3A_291 = arith.constant 0 : i32
        %dma_start3A_292 = tpu.memref_slice %arg9[%dma_start3A_290, %dma_start3A_291] : memref<32x128xf32, #tpu.memory_space<vmem_shared>> -> memref<32x128xf32, #tpu.memory_space<vmem_shared>>
        tpu.enqueue_indirect_dma source(%dma_start3A_292 : memref<32x128xf32, #tpu.memory_space<vmem_shared>>) target(%dma_start3A_286 : memref<128x128xf32, #tpu.memory_space<vmem>>) offsets(%dma_start3A_289 : memref<128xi32, #tpu.memory_space<vmem>>) semaphore(%arg12 : memref<!tpu.dma_semaphore, #tpu.memory_space<semaphore_mem>>)
      } else {
      }
      %add3A_156 = arith.constant 1 : i32
      %add3A_157 = arith.addi %mul3A_120, %add3A_156 : i32
      %mul3A_158 = arith.constant 128 : i32
      %mul3A_159 = arith.muli %add3A_157, %mul3A_158 : i32
      %add3A_160 = arith.addi %mul3A_2, %mul3A_159 : i32
      %dma_wait3A_161 = arith.constant 1 : i32
      %dma_wait3A_162 = arith.constant 0 : i32
      %dma_wait3A_163 = arith.constant 0 : i32
      %dma_wait3A_164 = tpu.memref_slice %arg11[%dma_wait3A_161, %dma_wait3A_162, %dma_wait3A_163] : memref<4x128x128xf32, #tpu.memory_space<vmem>> -> memref<1x128x128xf32, #tpu.memory_space<vmem>>
      %dma_wait3A_165 = tpu.memref_squeeze %dma_wait3A_164 : memref<1x128x128xf32, #tpu.memory_space<vmem>> -> memref<128x128xf32, #tpu.memory_space<vmem>>
      %dma_wait3A_166 = arith.constant 0 : i32
      %dma_wait3A_167 = tpu.memref_slice %arg10[%add3A_157, %dma_wait3A_166] : memref<200x128xi32, #tpu.memory_space<vmem>> -> memref<1x128xi32, #tpu.memory_space<vmem>>
      %dma_wait3A_168 = tpu.memref_squeeze %dma_wait3A_167 : memref<1x128xi32, #tpu.memory_space<vmem>> -> memref<128xi32, #tpu.memory_space<vmem>>
      %dma_wait3A_169 = arith.constant 0 : i32
      %dma_wait3A_170 = arith.constant 0 : i32
      %dma_wait3A_171 = tpu.memref_slice %arg9[%dma_wait3A_169, %dma_wait3A_170] : memref<32x128xf32, #tpu.memory_space<vmem_shared>> -> memref<32x128xf32, #tpu.memory_space<vmem_shared>>
      tpu.wait_indirect_dma semaphore(%arg13 : memref<!tpu.dma_semaphore, #tpu.memory_space<semaphore_mem>>) src(%dma_wait3A_171 : memref<32x128xf32, #tpu.memory_space<vmem_shared>>) dst(%dma_wait3A_165 : memref<128x128xf32, #tpu.memory_space<vmem>>)
      %dma_start3A_172 = arith.constant 1 : i32
      %dma_start3A_173 = arith.constant 0 : i32
      %dma_start3A_174 = arith.constant 0 : i32
      %dma_start3A_175 = tpu.memref_slice %arg11[%dma_start3A_172, %dma_start3A_173, %dma_start3A_174] : memref<4x128x128xf32, #tpu.memory_space<vmem>> -> memref<1x128x128xf32, #tpu.memory_space<vmem>>
      %dma_start3A_176 = tpu.memref_squeeze %dma_start3A_175 : memref<1x128x128xf32, #tpu.memory_space<vmem>> -> memref<128x128xf32, #tpu.memory_space<vmem>>
      %dma_start3A_177 = arith.constant 0 : i32
      %dma_start3A_178 = tpu.memref_slice %arg5[%add3A_160, %dma_start3A_177] : memref<819200x128xf32, #tpu.memory_space<hbm>> -> memref<128x128xf32, #tpu.memory_space<hbm>>
      %dma_start3A_179 = arith.constant 0 : i32
      %dma_start3A_180 = tpu.memref_slice %arg5[%add3A_160, %dma_start3A_179] : memref<819200x128xf32, #tpu.memory_space<hbm>> -> memref<128x128xf32, #tpu.memory_space<hbm>>
      %dma_start3A_181 = arith.constant 0 : i32
      %dma_start3A_182 = arith.constant 0 : i32
      %dma_start3A_183 = tpu.memref_slice %arg11[%dma_start3A_172, %dma_start3A_181, %dma_start3A_182] : memref<4x128x128xf32, #tpu.memory_space<vmem>> -> memref<1x128x128xf32, #tpu.memory_space<vmem>>
      %dma_start3A_184 = tpu.memref_squeeze %dma_start3A_183 : memref<1x128x128xf32, #tpu.memory_space<vmem>> -> memref<128x128xf32, #tpu.memory_space<vmem>>
      tpu.enqueue_dma source(%dma_start3A_184 : memref<128x128xf32, #tpu.memory_space<vmem>>) target(%dma_start3A_180 : memref<128x128xf32, #tpu.memory_space<hbm>>) target_semaphore(%arg17 : memref<!tpu.dma_semaphore, #tpu.memory_space<semaphore_mem>>)
      %add3A_185 = arith.constant 4 : i32
      %add3A_186 = arith.addi %add3A_157, %add3A_185 : i32
      %lt3A_187 = arith.constant 200 : i32
      %lt3A_188 = arith.cmpi slt, %add3A_186, %lt3A_187 : i32
      %convert_element_type3A_189 = arith.extui %lt3A_188 : i1 to i32
      %cond3A_190 = arith.constant 0 : i32
      %cond3A_191 = arith.cmpi ne, %convert_element_type3A_189, %cond3A_190 : i32
      scf.if %cond3A_191 {
        %mul3A_264 = arith.constant 128 : i32
        %mul3A_265 = arith.muli %add3A_157, %mul3A_264 : i32
        %add3A_266 = arith.addi %mul3A_2, %mul3A_265 : i32
        %dma_wait3A_267 = arith.constant 1 : i32
        %dma_wait3A_268 = arith.constant 0 : i32
        %dma_wait3A_269 = arith.constant 0 : i32
        %dma_wait3A_270 = tpu.memref_slice %arg11[%dma_wait3A_267, %dma_wait3A_268, %dma_wait3A_269] : memref<4x128x128xf32, #tpu.memory_space<vmem>> -> memref<1x128x128xf32, #tpu.memory_space<vmem>>
        %dma_wait3A_271 = tpu.memref_squeeze %dma_wait3A_270 : memref<1x128x128xf32, #tpu.memory_space<vmem>> -> memref<128x128xf32, #tpu.memory_space<vmem>>
        %dma_wait3A_272 = arith.constant 0 : i32
        %dma_wait3A_273 = tpu.memref_slice %arg5[%add3A_266, %dma_wait3A_272] : memref<819200x128xf32, #tpu.memory_space<hbm>> -> memref<128x128xf32, #tpu.memory_space<hbm>>
        %dma_wait3A_274 = arith.constant 0 : i32
        %dma_wait3A_275 = tpu.memref_slice %arg5[%add3A_266, %dma_wait3A_274] : memref<819200x128xf32, #tpu.memory_space<hbm>> -> memref<128x128xf32, #tpu.memory_space<hbm>>
        %dma_wait3A_276 = arith.constant 0 : i32
        %dma_wait3A_277 = arith.constant 0 : i32
        %dma_wait3A_278 = tpu.memref_slice %arg11[%dma_wait3A_267, %dma_wait3A_276, %dma_wait3A_277] : memref<4x128x128xf32, #tpu.memory_space<vmem>> -> memref<1x128x128xf32, #tpu.memory_space<vmem>>
        %dma_wait3A_279 = tpu.memref_squeeze %dma_wait3A_278 : memref<1x128x128xf32, #tpu.memory_space<vmem>> -> memref<128x128xf32, #tpu.memory_space<vmem>>
        tpu.wait_dma2 semaphore(%arg17 : memref<!tpu.dma_semaphore, #tpu.memory_space<semaphore_mem>>) src(%dma_wait3A_279 : memref<128x128xf32, #tpu.memory_space<vmem>>) dst(%dma_wait3A_275 : memref<128x128xf32, #tpu.memory_space<hbm>>)
        %add3A_280 = arith.constant 4 : i32
        %add3A_281 = arith.addi %add3A_157, %add3A_280 : i32
        %dma_start3A_282 = arith.constant 1 : i32
        %dma_start3A_283 = arith.constant 0 : i32
        %dma_start3A_284 = arith.constant 0 : i32
        %dma_start3A_285 = tpu.memref_slice %arg11[%dma_start3A_282, %dma_start3A_283, %dma_start3A_284] : memref<4x128x128xf32, #tpu.memory_space<vmem>> -> memref<1x128x128xf32, #tpu.memory_space<vmem>>
        %dma_start3A_286 = tpu.memref_squeeze %dma_start3A_285 : memref<1x128x128xf32, #tpu.memory_space<vmem>> -> memref<128x128xf32, #tpu.memory_space<vmem>>
        %dma_start3A_287 = arith.constant 0 : i32
        %dma_start3A_288 = tpu.memref_slice %arg10[%add3A_281, %dma_start3A_287] : memref<200x128xi32, #tpu.memory_space<vmem>> -> memref<1x128xi32, #tpu.memory_space<vmem>>
        %dma_start3A_289 = tpu.memref_squeeze %dma_start3A_288 : memref<1x128xi32, #tpu.memory_space<vmem>> -> memref<128xi32, #tpu.memory_space<vmem>>
        %dma_start3A_290 = arith.constant 0 : i32
        %dma_start3A_291 = arith.constant 0 : i32
        %dma_start3A_292 = tpu.memref_slice %arg9[%dma_start3A_290, %dma_start3A_291] : memref<32x128xf32, #tpu.memory_space<vmem_shared>> -> memref<32x128xf32, #tpu.memory_space<vmem_shared>>
        tpu.enqueue_indirect_dma source(%dma_start3A_292 : memref<32x128xf32, #tpu.memory_space<vmem_shared>>) target(%dma_start3A_286 : memref<128x128xf32, #tpu.memory_space<vmem>>) offsets(%dma_start3A_289 : memref<128xi32, #tpu.memory_space<vmem>>) semaphore(%arg13 : memref<!tpu.dma_semaphore, #tpu.memory_space<semaphore_mem>>)
      } else {
      }
      %add3A_192 = arith.constant 2 : i32
      %add3A_193 = arith.addi %mul3A_120, %add3A_192 : i32
      %mul3A_194 = arith.constant 128 : i32
      %mul3A_195 = arith.muli %add3A_193, %mul3A_194 : i32
      %add3A_196 = arith.addi %mul3A_2, %mul3A_195 : i32
      %dma_wait3A_197 = arith.constant 2 : i32
      %dma_wait3A_198 = arith.constant 0 : i32
      %dma_wait3A_199 = arith.constant 0 : i32
      %dma_wait3A_200 = tpu.memref_slice %arg11[%dma_wait3A_197, %dma_wait3A_198, %dma_wait3A_199] : memref<4x128x128xf32, #tpu.memory_space<vmem>> -> memref<1x128x128xf32, #tpu.memory_space<vmem>>
      %dma_wait3A_201 = tpu.memref_squeeze %dma_wait3A_200 : memref<1x128x128xf32, #tpu.memory_space<vmem>> -> memref<128x128xf32, #tpu.memory_space<vmem>>
      %dma_wait3A_202 = arith.constant 0 : i32
      %dma_wait3A_203 = tpu.memref_slice %arg10[%add3A_193, %dma_wait3A_202] : memref<200x128xi32, #tpu.memory_space<vmem>> -> memref<1x128xi32, #tpu.memory_space<vmem>>
      %dma_wait3A_204 = tpu.memref_squeeze %dma_wait3A_203 : memref<1x128xi32, #tpu.memory_space<vmem>> -> memref<128xi32, #tpu.memory_space<vmem>>
      %dma_wait3A_205 = arith.constant 0 : i32
      %dma_wait3A_206 = arith.constant 0 : i32
      %dma_wait3A_207 = tpu.memref_slice %arg9[%dma_wait3A_205, %dma_wait3A_206] : memref<32x128xf32, #tpu.memory_space<vmem_shared>> -> memref<32x128xf32, #tpu.memory_space<vmem_shared>>
      tpu.wait_indirect_dma semaphore(%arg14 : memref<!tpu.dma_semaphore, #tpu.memory_space<semaphore_mem>>) src(%dma_wait3A_207 : memref<32x128xf32, #tpu.memory_space<vmem_shared>>) dst(%dma_wait3A_201 : memref<128x128xf32, #tpu.memory_space<vmem>>)
      %dma_start3A_208 = arith.constant 2 : i32
      %dma_start3A_209 = arith.constant 0 : i32
      %dma_start3A_210 = arith.constant 0 : i32
      %dma_start3A_211 = tpu.memref_slice %arg11[%dma_start3A_208, %dma_start3A_209, %dma_start3A_210] : memref<4x128x128xf32, #tpu.memory_space<vmem>> -> memref<1x128x128xf32, #tpu.memory_space<vmem>>
      %dma_start3A_212 = tpu.memref_squeeze %dma_start3A_211 : memref<1x128x128xf32, #tpu.memory_space<vmem>> -> memref<128x128xf32, #tpu.memory_space<vmem>>
      %dma_start3A_213 = arith.constant 0 : i32
      %dma_start3A_214 = tpu.memref_slice %arg5[%add3A_196, %dma_start3A_213] : memref<819200x128xf32, #tpu.memory_space<hbm>> -> memref<128x128xf32, #tpu.memory_space<hbm>>
      %dma_start3A_215 = arith.constant 0 : i32
      %dma_start3A_216 = tpu.memref_slice %arg5[%add3A_196, %dma_start3A_215] : memref<819200x128xf32, #tpu.memory_space<hbm>> -> memref<128x128xf32, #tpu.memory_space<hbm>>
      %dma_start3A_217 = arith.constant 0 : i32
      %dma_start3A_218 = arith.constant 0 : i32
      %dma_start3A_219 = tpu.memref_slice %arg11[%dma_start3A_208, %dma_start3A_217, %dma_start3A_218] : memref<4x128x128xf32, #tpu.memory_space<vmem>> -> memref<1x128x128xf32, #tpu.memory_space<vmem>>
      %dma_start3A_220 = tpu.memref_squeeze %dma_start3A_219 : memref<1x128x128xf32, #tpu.memory_space<vmem>> -> memref<128x128xf32, #tpu.memory_space<vmem>>
      tpu.enqueue_dma source(%dma_start3A_220 : memref<128x128xf32, #tpu.memory_space<vmem>>) target(%dma_start3A_216 : memref<128x128xf32, #tpu.memory_space<hbm>>) target_semaphore(%arg18 : memref<!tpu.dma_semaphore, #tpu.memory_space<semaphore_mem>>)
      %add3A_221 = arith.constant 4 : i32
      %add3A_222 = arith.addi %add3A_193, %add3A_221 : i32
      %lt3A_223 = arith.constant 200 : i32
      %lt3A_224 = arith.cmpi slt, %add3A_222, %lt3A_223 : i32
      %convert_element_type3A_225 = arith.extui %lt3A_224 : i1 to i32
      %cond3A_226 = arith.constant 0 : i32
      %cond3A_227 = arith.cmpi ne, %convert_element_type3A_225, %cond3A_226 : i32
      scf.if %cond3A_227 {
        %mul3A_264 = arith.constant 128 : i32
        %mul3A_265 = arith.muli %add3A_193, %mul3A_264 : i32
        %add3A_266 = arith.addi %mul3A_2, %mul3A_265 : i32
        %dma_wait3A_267 = arith.constant 2 : i32
        %dma_wait3A_268 = arith.constant 0 : i32
        %dma_wait3A_269 = arith.constant 0 : i32
        %dma_wait3A_270 = tpu.memref_slice %arg11[%dma_wait3A_267, %dma_wait3A_268, %dma_wait3A_269] : memref<4x128x128xf32, #tpu.memory_space<vmem>> -> memref<1x128x128xf32, #tpu.memory_space<vmem>>
        %dma_wait3A_271 = tpu.memref_squeeze %dma_wait3A_270 : memref<1x128x128xf32, #tpu.memory_space<vmem>> -> memref<128x128xf32, #tpu.memory_space<vmem>>
        %dma_wait3A_272 = arith.constant 0 : i32
        %dma_wait3A_273 = tpu.memref_slice %arg5[%add3A_266, %dma_wait3A_272] : memref<819200x128xf32, #tpu.memory_space<hbm>> -> memref<128x128xf32, #tpu.memory_space<hbm>>
        %dma_wait3A_274 = arith.constant 0 : i32
        %dma_wait3A_275 = tpu.memref_slice %arg5[%add3A_266, %dma_wait3A_274] : memref<819200x128xf32, #tpu.memory_space<hbm>> -> memref<128x128xf32, #tpu.memory_space<hbm>>
        %dma_wait3A_276 = arith.constant 0 : i32
        %dma_wait3A_277 = arith.constant 0 : i32
        %dma_wait3A_278 = tpu.memref_slice %arg11[%dma_wait3A_267, %dma_wait3A_276, %dma_wait3A_277] : memref<4x128x128xf32, #tpu.memory_space<vmem>> -> memref<1x128x128xf32, #tpu.memory_space<vmem>>
        %dma_wait3A_279 = tpu.memref_squeeze %dma_wait3A_278 : memref<1x128x128xf32, #tpu.memory_space<vmem>> -> memref<128x128xf32, #tpu.memory_space<vmem>>
        tpu.wait_dma2 semaphore(%arg18 : memref<!tpu.dma_semaphore, #tpu.memory_space<semaphore_mem>>) src(%dma_wait3A_279 : memref<128x128xf32, #tpu.memory_space<vmem>>) dst(%dma_wait3A_275 : memref<128x128xf32, #tpu.memory_space<hbm>>)
        %add3A_280 = arith.constant 4 : i32
        %add3A_281 = arith.addi %add3A_193, %add3A_280 : i32
        %dma_start3A_282 = arith.constant 2 : i32
        %dma_start3A_283 = arith.constant 0 : i32
        %dma_start3A_284 = arith.constant 0 : i32
        %dma_start3A_285 = tpu.memref_slice %arg11[%dma_start3A_282, %dma_start3A_283, %dma_start3A_284] : memref<4x128x128xf32, #tpu.memory_space<vmem>> -> memref<1x128x128xf32, #tpu.memory_space<vmem>>
        %dma_start3A_286 = tpu.memref_squeeze %dma_start3A_285 : memref<1x128x128xf32, #tpu.memory_space<vmem>> -> memref<128x128xf32, #tpu.memory_space<vmem>>
        %dma_start3A_287 = arith.constant 0 : i32
        %dma_start3A_288 = tpu.memref_slice %arg10[%add3A_281, %dma_start3A_287] : memref<200x128xi32, #tpu.memory_space<vmem>> -> memref<1x128xi32, #tpu.memory_space<vmem>>
        %dma_start3A_289 = tpu.memref_squeeze %dma_start3A_288 : memref<1x128xi32, #tpu.memory_space<vmem>> -> memref<128xi32, #tpu.memory_space<vmem>>
        %dma_start3A_290 = arith.constant 0 : i32
        %dma_start3A_291 = arith.constant 0 : i32
        %dma_start3A_292 = tpu.memref_slice %arg9[%dma_start3A_290, %dma_start3A_291] : memref<32x128xf32, #tpu.memory_space<vmem_shared>> -> memref<32x128xf32, #tpu.memory_space<vmem_shared>>
        tpu.enqueue_indirect_dma source(%dma_start3A_292 : memref<32x128xf32, #tpu.memory_space<vmem_shared>>) target(%dma_start3A_286 : memref<128x128xf32, #tpu.memory_space<vmem>>) offsets(%dma_start3A_289 : memref<128xi32, #tpu.memory_space<vmem>>) semaphore(%arg14 : memref<!tpu.dma_semaphore, #tpu.memory_space<semaphore_mem>>)
      } else {
      }
      %add3A_228 = arith.constant 3 : i32
      %add3A_229 = arith.addi %mul3A_120, %add3A_228 : i32
      %mul3A_230 = arith.constant 128 : i32
      %mul3A_231 = arith.muli %add3A_229, %mul3A_230 : i32
      %add3A_232 = arith.addi %mul3A_2, %mul3A_231 : i32
      %dma_wait3A_233 = arith.constant 3 : i32
      %dma_wait3A_234 = arith.constant 0 : i32
      %dma_wait3A_235 = arith.constant 0 : i32
      %dma_wait3A_236 = tpu.memref_slice %arg11[%dma_wait3A_233, %dma_wait3A_234, %dma_wait3A_235] : memref<4x128x128xf32, #tpu.memory_space<vmem>> -> memref<1x128x128xf32, #tpu.memory_space<vmem>>
      %dma_wait3A_237 = tpu.memref_squeeze %dma_wait3A_236 : memref<1x128x128xf32, #tpu.memory_space<vmem>> -> memref<128x128xf32, #tpu.memory_space<vmem>>
      %dma_wait3A_238 = arith.constant 0 : i32
      %dma_wait3A_239 = tpu.memref_slice %arg10[%add3A_229, %dma_wait3A_238] : memref<200x128xi32, #tpu.memory_space<vmem>> -> memref<1x128xi32, #tpu.memory_space<vmem>>
      %dma_wait3A_240 = tpu.memref_squeeze %dma_wait3A_239 : memref<1x128xi32, #tpu.memory_space<vmem>> -> memref<128xi32, #tpu.memory_space<vmem>>
      %dma_wait3A_241 = arith.constant 0 : i32
      %dma_wait3A_242 = arith.constant 0 : i32
      %dma_wait3A_243 = tpu.memref_slice %arg9[%dma_wait3A_241, %dma_wait3A_242] : memref<32x128xf32, #tpu.memory_space<vmem_shared>> -> memref<32x128xf32, #tpu.memory_space<vmem_shared>>
      tpu.wait_indirect_dma semaphore(%arg15 : memref<!tpu.dma_semaphore, #tpu.memory_space<semaphore_mem>>) src(%dma_wait3A_243 : memref<32x128xf32, #tpu.memory_space<vmem_shared>>) dst(%dma_wait3A_237 : memref<128x128xf32, #tpu.memory_space<vmem>>)
      %dma_start3A_244 = arith.constant 3 : i32
      %dma_start3A_245 = arith.constant 0 : i32
      %dma_start3A_246 = arith.constant 0 : i32
      %dma_start3A_247 = tpu.memref_slice %arg11[%dma_start3A_244, %dma_start3A_245, %dma_start3A_246] : memref<4x128x128xf32, #tpu.memory_space<vmem>> -> memref<1x128x128xf32, #tpu.memory_space<vmem>>
      %dma_start3A_248 = tpu.memref_squeeze %dma_start3A_247 : memref<1x128x128xf32, #tpu.memory_space<vmem>> -> memref<128x128xf32, #tpu.memory_space<vmem>>
      %dma_start3A_249 = arith.constant 0 : i32
      %dma_start3A_250 = tpu.memref_slice %arg5[%add3A_232, %dma_start3A_249] : memref<819200x128xf32, #tpu.memory_space<hbm>> -> memref<128x128xf32, #tpu.memory_space<hbm>>
      %dma_start3A_251 = arith.constant 0 : i32
      %dma_start3A_252 = tpu.memref_slice %arg5[%add3A_232, %dma_start3A_251] : memref<819200x128xf32, #tpu.memory_space<hbm>> -> memref<128x128xf32, #tpu.memory_space<hbm>>
      %dma_start3A_253 = arith.constant 0 : i32
      %dma_start3A_254 = arith.constant 0 : i32
      %dma_start3A_255 = tpu.memref_slice %arg11[%dma_start3A_244, %dma_start3A_253, %dma_start3A_254] : memref<4x128x128xf32, #tpu.memory_space<vmem>> -> memref<1x128x128xf32, #tpu.memory_space<vmem>>
      %dma_start3A_256 = tpu.memref_squeeze %dma_start3A_255 : memref<1x128x128xf32, #tpu.memory_space<vmem>> -> memref<128x128xf32, #tpu.memory_space<vmem>>
      tpu.enqueue_dma source(%dma_start3A_256 : memref<128x128xf32, #tpu.memory_space<vmem>>) target(%dma_start3A_252 : memref<128x128xf32, #tpu.memory_space<hbm>>) target_semaphore(%arg19 : memref<!tpu.dma_semaphore, #tpu.memory_space<semaphore_mem>>)
      %add3A_257 = arith.constant 4 : i32
      %add3A_258 = arith.addi %add3A_229, %add3A_257 : i32
      %lt3A_259 = arith.constant 200 : i32
      %lt3A_260 = arith.cmpi slt, %add3A_258, %lt3A_259 : i32
      %convert_element_type3A_261 = arith.extui %lt3A_260 : i1 to i32
      %cond3A_262 = arith.constant 0 : i32
      %cond3A_263 = arith.cmpi ne, %convert_element_type3A_261, %cond3A_262 : i32
      scf.if %cond3A_263 {
        %mul3A_264 = arith.constant 128 : i32
        %mul3A_265 = arith.muli %add3A_229, %mul3A_264 : i32
        %add3A_266 = arith.addi %mul3A_2, %mul3A_265 : i32
        %dma_wait3A_267 = arith.constant 3 : i32
        %dma_wait3A_268 = arith.constant 0 : i32
        %dma_wait3A_269 = arith.constant 0 : i32
        %dma_wait3A_270 = tpu.memref_slice %arg11[%dma_wait3A_267, %dma_wait3A_268, %dma_wait3A_269] : memref<4x128x128xf32, #tpu.memory_space<vmem>> -> memref<1x128x128xf32, #tpu.memory_space<vmem>>
        %dma_wait3A_271 = tpu.memref_squeeze %dma_wait3A_270 : memref<1x128x128xf32, #tpu.memory_space<vmem>> -> memref<128x128xf32, #tpu.memory_space<vmem>>
        %dma_wait3A_272 = arith.constant 0 : i32
        %dma_wait3A_273 = tpu.memref_slice %arg5[%add3A_266, %dma_wait3A_272] : memref<819200x128xf32, #tpu.memory_space<hbm>> -> memref<128x128xf32, #tpu.memory_space<hbm>>
        %dma_wait3A_274 = arith.constant 0 : i32
        %dma_wait3A_275 = tpu.memref_slice %arg5[%add3A_266, %dma_wait3A_274] : memref<819200x128xf32, #tpu.memory_space<hbm>> -> memref<128x128xf32, #tpu.memory_space<hbm>>
        %dma_wait3A_276 = arith.constant 0 : i32
        %dma_wait3A_277 = arith.constant 0 : i32
        %dma_wait3A_278 = tpu.memref_slice %arg11[%dma_wait3A_267, %dma_wait3A_276, %dma_wait3A_277] : memref<4x128x128xf32, #tpu.memory_space<vmem>> -> memref<1x128x128xf32, #tpu.memory_space<vmem>>
        %dma_wait3A_279 = tpu.memref_squeeze %dma_wait3A_278 : memref<1x128x128xf32, #tpu.memory_space<vmem>> -> memref<128x128xf32, #tpu.memory_space<vmem>>
        tpu.wait_dma2 semaphore(%arg19 : memref<!tpu.dma_semaphore, #tpu.memory_space<semaphore_mem>>) src(%dma_wait3A_279 : memref<128x128xf32, #tpu.memory_space<vmem>>) dst(%dma_wait3A_275 : memref<128x128xf32, #tpu.memory_space<hbm>>)
        %add3A_280 = arith.constant 4 : i32
        %add3A_281 = arith.addi %add3A_229, %add3A_280 : i32
        %dma_start3A_282 = arith.constant 3 : i32
        %dma_start3A_283 = arith.constant 0 : i32
        %dma_start3A_284 = arith.constant 0 : i32
        %dma_start3A_285 = tpu.memref_slice %arg11[%dma_start3A_282, %dma_start3A_283, %dma_start3A_284] : memref<4x128x128xf32, #tpu.memory_space<vmem>> -> memref<1x128x128xf32, #tpu.memory_space<vmem>>
        %dma_start3A_286 = tpu.memref_squeeze %dma_start3A_285 : memref<1x128x128xf32, #tpu.memory_space<vmem>> -> memref<128x128xf32, #tpu.memory_space<vmem>>
        %dma_start3A_287 = arith.constant 0 : i32
        %dma_start3A_288 = tpu.memref_slice %arg10[%add3A_281, %dma_start3A_287] : memref<200x128xi32, #tpu.memory_space<vmem>> -> memref<1x128xi32, #tpu.memory_space<vmem>>
        %dma_start3A_289 = tpu.memref_squeeze %dma_start3A_288 : memref<1x128xi32, #tpu.memory_space<vmem>> -> memref<128xi32, #tpu.memory_space<vmem>>
        %dma_start3A_290 = arith.constant 0 : i32
        %dma_start3A_291 = arith.constant 0 : i32
        %dma_start3A_292 = tpu.memref_slice %arg9[%dma_start3A_290, %dma_start3A_291] : memref<32x128xf32, #tpu.memory_space<vmem_shared>> -> memref<32x128xf32, #tpu.memory_space<vmem_shared>>
        tpu.enqueue_indirect_dma source(%dma_start3A_292 : memref<32x128xf32, #tpu.memory_space<vmem_shared>>) target(%dma_start3A_286 : memref<128x128xf32, #tpu.memory_space<vmem>>) offsets(%dma_start3A_289 : memref<128xi32, #tpu.memory_space<vmem>>) semaphore(%arg15 : memref<!tpu.dma_semaphore, #tpu.memory_space<semaphore_mem>>)
      } else {
      }
    }
    %scan3A_58 = arith.constant 50 : i32
    %add3A_59 = arith.constant 25088 : i32
    %add3A_60 = arith.addi %mul3A_2, %add3A_59 : i32
    %dma_wait3A = arith.constant 0 : i32
    %dma_wait3A_61 = arith.constant 0 : i32
    %dma_wait3A_62 = arith.constant 0 : i32
    %dma_wait3A_63 = tpu.memref_slice %arg11[%dma_wait3A, %dma_wait3A_61, %dma_wait3A_62] : memref<4x128x128xf32, #tpu.memory_space<vmem>> -> memref<1x128x128xf32, #tpu.memory_space<vmem>>
    %dma_wait3A_64 = tpu.memref_squeeze %dma_wait3A_63 : memref<1x128x128xf32, #tpu.memory_space<vmem>> -> memref<128x128xf32, #tpu.memory_space<vmem>>
    %dma_wait3A_65 = arith.constant 0 : i32
    %dma_wait3A_66 = tpu.memref_slice %arg5[%add3A_60, %dma_wait3A_65] : memref<819200x128xf32, #tpu.memory_space<hbm>> -> memref<128x128xf32, #tpu.memory_space<hbm>>
    %dma_wait3A_67 = arith.constant 0 : i32
    %dma_wait3A_68 = tpu.memref_slice %arg5[%add3A_60, %dma_wait3A_67] : memref<819200x128xf32, #tpu.memory_space<hbm>> -> memref<128x128xf32, #tpu.memory_space<hbm>>
    %dma_wait3A_69 = arith.constant 0 : i32
    %dma_wait3A_70 = arith.constant 0 : i32
    %dma_wait3A_71 = tpu.memref_slice %arg11[%dma_wait3A, %dma_wait3A_69, %dma_wait3A_70] : memref<4x128x128xf32, #tpu.memory_space<vmem>> -> memref<1x128x128xf32, #tpu.memory_space<vmem>>
    %dma_wait3A_72 = tpu.memref_squeeze %dma_wait3A_71 : memref<1x128x128xf32, #tpu.memory_space<vmem>> -> memref<128x128xf32, #tpu.memory_space<vmem>>
    tpu.wait_dma2 semaphore(%arg16 : memref<!tpu.dma_semaphore, #tpu.memory_space<semaphore_mem>>) src(%dma_wait3A_72 : memref<128x128xf32, #tpu.memory_space<vmem>>) dst(%dma_wait3A_68 : memref<128x128xf32, #tpu.memory_space<hbm>>)
    %add3A_73 = arith.constant 25216 : i32
    %add3A_74 = arith.addi %mul3A_2, %add3A_73 : i32
    %dma_wait3A_75 = arith.constant 1 : i32
    %dma_wait3A_76 = arith.constant 0 : i32
    %dma_wait3A_77 = arith.constant 0 : i32
    %dma_wait3A_78 = tpu.memref_slice %arg11[%dma_wait3A_75, %dma_wait3A_76, %dma_wait3A_77] : memref<4x128x128xf32, #tpu.memory_space<vmem>> -> memref<1x128x128xf32, #tpu.memory_space<vmem>>
    %dma_wait3A_79 = tpu.memref_squeeze %dma_wait3A_78 : memref<1x128x128xf32, #tpu.memory_space<vmem>> -> memref<128x128xf32, #tpu.memory_space<vmem>>
    %dma_wait3A_80 = arith.constant 0 : i32
    %dma_wait3A_81 = tpu.memref_slice %arg5[%add3A_74, %dma_wait3A_80] : memref<819200x128xf32, #tpu.memory_space<hbm>> -> memref<128x128xf32, #tpu.memory_space<hbm>>
    %dma_wait3A_82 = arith.constant 0 : i32
    %dma_wait3A_83 = tpu.memref_slice %arg5[%add3A_74, %dma_wait3A_82] : memref<819200x128xf32, #tpu.memory_space<hbm>> -> memref<128x128xf32, #tpu.memory_space<hbm>>
    %dma_wait3A_84 = arith.constant 0 : i32
    %dma_wait3A_85 = arith.constant 0 : i32
    %dma_wait3A_86 = tpu.memref_slice %arg11[%dma_wait3A_75, %dma_wait3A_84, %dma_wait3A_85] : memref<4x128x128xf32, #tpu.memory_space<vmem>> -> memref<1x128x128xf32, #tpu.memory_space<vmem>>
    %dma_wait3A_87 = tpu.memref_squeeze %dma_wait3A_86 : memref<1x128x128xf32, #tpu.memory_space<vmem>> -> memref<128x128xf32, #tpu.memory_space<vmem>>
    tpu.wait_dma2 semaphore(%arg17 : memref<!tpu.dma_semaphore, #tpu.memory_space<semaphore_mem>>) src(%dma_wait3A_87 : memref<128x128xf32, #tpu.memory_space<vmem>>) dst(%dma_wait3A_83 : memref<128x128xf32, #tpu.memory_space<hbm>>)
    %add3A_88 = arith.constant 25344 : i32
    %add3A_89 = arith.addi %mul3A_2, %add3A_88 : i32
    %dma_wait3A_90 = arith.constant 2 : i32
    %dma_wait3A_91 = arith.constant 0 : i32
    %dma_wait3A_92 = arith.constant 0 : i32
    %dma_wait3A_93 = tpu.memref_slice %arg11[%dma_wait3A_90, %dma_wait3A_91, %dma_wait3A_92] : memref<4x128x128xf32, #tpu.memory_space<vmem>> -> memref<1x128x128xf32, #tpu.memory_space<vmem>>
    %dma_wait3A_94 = tpu.memref_squeeze %dma_wait3A_93 : memref<1x128x128xf32, #tpu.memory_space<vmem>> -> memref<128x128xf32, #tpu.memory_space<vmem>>
    %dma_wait3A_95 = arith.constant 0 : i32
    %dma_wait3A_96 = tpu.memref_slice %arg5[%add3A_89, %dma_wait3A_95] : memref<819200x128xf32, #tpu.memory_space<hbm>> -> memref<128x128xf32, #tpu.memory_space<hbm>>
    %dma_wait3A_97 = arith.constant 0 : i32
    %dma_wait3A_98 = tpu.memref_slice %arg5[%add3A_89, %dma_wait3A_97] : memref<819200x128xf32, #tpu.memory_space<hbm>> -> memref<128x128xf32, #tpu.memory_space<hbm>>
    %dma_wait3A_99 = arith.constant 0 : i32
    %dma_wait3A_100 = arith.constant 0 : i32
    %dma_wait3A_101 = tpu.memref_slice %arg11[%dma_wait3A_90, %dma_wait3A_99, %dma_wait3A_100] : memref<4x128x128xf32, #tpu.memory_space<vmem>> -> memref<1x128x128xf32, #tpu.memory_space<vmem>>
    %dma_wait3A_102 = tpu.memref_squeeze %dma_wait3A_101 : memref<1x128x128xf32, #tpu.memory_space<vmem>> -> memref<128x128xf32, #tpu.memory_space<vmem>>
    tpu.wait_dma2 semaphore(%arg18 : memref<!tpu.dma_semaphore, #tpu.memory_space<semaphore_mem>>) src(%dma_wait3A_102 : memref<128x128xf32, #tpu.memory_space<vmem>>) dst(%dma_wait3A_98 : memref<128x128xf32, #tpu.memory_space<hbm>>)
    %add3A_103 = arith.constant 25472 : i32
    %add3A_104 = arith.addi %mul3A_2, %add3A_103 : i32
    %dma_wait3A_105 = arith.constant 3 : i32
    %dma_wait3A_106 = arith.constant 0 : i32
    %dma_wait3A_107 = arith.constant 0 : i32
    %dma_wait3A_108 = tpu.memref_slice %arg11[%dma_wait3A_105, %dma_wait3A_106, %dma_wait3A_107] : memref<4x128x128xf32, #tpu.memory_space<vmem>> -> memref<1x128x128xf32, #tpu.memory_space<vmem>>
    %dma_wait3A_109 = tpu.memref_squeeze %dma_wait3A_108 : memref<1x128x128xf32, #tpu.memory_space<vmem>> -> memref<128x128xf32, #tpu.memory_space<vmem>>
    %dma_wait3A_110 = arith.constant 0 : i32
    %dma_wait3A_111 = tpu.memref_slice %arg5[%add3A_104, %dma_wait3A_110] : memref<819200x128xf32, #tpu.memory_space<hbm>> -> memref<128x128xf32, #tpu.memory_space<hbm>>
    %dma_wait3A_112 = arith.constant 0 : i32
    %dma_wait3A_113 = tpu.memref_slice %arg5[%add3A_104, %dma_wait3A_112] : memref<819200x128xf32, #tpu.memory_space<hbm>> -> memref<128x128xf32, #tpu.memory_space<hbm>>
    %dma_wait3A_114 = arith.constant 0 : i32
    %dma_wait3A_115 = arith.constant 0 : i32
    %dma_wait3A_116 = tpu.memref_slice %arg11[%dma_wait3A_105, %dma_wait3A_114, %dma_wait3A_115] : memref<4x128x128xf32, #tpu.memory_space<vmem>> -> memref<1x128x128xf32, #tpu.memory_space<vmem>>
    %dma_wait3A_117 = tpu.memref_squeeze %dma_wait3A_116 : memref<1x128x128xf32, #tpu.memory_space<vmem>> -> memref<128x128xf32, #tpu.memory_space<vmem>>
    tpu.wait_dma2 semaphore(%arg19 : memref<!tpu.dma_semaphore, #tpu.memory_space<semaphore_mem>>) src(%dma_wait3A_117 : memref<128x128xf32, #tpu.memory_space<vmem>>) dst(%dma_wait3A_113 : memref<128x128xf32, #tpu.memory_space<hbm>>)
    return
  }
}

</mosaic_0001>

<sc_bundles>
// kernel: kernel.3.cloned.1.call-start
scs
__scs_entry_jumppad:
0x0: {  	(pc) =	sbr.rel $0x88, $3  }
0x1: {  	(tag) =	ssettag $0x0;
	lr =	simm.s32 $0x1  }
0x2: {  	[smem:$0x3F9E] =	sst lr;
	_ =	strace $0xD0000000  }
0x3: {  	_ = 	snop  }
0x4: {  	_ = 	snop  }
0x5: {  	_ = 	snop  }
0x6: {  	_ = 	snop  }
0x7: {  	_ = 	snop  }
__scs_overlays_trampoline_lowered:
0x8: {  	[smem:$0x3FAD] =	sst s0  }
0x9: {  	[smem:$0x3FAE] =	sst s1  }
0xa: {  	[smem:$0x3FAF] =	sst s2  }
0xb: {  	[smem:$0x3FB0] =	sst s3  }
0xc: {  	[smem:$0x3FB1] =	sst s4  }
0xd: {  	[smem:$0x3FB2] =	sst s5  }
0xe: {  	[smem:$0x3FB3] =	sst s6  }
0xf: {  	[smem:$0x3FB4] =	sst s7  }
0x10: {  	[smem:$0x3FB5] =	sst s8  }
0x11: {  	[smem:$0x3FB6] =	sst s9;
	s0 =	simm.s32 @!p0 $0x0  }
0x12: {  	s1 =	sld [smem:$0x3F9C];
	s0 =	simm.s32 @p0 $0x1  }
0x13: {  	[smem:$0x3FB7] =	sst s0;
	s0 =	simm.s32 @!p1 $0x0  }
0x14: {  	s2 =	sld [smem:$0x3F9B];
	s0 =	simm.s32 @p1 $0x1  }
0x15: {  	[smem:$0x3FB8] =	sst s0;
	s0 =	simm.s32 @!p2 $0x0  }
0x16: {  	s3 =	sld [smem:$0x3FDB];
	s0 =	simm.s32 @p2 $0x1  }
0x17: {  	s4 =	simm.s32 $0x1BF5;
	[smem:$0x3FBA] =	sst s0  }
0x18: {  	s0 =	sld [smem:$0x3F9D];
	_ =	swait.ge [sflag:s4], $0x0  }
0x19: {  	s7 =	sld [smem:$0x3F9E]  }
0x1a: {  	s8 =	sadd.s32 $0xFFFFE003, lr  }
0x1b: {  	s9 =	sadd.s32 $0xFFFFFEF7, lr;
	s5 =	simm.s32 $0xFFFFFFFF;
	p2 =	slt.u32 s8, $0xFFFFF086  }
0x1c: {  	p1 =	slt.u32 s9, $0xF7A;
	s5 =	simm.s32 @!p2 $0x0  }
0x1d: {  	s5 =	simm.s32 @p1 $0x1;
	p0 =	seq.s32 s7, s2  }
0x1e: {  	s7 =	smul.u32 @!p0 $0xF7A, s2;
	p2 =	seq.s32 @!p0 s5, $0x0  }
0x1f: {  	s9 =	smul.u32 $0xF7A, s1;
	s8 =	simm.s32 @!p0 $0x1BF5;
	p2 =	por !p2, p0  }
0x20: {  	[sflag:s8] =	ssyncset.s32 @!p0 $0xFFFFF086;
	s6 =	sadd.s32 @!p0 s3, s7;
	s7 =	simm.s32 @!p0 $0x108  }
0x21: {  	s3 =	sadd.s32 s3, s9;
	s6 =	sadd.s32 @!p0 $0x88, s6;
	s7 =	simm.s32 @p2 $0x1082  }
0x22: {  	[simem:s7], [sflag:s8] =	dma.local @!p0 [hbm:s6], $0xF7A  }
0x23: {  	s9 =	sor.u32 $0xD0000000, s2;
	s6 =	simm.s32 $0x108;
	_ =	swait.ge @!p0 [sflag:s8], $0x0  }
0x24: {  	s3 =	sadd.s32 $0x88, s3;
	s6 =	simm.s32 @!p1 $0x1082;
	[sflag:s4] =	ssyncset.s32 $0xFFFFF086  }
0x25: {  	[simem:s6], [sflag:s4] =	dma.local [hbm:s3], $0xF7A  }
0x26: {  	[smem:$0x3F9E] =	sst s1;
	(tag) =	ssettag s2;
	_ =	strace s9  }
0x27: {  	s1 =	sld [smem:$0x3FAE]  }
0x28: {  	s2 =	sld [smem:$0x3FAF]  }
0x29: {  	s4 =	sld [smem:$0x3FB1]  }
0x2a: {  	p0 =	seq.s32 s5, $0x0;
	s5 =	sld [smem:$0x3FB2]  }
0x2b: {  	s6 =	sld [smem:$0x3FB3]  }
0x2c: {  	s7 =	sld [smem:$0x3FB4]  }
0x2d: {  	s3 =	simm.s32 $0x108;
	s8 =	sld [smem:$0x3FB5]  }
0x2e: {  	s3 =	simm.s32 @!p0 $0x1082;
	s9 =	sld [smem:$0x3FB6]  }
0x2f: {  	lr =	sadd.s32 s0, s3;
	s0 =	sld [smem:$0x3FAD]  }
0x30: {  	s3 =	sld [smem:$0x3FB0]  }
0x31: {  	[smem:$0x3FB9] =	sst s10  }
0x32: {  	s10 =	sld [smem:$0x3FB7];
	_ =	sdelay $0x3  }
0x33: {  	p0 =	seq.s32 s10, $0x1;
	s10 =	sld [smem:$0x3FB9];
	_ =	sdelay $0x3  }
0x34: {  	[smem:$0x3FB9] =	sst s10  }
0x35: {  	s10 =	sld [smem:$0x3FB8];
	_ =	sdelay $0x3  }
0x36: {  	p1 =	seq.s32 s10, $0x1;
	s10 =	sld [smem:$0x3FB9];
	_ =	sdelay $0x3  }
0x37: {  	[smem:$0x3FB9] =	sst s10  }
0x38: {  	s10 =	sld [smem:$0x3FBA]  }
0x39: {  	_ = 	snop;
	(pc) =	sbr.ind lr, $3  }
0x3a: {  	_ = 	snop  }
0x3b: {  	_ = 	snop  }
0x3c: {  	p2 =	seq.s32 s10, $0x1;
	s10 =	sld [smem:$0x3FB9]  }
0x3d: {  	_ =	shalt  }
0x3e: {  	_ =	shalt  }
0x3f: {  	_ =	shalt  }
0x40: {  	_ =	shalt  }
0x41: {  	_ =	shalt  }
0x42: {  	_ =	shalt  }
0x43: {  	_ =	shalt  }
0x44: {  	_ =	shalt  }
0x45: {  	_ =	shalt  }
0x46: {  	_ =	shalt  }
0x47: {  	_ =	shalt  }
0x48: {  	_ =	shalt  }
0x49: {  	_ =	shalt  }
0x4a: {  	_ =	shalt  }
0x4b: {  	_ =	shalt  }
0x4c: {  	_ =	shalt  }
0x4d: {  	_ =	shalt  }
0x4e: {  	_ =	shalt  }
0x4f: {  	_ =	shalt  }
0x50: {  	_ =	shalt  }
0x51: {  	_ =	shalt  }
0x52: {  	_ =	shalt  }
0x53: {  	_ =	shalt  }
0x54: {  	_ =	shalt  }
0x55: {  	_ =	shalt  }
0x56: {  	_ =	shalt  }
0x57: {  	_ =	shalt  }
0x58: {  	_ =	shalt  }
0x59: {  	_ =	shalt  }
0x5a: {  	_ =	shalt  }
0x5b: {  	_ =	shalt  }
0x5c: {  	_ =	shalt  }
0x5d: {  	_ =	shalt  }
0x5e: {  	_ =	shalt  }
0x5f: {  	_ =	shalt  }
0x60: {  	_ =	shalt  }
0x61: {  	_ =	shalt  }
0x62: {  	_ =	shalt  }
0x63: {  	_ =	shalt  }
0x64: {  	_ =	shalt  }
0x65: {  	_ =	shalt  }
0x66: {  	_ =	shalt  }
0x67: {  	_ =	shalt  }
0x68: {  	_ =	shalt  }
0x69: {  	_ =	shalt  }
0x6a: {  	_ =	shalt  }
0x6b: {  	_ =	shalt  }
0x6c: {  	_ =	shalt  }
0x6d: {  	_ =	shalt  }
0x6e: {  	_ =	shalt  }
0x6f: {  	_ =	shalt  }
0x70: {  	_ =	shalt  }
0x71: {  	_ =	shalt  }
0x72: {  	_ =	shalt  }
0x73: {  	_ =	shalt  }
0x74: {  	_ =	shalt  }
0x75: {  	_ =	shalt  }
0x76: {  	_ =	shalt  }
0x77: {  	_ =	shalt  }
0x78: {  	_ =	shalt  }
0x79: {  	_ =	shalt  }
0x7a: {  	_ =	shalt  }
0x7b: {  	_ =	shalt  }
0x7c: {  	_ =	shalt  }
0x7d: {  	_ =	shalt  }
0x7e: {  	_ =	shalt  }
0x7f: {  	_ =	shalt  }
0x80: {  	_ =	shalt  }
0x81: {  	_ =	shalt  }
0x82: {  	_ =	shalt  }
0x83: {  	_ =	shalt  }
0x84: {  	_ =	shalt  }
0x85: {  	_ =	shalt  }
0x86: {  	_ =	shalt  }
0x87: {  	_ =	shalt  }
.Lfunc_end0:
.L_simem_size_0:
called_computation_lowered:
.L_overlay_start_0:
0x88: {  	s2 =	sld [smem:$0x3FD9]  }
0x89: {  	s3 =	sld [smem:$0x3FFE];
	_ =	sdelay $0x1  }
0x8a: {  	s1 =	srdreg.scid  }
0x8b: {  	s0 =	sand.u32 $0x1, s1  }
0x8c: {  	s17 =	sshll.u32 s0, $0xA;
	s2 =	sadd.s32 s3, s2  }
0x8d: {  	s2 =	sadd.s32 s2, s17  }
0x8e: {  	[smem:$0x3FC5] =	sst s2  }
0x8f: {  	_ = 	snop  }
0x90: {  	s2 =	sld [smem:$0x3FC8]  }
0x91: {  	s18 =	sld [smem:$0x3FC7]  }
0x92: {  	s4 =	sld [smem:$0x3FD0];
	(tm) =	ssettm $0x1  }
0x93: {  	s5 =	sld [smem:$0x3FFB];
	_ =	sdelay $0x3  }
0x94: {  	_ =	strace s5  }
0x95: {  	s5 =	sld [smem:$0x3FFC];
	_ =	sdelay $0x3  }
0x96: {  	_ =	strace s5  }
0x97: {  	s5 =	sld [smem:$0x3FFD];
	_ =	sdelay $0x3  }
0x98: {  	_ =	strace s5  }
0x99: {  	_ =	strace $0x8FFFFFFF  }
0x9a: {  	s19 =	sld [smem:$0x3FDB];
	_ =	sdelay $0x1  }
0x9b: {  	s6 =	simm.s32 $_scs_section_size  }
0x9c: {  	s7 =	simm.s32 $_size__tile_overlayer_lowered;
	s8 =	simm.s32 $_tile_overlayer_lowered  }
0x9d: {  	s22 =	simm.s32 $0x1BFF;
	s21 =	sshll.u32 s8, $0x1;
	s5 =	sadd.s32 s6, s19  }
0x9e: {  	s9 =	simm.s32 $0x0;
	s20 =	sshll.u32 s7, $0x1;
	s7 =	sadd.s32 s21, s5  }
0x9f: {  	[timem:s9], [sflag:s22] =	dma.local [hbm:s7], s20  }
0xa0: {  	_ =	swait.ge [sflag:s22], s20  }
0xa1: {  	s6 =	ssub.s32 $0x0, s20;
	[sflag:s22] =	ssyncset.done $0x0  }
0xa2: {  	[sflag:s22] =	ssyncadd.s32 s6;
	_ =	sdelay $0x1  }
0xa3: {  	s23 =	simm.s32 $0x1B8B  }
0xa4: {  	_ =	swait.ge [sflag:s23], $0x1  }
0xa5: {  	[sflag:s23] =	ssyncset.done $0x0  }
0xa6: {  	s25 =	simm.s32 $0x1B8E;
	s24 =	sld [smem:$0x3FFE];
	[sflag:s23] =	ssyncadd.s32 $0xFFFFFFFF  }
0xa7: {  	s26 =	simm.s32 $execute0_lowered;
	[smem:$0x3FD2] =	sst s25  }
0xa8: {  	s7 =	sshll.u32 s26, $0x1;
	_ =	strace $0x80000046;
	[dreg:$0x1] =	wrdreg $0xFFFFFFFF  }
0xa9: {  	s28 =	simm.s32 $_size_execute0_lowered;
	s5 =	sadd.s32 s5, s7;
	[dreg:$0x0] =	wrdreg $0x0  }
0xaa: {  	s7 =	sshll.u32 s28, $0x1;
	[dreg:$0x2] =	wrdreg s5  }
0xab: {  	[dreg:$0x3] =	wrdreg s7  }
0xac: {  	[dreg:$0x4] =	wrdreg $0xC0  }
0xad: {  	_ =	task [dreg:s9], $0x5FFFF  }
0xae: {  	[dreg:$0x1] =	wrdreg $0xFFFFFFFF  }
0xaf: {  	[dreg:$0x0] =	wrdreg $0x60  }
0xb0: {  	[dreg:$0x2] =	wrdreg s24  }
0xb1: {  	[dreg:$0x3] =	wrdreg s2  }
0xb2: {  	[dreg:$0x4] =	wrdreg s18  }
0xb3: {  	[dreg:$0x5] =	wrdreg s4  }
0xb4: {  	[dreg:$0x6] =	wrdreg $0x16000  }
0xb5: {  	[dreg:$0x7] =	wrdreg $0x9  }
0xb6: {  	_ =	task.clear_ibuf [dreg:s9], $0x8FFFF;
	_ =	strace $0x90000046  }
0xb7: {  	s29 =	simm.s32 $0x9;
	_ =	strace $0x80000048  }
0xb8: {  	_ =	swait.ge [sflag:s29], $0x1  }
0xb9: {  	[sflag:s29] =	ssyncadd.s32 $0xFFFFFFFF  }
0xba: {  	_ =	strace $0x90000048  }
0xbb: {  	_ =	sfence  }
0xbc: {  	s30 =	sld [smem:$0x0];
	_ =	sdelay $0x2  }
0xbd: {  	s31 =	sshll.u32 s1, $0xD;
	s1 =	sshrl.u32 s1, $0x2  }
0xbe: {  	s3 =	sand.u32 $0x4000, s31;
	s1 =	sadd.s32 s1, s30  }
0xbf: {  	s0 =	sor.u32 s3, s0;
	s1 =	sshll.u32 s1, $0x11  }
0xc0: {  	s0 =	sor.u32 s1, s0  }
0xc1: {  	s0 =	sadd.s32 $0x8F2B, s0  }
0xc2: {  	[sflag:s0] =	ssyncadd.remote.s32 $0x1  }
0xc3: {  	_ =	sfence.sel $0xFFFF  }
0xc4: {  	[dreg:$0x0] =	wrdreg $0xFFFFFFFF;
	(pc) =	sbr.abs _section_cstart, $3  }
0xc5: {  	[dreg:$0x1] =	wrdreg $0xFFFFFFFF  }
0xc6: {  	_ =	task.clear_ibuf [dreg:s9], $0x2FFFF;
	_ =	strace $0x9FFFFFFF  }
0xc7: {  	(tm) =	ssettm $0x7FFFFFFF  }
tec
execute0_lowered:
.L_overlay_start_1:
0x0: {  	(tag) =	ssettag $0x1  }
0x1: {  	s2 =	rddreg [dreg:$0x0];
	s3 =	srdreg.scid  }
0x2: {  	s8 =	rddreg [dreg:$0x3];
	s10 =	stileid.u32  }
0x3: {  	s13 =	simm.s32 $0x1700;
	s14 =	simm.s32 $0x80;
	s15 =	simm.s32 $0x7B00  }
0x4: {  	s17 =	simm.s32 $0xBB00;
	s18 =	simm.s32 $0x1800;
	s19 =	simm.s32 $0xFB00  }
0x5: {  	s20 =	simm.s32 $0x1880;
	s21 =	simm.s32 $0x13B00;
	s22 =	simm.s32 $0x1  }
0x6: {  	s28 =	simm.s32 $0x7;
	s29 =	simm.s32 $0x8;
	s12 =	smul.u32 $0x320000, s10  }
0x7: {  	s30 =	simm.s32 $0x0;
	s6 =	sand.u32 $0x1, s3;
	s31 =	smul.u32 $0x64000, s10  }
0x8: {  	s3 =	rddreg [dreg:$0x4];
	p0 =	sne.s32 s10, $0x0;
	s11 =	smul.u32 $0x3200000, s6  }
0x9: {  	s4 =	sshll.u32 s6, $0x4;
	s23 =	ssub.s32 $0x2, s6;
	s25 =	smul.u32 $0x640000, s6  }
0xa: {  	s5 =	sor.u32 s10, s4;
	s4 =	simm.s32 $0x0;
	s24 =	sshrl.u32 s23, $0x1  }
0xb: {  	s10 =	simm.s32 $0x9;
	s7 =	smul.u32 $0xC80, s5;
	[smem:$0x7FF] =	sst s4  }
0xc: {  	s9 =	smul.u32 $0x64000, s5;
	s26 =	sadd.s32 s12, s11;
	_ =	strace $0x80000047  }
.Ltmp0:
0xd: {  	s12 =	sshrl.u32 s26, $0x3;
	s26 =	simm.s32 $0x6;
	(pc) =	sbr.rel .LBB2_1-.Ltmp0, $4  }
0xe: {  	s2 =	sadd.s32 s7, s2;
	s7 =	ssub.s32 s23, s24;
	s9 =	sadd.s32 s8, s9  }
0xf: {  	s23 =	simm.s32 $0x2;
	s24 =	simm.s32 $0x4;
	s5 =	sadd.s32 $0x400, s2  }
0x10: {  	s6 =	smax.u32 s7, $0x1;
	s2 =	sadd.s32 s25, s8;
	s7 =	sadd.s32 $0x63000, s9  }
0x11: {  	s8 =	sadd.s32 s12, s8;
	s25 =	simm.s32 $0x5;
	s9 =	sadd.s32 s31, s2  }
.LBB2_6:
0x12: {  	_ =	swait.ge [sflag:s25], $0x4000  }
0x13: {  	[sflag:s25] =	ssyncset.done $0x0  }
0x14: {  	[sflag:s25] =	ssyncadd.s32 $0xFFFFC000  }
0x15: {  	_ =	swait.ge [sflag:s26], $0x4000  }
0x16: {  	[sflag:s26] =	ssyncset.done $0x0  }
0x17: {  	s30 =	sadd.s32 $0x1, s30;
	[sflag:s26] =	ssyncadd.s32 $0xFFFFC000  }
0x18: {  	p1 =	sne.s32 s30, s6;
	_ =	swait.ge [sflag:s28], $0x4000  }
.Ltmp1:
0x19: {  	[sflag:s28] =	ssyncset.done $0x0;
	(pc) =	sbr.rel @!p1 .LBB2_7-.Ltmp1, $4  }
0x1a: {  	[sflag:s28] =	ssyncadd.s32 $0xFFFFC000  }
0x1b: {  	_ =	swait.ge [sflag:s29], $0x4000  }
0x1c: {  	[sflag:s29] =	ssyncset.done $0x0  }
0x1d: {  	[sflag:s29] =	ssyncadd.s32 $0xFFFFC000  }
.LBB2_1:
.Ltmp2:
0x1e: {  	(pc) =	sbr.rel @p0 .LBB2_3-.Ltmp2, $1  }
0x1f: {  	_ =	sdelay $0x3  }
0x20: {  	s0 =	rddreg [dreg:$0x2]  }
0x21: {  	[tilespmem:s4], [sflag:$0x9] =	stream.linear.gather [hbm4b:s0+s4], $0x400, $0x38;
	[tilespmem:$0x17B00] =	vst v63  }
0x22: {  	_ =	swait.ge [sflag:s10], $0x400  }
0x23: {  	[sflag:s10] =	ssyncset.done $0x0  }
0x24: {  	[sflag:s10] =	ssyncadd.s32 $0xFFFFFC00  }
0x25: {  	s1 =	simm.s32 $0x400;
	s16 =	rddreg [dreg:$0x1]  }
0x26: {  	[tilespmem:s1], [sflag:$0x9] =	stream.linear.gather [hbm4b:s16+s4], $0x200, $0x38;
	[tilespmem:$0x17B00] =	vst v63  }
0x27: {  	_ =	swait.ge [sflag:s10], $0x200  }
0x28: {  	[sflag:s10] =	ssyncset.done $0x0  }
0x29: {  	[sflag:s10] =	ssyncadd.s32 $0xFFFFFE00  }
0x2a: {  	v0 =	vld [tilespmem:$0x0]  }
0x2b: {  	v1 =	vld [tilespmem:$0x400]  }
0x2c: {  	v2 =	vld [tilespmem:$0x480]  }
0x2d: {  	v3 =	vld [tilespmem:$0x500]  }
0x2e: {  	v4 =	vld [tilespmem:$0x580]  }
0x2f: {  	v5 =	vld [tilespmem:$0x10]  }
0x30: {  	v6 =	vld [tilespmem:$0x410]  }
0x31: {  	v7 =	vld [tilespmem:$0x490]  }
0x32: {  	v8 =	vld [tilespmem:$0x510]  }
0x33: {  	v9 =	vld [tilespmem:$0x590]  }
0x34: {  	v10 =	vld [tilespmem:$0x20]  }
0x35: {  	v11 =	vld [tilespmem:$0x420]  }
0x36: {  	v12 =	vld [tilespmem:$0x4A0]  }
0x37: {  	v13 =	vld [tilespmem:$0x520]  }
0x38: {  	v14 =	vld [tilespmem:$0x5A0];
	v1 =	vadd.f32 v1, v0  }
0x39: {  	v15 =	vld [tilespmem:$0x30];
	v2 =	vadd.f32 v2, v0  }
0x3a: {  	v53 =	vld [tilespmem:$0x430];
	v52 =	vadd.f32 v3, v0;
	[tilespmem:$0x600] =	vst v1  }
0x3b: {  	v54 =	vld [tilespmem:$0x4B0];
	v0 =	vadd.f32 v4, v0;
	[tilespmem:$0x680] =	vst v2  }
0x3c: {  	v56 =	vld [tilespmem:$0x530];
	v55 =	vadd.f32 v6, v5;
	[tilespmem:$0x700] =	vst v52  }
0x3d: {  	v58 =	vld [tilespmem:$0x5B0];
	v57 =	vadd.f32 v7, v5;
	[tilespmem:$0x780] =	vst v0  }
0x3e: {  	v60 =	vld [tilespmem:$0x40];
	v59 =	vadd.f32 v8, v5;
	[tilespmem:$0x610] =	vst v55  }
0x3f: {  	v62 =	vld [tilespmem:$0x440];
	v61 =	vadd.f32 v9, v5;
	[tilespmem:$0x690] =	vst v57  }
0x40: {  	v16 =	vld [tilespmem:$0x4C0];
	v63 =	vadd.f32 v11, v10;
	[tilespmem:$0x710] =	vst v59  }
0x41: {  	v18 =	vld [tilespmem:$0x540];
	v17 =	vadd.f32 v12, v10;
	[tilespmem:$0x790] =	vst v61  }
0x42: {  	v20 =	vld [tilespmem:$0x5C0];
	v19 =	vadd.f32 v13, v10;
	[tilespmem:$0x620] =	vst v63  }
0x43: {  	v22 =	vld [tilespmem:$0x50];
	v21 =	vadd.f32 v14, v10;
	[tilespmem:$0x6A0] =	vst v17  }
0x44: {  	v24 =	vld [tilespmem:$0x450];
	v23 =	vadd.f32 v53, v15;
	[tilespmem:$0x720] =	vst v19  }
0x45: {  	v26 =	vld [tilespmem:$0x4D0];
	v25 =	vadd.f32 v54, v15;
	[tilespmem:$0x7A0] =	vst v21  }
0x46: {  	v28 =	vld [tilespmem:$0x550];
	v27 =	vadd.f32 v56, v15;
	[tilespmem:$0x630] =	vst v23  }
0x47: {  	v30 =	vld [tilespmem:$0x5D0];
	v29 =	vadd.f32 v58, v15;
	[tilespmem:$0x6B0] =	vst v25  }
0x48: {  	v32 =	vld [tilespmem:$0x60];
	v31 =	vadd.f32 v62, v60;
	[tilespmem:$0x730] =	vst v27  }
0x49: {  	v34 =	vld [tilespmem:$0x460];
	v33 =	vadd.f32 v16, v60;
	[tilespmem:$0x7B0] =	vst v29  }
0x4a: {  	v36 =	vld [tilespmem:$0x4E0];
	v35 =	vadd.f32 v18, v60;
	[tilespmem:$0x640] =	vst v31  }
0x4b: {  	v38 =	vld [tilespmem:$0x560];
	v37 =	vadd.f32 v20, v60;
	[tilespmem:$0x6C0] =	vst v33  }
0x4c: {  	v40 =	vld [tilespmem:$0x5E0];
	v39 =	vadd.f32 v24, v22;
	[tilespmem:$0x740] =	vst v35  }
0x4d: {  	v42 =	vld [tilespmem:$0x70];
	v41 =	vadd.f32 v26, v22;
	[tilespmem:$0x7C0] =	vst v37  }
0x4e: {  	v44 =	vld [tilespmem:$0x470];
	v43 =	vadd.f32 v28, v22;
	[tilespmem:$0x650] =	vst v39  }
0x4f: {  	v46 =	vld [tilespmem:$0x4F0];
	v45 =	vadd.f32 v30, v22;
	[tilespmem:$0x6D0] =	vst v41  }
0x50: {  	v48 =	vld [tilespmem:$0x570];
	v47 =	vadd.f32 v34, v32;
	[tilespmem:$0x750] =	vst v43  }
0x51: {  	v50 =	vld [tilespmem:$0x5F0];
	v49 =	vadd.f32 v36, v32;
	[tilespmem:$0x7D0] =	vst v45  }
0x52: {  	v51 =	vadd.f32 v38, v32;
	v10 =	vld [tilespmem:$0x80];
	[tilespmem:$0x660] =	vst v47  }
0x53: {  	v53 =	vld [tilespmem:$0x400];
	v54 =	vadd.f32 v44, v42;
	[tilespmem:$0x6E0] =	vst v49  }
0x54: {  	v56 =	vadd.f32 v46, v42;
	[tilespmem:$0x760] =	vst v51;
	v55 =	vld [tilespmem:$0x480]  }
0x55: {  	v58 =	vadd.f32 v48, v42;
	v57 =	vld [tilespmem:$0x500];
	[tilespmem:$0x670] =	vst v54  }
0x56: {  	v52 =	vadd.f32 v40, v32;
	[tilespmem:$0x6F0] =	vst v56  }
0x57: {  	v59 =	vadd.f32 v50, v42;
	[tilespmem:$0x770] =	vst v58  }
0x58: {  	[tilespmem:$0x7E0] =	vst v52;
	v60 =	vadd.f32 v53, v10  }
0x59: {  	[tilespmem:$0x7F0] =	vst v59;
	v61 =	vadd.f32 v55, v10  }
0x5a: {  	[tilespmem:$0x800] =	vst v60;
	v62 =	vadd.f32 v57, v10  }
0x5b: {  	[tilespmem:$0x880] =	vst v61  }
0x5c: {  	[tilespmem:$0x900] =	vst v62  }
0x5d: {  	v0 =	vld [tilespmem:$0x580]  }
0x5e: {  	v1 =	vld [tilespmem:$0x90]  }
0x5f: {  	v3 =	vld [tilespmem:$0x410]  }
0x60: {  	v4 =	vld [tilespmem:$0x490]  }
0x61: {  	v9 =	vld [tilespmem:$0x510]  }
0x62: {  	v11 =	vld [tilespmem:$0x590]  }
0x63: {  	v12 =	vld [tilespmem:$0xA0]  }
0x64: {  	v15 =	vld [tilespmem:$0x420]  }
0x65: {  	v16 =	vld [tilespmem:$0x4A0]  }
0x66: {  	v17 =	vld [tilespmem:$0x520]  }
0x67: {  	v18 =	vld [tilespmem:$0x5A0]  }
0x68: {  	v19 =	vld [tilespmem:$0xB0]  }
0x69: {  	v22 =	vld [tilespmem:$0x430]  }
0x6a: {  	v23 =	vld [tilespmem:$0x4B0]  }
0x6b: {  	v24 =	vld [tilespmem:$0x530]  }
0x6c: {  	v25 =	vld [tilespmem:$0x5B0]  }
0x6d: {  	v26 =	vld [tilespmem:$0xC0]  }
0x6e: {  	v29 =	vld [tilespmem:$0x440]  }
0x6f: {  	v30 =	vld [tilespmem:$0x4C0]  }
0x70: {  	v31 =	vld [tilespmem:$0x540]  }
0x71: {  	v32 =	vld [tilespmem:$0x5C0]  }
0x72: {  	v33 =	vld [tilespmem:$0xD0]  }
0x73: {  	v36 =	vld [tilespmem:$0x450]  }
0x74: {  	v37 =	vld [tilespmem:$0x4D0]  }
0x75: {  	v38 =	vld [tilespmem:$0x550]  }
0x76: {  	v39 =	vld [tilespmem:$0x5D0]  }
0x77: {  	v40 =	vld [tilespmem:$0xE0]  }
0x78: {  	v41 =	vld [tilespmem:$0x460]  }
0x79: {  	v42 =	vld [tilespmem:$0x4E0]  }
0x7a: {  	v43 =	vld [tilespmem:$0x560]  }
0x7b: {  	v44 =	vld [tilespmem:$0x5E0]  }
0x7c: {  	v45 =	vld [tilespmem:$0xF0]  }
0x7d: {  	v46 =	vld [tilespmem:$0x470]  }
0x7e: {  	v47 =	vld [tilespmem:$0x4F0]  }
0x7f: {  	v48 =	vld [tilespmem:$0x570]  }
0x80: {  	v49 =	vld [tilespmem:$0x5F0]  }
0x81: {  	v50 =	vld [tilespmem:$0x100]  }
0x82: {  	v51 =	vld [tilespmem:$0x400]  }
0x83: {  	v52 =	vld [tilespmem:$0x480]  }
0x84: {  	v53 =	vld [tilespmem:$0x500]  }
0x85: {  	v54 =	vld [tilespmem:$0x580]  }
0x86: {  	v55 =	vld [tilespmem:$0x110]  }
0x87: {  	v56 =	vld [tilespmem:$0x410]  }
0x88: {  	v57 =	vld [tilespmem:$0x490]  }
0x89: {  	v58 =	vld [tilespmem:$0x510]  }
0x8a: {  	v59 =	vld [tilespmem:$0x590]  }
0x8b: {  	v27 =	vld [tilespmem:$0x120]  }
0x8c: {  	v60 =	vld [tilespmem:$0x420]  }
0x8d: {  	v61 =	vld [tilespmem:$0x4A0]  }
0x8e: {  	v62 =	vld [tilespmem:$0x520]  }
0x8f: {  	v35 =	vld [tilespmem:$0x5A0]  }
0x90: {  	v7 =	vld [tilespmem:$0x130]  }
0x91: {  	v34 =	vld [tilespmem:$0x430]  }
0x92: {  	v28 =	vld [tilespmem:$0x4B0]  }
0x93: {  	v21 =	vld [tilespmem:$0x530];
	v63 =	vadd.f32 v0, v10;
	v3 =	vadd.f32 v3, v1  }
0x94: {  	v20 =	vld [tilespmem:$0x5B0];
	v4 =	vadd.f32 v4, v1;
	v15 =	vadd.f32 v15, v12  }
0x95: {  	v2 =	vld [tilespmem:$0x140];
	v22 =	vadd.f32 v22, v19;
	v23 =	vadd.f32 v23, v19  }
0x96: {  	v14 =	vld [tilespmem:$0x440];
	v24 =	vadd.f32 v24, v19;
	v25 =	vadd.f32 v25, v19  }
0x97: {  	v13 =	vld [tilespmem:$0x4C0];
	v29 =	vadd.f32 v29, v26;
	v30 =	vadd.f32 v30, v26  }
0x98: {  	v6 =	vld [tilespmem:$0x540];
	v31 =	vadd.f32 v31, v26;
	v32 =	vadd.f32 v32, v26  }
0x99: {  	v5 =	vld [tilespmem:$0x5C0];
	v36 =	vadd.f32 v36, v33;
	v37 =	vadd.f32 v37, v33  }
0x9a: {  	v8 =	vld [tilespmem:$0x450];
	v38 =	vadd.f32 v38, v33;
	v39 =	vadd.f32 v39, v33  }
0x9b: {  	v0 =	vld [tilespmem:$0x150];
	v41 =	vadd.f32 v41, v40;
	v42 =	vadd.f32 v42, v40;
	[tilespmem:$0x980] =	vst v63  }
0x9c: {  	v10 =	vld [tilespmem:$0x550];
	v43 =	vadd.f32 v43, v40;
	v44 =	vadd.f32 v44, v40;
	[tilespmem:$0x810] =	vst v3  }
0x9d: {  	v46 =	vadd.f32 v46, v45;
	v47 =	vadd.f32 v47, v45;
	v19 =	vld [tilespmem:$0x1A0];
	[tilespmem:$0x890] =	vst v4  }
0x9e: {  	v48 =	vadd.f32 v48, v45;
	v40 =	vld [tilespmem:$0x420];
	v49 =	vadd.f32 v49, v45;
	[tilespmem:$0x820] =	vst v15  }
0x9f: {  	v51 =	vadd.f32 v51, v50;
	v52 =	vadd.f32 v52, v50;
	v26 =	vld [tilespmem:$0x1B0];
	[tilespmem:$0x830] =	vst v22  }
0xa0: {  	v53 =	vadd.f32 v53, v50;
	v54 =	vadd.f32 v54, v50;
	v45 =	vld [tilespmem:$0x430];
	[tilespmem:$0x8B0] =	vst v23  }
0xa1: {  	v56 =	vadd.f32 v56, v55;
	v57 =	vadd.f32 v57, v55;
	v33 =	vld [tilespmem:$0x1C0];
	[tilespmem:$0x930] =	vst v24  }
0xa2: {  	v58 =	vadd.f32 v58, v55;
	v59 =	vadd.f32 v59, v55;
	v50 =	vld [tilespmem:$0x440];
	[tilespmem:$0x9B0] =	vst v25  }
0xa3: {  	v34 =	vadd.f32 v34, v7;
	v55 =	vadd.f32 v28, v7;
	v28 =	vld [tilespmem:$0x450];
	[tilespmem:$0x840] =	vst v29  }
0xa4: {  	v21 =	vadd.f32 v21, v7;
	v7 =	vadd.f32 v20, v7;
	v20 =	vld [tilespmem:$0x550];
	[tilespmem:$0x8C0] =	vst v30  }
0xa5: {  	v63 =	vadd.f32 v9, v1;
	v9 =	vld [tilespmem:$0x4D0];
	[tilespmem:$0x940] =	vst v31  }
0xa6: {  	v1 =	vadd.f32 v11, v1;
	v11 =	vld [tilespmem:$0x5D0];
	[tilespmem:$0x9C0] =	vst v32  }
0xa7: {  	v15 =	vld [tilespmem:$0x460];
	[tilespmem:$0x850] =	vst v36  }
0xa8: {  	v4 =	vadd.f32 v16, v12;
	v16 =	vld [tilespmem:$0x4E0];
	[tilespmem:$0x8D0] =	vst v37  }
0xa9: {  	v3 =	vld [tilespmem:$0x170];
	[tilespmem:$0x950] =	vst v38  }
0xaa: {  	v22 =	vld [tilespmem:$0x470];
	[tilespmem:$0x9D0] =	vst v39  }
0xab: {  	v23 =	vld [tilespmem:$0x4F0];
	[tilespmem:$0x860] =	vst v41  }
0xac: {  	v24 =	vld [tilespmem:$0x570];
	[tilespmem:$0x8E0] =	vst v42  }
0xad: {  	v25 =	vld [tilespmem:$0x5F0];
	[tilespmem:$0x960] =	vst v43  }
0xae: {  	v29 =	vld [tilespmem:$0x400];
	[tilespmem:$0x9E0] =	vst v44  }
0xaf: {  	v30 =	vld [tilespmem:$0x480];
	[tilespmem:$0x870] =	vst v46  }
0xb0: {  	v31 =	vld [tilespmem:$0x500];
	[tilespmem:$0x8F0] =	vst v47  }
0xb1: {  	v32 =	vld [tilespmem:$0x580];
	[tilespmem:$0x970] =	vst v48  }
0xb2: {  	v36 =	vld [tilespmem:$0x410];
	[tilespmem:$0x9F0] =	vst v49  }
0xb3: {  	v37 =	vld [tilespmem:$0x490];
	[tilespmem:$0xA00] =	vst v51  }
0xb4: {  	v38 =	vld [tilespmem:$0x510];
	[tilespmem:$0xA80] =	vst v52  }
0xb5: {  	v39 =	vld [tilespmem:$0x590];
	[tilespmem:$0xB00] =	vst v53  }
0xb6: {  	v41 =	vld [tilespmem:$0x4A0];
	[tilespmem:$0xB80] =	vst v54  }
0xb7: {  	v42 =	vld [tilespmem:$0x520];
	[tilespmem:$0xA10] =	vst v56  }
0xb8: {  	v43 =	vld [tilespmem:$0x5A0];
	[tilespmem:$0xA90] =	vst v57  }
0xb9: {  	v60 =	vadd.f32 v60, v27;
	v46 =	vld [tilespmem:$0x4B0];
	[tilespmem:$0xB10] =	vst v58  }
0xba: {  	v61 =	vadd.f32 v61, v27;
	v47 =	vld [tilespmem:$0x530];
	[tilespmem:$0xB90] =	vst v59  }
0xbb: {  	v48 =	vld [tilespmem:$0x5B0];
	[tilespmem:$0xA20] =	vst v60  }
0xbc: {  	v51 =	vld [tilespmem:$0x4C0];
	[tilespmem:$0xAA0] =	vst v61  }
0xbd: {  	v52 =	vld [tilespmem:$0x540];
	[tilespmem:$0xA30] =	vst v34  }
0xbe: {  	v44 =	vld [tilespmem:$0x1D0];
	[tilespmem:$0xAB0] =	vst v55  }
0xbf: {  	v14 =	vadd.f32 v14, v2;
	v34 =	vld [tilespmem:$0x4D0];
	[tilespmem:$0xB30] =	vst v21  }
0xc0: {  	v6 =	vadd.f32 v6, v2;
	v21 =	vld [tilespmem:$0x5D0];
	[tilespmem:$0xBB0] =	vst v7  }
0xc1: {  	v56 =	vadd.f32 v13, v2;
	v13 =	vld [tilespmem:$0x1E0];
	[tilespmem:$0xA40] =	vst v14  }
0xc2: {  	v14 =	vld [tilespmem:$0x460];
	[tilespmem:$0xB40] =	vst v6  }
0xc3: {  	v2 =	vadd.f32 v5, v2;
	v5 =	vld [tilespmem:$0x4E0];
	[tilespmem:$0x910] =	vst v63  }
0xc4: {  	v7 =	vld [tilespmem:$0x560];
	[tilespmem:$0x990] =	vst v1  }
0xc5: {  	v6 =	vld [tilespmem:$0x560];
	[tilespmem:$0x8A0] =	vst v4  }
0xc6: {  	v1 =	vld [tilespmem:$0x160];
	v63 =	vadd.f32 v17, v12;
	[tilespmem:$0xAC0] =	vst v56  }
0xc7: {  	v12 =	vadd.f32 v18, v12;
	v17 =	vld [tilespmem:$0x560];
	[tilespmem:$0xBC0] =	vst v2  }
0xc8: {  	v18 =	vld [tilespmem:$0x5E0];
	v57 =	vadd.f32 v8, v0;
	[tilespmem:$0x920] =	vst v63  }
0xc9: {  	v4 =	vld [tilespmem:$0x180];
	v59 =	vadd.f32 v10, v0;
	[tilespmem:$0x9A0] =	vst v12  }
0xca: {  	v2 =	vld [tilespmem:$0x470];
	v40 =	vadd.f32 v40, v19;
	[tilespmem:$0xA50] =	vst v57  }
0xcb: {  	v8 =	vld [tilespmem:$0x5E0];
	v45 =	vadd.f32 v45, v26;
	[tilespmem:$0xB50] =	vst v59  }
0xcc: {  	v10 =	vld [tilespmem:$0x4F0];
	v53 =	vadd.f32 v50, v33;
	[tilespmem:$0xC20] =	vst v40  }
0xcd: {  	v12 =	vld [tilespmem:$0x190];
	v63 =	vadd.f32 v62, v27;
	v27 =	vadd.f32 v35, v27;
	[tilespmem:$0xC30] =	vst v45  }
0xce: {  	v35 =	vld [tilespmem:$0x5C0];
	v58 =	vadd.f32 v9, v0;
	v0 =	vadd.f32 v11, v0;
	[tilespmem:$0xC40] =	vst v53  }
0xcf: {  	v9 =	vld [tilespmem:$0x1F0];
	v22 =	vadd.f32 v22, v3;
	v23 =	vadd.f32 v23, v3;
	[tilespmem:$0xB20] =	vst v63  }
0xd0: {  	v11 =	vld [tilespmem:$0x570];
	v41 =	vadd.f32 v41, v19;
	v42 =	vadd.f32 v42, v19;
	[tilespmem:$0xBA0] =	vst v27  }
0xd1: {  	v43 =	vadd.f32 v43, v19;
	v19 =	vld [tilespmem:$0x430];
	v46 =	vadd.f32 v46, v26;
	[tilespmem:$0xAD0] =	vst v58  }
0xd2: {  	v47 =	vadd.f32 v47, v26;
	v49 =	vadd.f32 v48, v26;
	v26 =	vld [tilespmem:$0x240];
	[tilespmem:$0xBD0] =	vst v0  }
0xd3: {  	v24 =	vadd.f32 v24, v3;
	v40 =	vld [tilespmem:$0x4C0];
	[tilespmem:$0xA70] =	vst v22  }
0xd4: {  	v57 =	vadd.f32 v28, v44;
	v28 =	vld [tilespmem:$0x250];
	[tilespmem:$0xAF0] =	vst v23  }
0xd5: {  	v59 =	vadd.f32 v20, v44;
	v20 =	vld [tilespmem:$0x4D0];
	[tilespmem:$0xB70] =	vst v24  }
0xd6: {  	v27 =	vadd.f32 v25, v3;
	v3 =	vld [tilespmem:$0x580];
	[tilespmem:$0xCA0] =	vst v41  }
0xd7: {  	v25 =	vld [tilespmem:$0x590];
	[tilespmem:$0xD20] =	vst v42  }
0xd8: {  	v60 =	vadd.f32 v15, v1;
	v61 =	vadd.f32 v16, v1;
	v15 =	vld [tilespmem:$0x5F0];
	[tilespmem:$0xDA0] =	vst v43  }
0xd9: {  	v62 =	vadd.f32 v17, v1;
	v63 =	vadd.f32 v18, v1;
	v1 =	vld [tilespmem:$0x200];
	[tilespmem:$0xCB0] =	vst v46  }
0xda: {  	v54 =	vadd.f32 v51, v33;
	v16 =	vld [tilespmem:$0x400];
	[tilespmem:$0xD30] =	vst v47  }
0xdb: {  	v55 =	vadd.f32 v52, v33;
	v17 =	vld [tilespmem:$0x480];
	[tilespmem:$0xDB0] =	vst v49  }
0xdc: {  	v18 =	vld [tilespmem:$0x500];
	[tilespmem:$0xCC0] =	vst v54  }
0xdd: {  	v22 =	vld [tilespmem:$0x210];
	[tilespmem:$0xD40] =	vst v55  }
0xde: {  	v23 =	vld [tilespmem:$0x410];
	[tilespmem:$0xC50] =	vst v57  }
0xdf: {  	v29 =	vadd.f32 v29, v4;
	v30 =	vadd.f32 v30, v4;
	v24 =	vld [tilespmem:$0x490];
	[tilespmem:$0xD50] =	vst v59  }
0xe0: {  	v31 =	vadd.f32 v31, v4;
	v32 =	vadd.f32 v32, v4;
	v4 =	vld [tilespmem:$0x510];
	[tilespmem:$0xBF0] =	vst v27  }
0xe1: {  	v41 =	vld [tilespmem:$0x540];
	[tilespmem:$0xA60] =	vst v60  }
0xe2: {  	v58 =	vadd.f32 v34, v44;
	v34 =	vld [tilespmem:$0x450];
	[tilespmem:$0xAE0] =	vst v61  }
0xe3: {  	v27 =	vld [tilespmem:$0x220];
	[tilespmem:$0xB60] =	vst v62  }
0xe4: {  	[tilespmem:$0xC00] =	vst v29;
	v36 =	vadd.f32 v36, v12;
	v37 =	vadd.f32 v37, v12;
	v29 =	vld [tilespmem:$0x420]  }
0xe5: {  	[tilespmem:$0xBE0] =	vst v63;
	v38 =	vadd.f32 v38, v12;
	v39 =	vadd.f32 v39, v12;
	v12 =	vld [tilespmem:$0x4A0]  }
0xe6: {  	[tilespmem:$0xC80] =	vst v30;
	v30 =	vld [tilespmem:$0x520]  }
0xe7: {  	[tilespmem:$0xD00] =	vst v31;
	v31 =	vld [tilespmem:$0x5A0]  }
0xe8: {  	[tilespmem:$0xD80] =	vst v32;
	v32 =	vld [tilespmem:$0x230]  }
0xe9: {  	v56 =	vadd.f32 v35, v33;
	v33 =	vld [tilespmem:$0x5C0];
	[tilespmem:$0xCD0] =	vst v58  }
0xea: {  	v60 =	vadd.f32 v21, v44;
	v21 =	vld [tilespmem:$0x550];
	[tilespmem:$0xC10] =	vst v36  }
0xeb: {  	v61 =	vadd.f32 v14, v13;
	v14 =	vld [tilespmem:$0x5D0];
	[tilespmem:$0xC90] =	vst v37  }
0xec: {  	v62 =	vadd.f32 v5, v13;
	v5 =	vld [tilespmem:$0x260];
	[tilespmem:$0xD10] =	vst v38  }
0xed: {  	v63 =	vadd.f32 v7, v13;
	v7 =	vld [tilespmem:$0x460];
	[tilespmem:$0xD90] =	vst v39  }
0xee: {  	v13 =	vadd.f32 v8, v13;
	v8 =	vld [tilespmem:$0x4E0];
	[tilespmem:$0xDC0] =	vst v56  }
0xef: {  	v35 =	vadd.f32 v10, v9;
	v10 =	vld [tilespmem:$0x5E0];
	[tilespmem:$0xDD0] =	vst v60  }
0xf0: {  	v42 =	vadd.f32 v11, v9;
	v11 =	vld [tilespmem:$0x270];
	[tilespmem:$0xC60] =	vst v61  }
0xf1: {  	v36 =	vld [tilespmem:$0x4B0];
	[tilespmem:$0xCE0] =	vst v62  }
0xf2: {  	v2 =	vadd.f32 v2, v9;
	v37 =	vld [tilespmem:$0x530];
	[tilespmem:$0xD60] =	vst v63  }
0xf3: {  	v38 =	vld [tilespmem:$0x5B0];
	[tilespmem:$0xDE0] =	vst v13  }
0xf4: {  	v39 =	vld [tilespmem:$0x440];
	[tilespmem:$0xC70] =	vst v2  }
0xf5: {  	v13 =	vld [tilespmem:$0x4F0];
	v61 =	vadd.f32 v40, v26;
	[tilespmem:$0xCF0] =	vst v35  }
0xf6: {  	v43 =	vadd.f32 v15, v9;
	v9 =	vld [tilespmem:$0x470];
	[tilespmem:$0xD70] =	vst v42  }
0xf7: {  	v44 =	vadd.f32 v16, v1;
	v15 =	vld [tilespmem:$0x570];
	[tilespmem:$0xEC0] =	vst v61  }
0xf8: {  	v45 =	vadd.f32 v17, v1;
	v16 =	vld [tilespmem:$0x5F0];
	[tilespmem:$0xDF0] =	vst v43  }
0xf9: {  	v46 =	vadd.f32 v18, v1;
	v47 =	vadd.f32 v3, v1;
	v1 =	vld [tilespmem:$0x280];
	[tilespmem:$0xE00] =	vst v44  }
0xfa: {  	v3 =	vld [tilespmem:$0x400];
	[tilespmem:$0xE80] =	vst v45  }
0xfb: {  	v48 =	vadd.f32 v23, v22;
	v17 =	vld [tilespmem:$0x480];
	[tilespmem:$0xF00] =	vst v46  }
0xfc: {  	v49 =	vadd.f32 v24, v22;
	v50 =	vadd.f32 v4, v22;
	v4 =	vld [tilespmem:$0x500];
	[tilespmem:$0xF80] =	vst v47  }
0xfd: {  	v18 =	vld [tilespmem:$0x580];
	[tilespmem:$0xE10] =	vst v48  }
0xfe: {  	v51 =	vadd.f32 v25, v22;
	v22 =	vld [tilespmem:$0x290];
	[tilespmem:$0xE90] =	vst v49  }
0xff: {  	v23 =	vld [tilespmem:$0x490];
	v62 =	vadd.f32 v41, v26;
	[tilespmem:$0xF10] =	vst v50  }
0x100: {  	v24 =	vld [tilespmem:$0x510];
	v52 =	vadd.f32 v29, v27;
	[tilespmem:$0xF90] =	vst v51  }
0x101: {  	v25 =	vld [tilespmem:$0x2A0];
	v53 =	vadd.f32 v12, v27;
	[tilespmem:$0xF40] =	vst v62  }
0x102: {  	v61 =	vld [tilespmem:$0x560];
	v54 =	vadd.f32 v30, v27;
	[tilespmem:$0xE20] =	vst v52  }
0x103: {  	v12 =	vld [tilespmem:$0x410];
	v55 =	vadd.f32 v31, v27;
	[tilespmem:$0xEA0] =	vst v53  }
0x104: {  	v56 =	vadd.f32 v19, v32;
	v19 =	vld [tilespmem:$0x590];
	[tilespmem:$0xF20] =	vst v54  }
0x105: {  	v27 =	vld [tilespmem:$0x420];
	v63 =	vadd.f32 v33, v26;
	[tilespmem:$0xFA0] =	vst v55  }
0x106: {  	v29 =	vld [tilespmem:$0x4A0];
	v40 =	vadd.f32 v21, v28;
	[tilespmem:$0xE30] =	vst v56  }
0x107: {  	v30 =	vld [tilespmem:$0x520];
	v41 =	vadd.f32 v14, v28;
	[tilespmem:$0xFC0] =	vst v63  }
0x108: {  	v31 =	vld [tilespmem:$0x5A0];
	v42 =	vadd.f32 v7, v5;
	[tilespmem:$0xF50] =	vst v40  }
0x109: {  	v21 =	vld [tilespmem:$0x5B0];
	v43 =	vadd.f32 v8, v5;
	[tilespmem:$0xFD0] =	vst v41  }
0x10a: {  	v14 =	vld [tilespmem:$0x2C0];
	v45 =	vadd.f32 v6, v5;
	[tilespmem:$0xE60] =	vst v42  }
0x10b: {  	v7 =	vld [tilespmem:$0x440];
	v47 =	vadd.f32 v10, v5;
	[tilespmem:$0xEE0] =	vst v43  }
0x10c: {  	v44 =	vld [tilespmem:$0x4C0];
	v57 =	vadd.f32 v36, v32;
	[tilespmem:$0xF60] =	vst v45  }
0x10d: {  	v46 =	vld [tilespmem:$0x540];
	v58 =	vadd.f32 v37, v32;
	[tilespmem:$0xFE0] =	vst v47  }
0x10e: {  	v50 =	vld [tilespmem:$0x450];
	v59 =	vadd.f32 v38, v32;
	[tilespmem:$0xEB0] =	vst v57  }
0x10f: {  	v33 =	vld [tilespmem:$0x340];
	v60 =	vadd.f32 v39, v26;
	[tilespmem:$0xF30] =	vst v58  }
0x110: {  	v5 =	vld [tilespmem:$0x5C0];
	v36 =	vadd.f32 v34, v28;
	[tilespmem:$0xFB0] =	vst v59  }
0x111: {  	v32 =	vld [tilespmem:$0x2B0];
	v38 =	vadd.f32 v20, v28;
	[tilespmem:$0xE40] =	vst v60  }
0x112: {  	v26 =	vld [tilespmem:$0x430];
	v49 =	vadd.f32 v13, v11;
	[tilespmem:$0xE50] =	vst v36  }
0x113: {  	v37 =	vld [tilespmem:$0x4B0];
	v48 =	vadd.f32 v9, v11;
	[tilespmem:$0xED0] =	vst v38  }
0x114: {  	v39 =	vld [tilespmem:$0x530];
	v51 =	vadd.f32 v15, v11;
	[tilespmem:$0xEF0] =	vst v49  }
0x115: {  	v13 =	vld [tilespmem:$0x4D0];
	v52 =	vadd.f32 v16, v11;
	[tilespmem:$0xE70] =	vst v48  }
0x116: {  	v53 =	vld [tilespmem:$0x550];
	v54 =	vadd.f32 v3, v1;
	[tilespmem:$0xF70] =	vst v51  }
0x117: {  	v63 =	vld [tilespmem:$0x5E0];
	v55 =	vadd.f32 v17, v1;
	[tilespmem:$0xFF0] =	vst v52  }
0x118: {  	v28 =	vld [tilespmem:$0x4F0];
	v56 =	vadd.f32 v4, v1;
	[tilespmem:$0x1000] =	vst v54  }
0x119: {  	v40 =	vld [tilespmem:$0x500];
	v62 =	vadd.f32 v23, v22;
	[tilespmem:$0x1080] =	vst v55  }
0x11a: {  	v42 =	vld [tilespmem:$0x580];
	v23 =	vadd.f32 v24, v22;
	[tilespmem:$0x1100] =	vst v56  }
0x11b: {  	v45 =	vld [tilespmem:$0x410];
	v58 =	vadd.f32 v18, v1;
	[tilespmem:$0x1090] =	vst v62  }
0x11c: {  	v20 =	vld [tilespmem:$0x3C0];
	v60 =	vadd.f32 v12, v22;
	[tilespmem:$0x1110] =	vst v23  }
0x11d: {  	v9 =	vld [tilespmem:$0x2D0];
	v24 =	vadd.f32 v19, v22;
	[tilespmem:$0x1180] =	vst v58  }
0x11e: {  	v3 =	vld [tilespmem:$0x5D0];
	v27 =	vadd.f32 v27, v25;
	[tilespmem:$0x1010] =	vst v60  }
0x11f: {  	v15 =	vld [tilespmem:$0x2E0];
	v29 =	vadd.f32 v29, v25;
	[tilespmem:$0x1190] =	vst v24  }
0x120: {  	v17 =	vld [tilespmem:$0x2F0];
	v30 =	vadd.f32 v30, v25;
	[tilespmem:$0x1020] =	vst v27  }
0x121: {  	v47 =	vld [tilespmem:$0x490];
	v34 =	vadd.f32 v31, v25;
	[tilespmem:$0x10A0] =	vst v29  }
0x122: {  	v57 =	vld [tilespmem:$0x460];
	v43 =	vadd.f32 v7, v14;
	[tilespmem:$0x1120] =	vst v30  }
0x123: {  	v59 =	vld [tilespmem:$0x4E0];
	v44 =	vadd.f32 v44, v14;
	[tilespmem:$0x11A0] =	vst v34  }
0x124: {  	v18 =	vld [tilespmem:$0x470];
	v46 =	vadd.f32 v46, v14;
	[tilespmem:$0x1040] =	vst v43  }
0x125: {  	v36 =	vld [tilespmem:$0x400];
	v48 =	vadd.f32 v5, v14;
	[tilespmem:$0x10C0] =	vst v44  }
0x126: {  	v38 =	vld [tilespmem:$0x480];
	v35 =	vadd.f32 v26, v32;
	[tilespmem:$0x1140] =	vst v46  }
0x127: {  	v49 =	vld [tilespmem:$0x510];
	v37 =	vadd.f32 v37, v32;
	[tilespmem:$0x11C0] =	vst v48  }
0x128: {  	v22 =	vld [tilespmem:$0x570];
	v39 =	vadd.f32 v39, v32;
	[tilespmem:$0x1030] =	vst v35  }
0x129: {  	v23 =	vld [tilespmem:$0x5F0];
	v41 =	vadd.f32 v21, v32;
	[tilespmem:$0x10B0] =	vst v37  }
0x12a: {  	v7 =	vld [tilespmem:$0x310];
	v50 =	vadd.f32 v50, v9;
	[tilespmem:$0x1130] =	vst v39  }
0x12b: {  	v51 =	vld [tilespmem:$0x590];
	v52 =	vadd.f32 v13, v9;
	[tilespmem:$0x11B0] =	vst v41  }
0x12c: {  	v54 =	vld [tilespmem:$0x420];
	v53 =	vadd.f32 v53, v9;
	[tilespmem:$0x1050] =	vst v50  }
0x12d: {  	v56 =	vld [tilespmem:$0x4A0];
	v55 =	vadd.f32 v3, v9;
	[tilespmem:$0x10D0] =	vst v52  }
0x12e: {  	v31 =	vld [tilespmem:$0x5B0];
	v61 =	vadd.f32 v61, v15;
	[tilespmem:$0x1150] =	vst v53  }
0x12f: {  	v58 =	vld [tilespmem:$0x520];
	v62 =	vadd.f32 v63, v15;
	[tilespmem:$0x11D0] =	vst v55  }
0x130: {  	v24 =	vld [tilespmem:$0x300];
	v28 =	vadd.f32 v28, v17;
	[tilespmem:$0x1160] =	vst v61  }
0x131: {  	v60 =	vld [tilespmem:$0x5A0];
	v57 =	vadd.f32 v57, v15;
	[tilespmem:$0x11E0] =	vst v62  }
0x132: {  	v27 =	vld [tilespmem:$0x4B0];
	v59 =	vadd.f32 v59, v15;
	[tilespmem:$0x10F0] =	vst v28  }
0x133: {  	v29 =	vld [tilespmem:$0x530];
	v18 =	vadd.f32 v18, v17;
	[tilespmem:$0x1060] =	vst v57  }
0x134: {  	v43 =	vld [tilespmem:$0x350];
	v30 =	vadd.f32 v22, v17;
	[tilespmem:$0x10E0] =	vst v59  }
0x135: {  	v26 =	vld [tilespmem:$0x570];
	v32 =	vadd.f32 v23, v17;
	[tilespmem:$0x1070] =	vst v18  }
0x136: {  	v13 =	vld [tilespmem:$0x320];
	v44 =	vadd.f32 v47, v7;
	[tilespmem:$0x1170] =	vst v30  }
0x137: {  	v9 =	vld [tilespmem:$0x330];
	v46 =	vadd.f32 v49, v7;
	[tilespmem:$0x11F0] =	vst v32  }
0x138: {  	v63 =	vld [tilespmem:$0x430];
	v48 =	vadd.f32 v51, v7;
	[tilespmem:$0x1290] =	vst v44  }
0x139: {  	v35 =	vld [tilespmem:$0x440];
	v34 =	vadd.f32 v36, v24;
	[tilespmem:$0x1310] =	vst v46  }
0x13a: {  	v37 =	vld [tilespmem:$0x4C0];
	v36 =	vadd.f32 v38, v24;
	[tilespmem:$0x1390] =	vst v48  }
0x13b: {  	v39 =	vld [tilespmem:$0x540];
	v38 =	vadd.f32 v40, v24;
	[tilespmem:$0x1200] =	vst v34  }
0x13c: {  	v41 =	vld [tilespmem:$0x5C0];
	v40 =	vadd.f32 v42, v24;
	[tilespmem:$0x1280] =	vst v36  }
0x13d: {  	v47 =	vld [tilespmem:$0x4D0];
	v42 =	vadd.f32 v45, v7;
	[tilespmem:$0x1300] =	vst v38  }
0x13e: {  	v49 =	vld [tilespmem:$0x550];
	v50 =	vadd.f32 v54, v13;
	[tilespmem:$0x1380] =	vst v40  }
0x13f: {  	v51 =	vld [tilespmem:$0x5D0];
	v52 =	vadd.f32 v56, v13;
	[tilespmem:$0x1210] =	vst v42  }
0x140: {  	v53 =	vld [tilespmem:$0x360];
	v54 =	vadd.f32 v58, v13;
	[tilespmem:$0x1220] =	vst v50  }
0x141: {  	v55 =	vld [tilespmem:$0x460];
	v56 =	vadd.f32 v60, v13;
	[tilespmem:$0x12A0] =	vst v52  }
0x142: {  	v61 =	vld [tilespmem:$0x5E0];
	v58 =	vadd.f32 v63, v9;
	[tilespmem:$0x1320] =	vst v54  }
0x143: {  	v22 =	vld [tilespmem:$0x470];
	v60 =	vadd.f32 v27, v9;
	[tilespmem:$0x13A0] =	vst v56  }
0x144: {  	v28 =	vld [tilespmem:$0x5F0];
	v62 =	vadd.f32 v29, v9;
	[tilespmem:$0x1230] =	vst v58  }
0x145: {  	v57 =	vld [tilespmem:$0x4E0];
	v16 =	vadd.f32 v31, v9;
	[tilespmem:$0x12B0] =	vst v60  }
0x146: {  	v59 =	vld [tilespmem:$0x560];
	v23 =	vadd.f32 v35, v33;
	[tilespmem:$0x1330] =	vst v62  }
0x147: {  	v18 =	vld [tilespmem:$0x5B0];
	v25 =	vadd.f32 v37, v33;
	[tilespmem:$0x13B0] =	vst v16  }
0x148: {  	v45 =	vld [tilespmem:$0x450];
	v27 =	vadd.f32 v39, v33;
	[tilespmem:$0x1240] =	vst v23  }
0x149: {  	v24 =	vld [tilespmem:$0x4F0];
	v29 =	vadd.f32 v41, v33;
	[tilespmem:$0x12C0] =	vst v25  }
0x14a: {  	v30 =	vld [tilespmem:$0x380];
	v33 =	vadd.f32 v47, v43;
	[tilespmem:$0x1340] =	vst v27  }
0x14b: {  	v32 =	vld [tilespmem:$0x400];
	v35 =	vadd.f32 v49, v43;
	[tilespmem:$0x13C0] =	vst v29  }
0x14c: {  	v44 =	vld [tilespmem:$0x490];
	v37 =	vadd.f32 v51, v43;
	[tilespmem:$0x12D0] =	vst v33  }
0x14d: {  	v46 =	vld [tilespmem:$0x510];
	v39 =	vadd.f32 v55, v53;
	[tilespmem:$0x1350] =	vst v35  }
0x14e: {  	v63 =	vld [tilespmem:$0x370];
	v41 =	vadd.f32 v57, v53;
	[tilespmem:$0x13D0] =	vst v37  }
0x14f: {  	v48 =	vld [tilespmem:$0x590];
	v31 =	vadd.f32 v45, v43;
	[tilespmem:$0x1260] =	vst v39  }
0x150: {  	v34 =	vld [tilespmem:$0x480];
	v43 =	vadd.f32 v59, v53;
	[tilespmem:$0x12E0] =	vst v41  }
0x151: {  	v36 =	vld [tilespmem:$0x500];
	v45 =	vadd.f32 v61, v53;
	[tilespmem:$0x1250] =	vst v31  }
0x152: {  	v38 =	vld [tilespmem:$0x580];
	v55 =	vadd.f32 v32, v30;
	[tilespmem:$0x1360] =	vst v43  }
0x153: {  	v40 =	vld [tilespmem:$0x390];
	v47 =	vadd.f32 v22, v63;
	[tilespmem:$0x13E0] =	vst v45  }
0x154: {  	v42 =	vld [tilespmem:$0x410];
	v49 =	vadd.f32 v24, v63;
	[tilespmem:$0x1400] =	vst v55  }
0x155: {  	v50 =	vld [tilespmem:$0x3A0];
	v51 =	vadd.f32 v26, v63;
	[tilespmem:$0x1270] =	vst v47  }
0x156: {  	v52 =	vld [tilespmem:$0x420];
	v53 =	vadd.f32 v28, v63;
	[tilespmem:$0x12F0] =	vst v49  }
0x157: {  	v54 =	vld [tilespmem:$0x4A0];
	v57 =	vadd.f32 v34, v30;
	[tilespmem:$0x1370] =	vst v51  }
0x158: {  	v56 =	vld [tilespmem:$0x520];
	v59 =	vadd.f32 v36, v30;
	[tilespmem:$0x13F0] =	vst v53  }
0x159: {  	v58 =	vld [tilespmem:$0x5A0];
	v61 =	vadd.f32 v38, v30;
	[tilespmem:$0x1480] =	vst v57  }
0x15a: {  	v60 =	vld [tilespmem:$0x3B0];
	v1 =	vadd.f32 v42, v40;
	[tilespmem:$0x1500] =	vst v59  }
0x15b: {  	v62 =	vld [tilespmem:$0x430];
	v15 =	vadd.f32 v44, v40;
	[tilespmem:$0x1580] =	vst v61  }
0x15c: {  	v16 =	vld [tilespmem:$0x530];
	v17 =	vadd.f32 v46, v40;
	[tilespmem:$0x1410] =	vst v1  }
0x15d: {  	v32 =	vld [tilespmem:$0x450];
	v19 =	vadd.f32 v48, v40;
	[tilespmem:$0x1490] =	vst v15  }
0x15e: {  	v63 =	vld [tilespmem:$0x4B0];
	v21 =	vadd.f32 v52, v50;
	[tilespmem:$0x1510] =	vst v17  }
0x15f: {  	v22 =	vld [tilespmem:$0x440];
	v23 =	vadd.f32 v54, v50;
	[tilespmem:$0x1590] =	vst v19  }
0x160: {  	v24 =	vld [tilespmem:$0x4C0];
	v25 =	vadd.f32 v56, v50;
	[tilespmem:$0x1420] =	vst v21  }
0x161: {  	v26 =	vld [tilespmem:$0x540];
	v27 =	vadd.f32 v58, v50;
	[tilespmem:$0x14A0] =	vst v23  }
0x162: {  	v28 =	vld [tilespmem:$0x5C0];
	v29 =	vadd.f32 v62, v60;
	[tilespmem:$0x1520] =	vst v25  }
0x163: {  	v30 =	vld [tilespmem:$0x3D0];
	v33 =	vadd.f32 v16, v60;
	[tilespmem:$0x15A0] =	vst v27  }
0x164: {  	v34 =	vld [tilespmem:$0x4D0];
	v35 =	vadd.f32 v18, v60;
	[tilespmem:$0x1430] =	vst v29  }
0x165: {  	v36 =	vld [tilespmem:$0x550];
	[tilespmem:$0x1530] =	vst v33;
	v31 =	vadd.f32 v63, v60  }
0x166: {  	v38 =	vld [tilespmem:$0x5D0];
	[tilespmem:$0x15B0] =	vst v35;
	v37 =	vadd.f32 v22, v20  }
0x167: {  	v40 =	vld [tilespmem:$0x3E0];
	v39 =	vadd.f32 v24, v20;
	[tilespmem:$0x14B0] =	vst v31  }
0x168: {  	v42 =	vld [tilespmem:$0x460];
	v41 =	vadd.f32 v26, v20;
	[tilespmem:$0x1440] =	vst v37  }
0x169: {  	v44 =	vld [tilespmem:$0x4E0];
	v43 =	vadd.f32 v28, v20;
	[tilespmem:$0x14C0] =	vst v39  }
0x16a: {  	v46 =	vld [tilespmem:$0x560];
	v45 =	vadd.f32 v32, v30;
	[tilespmem:$0x1540] =	vst v41  }
0x16b: {  	v48 =	vld [tilespmem:$0x5E0];
	v47 =	vadd.f32 v34, v30;
	[tilespmem:$0x15C0] =	vst v43  }
0x16c: {  	v50 =	vld [tilespmem:$0x3F0];
	v49 =	vadd.f32 v36, v30;
	[tilespmem:$0x1450] =	vst v45  }
0x16d: {  	v52 =	vld [tilespmem:$0x470];
	v51 =	vadd.f32 v38, v30;
	[tilespmem:$0x14D0] =	vst v47  }
0x16e: {  	v54 =	vld [tilespmem:$0x4F0];
	v53 =	vadd.f32 v42, v40;
	[tilespmem:$0x1550] =	vst v49  }
0x16f: {  	v56 =	vld [tilespmem:$0x570];
	v55 =	vadd.f32 v44, v40;
	[tilespmem:$0x15D0] =	vst v51  }
0x170: {  	v58 =	vld [tilespmem:$0x5F0];
	v57 =	vadd.f32 v46, v40;
	[tilespmem:$0x1460] =	vst v53  }
0x171: {  	v59 =	vadd.f32 v48, v40;
	[tilespmem:$0x14E0] =	vst v55  }
0x172: {  	v60 =	vadd.f32 v52, v50;
	[tilespmem:$0x1560] =	vst v57  }
0x173: {  	v61 =	vadd.f32 v54, v50;
	[tilespmem:$0x15E0] =	vst v59  }
0x174: {  	v62 =	vadd.f32 v56, v50;
	[tilespmem:$0x1470] =	vst v60  }
0x175: {  	v63 =	vadd.f32 v58, v50;
	[tilespmem:$0x14F0] =	vst v61  }
0x176: {  	[tilespmem:$0x1570] =	vst v62  }
0x177: {  	s31 =	simm.s32 $0x600;
	[tilespmem:$0x15F0] =	vst v63  }
0x178: {  	[spmem:s3] =	stream.linear.scatter [tilespmem:s31], [sflag:$0x9], $0x1000, $0x38;
	[tilespmem:$0x17B00] =	vst v63  }
0x179: {  	_ =	swait.ge [sflag:s10], $0x1000  }
0x17a: {  	[sflag:s10] =	ssyncset.done $0x0  }
0x17b: {  	[sflag:s10] =	ssyncadd.s32 $0xFFFFF000  }
.LBB2_3:
0x17c: {  	s31 =	simm.s32 $0x0  }
0x17d: {  	[tilespmem:s13], [sflag:$0x9] =	stream.linear.gather [hbm4b:s5+s31], $0x6400, $0x38;
	[tilespmem:$0x17B00] =	vst v63  }
0x17e: {  	_ =	swait.ge [sflag:s10], $0x6400  }
0x17f: {  	[sflag:s10] =	ssyncset.done $0x0  }
0x180: {  	[sflag:s10] =	ssyncadd.s32 $0xFFFF9C00  }
0x181: {  	[bflag:$0x0] =	sbarrier.arrive $0xFFFF  }
0x182: {  	[tilespmem:s15], [sflag:$0x1] =	stream.indirect.gather [spmem:s3], $0x80, s13, s14, $0xb8;
	[tilespmem:$0x17B00] =	vst v63  }
0x183: {  	s0 =	simm.s32 $0x1780  }
0x184: {  	[tilespmem:s17], [sflag:$0x2] =	stream.indirect.gather [spmem:s3], $0x80, s0, s14, $0xb8;
	[tilespmem:$0x17B00] =	vst v63  }
0x185: {  	_ = 	snop  }
0x186: {  	[tilespmem:s19], [sflag:$0x3] =	stream.indirect.gather [spmem:s3], $0x80, s18, s14, $0xb8;
	[tilespmem:$0x17B00] =	vst v63  }
0x187: {  	s2 =	simm.s32 $0x1900  }
0x188: {  	[tilespmem:s21], [sflag:$0x4] =	stream.indirect.gather [spmem:s3], $0x80, s20, s14, $0xb8;
	[tilespmem:$0x17B00] =	vst v63  }
.LBB2_4:
0x189: {  	_ =	swait.ge [sflag:s22], $0x4000  }
0x18a: {  	[sflag:s22] =	ssyncset.done $0x0  }
0x18b: {  	s0 =	sadd.s32 s31, s8;
	p1 =	seq.s32 s31, $0x62000;
	[sflag:s22] =	ssyncadd.s32 $0xFFFFC000  }
0x18c: {  	[hbm4b:s0+s4] =	stream.linear.scatter [tilespmem:s15], [sflag:$0x5], $0x4000, $0x38;
	[tilespmem:$0x17B00] =	vst v63  }
0x18d: {  	s0 =	simm.s32 @!p1 $0x5  }
0x18e: {  	_ =	swait.ge @!p1 [sflag:s0], $0x4000  }
0x18f: {  	[sflag:s0] =	ssyncset.done @!p1 $0x0  }
0x190: {  	s1 =	simm.s32 @!p1 $0x7B00;
	[sflag:s0] =	ssyncadd.s32 @!p1 $0xFFFFC000;
	s0 =	simm.s32 @!p1 $0x80  }
0x191: {  	[tilespmem:s1], [sflag:$0x1] =	stream.indirect.gather @!p1 [spmem:s3], $0x80, s2, s0, $0xb8;
	[tilespmem:$0x17B00] =	vst v63  }
0x192: {  	_ =	swait.ge [sflag:s23], $0x4000  }
0x193: {  	s1 =	sadd.s32 s31, s9;
	[sflag:s23] =	ssyncset.done $0x0  }
0x194: {  	s11 =	sadd.s32 $0x800, s1;
	[sflag:s23] =	ssyncadd.s32 $0xFFFFC000  }
0x195: {  	[hbm4b:s11+s4] =	stream.linear.scatter [tilespmem:s17], [sflag:$0x6], $0x4000, $0x38;
	[tilespmem:$0x17B00] =	vst v63  }
0x196: {  	s11 =	simm.s32 @p1 $0x3  }
0x197: {  	_ =	swait.ge @p1 [sflag:s11], $0x4000  }
0x198: {  	[sflag:s11] =	ssyncset.done @p1 $0x0  }
0x199: {  	s12 =	simm.s32 @p1 $0xFB00;
	[sflag:s11] =	ssyncadd.s32 @p1 $0xFFFFC000;
	s11 =	simm.s32 @p1 $0x0  }
0x19a: {  	[hbm4b:s7+s11] =	stream.linear.scatter @p1 [tilespmem:s12], [sflag:$0x7], $0x4000, $0x38;
	[tilespmem:$0x17B00] =	vst v63  }
0x19b: {  	s11 =	simm.s32 @!p1 $0x6  }
0x19c: {  	_ =	swait.ge @!p1 [sflag:s11], $0x4000  }
0x19d: {  	[sflag:s11] =	ssyncset.done @!p1 $0x0  }
0x19e: {  	s12 =	simm.s32 @!p1 $0xBB00;
	[sflag:s11] =	ssyncadd.s32 @!p1 $0xFFFFC000;
	s11 =	sadd.s32 @!p1 $0x80, s2  }
0x19f: {  	[tilespmem:s12], [sflag:$0x2] =	stream.indirect.gather @!p1 [spmem:s3], $0x80, s11, s0, $0xb8;
	[tilespmem:$0x17B00] =	vst v63  }
0x1a0: {  	s11 =	simm.s32 @!p1 $0x3  }
0x1a1: {  	_ =	swait.ge @!p1 [sflag:s11], $0x4000  }
0x1a2: {  	[sflag:s11] =	ssyncset.done @!p1 $0x0  }
0x1a3: {  	[sflag:s11] =	ssyncadd.s32 @!p1 $0xFFFFC000;
	s11 =	sadd.s32 @!p1 s31, s9  }
0x1a4: {  	s16 =	simm.s32 @!p1 $0xFB00;
	s12 =	simm.s32 @!p1 $0x0;
	s11 =	sadd.s32 @!p1 $0x1000, s11  }
0x1a5: {  	[hbm4b:s11+s12] =	stream.linear.scatter @!p1 [tilespmem:s16], [sflag:$0x7], $0x4000, $0x38;
	[tilespmem:$0x17B00] =	vst v63  }
0x1a6: {  	s11 =	simm.s32 @!p1 $0x7  }
0x1a7: {  	_ =	swait.ge @!p1 [sflag:s11], $0x4000  }
0x1a8: {  	[sflag:s11] =	ssyncset.done @!p1 $0x0  }
0x1a9: {  	[sflag:s11] =	ssyncadd.s32 @!p1 $0xFFFFC000;
	s11 =	sadd.s32 @!p1 $0x100, s2  }
0x1aa: {  	[tilespmem:s16], [sflag:$0x3] =	stream.indirect.gather @!p1 [spmem:s3], $0x80, s11, s0, $0xb8;
	[tilespmem:$0x17B00] =	vst v63  }
.Ltmp3:
0x1ab: {  	_ = 	snop;
	(pc) =	sbr.rel @p1 .LBB2_6-.Ltmp3, $4  }
0x1ac: {  	_ =	swait.ge [sflag:s24], $0x4000  }
0x1ad: {  	[sflag:s24] =	ssyncset.done $0x0  }
0x1ae: {  	s16 =	sadd.s32 $0x1800, s1;
	[sflag:s24] =	ssyncadd.s32 $0xFFFFC000  }
0x1af: {  	[hbm4b:s16+s4] =	stream.linear.scatter [tilespmem:s21], [sflag:$0x8], $0x4000, $0x38;
	[tilespmem:$0x17B00] =	vst v63  }
.Ltmp4:
0x1b0: {  	(pc) =	sbr.rel .LBB2_4-.Ltmp4, $4  }
0x1b1: {  	_ =	swait.ge [sflag:s29], $0x4000  }
0x1b2: {  	s0 =	sadd.s32 $0x180, s2;
	[sflag:s29] =	ssyncset.done $0x0  }
0x1b3: {  	s31 =	sadd.s32 $0x2000, s31;
	s2 =	sadd.s32 $0x200, s2;
	[sflag:s29] =	ssyncadd.s32 $0xFFFFC000  }
0x1b4: {  	[tilespmem:s21], [sflag:$0x4] =	stream.indirect.gather [spmem:s3], $0x80, s0, s14, $0xb8;
	[tilespmem:$0x17B00] =	vst v63  }
.LBB2_7:
0x1b5: {  	_ =	sfence.sel $0x180000  }
0x1b6: {  	[bflag:$0x0] =	sbarrier.arrive $0xFFFF  }
0x1b7: {  	_ =	strace $0x90000047  }
0x1b8: {  	[bflag:$0x2] =	sbarrier.arrive $0xFFFF  }
0x1b9: {  	s0 =	rddreg [dreg:$0x5]  }
0x1ba: {  	s0 =	sadd.s32 @!p0 $0x100000, s0  }
0x1bb: {  	[sflag:s0] =	ssyncadd.tile.s32 @!p0 $0x1;
	_ =	shalt  }
.Lfunc_end2:
_tile_overlayer_lowered:
.L_overlay_start_2:
0x1bc: {  	(tag) =	ssettag $0x2  }
0x1bd: {  	s0 =	rddreg [dreg:$0x0];
	s2 =	stileid.u32  }
0x1be: {  	s1 =	rddreg [dreg:$0x1];
	p0 =	sne.s32 s2, $0x0  }
0x1bf: {  	s3 =	rddreg [dreg:$0x2];
	[bflag:$0x3] =	sbarrier.arrive $0xFFFF;
	s2 =	simm.s32 @!p0 $0x1C09  }
0x1c0: {  	[timem:s3], [sflag:s2] =	dma.local @!p0 [hbm:s0], s1  }
0x1c1: {  	s0 =	simm.s32 @!p0 $0x9  }
0x1c2: {  	_ =	swait.ge @!p0 [sflag:s0], s1  }
0x1c3: {  	s1 =	ssub.s32 @!p0 $0x0, s1;
	[sflag:s0] =	ssyncset.done @!p0 $0x0  }
0x1c4: {  	[sflag:s0] =	ssyncadd.s32 @!p0 s1  }
0x1c5: {  	[bflag:$0x3] =	sbarrier.arrive $0xFFFF  }
0x1c6: {  	_ =	shalt  }

</sc_bundles>
